<compile_context>
chip_gen: v7x
topology: tpu7x:2x2x1
jax: 0.10.2.dev20260603
libtpu: 0.0.44.dev20260713+nightly
codegen_flags: <defaults>
</compile_context>

<pallas_src>
import functools

import jax
import jax.numpy as jnp
from jax import lax
from jax.experimental import pallas as pl
from jax.experimental.pallas import tpu as pltpu
from jax.experimental.pallas import tpu_sc as plsc

NUM_OOV = 100000

_info = plsc.get_sparse_core_info()
_NC, _NS, _L = _info.num_cores, _info.num_subcores, _info.num_lanes
_NW = _NC * _NS

_CHUNK_SIZES = (8, 16, 32, 48, 48, 32, 16)
_N_CHUNKS = len(_CHUNK_SIZES)
_NBUF = 2


def _body(in_hbm, vocab_hbm, out_hbm, in_bufs, out_bufs, vocab_v,
          sems_in, sems_out, *, rows, cols, vocab_size):
    wid = lax.axis_index("s") * _NC + lax.axis_index("c")
    stripe = cols // _NW
    col0 = pl.multiple_of(wid * stripe, stripe)
    row_of = [sum(_CHUNK_SIZES[:c]) for c in range(_N_CHUNKS)]

    n_vregs = vocab_size // _L

    dnums = lax.GatherDimensionNumbers(
        offset_dims=(), collapsed_slice_dims=(0,), start_index_map=(0,))

    def _vreg_gather(vreg, idx16):
        return lax.gather(
            vreg, idx16[:, None], dnums, (1,),
            indices_are_sorted=False, unique_indices=False,
            mode=lax.GatherScatterMode.PROMISE_IN_BOUNDS)

    def lookup(x):
        idx16 = x & (_L - 1)
        g = _vreg_gather(table[0], idx16)
        for k in range(1, n_vregs):
            gk = _vreg_gather(table[k], idx16)
            g = jnp.where(x >= k * _L, gk, g)
        return g

    tiles_per_row = stripe // 128

    def compute(inb, outb, n_rows):
        def tile_body(i, carry):
            r = i // tiles_per_row
            tcol = (i % tiles_per_row) * 128
            for off in range(0, 128, _L):
                x = inb[r, pl.ds(tcol + off, _L)]
                g = lookup(x)
                oov = jnp.where(x < NUM_OOV, x, x - NUM_OOV) + vocab_size
                outb[r, pl.ds(tcol + off, _L)] = jnp.where(x < vocab_size,
                                                           g, oov)
            return carry
        lax.fori_loop(0, n_rows * tiles_per_row, tile_body, 0)

    def block_of(c):
        return (pl.ds(row_of[c], _CHUNK_SIZES[c]), pl.ds(col0, stripe))

    def buf_part(buf, c):
        return buf.at[pl.ds(0, _CHUNK_SIZES[c]), :]

    hin = [None] * _N_CHUNKS
    hout = [None] * _N_CHUNKS
    for c in range(min(_NBUF, _N_CHUNKS)):
        hin[c] = pltpu.async_copy(in_hbm.at[block_of(c)],
                                  buf_part(in_bufs[c % _NBUF], c),
                                  sems_in[c % _NBUF])
    pltpu.sync_copy(vocab_hbm, vocab_v)
    table = [vocab_v[pl.ds(k * _L, _L)] for k in range(n_vregs)]
    for c in range(_N_CHUNKS):
        b = c % _NBUF
        if c >= _NBUF:
            hout[c - _NBUF].wait()
        hin[c].wait()
        compute(in_bufs[b], out_bufs[b], _CHUNK_SIZES[c])
        hout[c] = pltpu.async_copy(buf_part(out_bufs[b], c),
                                   out_hbm.at[block_of(c)], sems_out[b])
        nxt = c + _NBUF
        if nxt < _N_CHUNKS:
            hin[nxt] = pltpu.async_copy(in_hbm.at[block_of(nxt)],
                                        buf_part(in_bufs[b], nxt),
                                        sems_in[b])
    for c in range(max(0, _N_CHUNKS - _NBUF), _N_CHUNKS):
        hout[c].wait()


def kernel(input_text, vocabulary_ids):
    x_t = input_text.T
    rows, cols = x_t.shape
    vocab_size = vocabulary_ids.shape[0]
    assert sum(_CHUNK_SIZES) == rows // 8 * 8 and rows == sum(_CHUNK_SIZES)
    stripe = cols // _NW

    mesh = plsc.VectorSubcoreMesh(core_axis_name="c", subcore_axis_name="s")
    body = functools.partial(_body, rows=rows, cols=cols,
                             vocab_size=vocab_size)
    out_t = pl.kernel(
        body,
        out_type=jax.ShapeDtypeStruct((rows, cols), jnp.int32),
        mesh=mesh,
        compiler_params=pltpu.CompilerParams(use_tc_tiling_on_sc=True),
        scratch_types=[
            [pltpu.VMEM((max(_CHUNK_SIZES), stripe), jnp.int32)
             for _ in range(_NBUF)],
            [pltpu.VMEM((max(_CHUNK_SIZES), stripe), jnp.int32)
             for _ in range(_NBUF)],
            pltpu.VMEM((vocab_size,), jnp.int32),
            [pltpu.SemaphoreType.DMA for _ in range(_NBUF)],
            [pltpu.SemaphoreType.DMA for _ in range(_NBUF)],
        ],
    )(x_t, vocabulary_ids)
    return out_t.T

# --- scband reference (transcript-rebuilt; emitter-appended) ---
"""Pipeline reference for scband-vocab-lookup-75230647156838 (READ-ONLY COPY).

The authoritative reference and input builder live on the scoring server;
editing this copy changes nothing except your own understanding.
"""

import jax, jax.numpy as jnp
import numpy as np

VOCAB_SIZE = 32
NUM_OOV = 100000
BATCH = 16384
HIST = 200


def setup_inputs(seed: int = 0) -> dict:
    key = jax.random.key(seed)
    # Learned/configured lookup values: maps key-index -> categorical id (from init vocabulary_ids)
    vocabulary_ids = jnp.arange(VOCAB_SIZE, dtype=jnp.int32)
    # Surrogate for string input: each token is a pre-tokenized key index.
    # Values in [0, VOCAB_SIZE) are in-vocabulary keys; values >= VOCAB_SIZE model OOV strings.
    input_text = jax.random.randint(jax.random.fold_in(key, 1), (BATCH, HIST), 0, VOCAB_SIZE + NUM_OOV, dtype=jnp.int32)
    return {"input_text": input_text, "vocabulary_ids": vocabulary_ids}


def reference(input_text, vocabulary_ids):
    # Faithful translation of tf.lookup.StaticVocabularyTable.lookup:
    #  - in-vocab keys map to their configured value via gather
    #  - OOV keys map to vocab_size + hash(key) % num_oov_buckets
    #    (Fingerprint64 hash replaced by a deterministic mod surrogate)
    vocab_size = vocabulary_ids.shape[0]
    in_vocab = input_text < vocab_size
    safe_idx = jnp.clip(input_text, 0, vocab_size - 1)
    gathered = jnp.take(vocabulary_ids, safe_idx, axis=0)
    oov_bucket = vocab_size + jnp.mod(input_text, NUM_OOV)
    return jnp.where(in_vocab, gathered, oov_bucket)

if __name__ == "__main__":
    import jax
    _d = setup_inputs()
    print(jax.jit(kernel)(*tuple(_d.values())))

</pallas_src>

<mosaic_0001>
#map = affine_map<(d0, d1) -> (0, 0)>
#map1 = affine_map<(d0, d1) -> (0)>
module attributes {stable_mosaic.version = 14 : i64} {
  func.func @_body(%arg0: i32, %arg1: i32, %arg2: memref<200x16384xi32, #tpu.memory_space<hbm>>, %arg3: memref<32xi32, #tpu.memory_space<hbm>>, %arg4: memref<200x16384xi32, #tpu.memory_space<hbm>>, %arg5: memref<48x512xi32, #tpu.memory_space<vmem>>, %arg6: memref<48x512xi32, #tpu.memory_space<vmem>>, %arg7: memref<48x512xi32, #tpu.memory_space<vmem>>, %arg8: memref<48x512xi32, #tpu.memory_space<vmem>>, %arg9: memref<32xi32, #tpu.memory_space<vmem>>, %arg10: memref<!tpu.dma_semaphore, #tpu.memory_space<semaphore_mem>>, %arg11: memref<!tpu.dma_semaphore, #tpu.memory_space<semaphore_mem>>, %arg12: memref<!tpu.dma_semaphore, #tpu.memory_space<semaphore_mem>>, %arg13: memref<!tpu.dma_semaphore, #tpu.memory_space<semaphore_mem>>) attributes {dimension_semantics = [#tpu.dimension_semantics<core_parallel>, #tpu.dimension_semantics<subcore_parallel>], iteration_bounds = array<i64: 2, 16>, scalar_prefetch = 0 : i64, scratch_operands = 9 : i64, tpu.core_type = #tpu.core_type<sc_vector_subcore>, window_params = [{transform_indices = #map}, {transform_indices = #map1}, {transform_indices = #map}]} {
    %mul3A = arith.constant 2 : i32
    %mul3A_0 = arith.muli %arg1, %mul3A : i32
    %add3A = arith.addi %mul3A_0, %arg0 : i32
    %mul3A_1 = arith.constant 512 : i32
    %mul3A_2 = arith.muli %add3A, %mul3A_1 : i32
    %multiple_of3A = tpu.assume_multiple %mul3A_2, 512 : i32
    %dma_start3A = arith.constant 0 : i32
    %dma_start3A_3 = arith.constant 0 : i32
    %dma_start3A_4 = tpu.memref_slice %arg5[%dma_start3A, %dma_start3A_3] : memref<48x512xi32, #tpu.memory_space<vmem>> -> memref<8x512xi32, #tpu.memory_space<vmem>>
    %dma_start3A_5 = arith.constant 0 : i32
    %dma_start3A_6 = tpu.memref_slice %arg2[%dma_start3A_5, %multiple_of3A] : memref<200x16384xi32, #tpu.memory_space<hbm>> -> memref<8x512xi32, #tpu.memory_space<hbm>>
    %dma_start3A_7 = arith.constant 0 : i32
    %dma_start3A_8 = arith.constant 0 : i32
    %dma_start3A_9 = tpu.memref_slice %arg5[%dma_start3A_7, %dma_start3A_8] : memref<48x512xi32, #tpu.memory_space<vmem>> -> memref<8x512xi32, #tpu.memory_space<vmem>>
    %dma_start3A_10 = arith.constant 0 : i32
    %dma_start3A_11 = tpu.memref_slice %arg2[%dma_start3A_10, %multiple_of3A] : memref<200x16384xi32, #tpu.memory_space<hbm>> -> memref<8x512xi32, #tpu.memory_space<hbm>>
    tpu.enqueue_dma source(%dma_start3A_11 : memref<8x512xi32, #tpu.memory_space<hbm>>) target(%dma_start3A_9 : memref<8x512xi32, #tpu.memory_space<vmem>>) target_semaphore(%arg10 : memref<!tpu.dma_semaphore, #tpu.memory_space<semaphore_mem>>)
    %dma_start3A_12 = arith.constant 0 : i32
    %dma_start3A_13 = arith.constant 0 : i32
    %dma_start3A_14 = tpu.memref_slice %arg6[%dma_start3A_12, %dma_start3A_13] : memref<48x512xi32, #tpu.memory_space<vmem>> -> memref<16x512xi32, #tpu.memory_space<vmem>>
    %dma_start3A_15 = arith.constant 8 : i32
    %dma_start3A_16 = tpu.memref_slice %arg2[%dma_start3A_15, %multiple_of3A] : memref<200x16384xi32, #tpu.memory_space<hbm>> -> memref<16x512xi32, #tpu.memory_space<hbm>>
    %dma_start3A_17 = arith.constant 0 : i32
    %dma_start3A_18 = arith.constant 0 : i32
    %dma_start3A_19 = tpu.memref_slice %arg6[%dma_start3A_17, %dma_start3A_18] : memref<48x512xi32, #tpu.memory_space<vmem>> -> memref<16x512xi32, #tpu.memory_space<vmem>>
    %dma_start3A_20 = arith.constant 8 : i32
    %dma_start3A_21 = tpu.memref_slice %arg2[%dma_start3A_20, %multiple_of3A] : memref<200x16384xi32, #tpu.memory_space<hbm>> -> memref<16x512xi32, #tpu.memory_space<hbm>>
    tpu.enqueue_dma source(%dma_start3A_21 : memref<16x512xi32, #tpu.memory_space<hbm>>) target(%dma_start3A_19 : memref<16x512xi32, #tpu.memory_space<vmem>>) target_semaphore(%arg11 : memref<!tpu.dma_semaphore, #tpu.memory_space<semaphore_mem>>)
    "tpu.region"() ({
      %run_scoped3A = tpu.sem_alloc : memref<!tpu.dma_semaphore, #tpu.memory_space<semaphore_mem>>
      tpu.enqueue_dma source(%arg3 : memref<32xi32, #tpu.memory_space<hbm>>) target(%arg9 : memref<32xi32, #tpu.memory_space<vmem>>) target_semaphore(%run_scoped3A : memref<!tpu.dma_semaphore, #tpu.memory_space<semaphore_mem>>)
      tpu.wait_dma2 semaphore(%run_scoped3A : memref<!tpu.dma_semaphore, #tpu.memory_space<semaphore_mem>>) src(%arg3 : memref<32xi32, #tpu.memory_space<hbm>>) dst(%arg9 : memref<32xi32, #tpu.memory_space<vmem>>)
      tpu.yield
    }) : () -> ()
    %get3A = arith.constant 0 : index
    %get3A_22 = tpu.vector_load %arg9[%get3A] {strides = array<i32>} : memref<32xi32, #tpu.memory_space<vmem>>, vector<16xi32>,
    %get3A_23 = vector.shape_cast %get3A_22 : vector<16xi32> to vector<16xi32>
    %get3A_24 = arith.constant 16 : index
    %get3A_25 = tpu.vector_load %arg9[%get3A_24] {strides = array<i32>} : memref<32xi32, #tpu.memory_space<vmem>>, vector<16xi32>,
    %get3A_26 = vector.shape_cast %get3A_25 : vector<16xi32> to vector<16xi32>
    %dma_wait3A = arith.constant 0 : i32
    %dma_wait3A_27 = arith.constant 0 : i32
    %dma_wait3A_28 = tpu.memref_slice %arg5[%dma_wait3A, %dma_wait3A_27] : memref<48x512xi32, #tpu.memory_space<vmem>> -> memref<8x512xi32, #tpu.memory_space<vmem>>
    %dma_wait3A_29 = arith.constant 0 : i32
    %dma_wait3A_30 = tpu.memref_slice %arg2[%dma_wait3A_29, %multiple_of3A] : memref<200x16384xi32, #tpu.memory_space<hbm>> -> memref<8x512xi32, #tpu.memory_space<hbm>>
    %dma_wait3A_31 = arith.constant 0 : i32
    %dma_wait3A_32 = arith.constant 0 : i32
    %dma_wait3A_33 = tpu.memref_slice %arg5[%dma_wait3A_31, %dma_wait3A_32] : memref<48x512xi32, #tpu.memory_space<vmem>> -> memref<8x512xi32, #tpu.memory_space<vmem>>
    %dma_wait3A_34 = arith.constant 0 : i32
    %dma_wait3A_35 = tpu.memref_slice %arg2[%dma_wait3A_34, %multiple_of3A] : memref<200x16384xi32, #tpu.memory_space<hbm>> -> memref<8x512xi32, #tpu.memory_space<hbm>>
    tpu.wait_dma2 semaphore(%arg10 : memref<!tpu.dma_semaphore, #tpu.memory_space<semaphore_mem>>) src(%dma_wait3A_35 : memref<8x512xi32, #tpu.memory_space<hbm>>) dst(%dma_wait3A_33 : memref<8x512xi32, #tpu.memory_space<vmem>>)
    %scan3A = arith.constant 0 : i32
    %scan3A_36 = arith.constant 0 : i32
    %scan3A_37 = arith.constant 32 : i32
    %scan3A_38 = arith.addi %scan3A_36, %scan3A_37 : i32
    %scan3A_39 = arith.constant 1 : i32
    scf.for %scan3A_327 = %scan3A_36 to %scan3A_38 step %scan3A_39  : i32 {
      %jit3A = arith.constant 4 : i32
      %div3A = arith.divsi %scan3A_327, %jit3A : i32
      %sign3A = arith.constant 0 : i32
      %sign3A_328 = arith.cmpi sgt, %scan3A_327, %sign3A : i32
      %sign3A_329 = arith.extui %sign3A_328 : i1 to i32
      %sign3A_330 = arith.constant 0 : i32
      %sign3A_331 = arith.cmpi slt, %scan3A_327, %sign3A_330 : i32
      %sign3A_332 = arith.extui %sign3A_331 : i1 to i32
      %sign3A_333 = arith.subi %sign3A_329, %sign3A_332 : i32
      %sign3A_334 = arith.constant 0 : i32
      %sign3A_335 = arith.cmpi sgt, %jit3A, %sign3A_334 : i32
      %sign3A_336 = arith.extui %sign3A_335 : i1 to i32
      %sign3A_337 = arith.constant 0 : i32
      %sign3A_338 = arith.cmpi slt, %jit3A, %sign3A_337 : i32
      %sign3A_339 = arith.extui %sign3A_338 : i1 to i32
      %sign3A_340 = arith.subi %sign3A_336, %sign3A_339 : i32
      %ne3A = arith.cmpi ne, %sign3A_333, %sign3A_340 : i32
      %rem3A = arith.remsi %scan3A_327, %jit3A : i32
      %ne3A_341 = arith.constant 0 : i32
      %ne3A_342 = arith.cmpi ne, %rem3A, %ne3A_341 : i32
      %and3A = arith.andi %ne3A, %ne3A_342 : i1
      %sub3A = arith.constant 1 : i32
      %sub3A_343 = arith.subi %div3A, %sub3A : i32
      %select_n3A = arith.select %and3A, %sub3A_343, %div3A : i32
      %jit3A_344 = arith.constant 4 : i32
      %eq3A = arith.constant 0 : i32
      %eq3A_345 = arith.cmpi eq, %jit3A_344, %eq3A : i32
      %jit3A_346 = arith.constant 1 : i32
      %select_n3A_347 = arith.select %eq3A_345, %jit3A_346, %jit3A_344 : i32
      %rem3A_348 = arith.remsi %scan3A_327, %select_n3A_347 : i32
      %ne3A_349 = arith.constant 0 : i32
      %ne3A_350 = arith.cmpi ne, %rem3A_348, %ne3A_349 : i32
      %lt3A = arith.constant 0 : i32
      %lt3A_351 = arith.cmpi slt, %rem3A_348, %lt3A : i32
      %lt3A_352 = arith.constant 0 : i32
      %lt3A_353 = arith.cmpi slt, %select_n3A_347, %lt3A_352 : i32
      %ne3A_354 = arith.xori %lt3A_351, %lt3A_353 : i1
      %and3A_355 = arith.andi %ne3A_354, %ne3A_350 : i1
      %add3A_356 = arith.addi %rem3A_348, %select_n3A_347 : i32
      %select_n3A_357 = arith.select %and3A_355, %add3A_356, %rem3A_348 : i32
      %mul3A_358 = arith.constant 128 : i32
      %mul3A_359 = arith.muli %select_n3A_357, %mul3A_358 : i32
      %add3A_360 = arith.constant 0 : i32
      %add3A_361 = arith.addi %mul3A_359, %add3A_360 : i32
      %get3A_362 = arith.index_cast %select_n3A : i32 to index
      %get3A_363 = arith.index_cast %add3A_361 : i32 to index
      %get3A_364 = tpu.vector_load %arg5[%get3A_362, %get3A_363] {strides = array<i32>} : memref<48x512xi32, #tpu.memory_space<vmem>>, vector<1x16xi32>,
      %get3A_365 = vector.shape_cast %get3A_364 : vector<1x16xi32> to vector<16xi32>
      %and3A_366 = arith.constant 15 : i32
      %and3A_367 = vector.broadcast %and3A_366 : i32 to vector<16xi32>
      %and3A_368 = arith.andi %get3A_365, %and3A_367 : vector<16xi32>
      %broadcast_in_dim3A = vector.shape_cast %and3A_368 : vector<16xi32> to vector<16x1xi32>
      %gather3A = vector.shape_cast %broadcast_in_dim3A : vector<16x1xi32> to vector<16xi32>
      %gather3A_369 = tpu.dynamic_gather %get3A_23[%gather3A] in [0] : vector<16xi32>, vector<16xi32> -> vector<16xi32>
      %broadcast_in_dim3A_370 = vector.shape_cast %and3A_368 : vector<16xi32> to vector<16x1xi32>
      %gather3A_371 = vector.shape_cast %broadcast_in_dim3A_370 : vector<16x1xi32> to vector<16xi32>
      %gather3A_372 = tpu.dynamic_gather %get3A_26[%gather3A_371] in [0] : vector<16xi32>, vector<16xi32> -> vector<16xi32>
      %ge3A = arith.constant 16 : i32
      %ge3A_373 = vector.broadcast %ge3A : i32 to vector<16xi32>
      %ge3A_374 = arith.cmpi sge, %get3A_365, %ge3A_373 : vector<16xi32>
      %select_n3A_375 = arith.select %ge3A_374, %gather3A_372, %gather3A_369 : vector<16xi1>, vector<16xi32>
      %lt3A_376 = arith.constant 100000 : i32
      %lt3A_377 = vector.broadcast %lt3A_376 : i32 to vector<16xi32>
      %lt3A_378 = arith.cmpi slt, %get3A_365, %lt3A_377 : vector<16xi32>
      %sub3A_379 = arith.constant 100000 : i32
      %sub3A_380 = vector.broadcast %sub3A_379 : i32 to vector<16xi32>
      %sub3A_381 = arith.subi %get3A_365, %sub3A_380 : vector<16xi32>
      %select_n3A_382 = arith.select %lt3A_378, %get3A_365, %sub3A_381 : vector<16xi1>, vector<16xi32>
      %add3A_383 = arith.constant 32 : i32
      %add3A_384 = vector.broadcast %add3A_383 : i32 to vector<16xi32>
      %add3A_385 = arith.addi %select_n3A_382, %add3A_384 : vector<16xi32>
      %lt3A_386 = arith.constant 32 : i32
      %lt3A_387 = vector.broadcast %lt3A_386 : i32 to vector<16xi32>
      %lt3A_388 = arith.cmpi slt, %get3A_365, %lt3A_387 : vector<16xi32>
      %select_n3A_389 = arith.select %lt3A_388, %select_n3A_375, %add3A_385 : vector<16xi1>, vector<16xi32>
      %add3A_390 = arith.constant 0 : i32
      %add3A_391 = arith.addi %mul3A_359, %add3A_390 : i32
      %swap3A = arith.index_cast %select_n3A : i32 to index
      %swap3A_392 = arith.index_cast %add3A_391 : i32 to index
      %swap3A_393 = tpu.vector_load %arg7[%swap3A, %swap3A_392] {strides = array<i32>} : memref<48x512xi32, #tpu.memory_space<vmem>>, vector<1x16xi32>,
      %swap3A_394 = vector.shape_cast %swap3A_393 : vector<1x16xi32> to vector<16xi32>
      %swap3A_395 = vector.shape_cast %select_n3A_389 : vector<16xi32> to vector<1x16xi32>
      tpu.vector_store %arg7[%swap3A, %swap3A_392], %swap3A_395 {strides = array<i32>} : memref<48x512xi32, #tpu.memory_space<vmem>>, vector<1x16xi32>,
      %add3A_396 = arith.constant 16 : i32
      %add3A_397 = arith.addi %mul3A_359, %add3A_396 : i32
      %get3A_398 = arith.index_cast %select_n3A : i32 to index
      %get3A_399 = arith.index_cast %add3A_397 : i32 to index
      %get3A_400 = tpu.vector_load %arg5[%get3A_398, %get3A_399] {strides = array<i32>} : memref<48x512xi32, #tpu.memory_space<vmem>>, vector<1x16xi32>,
      %get3A_401 = vector.shape_cast %get3A_400 : vector<1x16xi32> to vector<16xi32>
      %and3A_402 = arith.constant 15 : i32
      %and3A_403 = vector.broadcast %and3A_402 : i32 to vector<16xi32>
      %and3A_404 = arith.andi %get3A_401, %and3A_403 : vector<16xi32>
      %broadcast_in_dim3A_405 = vector.shape_cast %and3A_404 : vector<16xi32> to vector<16x1xi32>
      %gather3A_406 = vector.shape_cast %broadcast_in_dim3A_405 : vector<16x1xi32> to vector<16xi32>
      %gather3A_407 = tpu.dynamic_gather %get3A_23[%gather3A_406] in [0] : vector<16xi32>, vector<16xi32> -> vector<16xi32>
      %broadcast_in_dim3A_408 = vector.shape_cast %and3A_404 : vector<16xi32> to vector<16x1xi32>
      %gather3A_409 = vector.shape_cast %broadcast_in_dim3A_408 : vector<16x1xi32> to vector<16xi32>
      %gather3A_410 = tpu.dynamic_gather %get3A_26[%gather3A_409] in [0] : vector<16xi32>, vector<16xi32> -> vector<16xi32>
      %ge3A_411 = arith.constant 16 : i32
      %ge3A_412 = vector.broadcast %ge3A_411 : i32 to vector<16xi32>
      %ge3A_413 = arith.cmpi sge, %get3A_401, %ge3A_412 : vector<16xi32>
      %select_n3A_414 = arith.select %ge3A_413, %gather3A_410, %gather3A_407 : vector<16xi1>, vector<16xi32>
      %lt3A_415 = arith.constant 100000 : i32
      %lt3A_416 = vector.broadcast %lt3A_415 : i32 to vector<16xi32>
      %lt3A_417 = arith.cmpi slt, %get3A_401, %lt3A_416 : vector<16xi32>
      %sub3A_418 = arith.constant 100000 : i32
      %sub3A_419 = vector.broadcast %sub3A_418 : i32 to vector<16xi32>
      %sub3A_420 = arith.subi %get3A_401, %sub3A_419 : vector<16xi32>
      %select_n3A_421 = arith.select %lt3A_417, %get3A_401, %sub3A_420 : vector<16xi1>, vector<16xi32>
      %add3A_422 = arith.constant 32 : i32
      %add3A_423 = vector.broadcast %add3A_422 : i32 to vector<16xi32>
      %add3A_424 = arith.addi %select_n3A_421, %add3A_423 : vector<16xi32>
      %lt3A_425 = arith.constant 32 : i32
      %lt3A_426 = vector.broadcast %lt3A_425 : i32 to vector<16xi32>
      %lt3A_427 = arith.cmpi slt, %get3A_401, %lt3A_426 : vector<16xi32>
      %select_n3A_428 = arith.select %lt3A_427, %select_n3A_414, %add3A_424 : vector<16xi1>, vector<16xi32>
      %add3A_429 = arith.constant 16 : i32
      %add3A_430 = arith.addi %mul3A_359, %add3A_429 : i32
      %swap3A_431 = arith.index_cast %select_n3A : i32 to index
      %swap3A_432 = arith.index_cast %add3A_430 : i32 to index
      %swap3A_433 = tpu.vector_load %arg7[%swap3A_431, %swap3A_432] {strides = array<i32>} : memref<48x512xi32, #tpu.memory_space<vmem>>, vector<1x16xi32>,
      %swap3A_434 = vector.shape_cast %swap3A_433 : vector<1x16xi32> to vector<16xi32>
      %swap3A_435 = vector.shape_cast %select_n3A_428 : vector<16xi32> to vector<1x16xi32>
      tpu.vector_store %arg7[%swap3A_431, %swap3A_432], %swap3A_435 {strides = array<i32>} : memref<48x512xi32, #tpu.memory_space<vmem>>, vector<1x16xi32>,
      %add3A_436 = arith.constant 32 : i32
      %add3A_437 = arith.addi %mul3A_359, %add3A_436 : i32
      %get3A_438 = arith.index_cast %select_n3A : i32 to index
      %get3A_439 = arith.index_cast %add3A_437 : i32 to index
      %get3A_440 = tpu.vector_load %arg5[%get3A_438, %get3A_439] {strides = array<i32>} : memref<48x512xi32, #tpu.memory_space<vmem>>, vector<1x16xi32>,
      %get3A_441 = vector.shape_cast %get3A_440 : vector<1x16xi32> to vector<16xi32>
      %and3A_442 = arith.constant 15 : i32
      %and3A_443 = vector.broadcast %and3A_442 : i32 to vector<16xi32>
      %and3A_444 = arith.andi %get3A_441, %and3A_443 : vector<16xi32>
      %broadcast_in_dim3A_445 = vector.shape_cast %and3A_444 : vector<16xi32> to vector<16x1xi32>
      %gather3A_446 = vector.shape_cast %broadcast_in_dim3A_445 : vector<16x1xi32> to vector<16xi32>
      %gather3A_447 = tpu.dynamic_gather %get3A_23[%gather3A_446] in [0] : vector<16xi32>, vector<16xi32> -> vector<16xi32>
      %broadcast_in_dim3A_448 = vector.shape_cast %and3A_444 : vector<16xi32> to vector<16x1xi32>
      %gather3A_449 = vector.shape_cast %broadcast_in_dim3A_448 : vector<16x1xi32> to vector<16xi32>
      %gather3A_450 = tpu.dynamic_gather %get3A_26[%gather3A_449] in [0] : vector<16xi32>, vector<16xi32> -> vector<16xi32>
      %ge3A_451 = arith.constant 16 : i32
      %ge3A_452 = vector.broadcast %ge3A_451 : i32 to vector<16xi32>
      %ge3A_453 = arith.cmpi sge, %get3A_441, %ge3A_452 : vector<16xi32>
      %select_n3A_454 = arith.select %ge3A_453, %gather3A_450, %gather3A_447 : vector<16xi1>, vector<16xi32>
      %lt3A_455 = arith.constant 100000 : i32
      %lt3A_456 = vector.broadcast %lt3A_455 : i32 to vector<16xi32>
      %lt3A_457 = arith.cmpi slt, %get3A_441, %lt3A_456 : vector<16xi32>
      %sub3A_458 = arith.constant 100000 : i32
      %sub3A_459 = vector.broadcast %sub3A_458 : i32 to vector<16xi32>
      %sub3A_460 = arith.subi %get3A_441, %sub3A_459 : vector<16xi32>
      %select_n3A_461 = arith.select %lt3A_457, %get3A_441, %sub3A_460 : vector<16xi1>, vector<16xi32>
      %add3A_462 = arith.constant 32 : i32
      %add3A_463 = vector.broadcast %add3A_462 : i32 to vector<16xi32>
      %add3A_464 = arith.addi %select_n3A_461, %add3A_463 : vector<16xi32>
      %lt3A_465 = arith.constant 32 : i32
      %lt3A_466 = vector.broadcast %lt3A_465 : i32 to vector<16xi32>
      %lt3A_467 = arith.cmpi slt, %get3A_441, %lt3A_466 : vector<16xi32>
      %select_n3A_468 = arith.select %lt3A_467, %select_n3A_454, %add3A_464 : vector<16xi1>, vector<16xi32>
      %add3A_469 = arith.constant 32 : i32
      %add3A_470 = arith.addi %mul3A_359, %add3A_469 : i32
      %swap3A_471 = arith.index_cast %select_n3A : i32 to index
      %swap3A_472 = arith.index_cast %add3A_470 : i32 to index
      %swap3A_473 = tpu.vector_load %arg7[%swap3A_471, %swap3A_472] {strides = array<i32>} : memref<48x512xi32, #tpu.memory_space<vmem>>, vector<1x16xi32>,
      %swap3A_474 = vector.shape_cast %swap3A_473 : vector<1x16xi32> to vector<16xi32>
      %swap3A_475 = vector.shape_cast %select_n3A_468 : vector<16xi32> to vector<1x16xi32>
      tpu.vector_store %arg7[%swap3A_471, %swap3A_472], %swap3A_475 {strides = array<i32>} : memref<48x512xi32, #tpu.memory_space<vmem>>, vector<1x16xi32>,
      %add3A_476 = arith.constant 48 : i32
      %add3A_477 = arith.addi %mul3A_359, %add3A_476 : i32
      %get3A_478 = arith.index_cast %select_n3A : i32 to index
      %get3A_479 = arith.index_cast %add3A_477 : i32 to index
      %get3A_480 = tpu.vector_load %arg5[%get3A_478, %get3A_479] {strides = array<i32>} : memref<48x512xi32, #tpu.memory_space<vmem>>, vector<1x16xi32>,
      %get3A_481 = vector.shape_cast %get3A_480 : vector<1x16xi32> to vector<16xi32>
      %and3A_482 = arith.constant 15 : i32
      %and3A_483 = vector.broadcast %and3A_482 : i32 to vector<16xi32>
      %and3A_484 = arith.andi %get3A_481, %and3A_483 : vector<16xi32>
      %broadcast_in_dim3A_485 = vector.shape_cast %and3A_484 : vector<16xi32> to vector<16x1xi32>
      %gather3A_486 = vector.shape_cast %broadcast_in_dim3A_485 : vector<16x1xi32> to vector<16xi32>
      %gather3A_487 = tpu.dynamic_gather %get3A_23[%gather3A_486] in [0] : vector<16xi32>, vector<16xi32> -> vector<16xi32>
      %broadcast_in_dim3A_488 = vector.shape_cast %and3A_484 : vector<16xi32> to vector<16x1xi32>
      %gather3A_489 = vector.shape_cast %broadcast_in_dim3A_488 : vector<16x1xi32> to vector<16xi32>
      %gather3A_490 = tpu.dynamic_gather %get3A_26[%gather3A_489] in [0] : vector<16xi32>, vector<16xi32> -> vector<16xi32>
      %ge3A_491 = arith.constant 16 : i32
      %ge3A_492 = vector.broadcast %ge3A_491 : i32 to vector<16xi32>
      %ge3A_493 = arith.cmpi sge, %get3A_481, %ge3A_492 : vector<16xi32>
      %select_n3A_494 = arith.select %ge3A_493, %gather3A_490, %gather3A_487 : vector<16xi1>, vector<16xi32>
      %lt3A_495 = arith.constant 100000 : i32
      %lt3A_496 = vector.broadcast %lt3A_495 : i32 to vector<16xi32>
      %lt3A_497 = arith.cmpi slt, %get3A_481, %lt3A_496 : vector<16xi32>
      %sub3A_498 = arith.constant 100000 : i32
      %sub3A_499 = vector.broadcast %sub3A_498 : i32 to vector<16xi32>
      %sub3A_500 = arith.subi %get3A_481, %sub3A_499 : vector<16xi32>
      %select_n3A_501 = arith.select %lt3A_497, %get3A_481, %sub3A_500 : vector<16xi1>, vector<16xi32>
      %add3A_502 = arith.constant 32 : i32
      %add3A_503 = vector.broadcast %add3A_502 : i32 to vector<16xi32>
      %add3A_504 = arith.addi %select_n3A_501, %add3A_503 : vector<16xi32>
      %lt3A_505 = arith.constant 32 : i32
      %lt3A_506 = vector.broadcast %lt3A_505 : i32 to vector<16xi32>
      %lt3A_507 = arith.cmpi slt, %get3A_481, %lt3A_506 : vector<16xi32>
      %select_n3A_508 = arith.select %lt3A_507, %select_n3A_494, %add3A_504 : vector<16xi1>, vector<16xi32>
      %add3A_509 = arith.constant 48 : i32
      %add3A_510 = arith.addi %mul3A_359, %add3A_509 : i32
      %swap3A_511 = arith.index_cast %select_n3A : i32 to index
      %swap3A_512 = arith.index_cast %add3A_510 : i32 to index
      %swap3A_513 = tpu.vector_load %arg7[%swap3A_511, %swap3A_512] {strides = array<i32>} : memref<48x512xi32, #tpu.memory_space<vmem>>, vector<1x16xi32>,
      %swap3A_514 = vector.shape_cast %swap3A_513 : vector<1x16xi32> to vector<16xi32>
      %swap3A_515 = vector.shape_cast %select_n3A_508 : vector<16xi32> to vector<1x16xi32>
      tpu.vector_store %arg7[%swap3A_511, %swap3A_512], %swap3A_515 {strides = array<i32>} : memref<48x512xi32, #tpu.memory_space<vmem>>, vector<1x16xi32>,
      %add3A_516 = arith.constant 64 : i32
      %add3A_517 = arith.addi %mul3A_359, %add3A_516 : i32
      %get3A_518 = arith.index_cast %select_n3A : i32 to index
      %get3A_519 = arith.index_cast %add3A_517 : i32 to index
      %get3A_520 = tpu.vector_load %arg5[%get3A_518, %get3A_519] {strides = array<i32>} : memref<48x512xi32, #tpu.memory_space<vmem>>, vector<1x16xi32>,
      %get3A_521 = vector.shape_cast %get3A_520 : vector<1x16xi32> to vector<16xi32>
      %and3A_522 = arith.constant 15 : i32
      %and3A_523 = vector.broadcast %and3A_522 : i32 to vector<16xi32>
      %and3A_524 = arith.andi %get3A_521, %and3A_523 : vector<16xi32>
      %broadcast_in_dim3A_525 = vector.shape_cast %and3A_524 : vector<16xi32> to vector<16x1xi32>
      %gather3A_526 = vector.shape_cast %broadcast_in_dim3A_525 : vector<16x1xi32> to vector<16xi32>
      %gather3A_527 = tpu.dynamic_gather %get3A_23[%gather3A_526] in [0] : vector<16xi32>, vector<16xi32> -> vector<16xi32>
      %broadcast_in_dim3A_528 = vector.shape_cast %and3A_524 : vector<16xi32> to vector<16x1xi32>
      %gather3A_529 = vector.shape_cast %broadcast_in_dim3A_528 : vector<16x1xi32> to vector<16xi32>
      %gather3A_530 = tpu.dynamic_gather %get3A_26[%gather3A_529] in [0] : vector<16xi32>, vector<16xi32> -> vector<16xi32>
      %ge3A_531 = arith.constant 16 : i32
      %ge3A_532 = vector.broadcast %ge3A_531 : i32 to vector<16xi32>
      %ge3A_533 = arith.cmpi sge, %get3A_521, %ge3A_532 : vector<16xi32>
      %select_n3A_534 = arith.select %ge3A_533, %gather3A_530, %gather3A_527 : vector<16xi1>, vector<16xi32>
      %lt3A_535 = arith.constant 100000 : i32
      %lt3A_536 = vector.broadcast %lt3A_535 : i32 to vector<16xi32>
      %lt3A_537 = arith.cmpi slt, %get3A_521, %lt3A_536 : vector<16xi32>
      %sub3A_538 = arith.constant 100000 : i32
      %sub3A_539 = vector.broadcast %sub3A_538 : i32 to vector<16xi32>
      %sub3A_540 = arith.subi %get3A_521, %sub3A_539 : vector<16xi32>
      %select_n3A_541 = arith.select %lt3A_537, %get3A_521, %sub3A_540 : vector<16xi1>, vector<16xi32>
      %add3A_542 = arith.constant 32 : i32
      %add3A_543 = vector.broadcast %add3A_542 : i32 to vector<16xi32>
      %add3A_544 = arith.addi %select_n3A_541, %add3A_543 : vector<16xi32>
      %lt3A_545 = arith.constant 32 : i32
      %lt3A_546 = vector.broadcast %lt3A_545 : i32 to vector<16xi32>
      %lt3A_547 = arith.cmpi slt, %get3A_521, %lt3A_546 : vector<16xi32>
      %select_n3A_548 = arith.select %lt3A_547, %select_n3A_534, %add3A_544 : vector<16xi1>, vector<16xi32>
      %add3A_549 = arith.constant 64 : i32
      %add3A_550 = arith.addi %mul3A_359, %add3A_549 : i32
      %swap3A_551 = arith.index_cast %select_n3A : i32 to index
      %swap3A_552 = arith.index_cast %add3A_550 : i32 to index
      %swap3A_553 = tpu.vector_load %arg7[%swap3A_551, %swap3A_552] {strides = array<i32>} : memref<48x512xi32, #tpu.memory_space<vmem>>, vector<1x16xi32>,
      %swap3A_554 = vector.shape_cast %swap3A_553 : vector<1x16xi32> to vector<16xi32>
      %swap3A_555 = vector.shape_cast %select_n3A_548 : vector<16xi32> to vector<1x16xi32>
      tpu.vector_store %arg7[%swap3A_551, %swap3A_552], %swap3A_555 {strides = array<i32>} : memref<48x512xi32, #tpu.memory_space<vmem>>, vector<1x16xi32>,
      %add3A_556 = arith.constant 80 : i32
      %add3A_557 = arith.addi %mul3A_359, %add3A_556 : i32
      %get3A_558 = arith.index_cast %select_n3A : i32 to index
      %get3A_559 = arith.index_cast %add3A_557 : i32 to index
      %get3A_560 = tpu.vector_load %arg5[%get3A_558, %get3A_559] {strides = array<i32>} : memref<48x512xi32, #tpu.memory_space<vmem>>, vector<1x16xi32>,
      %get3A_561 = vector.shape_cast %get3A_560 : vector<1x16xi32> to vector<16xi32>
      %and3A_562 = arith.constant 15 : i32
      %and3A_563 = vector.broadcast %and3A_562 : i32 to vector<16xi32>
      %and3A_564 = arith.andi %get3A_561, %and3A_563 : vector<16xi32>
      %broadcast_in_dim3A_565 = vector.shape_cast %and3A_564 : vector<16xi32> to vector<16x1xi32>
      %gather3A_566 = vector.shape_cast %broadcast_in_dim3A_565 : vector<16x1xi32> to vector<16xi32>
      %gather3A_567 = tpu.dynamic_gather %get3A_23[%gather3A_566] in [0] : vector<16xi32>, vector<16xi32> -> vector<16xi32>
      %broadcast_in_dim3A_568 = vector.shape_cast %and3A_564 : vector<16xi32> to vector<16x1xi32>
      %gather3A_569 = vector.shape_cast %broadcast_in_dim3A_568 : vector<16x1xi32> to vector<16xi32>
      %gather3A_570 = tpu.dynamic_gather %get3A_26[%gather3A_569] in [0] : vector<16xi32>, vector<16xi32> -> vector<16xi32>
      %ge3A_571 = arith.constant 16 : i32
      %ge3A_572 = vector.broadcast %ge3A_571 : i32 to vector<16xi32>
      %ge3A_573 = arith.cmpi sge, %get3A_561, %ge3A_572 : vector<16xi32>
      %select_n3A_574 = arith.select %ge3A_573, %gather3A_570, %gather3A_567 : vector<16xi1>, vector<16xi32>
      %lt3A_575 = arith.constant 100000 : i32
      %lt3A_576 = vector.broadcast %lt3A_575 : i32 to vector<16xi32>
      %lt3A_577 = arith.cmpi slt, %get3A_561, %lt3A_576 : vector<16xi32>
      %sub3A_578 = arith.constant 100000 : i32
      %sub3A_579 = vector.broadcast %sub3A_578 : i32 to vector<16xi32>
      %sub3A_580 = arith.subi %get3A_561, %sub3A_579 : vector<16xi32>
      %select_n3A_581 = arith.select %lt3A_577, %get3A_561, %sub3A_580 : vector<16xi1>, vector<16xi32>
      %add3A_582 = arith.constant 32 : i32
      %add3A_583 = vector.broadcast %add3A_582 : i32 to vector<16xi32>
      %add3A_584 = arith.addi %select_n3A_581, %add3A_583 : vector<16xi32>
      %lt3A_585 = arith.constant 32 : i32
      %lt3A_586 = vector.broadcast %lt3A_585 : i32 to vector<16xi32>
      %lt3A_587 = arith.cmpi slt, %get3A_561, %lt3A_586 : vector<16xi32>
      %select_n3A_588 = arith.select %lt3A_587, %select_n3A_574, %add3A_584 : vector<16xi1>, vector<16xi32>
      %add3A_589 = arith.constant 80 : i32
      %add3A_590 = arith.addi %mul3A_359, %add3A_589 : i32
      %swap3A_591 = arith.index_cast %select_n3A : i32 to index
      %swap3A_592 = arith.index_cast %add3A_590 : i32 to index
      %swap3A_593 = tpu.vector_load %arg7[%swap3A_591, %swap3A_592] {strides = array<i32>} : memref<48x512xi32, #tpu.memory_space<vmem>>, vector<1x16xi32>,
      %swap3A_594 = vector.shape_cast %swap3A_593 : vector<1x16xi32> to vector<16xi32>
      %swap3A_595 = vector.shape_cast %select_n3A_588 : vector<16xi32> to vector<1x16xi32>
      tpu.vector_store %arg7[%swap3A_591, %swap3A_592], %swap3A_595 {strides = array<i32>} : memref<48x512xi32, #tpu.memory_space<vmem>>, vector<1x16xi32>,
      %add3A_596 = arith.constant 96 : i32
      %add3A_597 = arith.addi %mul3A_359, %add3A_596 : i32
      %get3A_598 = arith.index_cast %select_n3A : i32 to index
      %get3A_599 = arith.index_cast %add3A_597 : i32 to index
      %get3A_600 = tpu.vector_load %arg5[%get3A_598, %get3A_599] {strides = array<i32>} : memref<48x512xi32, #tpu.memory_space<vmem>>, vector<1x16xi32>,
      %get3A_601 = vector.shape_cast %get3A_600 : vector<1x16xi32> to vector<16xi32>
      %and3A_602 = arith.constant 15 : i32
      %and3A_603 = vector.broadcast %and3A_602 : i32 to vector<16xi32>
      %and3A_604 = arith.andi %get3A_601, %and3A_603 : vector<16xi32>
      %broadcast_in_dim3A_605 = vector.shape_cast %and3A_604 : vector<16xi32> to vector<16x1xi32>
      %gather3A_606 = vector.shape_cast %broadcast_in_dim3A_605 : vector<16x1xi32> to vector<16xi32>
      %gather3A_607 = tpu.dynamic_gather %get3A_23[%gather3A_606] in [0] : vector<16xi32>, vector<16xi32> -> vector<16xi32>
      %broadcast_in_dim3A_608 = vector.shape_cast %and3A_604 : vector<16xi32> to vector<16x1xi32>
      %gather3A_609 = vector.shape_cast %broadcast_in_dim3A_608 : vector<16x1xi32> to vector<16xi32>
      %gather3A_610 = tpu.dynamic_gather %get3A_26[%gather3A_609] in [0] : vector<16xi32>, vector<16xi32> -> vector<16xi32>
      %ge3A_611 = arith.constant 16 : i32
      %ge3A_612 = vector.broadcast %ge3A_611 : i32 to vector<16xi32>
      %ge3A_613 = arith.cmpi sge, %get3A_601, %ge3A_612 : vector<16xi32>
      %select_n3A_614 = arith.select %ge3A_613, %gather3A_610, %gather3A_607 : vector<16xi1>, vector<16xi32>
      %lt3A_615 = arith.constant 100000 : i32
      %lt3A_616 = vector.broadcast %lt3A_615 : i32 to vector<16xi32>
      %lt3A_617 = arith.cmpi slt, %get3A_601, %lt3A_616 : vector<16xi32>
      %sub3A_618 = arith.constant 100000 : i32
      %sub3A_619 = vector.broadcast %sub3A_618 : i32 to vector<16xi32>
      %sub3A_620 = arith.subi %get3A_601, %sub3A_619 : vector<16xi32>
      %select_n3A_621 = arith.select %lt3A_617, %get3A_601, %sub3A_620 : vector<16xi1>, vector<16xi32>
      %add3A_622 = arith.constant 32 : i32
      %add3A_623 = vector.broadcast %add3A_622 : i32 to vector<16xi32>
      %add3A_624 = arith.addi %select_n3A_621, %add3A_623 : vector<16xi32>
      %lt3A_625 = arith.constant 32 : i32
      %lt3A_626 = vector.broadcast %lt3A_625 : i32 to vector<16xi32>
      %lt3A_627 = arith.cmpi slt, %get3A_601, %lt3A_626 : vector<16xi32>
      %select_n3A_628 = arith.select %lt3A_627, %select_n3A_614, %add3A_624 : vector<16xi1>, vector<16xi32>
      %add3A_629 = arith.constant 96 : i32
      %add3A_630 = arith.addi %mul3A_359, %add3A_629 : i32
      %swap3A_631 = arith.index_cast %select_n3A : i32 to index
      %swap3A_632 = arith.index_cast %add3A_630 : i32 to index
      %swap3A_633 = tpu.vector_load %arg7[%swap3A_631, %swap3A_632] {strides = array<i32>} : memref<48x512xi32, #tpu.memory_space<vmem>>, vector<1x16xi32>,
      %swap3A_634 = vector.shape_cast %swap3A_633 : vector<1x16xi32> to vector<16xi32>
      %swap3A_635 = vector.shape_cast %select_n3A_628 : vector<16xi32> to vector<1x16xi32>
      tpu.vector_store %arg7[%swap3A_631, %swap3A_632], %swap3A_635 {strides = array<i32>} : memref<48x512xi32, #tpu.memory_space<vmem>>, vector<1x16xi32>,
      %add3A_636 = arith.constant 112 : i32
      %add3A_637 = arith.addi %mul3A_359, %add3A_636 : i32
      %get3A_638 = arith.index_cast %select_n3A : i32 to index
      %get3A_639 = arith.index_cast %add3A_637 : i32 to index
      %get3A_640 = tpu.vector_load %arg5[%get3A_638, %get3A_639] {strides = array<i32>} : memref<48x512xi32, #tpu.memory_space<vmem>>, vector<1x16xi32>,
      %get3A_641 = vector.shape_cast %get3A_640 : vector<1x16xi32> to vector<16xi32>
      %and3A_642 = arith.constant 15 : i32
      %and3A_643 = vector.broadcast %and3A_642 : i32 to vector<16xi32>
      %and3A_644 = arith.andi %get3A_641, %and3A_643 : vector<16xi32>
      %broadcast_in_dim3A_645 = vector.shape_cast %and3A_644 : vector<16xi32> to vector<16x1xi32>
      %gather3A_646 = vector.shape_cast %broadcast_in_dim3A_645 : vector<16x1xi32> to vector<16xi32>
      %gather3A_647 = tpu.dynamic_gather %get3A_23[%gather3A_646] in [0] : vector<16xi32>, vector<16xi32> -> vector<16xi32>
      %broadcast_in_dim3A_648 = vector.shape_cast %and3A_644 : vector<16xi32> to vector<16x1xi32>
      %gather3A_649 = vector.shape_cast %broadcast_in_dim3A_648 : vector<16x1xi32> to vector<16xi32>
      %gather3A_650 = tpu.dynamic_gather %get3A_26[%gather3A_649] in [0] : vector<16xi32>, vector<16xi32> -> vector<16xi32>
      %ge3A_651 = arith.constant 16 : i32
      %ge3A_652 = vector.broadcast %ge3A_651 : i32 to vector<16xi32>
      %ge3A_653 = arith.cmpi sge, %get3A_641, %ge3A_652 : vector<16xi32>
      %select_n3A_654 = arith.select %ge3A_653, %gather3A_650, %gather3A_647 : vector<16xi1>, vector<16xi32>
      %lt3A_655 = arith.constant 100000 : i32
      %lt3A_656 = vector.broadcast %lt3A_655 : i32 to vector<16xi32>
      %lt3A_657 = arith.cmpi slt, %get3A_641, %lt3A_656 : vector<16xi32>
      %sub3A_658 = arith.constant 100000 : i32
      %sub3A_659 = vector.broadcast %sub3A_658 : i32 to vector<16xi32>
      %sub3A_660 = arith.subi %get3A_641, %sub3A_659 : vector<16xi32>
      %select_n3A_661 = arith.select %lt3A_657, %get3A_641, %sub3A_660 : vector<16xi1>, vector<16xi32>
      %add3A_662 = arith.constant 32 : i32
      %add3A_663 = vector.broadcast %add3A_662 : i32 to vector<16xi32>
      %add3A_664 = arith.addi %select_n3A_661, %add3A_663 : vector<16xi32>
      %lt3A_665 = arith.constant 32 : i32
      %lt3A_666 = vector.broadcast %lt3A_665 : i32 to vector<16xi32>
      %lt3A_667 = arith.cmpi slt, %get3A_641, %lt3A_666 : vector<16xi32>
      %select_n3A_668 = arith.select %lt3A_667, %select_n3A_654, %add3A_664 : vector<16xi1>, vector<16xi32>
      %add3A_669 = arith.constant 112 : i32
      %add3A_670 = arith.addi %mul3A_359, %add3A_669 : i32
      %swap3A_671 = arith.index_cast %select_n3A : i32 to index
      %swap3A_672 = arith.index_cast %add3A_670 : i32 to index
      %swap3A_673 = tpu.vector_load %arg7[%swap3A_671, %swap3A_672] {strides = array<i32>} : memref<48x512xi32, #tpu.memory_space<vmem>>, vector<1x16xi32>,
      %swap3A_674 = vector.shape_cast %swap3A_673 : vector<1x16xi32> to vector<16xi32>
      %swap3A_675 = vector.shape_cast %select_n3A_668 : vector<16xi32> to vector<1x16xi32>
      tpu.vector_store %arg7[%swap3A_671, %swap3A_672], %swap3A_675 {strides = array<i32>} : memref<48x512xi32, #tpu.memory_space<vmem>>, vector<1x16xi32>,
    }
    %scan3A_40 = arith.constant 32 : i32
    %dma_start3A_41 = arith.constant 0 : i32
    %dma_start3A_42 = arith.constant 0 : i32
    %dma_start3A_43 = tpu.memref_slice %arg7[%dma_start3A_41, %dma_start3A_42] : memref<48x512xi32, #tpu.memory_space<vmem>> -> memref<8x512xi32, #tpu.memory_space<vmem>>
    %dma_start3A_44 = arith.constant 0 : i32
    %dma_start3A_45 = tpu.memref_slice %arg4[%dma_start3A_44, %multiple_of3A] : memref<200x16384xi32, #tpu.memory_space<hbm>> -> memref<8x512xi32, #tpu.memory_space<hbm>>
    %dma_start3A_46 = arith.constant 0 : i32
    %dma_start3A_47 = tpu.memref_slice %arg4[%dma_start3A_46, %multiple_of3A] : memref<200x16384xi32, #tpu.memory_space<hbm>> -> memref<8x512xi32, #tpu.memory_space<hbm>>
    %dma_start3A_48 = arith.constant 0 : i32
    %dma_start3A_49 = arith.constant 0 : i32
    %dma_start3A_50 = tpu.memref_slice %arg7[%dma_start3A_48, %dma_start3A_49] : memref<48x512xi32, #tpu.memory_space<vmem>> -> memref<8x512xi32, #tpu.memory_space<vmem>>
    tpu.enqueue_dma source(%dma_start3A_50 : memref<8x512xi32, #tpu.memory_space<vmem>>) target(%dma_start3A_47 : memref<8x512xi32, #tpu.memory_space<hbm>>) target_semaphore(%arg12 : memref<!tpu.dma_semaphore, #tpu.memory_space<semaphore_mem>>)
    %dma_start3A_51 = arith.constant 0 : i32
    %dma_start3A_52 = arith.constant 0 : i32
    %dma_start3A_53 = tpu.memref_slice %arg5[%dma_start3A_51, %dma_start3A_52] : memref<48x512xi32, #tpu.memory_space<vmem>> -> memref<32x512xi32, #tpu.memory_space<vmem>>
    %dma_start3A_54 = arith.constant 24 : i32
    %dma_start3A_55 = tpu.memref_slice %arg2[%dma_start3A_54, %multiple_of3A] : memref<200x16384xi32, #tpu.memory_space<hbm>> -> memref<32x512xi32, #tpu.memory_space<hbm>>
    %dma_start3A_56 = arith.constant 0 : i32
    %dma_start3A_57 = arith.constant 0 : i32
    %dma_start3A_58 = tpu.memref_slice %arg5[%dma_start3A_56, %dma_start3A_57] : memref<48x512xi32, #tpu.memory_space<vmem>> -> memref<32x512xi32, #tpu.memory_space<vmem>>
    %dma_start3A_59 = arith.constant 24 : i32
    %dma_start3A_60 = tpu.memref_slice %arg2[%dma_start3A_59, %multiple_of3A] : memref<200x16384xi32, #tpu.memory_space<hbm>> -> memref<32x512xi32, #tpu.memory_space<hbm>>
    tpu.enqueue_dma source(%dma_start3A_60 : memref<32x512xi32, #tpu.memory_space<hbm>>) target(%dma_start3A_58 : memref<32x512xi32, #tpu.memory_space<vmem>>) target_semaphore(%arg10 : memref<!tpu.dma_semaphore, #tpu.memory_space<semaphore_mem>>)
    %dma_wait3A_61 = arith.constant 0 : i32
    %dma_wait3A_62 = arith.constant 0 : i32
    %dma_wait3A_63 = tpu.memref_slice %arg6[%dma_wait3A_61, %dma_wait3A_62] : memref<48x512xi32, #tpu.memory_space<vmem>> -> memref<16x512xi32, #tpu.memory_space<vmem>>
    %dma_wait3A_64 = arith.constant 8 : i32
    %dma_wait3A_65 = tpu.memref_slice %arg2[%dma_wait3A_64, %multiple_of3A] : memref<200x16384xi32, #tpu.memory_space<hbm>> -> memref<16x512xi32, #tpu.memory_space<hbm>>
    %dma_wait3A_66 = arith.constant 0 : i32
    %dma_wait3A_67 = arith.constant 0 : i32
    %dma_wait3A_68 = tpu.memref_slice %arg6[%dma_wait3A_66, %dma_wait3A_67] : memref<48x512xi32, #tpu.memory_space<vmem>> -> memref<16x512xi32, #tpu.memory_space<vmem>>
    %dma_wait3A_69 = arith.constant 8 : i32
    %dma_wait3A_70 = tpu.memref_slice %arg2[%dma_wait3A_69, %multiple_of3A] : memref<200x16384xi32, #tpu.memory_space<hbm>> -> memref<16x512xi32, #tpu.memory_space<hbm>>
    tpu.wait_dma2 semaphore(%arg11 : memref<!tpu.dma_semaphore, #tpu.memory_space<semaphore_mem>>) src(%dma_wait3A_70 : memref<16x512xi32, #tpu.memory_space<hbm>>) dst(%dma_wait3A_68 : memref<16x512xi32, #tpu.memory_space<vmem>>)
    %scan3A_71 = arith.constant 0 : i32
    %scan3A_72 = arith.constant 0 : i32
    %scan3A_73 = arith.constant 64 : i32
    %scan3A_74 = arith.addi %scan3A_72, %scan3A_73 : i32
    %scan3A_75 = arith.constant 1 : i32
    scf.for %scan3A_327 = %scan3A_72 to %scan3A_74 step %scan3A_75  : i32 {
      %jit3A = arith.constant 4 : i32
      %div3A = arith.divsi %scan3A_327, %jit3A : i32
      %sign3A = arith.constant 0 : i32
      %sign3A_328 = arith.cmpi sgt, %scan3A_327, %sign3A : i32
      %sign3A_329 = arith.extui %sign3A_328 : i1 to i32
      %sign3A_330 = arith.constant 0 : i32
      %sign3A_331 = arith.cmpi slt, %scan3A_327, %sign3A_330 : i32
      %sign3A_332 = arith.extui %sign3A_331 : i1 to i32
      %sign3A_333 = arith.subi %sign3A_329, %sign3A_332 : i32
      %sign3A_334 = arith.constant 0 : i32
      %sign3A_335 = arith.cmpi sgt, %jit3A, %sign3A_334 : i32
      %sign3A_336 = arith.extui %sign3A_335 : i1 to i32
      %sign3A_337 = arith.constant 0 : i32
      %sign3A_338 = arith.cmpi slt, %jit3A, %sign3A_337 : i32
      %sign3A_339 = arith.extui %sign3A_338 : i1 to i32
      %sign3A_340 = arith.subi %sign3A_336, %sign3A_339 : i32
      %ne3A = arith.cmpi ne, %sign3A_333, %sign3A_340 : i32
      %rem3A = arith.remsi %scan3A_327, %jit3A : i32
      %ne3A_341 = arith.constant 0 : i32
      %ne3A_342 = arith.cmpi ne, %rem3A, %ne3A_341 : i32
      %and3A = arith.andi %ne3A, %ne3A_342 : i1
      %sub3A = arith.constant 1 : i32
      %sub3A_343 = arith.subi %div3A, %sub3A : i32
      %select_n3A = arith.select %and3A, %sub3A_343, %div3A : i32
      %jit3A_344 = arith.constant 4 : i32
      %eq3A = arith.constant 0 : i32
      %eq3A_345 = arith.cmpi eq, %jit3A_344, %eq3A : i32
      %jit3A_346 = arith.constant 1 : i32
      %select_n3A_347 = arith.select %eq3A_345, %jit3A_346, %jit3A_344 : i32
      %rem3A_348 = arith.remsi %scan3A_327, %select_n3A_347 : i32
      %ne3A_349 = arith.constant 0 : i32
      %ne3A_350 = arith.cmpi ne, %rem3A_348, %ne3A_349 : i32
      %lt3A = arith.constant 0 : i32
      %lt3A_351 = arith.cmpi slt, %rem3A_348, %lt3A : i32
      %lt3A_352 = arith.constant 0 : i32
      %lt3A_353 = arith.cmpi slt, %select_n3A_347, %lt3A_352 : i32
      %ne3A_354 = arith.xori %lt3A_351, %lt3A_353 : i1
      %and3A_355 = arith.andi %ne3A_354, %ne3A_350 : i1
      %add3A_356 = arith.addi %rem3A_348, %select_n3A_347 : i32
      %select_n3A_357 = arith.select %and3A_355, %add3A_356, %rem3A_348 : i32
      %mul3A_358 = arith.constant 128 : i32
      %mul3A_359 = arith.muli %select_n3A_357, %mul3A_358 : i32
      %add3A_360 = arith.constant 0 : i32
      %add3A_361 = arith.addi %mul3A_359, %add3A_360 : i32
      %get3A_362 = arith.index_cast %select_n3A : i32 to index
      %get3A_363 = arith.index_cast %add3A_361 : i32 to index
      %get3A_364 = tpu.vector_load %arg6[%get3A_362, %get3A_363] {strides = array<i32>} : memref<48x512xi32, #tpu.memory_space<vmem>>, vector<1x16xi32>,
      %get3A_365 = vector.shape_cast %get3A_364 : vector<1x16xi32> to vector<16xi32>
      %and3A_366 = arith.constant 15 : i32
      %and3A_367 = vector.broadcast %and3A_366 : i32 to vector<16xi32>
      %and3A_368 = arith.andi %get3A_365, %and3A_367 : vector<16xi32>
      %broadcast_in_dim3A = vector.shape_cast %and3A_368 : vector<16xi32> to vector<16x1xi32>
      %gather3A = vector.shape_cast %broadcast_in_dim3A : vector<16x1xi32> to vector<16xi32>
      %gather3A_369 = tpu.dynamic_gather %get3A_23[%gather3A] in [0] : vector<16xi32>, vector<16xi32> -> vector<16xi32>
      %broadcast_in_dim3A_370 = vector.shape_cast %and3A_368 : vector<16xi32> to vector<16x1xi32>
      %gather3A_371 = vector.shape_cast %broadcast_in_dim3A_370 : vector<16x1xi32> to vector<16xi32>
      %gather3A_372 = tpu.dynamic_gather %get3A_26[%gather3A_371] in [0] : vector<16xi32>, vector<16xi32> -> vector<16xi32>
      %ge3A = arith.constant 16 : i32
      %ge3A_373 = vector.broadcast %ge3A : i32 to vector<16xi32>
      %ge3A_374 = arith.cmpi sge, %get3A_365, %ge3A_373 : vector<16xi32>
      %select_n3A_375 = arith.select %ge3A_374, %gather3A_372, %gather3A_369 : vector<16xi1>, vector<16xi32>
      %lt3A_376 = arith.constant 100000 : i32
      %lt3A_377 = vector.broadcast %lt3A_376 : i32 to vector<16xi32>
      %lt3A_378 = arith.cmpi slt, %get3A_365, %lt3A_377 : vector<16xi32>
      %sub3A_379 = arith.constant 100000 : i32
      %sub3A_380 = vector.broadcast %sub3A_379 : i32 to vector<16xi32>
      %sub3A_381 = arith.subi %get3A_365, %sub3A_380 : vector<16xi32>
      %select_n3A_382 = arith.select %lt3A_378, %get3A_365, %sub3A_381 : vector<16xi1>, vector<16xi32>
      %add3A_383 = arith.constant 32 : i32
      %add3A_384 = vector.broadcast %add3A_383 : i32 to vector<16xi32>
      %add3A_385 = arith.addi %select_n3A_382, %add3A_384 : vector<16xi32>
      %lt3A_386 = arith.constant 32 : i32
      %lt3A_387 = vector.broadcast %lt3A_386 : i32 to vector<16xi32>
      %lt3A_388 = arith.cmpi slt, %get3A_365, %lt3A_387 : vector<16xi32>
      %select_n3A_389 = arith.select %lt3A_388, %select_n3A_375, %add3A_385 : vector<16xi1>, vector<16xi32>
      %add3A_390 = arith.constant 0 : i32
      %add3A_391 = arith.addi %mul3A_359, %add3A_390 : i32
      %swap3A = arith.index_cast %select_n3A : i32 to index
      %swap3A_392 = arith.index_cast %add3A_391 : i32 to index
      %swap3A_393 = tpu.vector_load %arg8[%swap3A, %swap3A_392] {strides = array<i32>} : memref<48x512xi32, #tpu.memory_space<vmem>>, vector<1x16xi32>,
      %swap3A_394 = vector.shape_cast %swap3A_393 : vector<1x16xi32> to vector<16xi32>
      %swap3A_395 = vector.shape_cast %select_n3A_389 : vector<16xi32> to vector<1x16xi32>
      tpu.vector_store %arg8[%swap3A, %swap3A_392], %swap3A_395 {strides = array<i32>} : memref<48x512xi32, #tpu.memory_space<vmem>>, vector<1x16xi32>,
      %add3A_396 = arith.constant 16 : i32
      %add3A_397 = arith.addi %mul3A_359, %add3A_396 : i32
      %get3A_398 = arith.index_cast %select_n3A : i32 to index
      %get3A_399 = arith.index_cast %add3A_397 : i32 to index
      %get3A_400 = tpu.vector_load %arg6[%get3A_398, %get3A_399] {strides = array<i32>} : memref<48x512xi32, #tpu.memory_space<vmem>>, vector<1x16xi32>,
      %get3A_401 = vector.shape_cast %get3A_400 : vector<1x16xi32> to vector<16xi32>
      %and3A_402 = arith.constant 15 : i32
      %and3A_403 = vector.broadcast %and3A_402 : i32 to vector<16xi32>
      %and3A_404 = arith.andi %get3A_401, %and3A_403 : vector<16xi32>
      %broadcast_in_dim3A_405 = vector.shape_cast %and3A_404 : vector<16xi32> to vector<16x1xi32>
      %gather3A_406 = vector.shape_cast %broadcast_in_dim3A_405 : vector<16x1xi32> to vector<16xi32>
      %gather3A_407 = tpu.dynamic_gather %get3A_23[%gather3A_406] in [0] : vector<16xi32>, vector<16xi32> -> vector<16xi32>
      %broadcast_in_dim3A_408 = vector.shape_cast %and3A_404 : vector<16xi32> to vector<16x1xi32>
      %gather3A_409 = vector.shape_cast %broadcast_in_dim3A_408 : vector<16x1xi32> to vector<16xi32>
      %gather3A_410 = tpu.dynamic_gather %get3A_26[%gather3A_409] in [0] : vector<16xi32>, vector<16xi32> -> vector<16xi32>
      %ge3A_411 = arith.constant 16 : i32
      %ge3A_412 = vector.broadcast %ge3A_411 : i32 to vector<16xi32>
      %ge3A_413 = arith.cmpi sge, %get3A_401, %ge3A_412 : vector<16xi32>
      %select_n3A_414 = arith.select %ge3A_413, %gather3A_410, %gather3A_407 : vector<16xi1>, vector<16xi32>
      %lt3A_415 = arith.constant 100000 : i32
      %lt3A_416 = vector.broadcast %lt3A_415 : i32 to vector<16xi32>
      %lt3A_417 = arith.cmpi slt, %get3A_401, %lt3A_416 : vector<16xi32>
      %sub3A_418 = arith.constant 100000 : i32
      %sub3A_419 = vector.broadcast %sub3A_418 : i32 to vector<16xi32>
      %sub3A_420 = arith.subi %get3A_401, %sub3A_419 : vector<16xi32>
      %select_n3A_421 = arith.select %lt3A_417, %get3A_401, %sub3A_420 : vector<16xi1>, vector<16xi32>
      %add3A_422 = arith.constant 32 : i32
      %add3A_423 = vector.broadcast %add3A_422 : i32 to vector<16xi32>
      %add3A_424 = arith.addi %select_n3A_421, %add3A_423 : vector<16xi32>
      %lt3A_425 = arith.constant 32 : i32
      %lt3A_426 = vector.broadcast %lt3A_425 : i32 to vector<16xi32>
      %lt3A_427 = arith.cmpi slt, %get3A_401, %lt3A_426 : vector<16xi32>
      %select_n3A_428 = arith.select %lt3A_427, %select_n3A_414, %add3A_424 : vector<16xi1>, vector<16xi32>
      %add3A_429 = arith.constant 16 : i32
      %add3A_430 = arith.addi %mul3A_359, %add3A_429 : i32
      %swap3A_431 = arith.index_cast %select_n3A : i32 to index
      %swap3A_432 = arith.index_cast %add3A_430 : i32 to index
      %swap3A_433 = tpu.vector_load %arg8[%swap3A_431, %swap3A_432] {strides = array<i32>} : memref<48x512xi32, #tpu.memory_space<vmem>>, vector<1x16xi32>,
      %swap3A_434 = vector.shape_cast %swap3A_433 : vector<1x16xi32> to vector<16xi32>
      %swap3A_435 = vector.shape_cast %select_n3A_428 : vector<16xi32> to vector<1x16xi32>
      tpu.vector_store %arg8[%swap3A_431, %swap3A_432], %swap3A_435 {strides = array<i32>} : memref<48x512xi32, #tpu.memory_space<vmem>>, vector<1x16xi32>,
      %add3A_436 = arith.constant 32 : i32
      %add3A_437 = arith.addi %mul3A_359, %add3A_436 : i32
      %get3A_438 = arith.index_cast %select_n3A : i32 to index
      %get3A_439 = arith.index_cast %add3A_437 : i32 to index
      %get3A_440 = tpu.vector_load %arg6[%get3A_438, %get3A_439] {strides = array<i32>} : memref<48x512xi32, #tpu.memory_space<vmem>>, vector<1x16xi32>,
      %get3A_441 = vector.shape_cast %get3A_440 : vector<1x16xi32> to vector<16xi32>
      %and3A_442 = arith.constant 15 : i32
      %and3A_443 = vector.broadcast %and3A_442 : i32 to vector<16xi32>
      %and3A_444 = arith.andi %get3A_441, %and3A_443 : vector<16xi32>
      %broadcast_in_dim3A_445 = vector.shape_cast %and3A_444 : vector<16xi32> to vector<16x1xi32>
      %gather3A_446 = vector.shape_cast %broadcast_in_dim3A_445 : vector<16x1xi32> to vector<16xi32>
      %gather3A_447 = tpu.dynamic_gather %get3A_23[%gather3A_446] in [0] : vector<16xi32>, vector<16xi32> -> vector<16xi32>
      %broadcast_in_dim3A_448 = vector.shape_cast %and3A_444 : vector<16xi32> to vector<16x1xi32>
      %gather3A_449 = vector.shape_cast %broadcast_in_dim3A_448 : vector<16x1xi32> to vector<16xi32>
      %gather3A_450 = tpu.dynamic_gather %get3A_26[%gather3A_449] in [0] : vector<16xi32>, vector<16xi32> -> vector<16xi32>
      %ge3A_451 = arith.constant 16 : i32
      %ge3A_452 = vector.broadcast %ge3A_451 : i32 to vector<16xi32>
      %ge3A_453 = arith.cmpi sge, %get3A_441, %ge3A_452 : vector<16xi32>
      %select_n3A_454 = arith.select %ge3A_453, %gather3A_450, %gather3A_447 : vector<16xi1>, vector<16xi32>
      %lt3A_455 = arith.constant 100000 : i32
      %lt3A_456 = vector.broadcast %lt3A_455 : i32 to vector<16xi32>
      %lt3A_457 = arith.cmpi slt, %get3A_441, %lt3A_456 : vector<16xi32>
      %sub3A_458 = arith.constant 100000 : i32
      %sub3A_459 = vector.broadcast %sub3A_458 : i32 to vector<16xi32>
      %sub3A_460 = arith.subi %get3A_441, %sub3A_459 : vector<16xi32>
      %select_n3A_461 = arith.select %lt3A_457, %get3A_441, %sub3A_460 : vector<16xi1>, vector<16xi32>
      %add3A_462 = arith.constant 32 : i32
      %add3A_463 = vector.broadcast %add3A_462 : i32 to vector<16xi32>
      %add3A_464 = arith.addi %select_n3A_461, %add3A_463 : vector<16xi32>
      %lt3A_465 = arith.constant 32 : i32
      %lt3A_466 = vector.broadcast %lt3A_465 : i32 to vector<16xi32>
      %lt3A_467 = arith.cmpi slt, %get3A_441, %lt3A_466 : vector<16xi32>
      %select_n3A_468 = arith.select %lt3A_467, %select_n3A_454, %add3A_464 : vector<16xi1>, vector<16xi32>
      %add3A_469 = arith.constant 32 : i32
      %add3A_470 = arith.addi %mul3A_359, %add3A_469 : i32
      %swap3A_471 = arith.index_cast %select_n3A : i32 to index
      %swap3A_472 = arith.index_cast %add3A_470 : i32 to index
      %swap3A_473 = tpu.vector_load %arg8[%swap3A_471, %swap3A_472] {strides = array<i32>} : memref<48x512xi32, #tpu.memory_space<vmem>>, vector<1x16xi32>,
      %swap3A_474 = vector.shape_cast %swap3A_473 : vector<1x16xi32> to vector<16xi32>
      %swap3A_475 = vector.shape_cast %select_n3A_468 : vector<16xi32> to vector<1x16xi32>
      tpu.vector_store %arg8[%swap3A_471, %swap3A_472], %swap3A_475 {strides = array<i32>} : memref<48x512xi32, #tpu.memory_space<vmem>>, vector<1x16xi32>,
      %add3A_476 = arith.constant 48 : i32
      %add3A_477 = arith.addi %mul3A_359, %add3A_476 : i32
      %get3A_478 = arith.index_cast %select_n3A : i32 to index
      %get3A_479 = arith.index_cast %add3A_477 : i32 to index
      %get3A_480 = tpu.vector_load %arg6[%get3A_478, %get3A_479] {strides = array<i32>} : memref<48x512xi32, #tpu.memory_space<vmem>>, vector<1x16xi32>,
      %get3A_481 = vector.shape_cast %get3A_480 : vector<1x16xi32> to vector<16xi32>
      %and3A_482 = arith.constant 15 : i32
      %and3A_483 = vector.broadcast %and3A_482 : i32 to vector<16xi32>
      %and3A_484 = arith.andi %get3A_481, %and3A_483 : vector<16xi32>
      %broadcast_in_dim3A_485 = vector.shape_cast %and3A_484 : vector<16xi32> to vector<16x1xi32>
      %gather3A_486 = vector.shape_cast %broadcast_in_dim3A_485 : vector<16x1xi32> to vector<16xi32>
      %gather3A_487 = tpu.dynamic_gather %get3A_23[%gather3A_486] in [0] : vector<16xi32>, vector<16xi32> -> vector<16xi32>
      %broadcast_in_dim3A_488 = vector.shape_cast %and3A_484 : vector<16xi32> to vector<16x1xi32>
      %gather3A_489 = vector.shape_cast %broadcast_in_dim3A_488 : vector<16x1xi32> to vector<16xi32>
      %gather3A_490 = tpu.dynamic_gather %get3A_26[%gather3A_489] in [0] : vector<16xi32>, vector<16xi32> -> vector<16xi32>
      %ge3A_491 = arith.constant 16 : i32
      %ge3A_492 = vector.broadcast %ge3A_491 : i32 to vector<16xi32>
      %ge3A_493 = arith.cmpi sge, %get3A_481, %ge3A_492 : vector<16xi32>
      %select_n3A_494 = arith.select %ge3A_493, %gather3A_490, %gather3A_487 : vector<16xi1>, vector<16xi32>
      %lt3A_495 = arith.constant 100000 : i32
      %lt3A_496 = vector.broadcast %lt3A_495 : i32 to vector<16xi32>
      %lt3A_497 = arith.cmpi slt, %get3A_481, %lt3A_496 : vector<16xi32>
      %sub3A_498 = arith.constant 100000 : i32
      %sub3A_499 = vector.broadcast %sub3A_498 : i32 to vector<16xi32>
      %sub3A_500 = arith.subi %get3A_481, %sub3A_499 : vector<16xi32>
      %select_n3A_501 = arith.select %lt3A_497, %get3A_481, %sub3A_500 : vector<16xi1>, vector<16xi32>
      %add3A_502 = arith.constant 32 : i32
      %add3A_503 = vector.broadcast %add3A_502 : i32 to vector<16xi32>
      %add3A_504 = arith.addi %select_n3A_501, %add3A_503 : vector<16xi32>
      %lt3A_505 = arith.constant 32 : i32
      %lt3A_506 = vector.broadcast %lt3A_505 : i32 to vector<16xi32>
      %lt3A_507 = arith.cmpi slt, %get3A_481, %lt3A_506 : vector<16xi32>
      %select_n3A_508 = arith.select %lt3A_507, %select_n3A_494, %add3A_504 : vector<16xi1>, vector<16xi32>
      %add3A_509 = arith.constant 48 : i32
      %add3A_510 = arith.addi %mul3A_359, %add3A_509 : i32
      %swap3A_511 = arith.index_cast %select_n3A : i32 to index
      %swap3A_512 = arith.index_cast %add3A_510 : i32 to index
      %swap3A_513 = tpu.vector_load %arg8[%swap3A_511, %swap3A_512] {strides = array<i32>} : memref<48x512xi32, #tpu.memory_space<vmem>>, vector<1x16xi32>,
      %swap3A_514 = vector.shape_cast %swap3A_513 : vector<1x16xi32> to vector<16xi32>
      %swap3A_515 = vector.shape_cast %select_n3A_508 : vector<16xi32> to vector<1x16xi32>
      tpu.vector_store %arg8[%swap3A_511, %swap3A_512], %swap3A_515 {strides = array<i32>} : memref<48x512xi32, #tpu.memory_space<vmem>>, vector<1x16xi32>,
      %add3A_516 = arith.constant 64 : i32
      %add3A_517 = arith.addi %mul3A_359, %add3A_516 : i32
      %get3A_518 = arith.index_cast %select_n3A : i32 to index
      %get3A_519 = arith.index_cast %add3A_517 : i32 to index
      %get3A_520 = tpu.vector_load %arg6[%get3A_518, %get3A_519] {strides = array<i32>} : memref<48x512xi32, #tpu.memory_space<vmem>>, vector<1x16xi32>,
      %get3A_521 = vector.shape_cast %get3A_520 : vector<1x16xi32> to vector<16xi32>
      %and3A_522 = arith.constant 15 : i32
      %and3A_523 = vector.broadcast %and3A_522 : i32 to vector<16xi32>
      %and3A_524 = arith.andi %get3A_521, %and3A_523 : vector<16xi32>
      %broadcast_in_dim3A_525 = vector.shape_cast %and3A_524 : vector<16xi32> to vector<16x1xi32>
      %gather3A_526 = vector.shape_cast %broadcast_in_dim3A_525 : vector<16x1xi32> to vector<16xi32>
      %gather3A_527 = tpu.dynamic_gather %get3A_23[%gather3A_526] in [0] : vector<16xi32>, vector<16xi32> -> vector<16xi32>
      %broadcast_in_dim3A_528 = vector.shape_cast %and3A_524 : vector<16xi32> to vector<16x1xi32>
      %gather3A_529 = vector.shape_cast %broadcast_in_dim3A_528 : vector<16x1xi32> to vector<16xi32>
      %gather3A_530 = tpu.dynamic_gather %get3A_26[%gather3A_529] in [0] : vector<16xi32>, vector<16xi32> -> vector<16xi32>
      %ge3A_531 = arith.constant 16 : i32
      %ge3A_532 = vector.broadcast %ge3A_531 : i32 to vector<16xi32>
      %ge3A_533 = arith.cmpi sge, %get3A_521, %ge3A_532 : vector<16xi32>
      %select_n3A_534 = arith.select %ge3A_533, %gather3A_530, %gather3A_527 : vector<16xi1>, vector<16xi32>
      %lt3A_535 = arith.constant 100000 : i32
      %lt3A_536 = vector.broadcast %lt3A_535 : i32 to vector<16xi32>
      %lt3A_537 = arith.cmpi slt, %get3A_521, %lt3A_536 : vector<16xi32>
      %sub3A_538 = arith.constant 100000 : i32
      %sub3A_539 = vector.broadcast %sub3A_538 : i32 to vector<16xi32>
      %sub3A_540 = arith.subi %get3A_521, %sub3A_539 : vector<16xi32>
      %select_n3A_541 = arith.select %lt3A_537, %get3A_521, %sub3A_540 : vector<16xi1>, vector<16xi32>
      %add3A_542 = arith.constant 32 : i32
      %add3A_543 = vector.broadcast %add3A_542 : i32 to vector<16xi32>
      %add3A_544 = arith.addi %select_n3A_541, %add3A_543 : vector<16xi32>
      %lt3A_545 = arith.constant 32 : i32
      %lt3A_546 = vector.broadcast %lt3A_545 : i32 to vector<16xi32>
      %lt3A_547 = arith.cmpi slt, %get3A_521, %lt3A_546 : vector<16xi32>
      %select_n3A_548 = arith.select %lt3A_547, %select_n3A_534, %add3A_544 : vector<16xi1>, vector<16xi32>
      %add3A_549 = arith.constant 64 : i32
      %add3A_550 = arith.addi %mul3A_359, %add3A_549 : i32
      %swap3A_551 = arith.index_cast %select_n3A : i32 to index
      %swap3A_552 = arith.index_cast %add3A_550 : i32 to index
      %swap3A_553 = tpu.vector_load %arg8[%swap3A_551, %swap3A_552] {strides = array<i32>} : memref<48x512xi32, #tpu.memory_space<vmem>>, vector<1x16xi32>,
      %swap3A_554 = vector.shape_cast %swap3A_553 : vector<1x16xi32> to vector<16xi32>
      %swap3A_555 = vector.shape_cast %select_n3A_548 : vector<16xi32> to vector<1x16xi32>
      tpu.vector_store %arg8[%swap3A_551, %swap3A_552], %swap3A_555 {strides = array<i32>} : memref<48x512xi32, #tpu.memory_space<vmem>>, vector<1x16xi32>,
      %add3A_556 = arith.constant 80 : i32
      %add3A_557 = arith.addi %mul3A_359, %add3A_556 : i32
      %get3A_558 = arith.index_cast %select_n3A : i32 to index
      %get3A_559 = arith.index_cast %add3A_557 : i32 to index
      %get3A_560 = tpu.vector_load %arg6[%get3A_558, %get3A_559] {strides = array<i32>} : memref<48x512xi32, #tpu.memory_space<vmem>>, vector<1x16xi32>,
      %get3A_561 = vector.shape_cast %get3A_560 : vector<1x16xi32> to vector<16xi32>
      %and3A_562 = arith.constant 15 : i32
      %and3A_563 = vector.broadcast %and3A_562 : i32 to vector<16xi32>
      %and3A_564 = arith.andi %get3A_561, %and3A_563 : vector<16xi32>
      %broadcast_in_dim3A_565 = vector.shape_cast %and3A_564 : vector<16xi32> to vector<16x1xi32>
      %gather3A_566 = vector.shape_cast %broadcast_in_dim3A_565 : vector<16x1xi32> to vector<16xi32>
      %gather3A_567 = tpu.dynamic_gather %get3A_23[%gather3A_566] in [0] : vector<16xi32>, vector<16xi32> -> vector<16xi32>
      %broadcast_in_dim3A_568 = vector.shape_cast %and3A_564 : vector<16xi32> to vector<16x1xi32>
      %gather3A_569 = vector.shape_cast %broadcast_in_dim3A_568 : vector<16x1xi32> to vector<16xi32>
      %gather3A_570 = tpu.dynamic_gather %get3A_26[%gather3A_569] in [0] : vector<16xi32>, vector<16xi32> -> vector<16xi32>
      %ge3A_571 = arith.constant 16 : i32
      %ge3A_572 = vector.broadcast %ge3A_571 : i32 to vector<16xi32>
      %ge3A_573 = arith.cmpi sge, %get3A_561, %ge3A_572 : vector<16xi32>
      %select_n3A_574 = arith.select %ge3A_573, %gather3A_570, %gather3A_567 : vector<16xi1>, vector<16xi32>
      %lt3A_575 = arith.constant 100000 : i32
      %lt3A_576 = vector.broadcast %lt3A_575 : i32 to vector<16xi32>
      %lt3A_577 = arith.cmpi slt, %get3A_561, %lt3A_576 : vector<16xi32>
      %sub3A_578 = arith.constant 100000 : i32
      %sub3A_579 = vector.broadcast %sub3A_578 : i32 to vector<16xi32>
      %sub3A_580 = arith.subi %get3A_561, %sub3A_579 : vector<16xi32>
      %select_n3A_581 = arith.select %lt3A_577, %get3A_561, %sub3A_580 : vector<16xi1>, vector<16xi32>
      %add3A_582 = arith.constant 32 : i32
      %add3A_583 = vector.broadcast %add3A_582 : i32 to vector<16xi32>
      %add3A_584 = arith.addi %select_n3A_581, %add3A_583 : vector<16xi32>
      %lt3A_585 = arith.constant 32 : i32
      %lt3A_586 = vector.broadcast %lt3A_585 : i32 to vector<16xi32>
      %lt3A_587 = arith.cmpi slt, %get3A_561, %lt3A_586 : vector<16xi32>
      %select_n3A_588 = arith.select %lt3A_587, %select_n3A_574, %add3A_584 : vector<16xi1>, vector<16xi32>
      %add3A_589 = arith.constant 80 : i32
      %add3A_590 = arith.addi %mul3A_359, %add3A_589 : i32
      %swap3A_591 = arith.index_cast %select_n3A : i32 to index
      %swap3A_592 = arith.index_cast %add3A_590 : i32 to index
      %swap3A_593 = tpu.vector_load %arg8[%swap3A_591, %swap3A_592] {strides = array<i32>} : memref<48x512xi32, #tpu.memory_space<vmem>>, vector<1x16xi32>,
      %swap3A_594 = vector.shape_cast %swap3A_593 : vector<1x16xi32> to vector<16xi32>
      %swap3A_595 = vector.shape_cast %select_n3A_588 : vector<16xi32> to vector<1x16xi32>
      tpu.vector_store %arg8[%swap3A_591, %swap3A_592], %swap3A_595 {strides = array<i32>} : memref<48x512xi32, #tpu.memory_space<vmem>>, vector<1x16xi32>,
      %add3A_596 = arith.constant 96 : i32
      %add3A_597 = arith.addi %mul3A_359, %add3A_596 : i32
      %get3A_598 = arith.index_cast %select_n3A : i32 to index
      %get3A_599 = arith.index_cast %add3A_597 : i32 to index
      %get3A_600 = tpu.vector_load %arg6[%get3A_598, %get3A_599] {strides = array<i32>} : memref<48x512xi32, #tpu.memory_space<vmem>>, vector<1x16xi32>,
      %get3A_601 = vector.shape_cast %get3A_600 : vector<1x16xi32> to vector<16xi32>
      %and3A_602 = arith.constant 15 : i32
      %and3A_603 = vector.broadcast %and3A_602 : i32 to vector<16xi32>
      %and3A_604 = arith.andi %get3A_601, %and3A_603 : vector<16xi32>
      %broadcast_in_dim3A_605 = vector.shape_cast %and3A_604 : vector<16xi32> to vector<16x1xi32>
      %gather3A_606 = vector.shape_cast %broadcast_in_dim3A_605 : vector<16x1xi32> to vector<16xi32>
      %gather3A_607 = tpu.dynamic_gather %get3A_23[%gather3A_606] in [0] : vector<16xi32>, vector<16xi32> -> vector<16xi32>
      %broadcast_in_dim3A_608 = vector.shape_cast %and3A_604 : vector<16xi32> to vector<16x1xi32>
      %gather3A_609 = vector.shape_cast %broadcast_in_dim3A_608 : vector<16x1xi32> to vector<16xi32>
      %gather3A_610 = tpu.dynamic_gather %get3A_26[%gather3A_609] in [0] : vector<16xi32>, vector<16xi32> -> vector<16xi32>
      %ge3A_611 = arith.constant 16 : i32
      %ge3A_612 = vector.broadcast %ge3A_611 : i32 to vector<16xi32>
      %ge3A_613 = arith.cmpi sge, %get3A_601, %ge3A_612 : vector<16xi32>
      %select_n3A_614 = arith.select %ge3A_613, %gather3A_610, %gather3A_607 : vector<16xi1>, vector<16xi32>
      %lt3A_615 = arith.constant 100000 : i32
      %lt3A_616 = vector.broadcast %lt3A_615 : i32 to vector<16xi32>
      %lt3A_617 = arith.cmpi slt, %get3A_601, %lt3A_616 : vector<16xi32>
      %sub3A_618 = arith.constant 100000 : i32
      %sub3A_619 = vector.broadcast %sub3A_618 : i32 to vector<16xi32>
      %sub3A_620 = arith.subi %get3A_601, %sub3A_619 : vector<16xi32>
      %select_n3A_621 = arith.select %lt3A_617, %get3A_601, %sub3A_620 : vector<16xi1>, vector<16xi32>
      %add3A_622 = arith.constant 32 : i32
      %add3A_623 = vector.broadcast %add3A_622 : i32 to vector<16xi32>
      %add3A_624 = arith.addi %select_n3A_621, %add3A_623 : vector<16xi32>
      %lt3A_625 = arith.constant 32 : i32
      %lt3A_626 = vector.broadcast %lt3A_625 : i32 to vector<16xi32>
      %lt3A_627 = arith.cmpi slt, %get3A_601, %lt3A_626 : vector<16xi32>
      %select_n3A_628 = arith.select %lt3A_627, %select_n3A_614, %add3A_624 : vector<16xi1>, vector<16xi32>
      %add3A_629 = arith.constant 96 : i32
      %add3A_630 = arith.addi %mul3A_359, %add3A_629 : i32
      %swap3A_631 = arith.index_cast %select_n3A : i32 to index
      %swap3A_632 = arith.index_cast %add3A_630 : i32 to index
      %swap3A_633 = tpu.vector_load %arg8[%swap3A_631, %swap3A_632] {strides = array<i32>} : memref<48x512xi32, #tpu.memory_space<vmem>>, vector<1x16xi32>,
      %swap3A_634 = vector.shape_cast %swap3A_633 : vector<1x16xi32> to vector<16xi32>
      %swap3A_635 = vector.shape_cast %select_n3A_628 : vector<16xi32> to vector<1x16xi32>
      tpu.vector_store %arg8[%swap3A_631, %swap3A_632], %swap3A_635 {strides = array<i32>} : memref<48x512xi32, #tpu.memory_space<vmem>>, vector<1x16xi32>,
      %add3A_636 = arith.constant 112 : i32
      %add3A_637 = arith.addi %mul3A_359, %add3A_636 : i32
      %get3A_638 = arith.index_cast %select_n3A : i32 to index
      %get3A_639 = arith.index_cast %add3A_637 : i32 to index
      %get3A_640 = tpu.vector_load %arg6[%get3A_638, %get3A_639] {strides = array<i32>} : memref<48x512xi32, #tpu.memory_space<vmem>>, vector<1x16xi32>,
      %get3A_641 = vector.shape_cast %get3A_640 : vector<1x16xi32> to vector<16xi32>
      %and3A_642 = arith.constant 15 : i32
      %and3A_643 = vector.broadcast %and3A_642 : i32 to vector<16xi32>
      %and3A_644 = arith.andi %get3A_641, %and3A_643 : vector<16xi32>
      %broadcast_in_dim3A_645 = vector.shape_cast %and3A_644 : vector<16xi32> to vector<16x1xi32>
      %gather3A_646 = vector.shape_cast %broadcast_in_dim3A_645 : vector<16x1xi32> to vector<16xi32>
      %gather3A_647 = tpu.dynamic_gather %get3A_23[%gather3A_646] in [0] : vector<16xi32>, vector<16xi32> -> vector<16xi32>
      %broadcast_in_dim3A_648 = vector.shape_cast %and3A_644 : vector<16xi32> to vector<16x1xi32>
      %gather3A_649 = vector.shape_cast %broadcast_in_dim3A_648 : vector<16x1xi32> to vector<16xi32>
      %gather3A_650 = tpu.dynamic_gather %get3A_26[%gather3A_649] in [0] : vector<16xi32>, vector<16xi32> -> vector<16xi32>
      %ge3A_651 = arith.constant 16 : i32
      %ge3A_652 = vector.broadcast %ge3A_651 : i32 to vector<16xi32>
      %ge3A_653 = arith.cmpi sge, %get3A_641, %ge3A_652 : vector<16xi32>
      %select_n3A_654 = arith.select %ge3A_653, %gather3A_650, %gather3A_647 : vector<16xi1>, vector<16xi32>
      %lt3A_655 = arith.constant 100000 : i32
      %lt3A_656 = vector.broadcast %lt3A_655 : i32 to vector<16xi32>
      %lt3A_657 = arith.cmpi slt, %get3A_641, %lt3A_656 : vector<16xi32>
      %sub3A_658 = arith.constant 100000 : i32
      %sub3A_659 = vector.broadcast %sub3A_658 : i32 to vector<16xi32>
      %sub3A_660 = arith.subi %get3A_641, %sub3A_659 : vector<16xi32>
      %select_n3A_661 = arith.select %lt3A_657, %get3A_641, %sub3A_660 : vector<16xi1>, vector<16xi32>
      %add3A_662 = arith.constant 32 : i32
      %add3A_663 = vector.broadcast %add3A_662 : i32 to vector<16xi32>
      %add3A_664 = arith.addi %select_n3A_661, %add3A_663 : vector<16xi32>
      %lt3A_665 = arith.constant 32 : i32
      %lt3A_666 = vector.broadcast %lt3A_665 : i32 to vector<16xi32>
      %lt3A_667 = arith.cmpi slt, %get3A_641, %lt3A_666 : vector<16xi32>
      %select_n3A_668 = arith.select %lt3A_667, %select_n3A_654, %add3A_664 : vector<16xi1>, vector<16xi32>
      %add3A_669 = arith.constant 112 : i32
      %add3A_670 = arith.addi %mul3A_359, %add3A_669 : i32
      %swap3A_671 = arith.index_cast %select_n3A : i32 to index
      %swap3A_672 = arith.index_cast %add3A_670 : i32 to index
      %swap3A_673 = tpu.vector_load %arg8[%swap3A_671, %swap3A_672] {strides = array<i32>} : memref<48x512xi32, #tpu.memory_space<vmem>>, vector<1x16xi32>,
      %swap3A_674 = vector.shape_cast %swap3A_673 : vector<1x16xi32> to vector<16xi32>
      %swap3A_675 = vector.shape_cast %select_n3A_668 : vector<16xi32> to vector<1x16xi32>
      tpu.vector_store %arg8[%swap3A_671, %swap3A_672], %swap3A_675 {strides = array<i32>} : memref<48x512xi32, #tpu.memory_space<vmem>>, vector<1x16xi32>,
    }
    %scan3A_76 = arith.constant 64 : i32
    %dma_start3A_77 = arith.constant 0 : i32
    %dma_start3A_78 = arith.constant 0 : i32
    %dma_start3A_79 = tpu.memref_slice %arg8[%dma_start3A_77, %dma_start3A_78] : memref<48x512xi32, #tpu.memory_space<vmem>> -> memref<16x512xi32, #tpu.memory_space<vmem>>
    %dma_start3A_80 = arith.constant 8 : i32
    %dma_start3A_81 = tpu.memref_slice %arg4[%dma_start3A_80, %multiple_of3A] : memref<200x16384xi32, #tpu.memory_space<hbm>> -> memref<16x512xi32, #tpu.memory_space<hbm>>
    %dma_start3A_82 = arith.constant 8 : i32
    %dma_start3A_83 = tpu.memref_slice %arg4[%dma_start3A_82, %multiple_of3A] : memref<200x16384xi32, #tpu.memory_space<hbm>> -> memref<16x512xi32, #tpu.memory_space<hbm>>
    %dma_start3A_84 = arith.constant 0 : i32
    %dma_start3A_85 = arith.constant 0 : i32
    %dma_start3A_86 = tpu.memref_slice %arg8[%dma_start3A_84, %dma_start3A_85] : memref<48x512xi32, #tpu.memory_space<vmem>> -> memref<16x512xi32, #tpu.memory_space<vmem>>
    tpu.enqueue_dma source(%dma_start3A_86 : memref<16x512xi32, #tpu.memory_space<vmem>>) target(%dma_start3A_83 : memref<16x512xi32, #tpu.memory_space<hbm>>) target_semaphore(%arg13 : memref<!tpu.dma_semaphore, #tpu.memory_space<semaphore_mem>>)
    %dma_start3A_87 = arith.constant 0 : i32
    %dma_start3A_88 = arith.constant 0 : i32
    %dma_start3A_89 = tpu.memref_slice %arg6[%dma_start3A_87, %dma_start3A_88] : memref<48x512xi32, #tpu.memory_space<vmem>> -> memref<48x512xi32, #tpu.memory_space<vmem>>
    %dma_start3A_90 = arith.constant 56 : i32
    %dma_start3A_91 = tpu.memref_slice %arg2[%dma_start3A_90, %multiple_of3A] : memref<200x16384xi32, #tpu.memory_space<hbm>> -> memref<48x512xi32, #tpu.memory_space<hbm>>
    %dma_start3A_92 = arith.constant 0 : i32
    %dma_start3A_93 = arith.constant 0 : i32
    %dma_start3A_94 = tpu.memref_slice %arg6[%dma_start3A_92, %dma_start3A_93] : memref<48x512xi32, #tpu.memory_space<vmem>> -> memref<48x512xi32, #tpu.memory_space<vmem>>
    %dma_start3A_95 = arith.constant 56 : i32
    %dma_start3A_96 = tpu.memref_slice %arg2[%dma_start3A_95, %multiple_of3A] : memref<200x16384xi32, #tpu.memory_space<hbm>> -> memref<48x512xi32, #tpu.memory_space<hbm>>
    tpu.enqueue_dma source(%dma_start3A_96 : memref<48x512xi32, #tpu.memory_space<hbm>>) target(%dma_start3A_94 : memref<48x512xi32, #tpu.memory_space<vmem>>) target_semaphore(%arg11 : memref<!tpu.dma_semaphore, #tpu.memory_space<semaphore_mem>>)
    %dma_wait3A_97 = arith.constant 0 : i32
    %dma_wait3A_98 = arith.constant 0 : i32
    %dma_wait3A_99 = tpu.memref_slice %arg7[%dma_wait3A_97, %dma_wait3A_98] : memref<48x512xi32, #tpu.memory_space<vmem>> -> memref<8x512xi32, #tpu.memory_space<vmem>>
    %dma_wait3A_100 = arith.constant 0 : i32
    %dma_wait3A_101 = tpu.memref_slice %arg4[%dma_wait3A_100, %multiple_of3A] : memref<200x16384xi32, #tpu.memory_space<hbm>> -> memref<8x512xi32, #tpu.memory_space<hbm>>
    %dma_wait3A_102 = arith.constant 0 : i32
    %dma_wait3A_103 = tpu.memref_slice %arg4[%dma_wait3A_102, %multiple_of3A] : memref<200x16384xi32, #tpu.memory_space<hbm>> -> memref<8x512xi32, #tpu.memory_space<hbm>>
    %dma_wait3A_104 = arith.constant 0 : i32
    %dma_wait3A_105 = arith.constant 0 : i32
    %dma_wait3A_106 = tpu.memref_slice %arg7[%dma_wait3A_104, %dma_wait3A_105] : memref<48x512xi32, #tpu.memory_space<vmem>> -> memref<8x512xi32, #tpu.memory_space<vmem>>
    tpu.wait_dma2 semaphore(%arg12 : memref<!tpu.dma_semaphore, #tpu.memory_space<semaphore_mem>>) src(%dma_wait3A_106 : memref<8x512xi32, #tpu.memory_space<vmem>>) dst(%dma_wait3A_103 : memref<8x512xi32, #tpu.memory_space<hbm>>)
    %dma_wait3A_107 = arith.constant 0 : i32
    %dma_wait3A_108 = arith.constant 0 : i32
    %dma_wait3A_109 = tpu.memref_slice %arg5[%dma_wait3A_107, %dma_wait3A_108] : memref<48x512xi32, #tpu.memory_space<vmem>> -> memref<32x512xi32, #tpu.memory_space<vmem>>
    %dma_wait3A_110 = arith.constant 24 : i32
    %dma_wait3A_111 = tpu.memref_slice %arg2[%dma_wait3A_110, %multiple_of3A] : memref<200x16384xi32, #tpu.memory_space<hbm>> -> memref<32x512xi32, #tpu.memory_space<hbm>>
    %dma_wait3A_112 = arith.constant 0 : i32
    %dma_wait3A_113 = arith.constant 0 : i32
    %dma_wait3A_114 = tpu.memref_slice %arg5[%dma_wait3A_112, %dma_wait3A_113] : memref<48x512xi32, #tpu.memory_space<vmem>> -> memref<32x512xi32, #tpu.memory_space<vmem>>
    %dma_wait3A_115 = arith.constant 24 : i32
    %dma_wait3A_116 = tpu.memref_slice %arg2[%dma_wait3A_115, %multiple_of3A] : memref<200x16384xi32, #tpu.memory_space<hbm>> -> memref<32x512xi32, #tpu.memory_space<hbm>>
    tpu.wait_dma2 semaphore(%arg10 : memref<!tpu.dma_semaphore, #tpu.memory_space<semaphore_mem>>) src(%dma_wait3A_116 : memref<32x512xi32, #tpu.memory_space<hbm>>) dst(%dma_wait3A_114 : memref<32x512xi32, #tpu.memory_space<vmem>>)
    %scan3A_117 = arith.constant 0 : i32
    %scan3A_118 = arith.constant 0 : i32
    %scan3A_119 = arith.constant 128 : i32
    %scan3A_120 = arith.addi %scan3A_118, %scan3A_119 : i32
    %scan3A_121 = arith.constant 1 : i32
    scf.for %scan3A_327 = %scan3A_118 to %scan3A_120 step %scan3A_121  : i32 {
      %jit3A = arith.constant 4 : i32
      %div3A = arith.divsi %scan3A_327, %jit3A : i32
      %sign3A = arith.constant 0 : i32
      %sign3A_328 = arith.cmpi sgt, %scan3A_327, %sign3A : i32
      %sign3A_329 = arith.extui %sign3A_328 : i1 to i32
      %sign3A_330 = arith.constant 0 : i32
      %sign3A_331 = arith.cmpi slt, %scan3A_327, %sign3A_330 : i32
      %sign3A_332 = arith.extui %sign3A_331 : i1 to i32
      %sign3A_333 = arith.subi %sign3A_329, %sign3A_332 : i32
      %sign3A_334 = arith.constant 0 : i32
      %sign3A_335 = arith.cmpi sgt, %jit3A, %sign3A_334 : i32
      %sign3A_336 = arith.extui %sign3A_335 : i1 to i32
      %sign3A_337 = arith.constant 0 : i32
      %sign3A_338 = arith.cmpi slt, %jit3A, %sign3A_337 : i32
      %sign3A_339 = arith.extui %sign3A_338 : i1 to i32
      %sign3A_340 = arith.subi %sign3A_336, %sign3A_339 : i32
      %ne3A = arith.cmpi ne, %sign3A_333, %sign3A_340 : i32
      %rem3A = arith.remsi %scan3A_327, %jit3A : i32
      %ne3A_341 = arith.constant 0 : i32
      %ne3A_342 = arith.cmpi ne, %rem3A, %ne3A_341 : i32
      %and3A = arith.andi %ne3A, %ne3A_342 : i1
      %sub3A = arith.constant 1 : i32
      %sub3A_343 = arith.subi %div3A, %sub3A : i32
      %select_n3A = arith.select %and3A, %sub3A_343, %div3A : i32
      %jit3A_344 = arith.constant 4 : i32
      %eq3A = arith.constant 0 : i32
      %eq3A_345 = arith.cmpi eq, %jit3A_344, %eq3A : i32
      %jit3A_346 = arith.constant 1 : i32
      %select_n3A_347 = arith.select %eq3A_345, %jit3A_346, %jit3A_344 : i32
      %rem3A_348 = arith.remsi %scan3A_327, %select_n3A_347 : i32
      %ne3A_349 = arith.constant 0 : i32
      %ne3A_350 = arith.cmpi ne, %rem3A_348, %ne3A_349 : i32
      %lt3A = arith.constant 0 : i32
      %lt3A_351 = arith.cmpi slt, %rem3A_348, %lt3A : i32
      %lt3A_352 = arith.constant 0 : i32
      %lt3A_353 = arith.cmpi slt, %select_n3A_347, %lt3A_352 : i32
      %ne3A_354 = arith.xori %lt3A_351, %lt3A_353 : i1
      %and3A_355 = arith.andi %ne3A_354, %ne3A_350 : i1
      %add3A_356 = arith.addi %rem3A_348, %select_n3A_347 : i32
      %select_n3A_357 = arith.select %and3A_355, %add3A_356, %rem3A_348 : i32
      %mul3A_358 = arith.constant 128 : i32
      %mul3A_359 = arith.muli %select_n3A_357, %mul3A_358 : i32
      %add3A_360 = arith.constant 0 : i32
      %add3A_361 = arith.addi %mul3A_359, %add3A_360 : i32
      %get3A_362 = arith.index_cast %select_n3A : i32 to index
      %get3A_363 = arith.index_cast %add3A_361 : i32 to index
      %get3A_364 = tpu.vector_load %arg5[%get3A_362, %get3A_363] {strides = array<i32>} : memref<48x512xi32, #tpu.memory_space<vmem>>, vector<1x16xi32>,
      %get3A_365 = vector.shape_cast %get3A_364 : vector<1x16xi32> to vector<16xi32>
      %and3A_366 = arith.constant 15 : i32
      %and3A_367 = vector.broadcast %and3A_366 : i32 to vector<16xi32>
      %and3A_368 = arith.andi %get3A_365, %and3A_367 : vector<16xi32>
      %broadcast_in_dim3A = vector.shape_cast %and3A_368 : vector<16xi32> to vector<16x1xi32>
      %gather3A = vector.shape_cast %broadcast_in_dim3A : vector<16x1xi32> to vector<16xi32>
      %gather3A_369 = tpu.dynamic_gather %get3A_23[%gather3A] in [0] : vector<16xi32>, vector<16xi32> -> vector<16xi32>
      %broadcast_in_dim3A_370 = vector.shape_cast %and3A_368 : vector<16xi32> to vector<16x1xi32>
      %gather3A_371 = vector.shape_cast %broadcast_in_dim3A_370 : vector<16x1xi32> to vector<16xi32>
      %gather3A_372 = tpu.dynamic_gather %get3A_26[%gather3A_371] in [0] : vector<16xi32>, vector<16xi32> -> vector<16xi32>
      %ge3A = arith.constant 16 : i32
      %ge3A_373 = vector.broadcast %ge3A : i32 to vector<16xi32>
      %ge3A_374 = arith.cmpi sge, %get3A_365, %ge3A_373 : vector<16xi32>
      %select_n3A_375 = arith.select %ge3A_374, %gather3A_372, %gather3A_369 : vector<16xi1>, vector<16xi32>
      %lt3A_376 = arith.constant 100000 : i32
      %lt3A_377 = vector.broadcast %lt3A_376 : i32 to vector<16xi32>
      %lt3A_378 = arith.cmpi slt, %get3A_365, %lt3A_377 : vector<16xi32>
      %sub3A_379 = arith.constant 100000 : i32
      %sub3A_380 = vector.broadcast %sub3A_379 : i32 to vector<16xi32>
      %sub3A_381 = arith.subi %get3A_365, %sub3A_380 : vector<16xi32>
      %select_n3A_382 = arith.select %lt3A_378, %get3A_365, %sub3A_381 : vector<16xi1>, vector<16xi32>
      %add3A_383 = arith.constant 32 : i32
      %add3A_384 = vector.broadcast %add3A_383 : i32 to vector<16xi32>
      %add3A_385 = arith.addi %select_n3A_382, %add3A_384 : vector<16xi32>
      %lt3A_386 = arith.constant 32 : i32
      %lt3A_387 = vector.broadcast %lt3A_386 : i32 to vector<16xi32>
      %lt3A_388 = arith.cmpi slt, %get3A_365, %lt3A_387 : vector<16xi32>
      %select_n3A_389 = arith.select %lt3A_388, %select_n3A_375, %add3A_385 : vector<16xi1>, vector<16xi32>
      %add3A_390 = arith.constant 0 : i32
      %add3A_391 = arith.addi %mul3A_359, %add3A_390 : i32
      %swap3A = arith.index_cast %select_n3A : i32 to index
      %swap3A_392 = arith.index_cast %add3A_391 : i32 to index
      %swap3A_393 = tpu.vector_load %arg7[%swap3A, %swap3A_392] {strides = array<i32>} : memref<48x512xi32, #tpu.memory_space<vmem>>, vector<1x16xi32>,
      %swap3A_394 = vector.shape_cast %swap3A_393 : vector<1x16xi32> to vector<16xi32>
      %swap3A_395 = vector.shape_cast %select_n3A_389 : vector<16xi32> to vector<1x16xi32>
      tpu.vector_store %arg7[%swap3A, %swap3A_392], %swap3A_395 {strides = array<i32>} : memref<48x512xi32, #tpu.memory_space<vmem>>, vector<1x16xi32>,
      %add3A_396 = arith.constant 16 : i32
      %add3A_397 = arith.addi %mul3A_359, %add3A_396 : i32
      %get3A_398 = arith.index_cast %select_n3A : i32 to index
      %get3A_399 = arith.index_cast %add3A_397 : i32 to index
      %get3A_400 = tpu.vector_load %arg5[%get3A_398, %get3A_399] {strides = array<i32>} : memref<48x512xi32, #tpu.memory_space<vmem>>, vector<1x16xi32>,
      %get3A_401 = vector.shape_cast %get3A_400 : vector<1x16xi32> to vector<16xi32>
      %and3A_402 = arith.constant 15 : i32
      %and3A_403 = vector.broadcast %and3A_402 : i32 to vector<16xi32>
      %and3A_404 = arith.andi %get3A_401, %and3A_403 : vector<16xi32>
      %broadcast_in_dim3A_405 = vector.shape_cast %and3A_404 : vector<16xi32> to vector<16x1xi32>
      %gather3A_406 = vector.shape_cast %broadcast_in_dim3A_405 : vector<16x1xi32> to vector<16xi32>
      %gather3A_407 = tpu.dynamic_gather %get3A_23[%gather3A_406] in [0] : vector<16xi32>, vector<16xi32> -> vector<16xi32>
      %broadcast_in_dim3A_408 = vector.shape_cast %and3A_404 : vector<16xi32> to vector<16x1xi32>
      %gather3A_409 = vector.shape_cast %broadcast_in_dim3A_408 : vector<16x1xi32> to vector<16xi32>
      %gather3A_410 = tpu.dynamic_gather %get3A_26[%gather3A_409] in [0] : vector<16xi32>, vector<16xi32> -> vector<16xi32>
      %ge3A_411 = arith.constant 16 : i32
      %ge3A_412 = vector.broadcast %ge3A_411 : i32 to vector<16xi32>
      %ge3A_413 = arith.cmpi sge, %get3A_401, %ge3A_412 : vector<16xi32>
      %select_n3A_414 = arith.select %ge3A_413, %gather3A_410, %gather3A_407 : vector<16xi1>, vector<16xi32>
      %lt3A_415 = arith.constant 100000 : i32
      %lt3A_416 = vector.broadcast %lt3A_415 : i32 to vector<16xi32>
      %lt3A_417 = arith.cmpi slt, %get3A_401, %lt3A_416 : vector<16xi32>
      %sub3A_418 = arith.constant 100000 : i32
      %sub3A_419 = vector.broadcast %sub3A_418 : i32 to vector<16xi32>
      %sub3A_420 = arith.subi %get3A_401, %sub3A_419 : vector<16xi32>
      %select_n3A_421 = arith.select %lt3A_417, %get3A_401, %sub3A_420 : vector<16xi1>, vector<16xi32>
      %add3A_422 = arith.constant 32 : i32
      %add3A_423 = vector.broadcast %add3A_422 : i32 to vector<16xi32>
      %add3A_424 = arith.addi %select_n3A_421, %add3A_423 : vector<16xi32>
      %lt3A_425 = arith.constant 32 : i32
      %lt3A_426 = vector.broadcast %lt3A_425 : i32 to vector<16xi32>
      %lt3A_427 = arith.cmpi slt, %get3A_401, %lt3A_426 : vector<16xi32>
      %select_n3A_428 = arith.select %lt3A_427, %select_n3A_414, %add3A_424 : vector<16xi1>, vector<16xi32>
      %add3A_429 = arith.constant 16 : i32
      %add3A_430 = arith.addi %mul3A_359, %add3A_429 : i32
      %swap3A_431 = arith.index_cast %select_n3A : i32 to index
      %swap3A_432 = arith.index_cast %add3A_430 : i32 to index
      %swap3A_433 = tpu.vector_load %arg7[%swap3A_431, %swap3A_432] {strides = array<i32>} : memref<48x512xi32, #tpu.memory_space<vmem>>, vector<1x16xi32>,
      %swap3A_434 = vector.shape_cast %swap3A_433 : vector<1x16xi32> to vector<16xi32>
      %swap3A_435 = vector.shape_cast %select_n3A_428 : vector<16xi32> to vector<1x16xi32>
      tpu.vector_store %arg7[%swap3A_431, %swap3A_432], %swap3A_435 {strides = array<i32>} : memref<48x512xi32, #tpu.memory_space<vmem>>, vector<1x16xi32>,
      %add3A_436 = arith.constant 32 : i32
      %add3A_437 = arith.addi %mul3A_359, %add3A_436 : i32
      %get3A_438 = arith.index_cast %select_n3A : i32 to index
      %get3A_439 = arith.index_cast %add3A_437 : i32 to index
      %get3A_440 = tpu.vector_load %arg5[%get3A_438, %get3A_439] {strides = array<i32>} : memref<48x512xi32, #tpu.memory_space<vmem>>, vector<1x16xi32>,
      %get3A_441 = vector.shape_cast %get3A_440 : vector<1x16xi32> to vector<16xi32>
      %and3A_442 = arith.constant 15 : i32
      %and3A_443 = vector.broadcast %and3A_442 : i32 to vector<16xi32>
      %and3A_444 = arith.andi %get3A_441, %and3A_443 : vector<16xi32>
      %broadcast_in_dim3A_445 = vector.shape_cast %and3A_444 : vector<16xi32> to vector<16x1xi32>
      %gather3A_446 = vector.shape_cast %broadcast_in_dim3A_445 : vector<16x1xi32> to vector<16xi32>
      %gather3A_447 = tpu.dynamic_gather %get3A_23[%gather3A_446] in [0] : vector<16xi32>, vector<16xi32> -> vector<16xi32>
      %broadcast_in_dim3A_448 = vector.shape_cast %and3A_444 : vector<16xi32> to vector<16x1xi32>
      %gather3A_449 = vector.shape_cast %broadcast_in_dim3A_448 : vector<16x1xi32> to vector<16xi32>
      %gather3A_450 = tpu.dynamic_gather %get3A_26[%gather3A_449] in [0] : vector<16xi32>, vector<16xi32> -> vector<16xi32>
      %ge3A_451 = arith.constant 16 : i32
      %ge3A_452 = vector.broadcast %ge3A_451 : i32 to vector<16xi32>
      %ge3A_453 = arith.cmpi sge, %get3A_441, %ge3A_452 : vector<16xi32>
      %select_n3A_454 = arith.select %ge3A_453, %gather3A_450, %gather3A_447 : vector<16xi1>, vector<16xi32>
      %lt3A_455 = arith.constant 100000 : i32
      %lt3A_456 = vector.broadcast %lt3A_455 : i32 to vector<16xi32>
      %lt3A_457 = arith.cmpi slt, %get3A_441, %lt3A_456 : vector<16xi32>
      %sub3A_458 = arith.constant 100000 : i32
      %sub3A_459 = vector.broadcast %sub3A_458 : i32 to vector<16xi32>
      %sub3A_460 = arith.subi %get3A_441, %sub3A_459 : vector<16xi32>
      %select_n3A_461 = arith.select %lt3A_457, %get3A_441, %sub3A_460 : vector<16xi1>, vector<16xi32>
      %add3A_462 = arith.constant 32 : i32
      %add3A_463 = vector.broadcast %add3A_462 : i32 to vector<16xi32>
      %add3A_464 = arith.addi %select_n3A_461, %add3A_463 : vector<16xi32>
      %lt3A_465 = arith.constant 32 : i32
      %lt3A_466 = vector.broadcast %lt3A_465 : i32 to vector<16xi32>
      %lt3A_467 = arith.cmpi slt, %get3A_441, %lt3A_466 : vector<16xi32>
      %select_n3A_468 = arith.select %lt3A_467, %select_n3A_454, %add3A_464 : vector<16xi1>, vector<16xi32>
      %add3A_469 = arith.constant 32 : i32
      %add3A_470 = arith.addi %mul3A_359, %add3A_469 : i32
      %swap3A_471 = arith.index_cast %select_n3A : i32 to index
      %swap3A_472 = arith.index_cast %add3A_470 : i32 to index
      %swap3A_473 = tpu.vector_load %arg7[%swap3A_471, %swap3A_472] {strides = array<i32>} : memref<48x512xi32, #tpu.memory_space<vmem>>, vector<1x16xi32>,
      %swap3A_474 = vector.shape_cast %swap3A_473 : vector<1x16xi32> to vector<16xi32>
      %swap3A_475 = vector.shape_cast %select_n3A_468 : vector<16xi32> to vector<1x16xi32>
      tpu.vector_store %arg7[%swap3A_471, %swap3A_472], %swap3A_475 {strides = array<i32>} : memref<48x512xi32, #tpu.memory_space<vmem>>, vector<1x16xi32>,
      %add3A_476 = arith.constant 48 : i32
      %add3A_477 = arith.addi %mul3A_359, %add3A_476 : i32
      %get3A_478 = arith.index_cast %select_n3A : i32 to index
      %get3A_479 = arith.index_cast %add3A_477 : i32 to index
      %get3A_480 = tpu.vector_load %arg5[%get3A_478, %get3A_479] {strides = array<i32>} : memref<48x512xi32, #tpu.memory_space<vmem>>, vector<1x16xi32>,
      %get3A_481 = vector.shape_cast %get3A_480 : vector<1x16xi32> to vector<16xi32>
      %and3A_482 = arith.constant 15 : i32
      %and3A_483 = vector.broadcast %and3A_482 : i32 to vector<16xi32>
      %and3A_484 = arith.andi %get3A_481, %and3A_483 : vector<16xi32>
      %broadcast_in_dim3A_485 = vector.shape_cast %and3A_484 : vector<16xi32> to vector<16x1xi32>
      %gather3A_486 = vector.shape_cast %broadcast_in_dim3A_485 : vector<16x1xi32> to vector<16xi32>
      %gather3A_487 = tpu.dynamic_gather %get3A_23[%gather3A_486] in [0] : vector<16xi32>, vector<16xi32> -> vector<16xi32>
      %broadcast_in_dim3A_488 = vector.shape_cast %and3A_484 : vector<16xi32> to vector<16x1xi32>
      %gather3A_489 = vector.shape_cast %broadcast_in_dim3A_488 : vector<16x1xi32> to vector<16xi32>
      %gather3A_490 = tpu.dynamic_gather %get3A_26[%gather3A_489] in [0] : vector<16xi32>, vector<16xi32> -> vector<16xi32>
      %ge3A_491 = arith.constant 16 : i32
      %ge3A_492 = vector.broadcast %ge3A_491 : i32 to vector<16xi32>
      %ge3A_493 = arith.cmpi sge, %get3A_481, %ge3A_492 : vector<16xi32>
      %select_n3A_494 = arith.select %ge3A_493, %gather3A_490, %gather3A_487 : vector<16xi1>, vector<16xi32>
      %lt3A_495 = arith.constant 100000 : i32
      %lt3A_496 = vector.broadcast %lt3A_495 : i32 to vector<16xi32>
      %lt3A_497 = arith.cmpi slt, %get3A_481, %lt3A_496 : vector<16xi32>
      %sub3A_498 = arith.constant 100000 : i32
      %sub3A_499 = vector.broadcast %sub3A_498 : i32 to vector<16xi32>
      %sub3A_500 = arith.subi %get3A_481, %sub3A_499 : vector<16xi32>
      %select_n3A_501 = arith.select %lt3A_497, %get3A_481, %sub3A_500 : vector<16xi1>, vector<16xi32>
      %add3A_502 = arith.constant 32 : i32
      %add3A_503 = vector.broadcast %add3A_502 : i32 to vector<16xi32>
      %add3A_504 = arith.addi %select_n3A_501, %add3A_503 : vector<16xi32>
      %lt3A_505 = arith.constant 32 : i32
      %lt3A_506 = vector.broadcast %lt3A_505 : i32 to vector<16xi32>
      %lt3A_507 = arith.cmpi slt, %get3A_481, %lt3A_506 : vector<16xi32>
      %select_n3A_508 = arith.select %lt3A_507, %select_n3A_494, %add3A_504 : vector<16xi1>, vector<16xi32>
      %add3A_509 = arith.constant 48 : i32
      %add3A_510 = arith.addi %mul3A_359, %add3A_509 : i32
      %swap3A_511 = arith.index_cast %select_n3A : i32 to index
      %swap3A_512 = arith.index_cast %add3A_510 : i32 to index
      %swap3A_513 = tpu.vector_load %arg7[%swap3A_511, %swap3A_512] {strides = array<i32>} : memref<48x512xi32, #tpu.memory_space<vmem>>, vector<1x16xi32>,
      %swap3A_514 = vector.shape_cast %swap3A_513 : vector<1x16xi32> to vector<16xi32>
      %swap3A_515 = vector.shape_cast %select_n3A_508 : vector<16xi32> to vector<1x16xi32>
      tpu.vector_store %arg7[%swap3A_511, %swap3A_512], %swap3A_515 {strides = array<i32>} : memref<48x512xi32, #tpu.memory_space<vmem>>, vector<1x16xi32>,
      %add3A_516 = arith.constant 64 : i32
      %add3A_517 = arith.addi %mul3A_359, %add3A_516 : i32
      %get3A_518 = arith.index_cast %select_n3A : i32 to index
      %get3A_519 = arith.index_cast %add3A_517 : i32 to index
      %get3A_520 = tpu.vector_load %arg5[%get3A_518, %get3A_519] {strides = array<i32>} : memref<48x512xi32, #tpu.memory_space<vmem>>, vector<1x16xi32>,
      %get3A_521 = vector.shape_cast %get3A_520 : vector<1x16xi32> to vector<16xi32>
      %and3A_522 = arith.constant 15 : i32
      %and3A_523 = vector.broadcast %and3A_522 : i32 to vector<16xi32>
      %and3A_524 = arith.andi %get3A_521, %and3A_523 : vector<16xi32>
      %broadcast_in_dim3A_525 = vector.shape_cast %and3A_524 : vector<16xi32> to vector<16x1xi32>
      %gather3A_526 = vector.shape_cast %broadcast_in_dim3A_525 : vector<16x1xi32> to vector<16xi32>
      %gather3A_527 = tpu.dynamic_gather %get3A_23[%gather3A_526] in [0] : vector<16xi32>, vector<16xi32> -> vector<16xi32>
      %broadcast_in_dim3A_528 = vector.shape_cast %and3A_524 : vector<16xi32> to vector<16x1xi32>
      %gather3A_529 = vector.shape_cast %broadcast_in_dim3A_528 : vector<16x1xi32> to vector<16xi32>
      %gather3A_530 = tpu.dynamic_gather %get3A_26[%gather3A_529] in [0] : vector<16xi32>, vector<16xi32> -> vector<16xi32>
      %ge3A_531 = arith.constant 16 : i32
      %ge3A_532 = vector.broadcast %ge3A_531 : i32 to vector<16xi32>
      %ge3A_533 = arith.cmpi sge, %get3A_521, %ge3A_532 : vector<16xi32>
      %select_n3A_534 = arith.select %ge3A_533, %gather3A_530, %gather3A_527 : vector<16xi1>, vector<16xi32>
      %lt3A_535 = arith.constant 100000 : i32
      %lt3A_536 = vector.broadcast %lt3A_535 : i32 to vector<16xi32>
      %lt3A_537 = arith.cmpi slt, %get3A_521, %lt3A_536 : vector<16xi32>
      %sub3A_538 = arith.constant 100000 : i32
      %sub3A_539 = vector.broadcast %sub3A_538 : i32 to vector<16xi32>
      %sub3A_540 = arith.subi %get3A_521, %sub3A_539 : vector<16xi32>
      %select_n3A_541 = arith.select %lt3A_537, %get3A_521, %sub3A_540 : vector<16xi1>, vector<16xi32>
      %add3A_542 = arith.constant 32 : i32
      %add3A_543 = vector.broadcast %add3A_542 : i32 to vector<16xi32>
      %add3A_544 = arith.addi %select_n3A_541, %add3A_543 : vector<16xi32>
      %lt3A_545 = arith.constant 32 : i32
      %lt3A_546 = vector.broadcast %lt3A_545 : i32 to vector<16xi32>
      %lt3A_547 = arith.cmpi slt, %get3A_521, %lt3A_546 : vector<16xi32>
      %select_n3A_548 = arith.select %lt3A_547, %select_n3A_534, %add3A_544 : vector<16xi1>, vector<16xi32>
      %add3A_549 = arith.constant 64 : i32
      %add3A_550 = arith.addi %mul3A_359, %add3A_549 : i32
      %swap3A_551 = arith.index_cast %select_n3A : i32 to index
      %swap3A_552 = arith.index_cast %add3A_550 : i32 to index
      %swap3A_553 = tpu.vector_load %arg7[%swap3A_551, %swap3A_552] {strides = array<i32>} : memref<48x512xi32, #tpu.memory_space<vmem>>, vector<1x16xi32>,
      %swap3A_554 = vector.shape_cast %swap3A_553 : vector<1x16xi32> to vector<16xi32>
      %swap3A_555 = vector.shape_cast %select_n3A_548 : vector<16xi32> to vector<1x16xi32>
      tpu.vector_store %arg7[%swap3A_551, %swap3A_552], %swap3A_555 {strides = array<i32>} : memref<48x512xi32, #tpu.memory_space<vmem>>, vector<1x16xi32>,
      %add3A_556 = arith.constant 80 : i32
      %add3A_557 = arith.addi %mul3A_359, %add3A_556 : i32
      %get3A_558 = arith.index_cast %select_n3A : i32 to index
      %get3A_559 = arith.index_cast %add3A_557 : i32 to index
      %get3A_560 = tpu.vector_load %arg5[%get3A_558, %get3A_559] {strides = array<i32>} : memref<48x512xi32, #tpu.memory_space<vmem>>, vector<1x16xi32>,
      %get3A_561 = vector.shape_cast %get3A_560 : vector<1x16xi32> to vector<16xi32>
      %and3A_562 = arith.constant 15 : i32
      %and3A_563 = vector.broadcast %and3A_562 : i32 to vector<16xi32>
      %and3A_564 = arith.andi %get3A_561, %and3A_563 : vector<16xi32>
      %broadcast_in_dim3A_565 = vector.shape_cast %and3A_564 : vector<16xi32> to vector<16x1xi32>
      %gather3A_566 = vector.shape_cast %broadcast_in_dim3A_565 : vector<16x1xi32> to vector<16xi32>
      %gather3A_567 = tpu.dynamic_gather %get3A_23[%gather3A_566] in [0] : vector<16xi32>, vector<16xi32> -> vector<16xi32>
      %broadcast_in_dim3A_568 = vector.shape_cast %and3A_564 : vector<16xi32> to vector<16x1xi32>
      %gather3A_569 = vector.shape_cast %broadcast_in_dim3A_568 : vector<16x1xi32> to vector<16xi32>
      %gather3A_570 = tpu.dynamic_gather %get3A_26[%gather3A_569] in [0] : vector<16xi32>, vector<16xi32> -> vector<16xi32>
      %ge3A_571 = arith.constant 16 : i32
      %ge3A_572 = vector.broadcast %ge3A_571 : i32 to vector<16xi32>
      %ge3A_573 = arith.cmpi sge, %get3A_561, %ge3A_572 : vector<16xi32>
      %select_n3A_574 = arith.select %ge3A_573, %gather3A_570, %gather3A_567 : vector<16xi1>, vector<16xi32>
      %lt3A_575 = arith.constant 100000 : i32
      %lt3A_576 = vector.broadcast %lt3A_575 : i32 to vector<16xi32>
      %lt3A_577 = arith.cmpi slt, %get3A_561, %lt3A_576 : vector<16xi32>
      %sub3A_578 = arith.constant 100000 : i32
      %sub3A_579 = vector.broadcast %sub3A_578 : i32 to vector<16xi32>
      %sub3A_580 = arith.subi %get3A_561, %sub3A_579 : vector<16xi32>
      %select_n3A_581 = arith.select %lt3A_577, %get3A_561, %sub3A_580 : vector<16xi1>, vector<16xi32>
      %add3A_582 = arith.constant 32 : i32
      %add3A_583 = vector.broadcast %add3A_582 : i32 to vector<16xi32>
      %add3A_584 = arith.addi %select_n3A_581, %add3A_583 : vector<16xi32>
      %lt3A_585 = arith.constant 32 : i32
      %lt3A_586 = vector.broadcast %lt3A_585 : i32 to vector<16xi32>
      %lt3A_587 = arith.cmpi slt, %get3A_561, %lt3A_586 : vector<16xi32>
      %select_n3A_588 = arith.select %lt3A_587, %select_n3A_574, %add3A_584 : vector<16xi1>, vector<16xi32>
      %add3A_589 = arith.constant 80 : i32
      %add3A_590 = arith.addi %mul3A_359, %add3A_589 : i32
      %swap3A_591 = arith.index_cast %select_n3A : i32 to index
      %swap3A_592 = arith.index_cast %add3A_590 : i32 to index
      %swap3A_593 = tpu.vector_load %arg7[%swap3A_591, %swap3A_592] {strides = array<i32>} : memref<48x512xi32, #tpu.memory_space<vmem>>, vector<1x16xi32>,
      %swap3A_594 = vector.shape_cast %swap3A_593 : vector<1x16xi32> to vector<16xi32>
      %swap3A_595 = vector.shape_cast %select_n3A_588 : vector<16xi32> to vector<1x16xi32>
      tpu.vector_store %arg7[%swap3A_591, %swap3A_592], %swap3A_595 {strides = array<i32>} : memref<48x512xi32, #tpu.memory_space<vmem>>, vector<1x16xi32>,
      %add3A_596 = arith.constant 96 : i32
      %add3A_597 = arith.addi %mul3A_359, %add3A_596 : i32
      %get3A_598 = arith.index_cast %select_n3A : i32 to index
      %get3A_599 = arith.index_cast %add3A_597 : i32 to index
      %get3A_600 = tpu.vector_load %arg5[%get3A_598, %get3A_599] {strides = array<i32>} : memref<48x512xi32, #tpu.memory_space<vmem>>, vector<1x16xi32>,
      %get3A_601 = vector.shape_cast %get3A_600 : vector<1x16xi32> to vector<16xi32>
      %and3A_602 = arith.constant 15 : i32
      %and3A_603 = vector.broadcast %and3A_602 : i32 to vector<16xi32>
      %and3A_604 = arith.andi %get3A_601, %and3A_603 : vector<16xi32>
      %broadcast_in_dim3A_605 = vector.shape_cast %and3A_604 : vector<16xi32> to vector<16x1xi32>
      %gather3A_606 = vector.shape_cast %broadcast_in_dim3A_605 : vector<16x1xi32> to vector<16xi32>
      %gather3A_607 = tpu.dynamic_gather %get3A_23[%gather3A_606] in [0] : vector<16xi32>, vector<16xi32> -> vector<16xi32>
      %broadcast_in_dim3A_608 = vector.shape_cast %and3A_604 : vector<16xi32> to vector<16x1xi32>
      %gather3A_609 = vector.shape_cast %broadcast_in_dim3A_608 : vector<16x1xi32> to vector<16xi32>
      %gather3A_610 = tpu.dynamic_gather %get3A_26[%gather3A_609] in [0] : vector<16xi32>, vector<16xi32> -> vector<16xi32>
      %ge3A_611 = arith.constant 16 : i32
      %ge3A_612 = vector.broadcast %ge3A_611 : i32 to vector<16xi32>
      %ge3A_613 = arith.cmpi sge, %get3A_601, %ge3A_612 : vector<16xi32>
      %select_n3A_614 = arith.select %ge3A_613, %gather3A_610, %gather3A_607 : vector<16xi1>, vector<16xi32>
      %lt3A_615 = arith.constant 100000 : i32
      %lt3A_616 = vector.broadcast %lt3A_615 : i32 to vector<16xi32>
      %lt3A_617 = arith.cmpi slt, %get3A_601, %lt3A_616 : vector<16xi32>
      %sub3A_618 = arith.constant 100000 : i32
      %sub3A_619 = vector.broadcast %sub3A_618 : i32 to vector<16xi32>
      %sub3A_620 = arith.subi %get3A_601, %sub3A_619 : vector<16xi32>
      %select_n3A_621 = arith.select %lt3A_617, %get3A_601, %sub3A_620 : vector<16xi1>, vector<16xi32>
      %add3A_622 = arith.constant 32 : i32
      %add3A_623 = vector.broadcast %add3A_622 : i32 to vector<16xi32>
      %add3A_624 = arith.addi %select_n3A_621, %add3A_623 : vector<16xi32>
      %lt3A_625 = arith.constant 32 : i32
      %lt3A_626 = vector.broadcast %lt3A_625 : i32 to vector<16xi32>
      %lt3A_627 = arith.cmpi slt, %get3A_601, %lt3A_626 : vector<16xi32>
      %select_n3A_628 = arith.select %lt3A_627, %select_n3A_614, %add3A_624 : vector<16xi1>, vector<16xi32>
      %add3A_629 = arith.constant 96 : i32
      %add3A_630 = arith.addi %mul3A_359, %add3A_629 : i32
      %swap3A_631 = arith.index_cast %select_n3A : i32 to index
      %swap3A_632 = arith.index_cast %add3A_630 : i32 to index
      %swap3A_633 = tpu.vector_load %arg7[%swap3A_631, %swap3A_632] {strides = array<i32>} : memref<48x512xi32, #tpu.memory_space<vmem>>, vector<1x16xi32>,
      %swap3A_634 = vector.shape_cast %swap3A_633 : vector<1x16xi32> to vector<16xi32>
      %swap3A_635 = vector.shape_cast %select_n3A_628 : vector<16xi32> to vector<1x16xi32>
      tpu.vector_store %arg7[%swap3A_631, %swap3A_632], %swap3A_635 {strides = array<i32>} : memref<48x512xi32, #tpu.memory_space<vmem>>, vector<1x16xi32>,
      %add3A_636 = arith.constant 112 : i32
      %add3A_637 = arith.addi %mul3A_359, %add3A_636 : i32
      %get3A_638 = arith.index_cast %select_n3A : i32 to index
      %get3A_639 = arith.index_cast %add3A_637 : i32 to index
      %get3A_640 = tpu.vector_load %arg5[%get3A_638, %get3A_639] {strides = array<i32>} : memref<48x512xi32, #tpu.memory_space<vmem>>, vector<1x16xi32>,
      %get3A_641 = vector.shape_cast %get3A_640 : vector<1x16xi32> to vector<16xi32>
      %and3A_642 = arith.constant 15 : i32
      %and3A_643 = vector.broadcast %and3A_642 : i32 to vector<16xi32>
      %and3A_644 = arith.andi %get3A_641, %and3A_643 : vector<16xi32>
      %broadcast_in_dim3A_645 = vector.shape_cast %and3A_644 : vector<16xi32> to vector<16x1xi32>
      %gather3A_646 = vector.shape_cast %broadcast_in_dim3A_645 : vector<16x1xi32> to vector<16xi32>
      %gather3A_647 = tpu.dynamic_gather %get3A_23[%gather3A_646] in [0] : vector<16xi32>, vector<16xi32> -> vector<16xi32>
      %broadcast_in_dim3A_648 = vector.shape_cast %and3A_644 : vector<16xi32> to vector<16x1xi32>
      %gather3A_649 = vector.shape_cast %broadcast_in_dim3A_648 : vector<16x1xi32> to vector<16xi32>
      %gather3A_650 = tpu.dynamic_gather %get3A_26[%gather3A_649] in [0] : vector<16xi32>, vector<16xi32> -> vector<16xi32>
      %ge3A_651 = arith.constant 16 : i32
      %ge3A_652 = vector.broadcast %ge3A_651 : i32 to vector<16xi32>
      %ge3A_653 = arith.cmpi sge, %get3A_641, %ge3A_652 : vector<16xi32>
      %select_n3A_654 = arith.select %ge3A_653, %gather3A_650, %gather3A_647 : vector<16xi1>, vector<16xi32>
      %lt3A_655 = arith.constant 100000 : i32
      %lt3A_656 = vector.broadcast %lt3A_655 : i32 to vector<16xi32>
      %lt3A_657 = arith.cmpi slt, %get3A_641, %lt3A_656 : vector<16xi32>
      %sub3A_658 = arith.constant 100000 : i32
      %sub3A_659 = vector.broadcast %sub3A_658 : i32 to vector<16xi32>
      %sub3A_660 = arith.subi %get3A_641, %sub3A_659 : vector<16xi32>
      %select_n3A_661 = arith.select %lt3A_657, %get3A_641, %sub3A_660 : vector<16xi1>, vector<16xi32>
      %add3A_662 = arith.constant 32 : i32
      %add3A_663 = vector.broadcast %add3A_662 : i32 to vector<16xi32>
      %add3A_664 = arith.addi %select_n3A_661, %add3A_663 : vector<16xi32>
      %lt3A_665 = arith.constant 32 : i32
      %lt3A_666 = vector.broadcast %lt3A_665 : i32 to vector<16xi32>
      %lt3A_667 = arith.cmpi slt, %get3A_641, %lt3A_666 : vector<16xi32>
      %select_n3A_668 = arith.select %lt3A_667, %select_n3A_654, %add3A_664 : vector<16xi1>, vector<16xi32>
      %add3A_669 = arith.constant 112 : i32
      %add3A_670 = arith.addi %mul3A_359, %add3A_669 : i32
      %swap3A_671 = arith.index_cast %select_n3A : i32 to index
      %swap3A_672 = arith.index_cast %add3A_670 : i32 to index
      %swap3A_673 = tpu.vector_load %arg7[%swap3A_671, %swap3A_672] {strides = array<i32>} : memref<48x512xi32, #tpu.memory_space<vmem>>, vector<1x16xi32>,
      %swap3A_674 = vector.shape_cast %swap3A_673 : vector<1x16xi32> to vector<16xi32>
      %swap3A_675 = vector.shape_cast %select_n3A_668 : vector<16xi32> to vector<1x16xi32>
      tpu.vector_store %arg7[%swap3A_671, %swap3A_672], %swap3A_675 {strides = array<i32>} : memref<48x512xi32, #tpu.memory_space<vmem>>, vector<1x16xi32>,
    }
    %scan3A_122 = arith.constant 128 : i32
    %dma_start3A_123 = arith.constant 0 : i32
    %dma_start3A_124 = arith.constant 0 : i32
    %dma_start3A_125 = tpu.memref_slice %arg7[%dma_start3A_123, %dma_start3A_124] : memref<48x512xi32, #tpu.memory_space<vmem>> -> memref<32x512xi32, #tpu.memory_space<vmem>>
    %dma_start3A_126 = arith.constant 24 : i32
    %dma_start3A_127 = tpu.memref_slice %arg4[%dma_start3A_126, %multiple_of3A] : memref<200x16384xi32, #tpu.memory_space<hbm>> -> memref<32x512xi32, #tpu.memory_space<hbm>>
    %dma_start3A_128 = arith.constant 24 : i32
    %dma_start3A_129 = tpu.memref_slice %arg4[%dma_start3A_128, %multiple_of3A] : memref<200x16384xi32, #tpu.memory_space<hbm>> -> memref<32x512xi32, #tpu.memory_space<hbm>>
    %dma_start3A_130 = arith.constant 0 : i32
    %dma_start3A_131 = arith.constant 0 : i32
    %dma_start3A_132 = tpu.memref_slice %arg7[%dma_start3A_130, %dma_start3A_131] : memref<48x512xi32, #tpu.memory_space<vmem>> -> memref<32x512xi32, #tpu.memory_space<vmem>>
    tpu.enqueue_dma source(%dma_start3A_132 : memref<32x512xi32, #tpu.memory_space<vmem>>) target(%dma_start3A_129 : memref<32x512xi32, #tpu.memory_space<hbm>>) target_semaphore(%arg12 : memref<!tpu.dma_semaphore, #tpu.memory_space<semaphore_mem>>)
    %dma_start3A_133 = arith.constant 0 : i32
    %dma_start3A_134 = arith.constant 0 : i32
    %dma_start3A_135 = tpu.memref_slice %arg5[%dma_start3A_133, %dma_start3A_134] : memref<48x512xi32, #tpu.memory_space<vmem>> -> memref<48x512xi32, #tpu.memory_space<vmem>>
    %dma_start3A_136 = arith.constant 104 : i32
    %dma_start3A_137 = tpu.memref_slice %arg2[%dma_start3A_136, %multiple_of3A] : memref<200x16384xi32, #tpu.memory_space<hbm>> -> memref<48x512xi32, #tpu.memory_space<hbm>>
    %dma_start3A_138 = arith.constant 0 : i32
    %dma_start3A_139 = arith.constant 0 : i32
    %dma_start3A_140 = tpu.memref_slice %arg5[%dma_start3A_138, %dma_start3A_139] : memref<48x512xi32, #tpu.memory_space<vmem>> -> memref<48x512xi32, #tpu.memory_space<vmem>>
    %dma_start3A_141 = arith.constant 104 : i32
    %dma_start3A_142 = tpu.memref_slice %arg2[%dma_start3A_141, %multiple_of3A] : memref<200x16384xi32, #tpu.memory_space<hbm>> -> memref<48x512xi32, #tpu.memory_space<hbm>>
    tpu.enqueue_dma source(%dma_start3A_142 : memref<48x512xi32, #tpu.memory_space<hbm>>) target(%dma_start3A_140 : memref<48x512xi32, #tpu.memory_space<vmem>>) target_semaphore(%arg10 : memref<!tpu.dma_semaphore, #tpu.memory_space<semaphore_mem>>)
    %dma_wait3A_143 = arith.constant 0 : i32
    %dma_wait3A_144 = arith.constant 0 : i32
    %dma_wait3A_145 = tpu.memref_slice %arg8[%dma_wait3A_143, %dma_wait3A_144] : memref<48x512xi32, #tpu.memory_space<vmem>> -> memref<16x512xi32, #tpu.memory_space<vmem>>
    %dma_wait3A_146 = arith.constant 8 : i32
    %dma_wait3A_147 = tpu.memref_slice %arg4[%dma_wait3A_146, %multiple_of3A] : memref<200x16384xi32, #tpu.memory_space<hbm>> -> memref<16x512xi32, #tpu.memory_space<hbm>>
    %dma_wait3A_148 = arith.constant 8 : i32
    %dma_wait3A_149 = tpu.memref_slice %arg4[%dma_wait3A_148, %multiple_of3A] : memref<200x16384xi32, #tpu.memory_space<hbm>> -> memref<16x512xi32, #tpu.memory_space<hbm>>
    %dma_wait3A_150 = arith.constant 0 : i32
    %dma_wait3A_151 = arith.constant 0 : i32
    %dma_wait3A_152 = tpu.memref_slice %arg8[%dma_wait3A_150, %dma_wait3A_151] : memref<48x512xi32, #tpu.memory_space<vmem>> -> memref<16x512xi32, #tpu.memory_space<vmem>>
    tpu.wait_dma2 semaphore(%arg13 : memref<!tpu.dma_semaphore, #tpu.memory_space<semaphore_mem>>) src(%dma_wait3A_152 : memref<16x512xi32, #tpu.memory_space<vmem>>) dst(%dma_wait3A_149 : memref<16x512xi32, #tpu.memory_space<hbm>>)
    %dma_wait3A_153 = arith.constant 0 : i32
    %dma_wait3A_154 = arith.constant 0 : i32
    %dma_wait3A_155 = tpu.memref_slice %arg6[%dma_wait3A_153, %dma_wait3A_154] : memref<48x512xi32, #tpu.memory_space<vmem>> -> memref<48x512xi32, #tpu.memory_space<vmem>>
    %dma_wait3A_156 = arith.constant 56 : i32
    %dma_wait3A_157 = tpu.memref_slice %arg2[%dma_wait3A_156, %multiple_of3A] : memref<200x16384xi32, #tpu.memory_space<hbm>> -> memref<48x512xi32, #tpu.memory_space<hbm>>
    %dma_wait3A_158 = arith.constant 0 : i32
    %dma_wait3A_159 = arith.constant 0 : i32
    %dma_wait3A_160 = tpu.memref_slice %arg6[%dma_wait3A_158, %dma_wait3A_159] : memref<48x512xi32, #tpu.memory_space<vmem>> -> memref<48x512xi32, #tpu.memory_space<vmem>>
    %dma_wait3A_161 = arith.constant 56 : i32
    %dma_wait3A_162 = tpu.memref_slice %arg2[%dma_wait3A_161, %multiple_of3A] : memref<200x16384xi32, #tpu.memory_space<hbm>> -> memref<48x512xi32, #tpu.memory_space<hbm>>
    tpu.wait_dma2 semaphore(%arg11 : memref<!tpu.dma_semaphore, #tpu.memory_space<semaphore_mem>>) src(%dma_wait3A_162 : memref<48x512xi32, #tpu.memory_space<hbm>>) dst(%dma_wait3A_160 : memref<48x512xi32, #tpu.memory_space<vmem>>)
    %scan3A_163 = arith.constant 0 : i32
    %scan3A_164 = arith.constant 0 : i32
    %scan3A_165 = arith.constant 192 : i32
    %scan3A_166 = arith.addi %scan3A_164, %scan3A_165 : i32
    %scan3A_167 = arith.constant 1 : i32
    scf.for %scan3A_327 = %scan3A_164 to %scan3A_166 step %scan3A_167  : i32 {
      %jit3A = arith.constant 4 : i32
      %div3A = arith.divsi %scan3A_327, %jit3A : i32
      %sign3A = arith.constant 0 : i32
      %sign3A_328 = arith.cmpi sgt, %scan3A_327, %sign3A : i32
      %sign3A_329 = arith.extui %sign3A_328 : i1 to i32
      %sign3A_330 = arith.constant 0 : i32
      %sign3A_331 = arith.cmpi slt, %scan3A_327, %sign3A_330 : i32
      %sign3A_332 = arith.extui %sign3A_331 : i1 to i32
      %sign3A_333 = arith.subi %sign3A_329, %sign3A_332 : i32
      %sign3A_334 = arith.constant 0 : i32
      %sign3A_335 = arith.cmpi sgt, %jit3A, %sign3A_334 : i32
      %sign3A_336 = arith.extui %sign3A_335 : i1 to i32
      %sign3A_337 = arith.constant 0 : i32
      %sign3A_338 = arith.cmpi slt, %jit3A, %sign3A_337 : i32
      %sign3A_339 = arith.extui %sign3A_338 : i1 to i32
      %sign3A_340 = arith.subi %sign3A_336, %sign3A_339 : i32
      %ne3A = arith.cmpi ne, %sign3A_333, %sign3A_340 : i32
      %rem3A = arith.remsi %scan3A_327, %jit3A : i32
      %ne3A_341 = arith.constant 0 : i32
      %ne3A_342 = arith.cmpi ne, %rem3A, %ne3A_341 : i32
      %and3A = arith.andi %ne3A, %ne3A_342 : i1
      %sub3A = arith.constant 1 : i32
      %sub3A_343 = arith.subi %div3A, %sub3A : i32
      %select_n3A = arith.select %and3A, %sub3A_343, %div3A : i32
      %jit3A_344 = arith.constant 4 : i32
      %eq3A = arith.constant 0 : i32
      %eq3A_345 = arith.cmpi eq, %jit3A_344, %eq3A : i32
      %jit3A_346 = arith.constant 1 : i32
      %select_n3A_347 = arith.select %eq3A_345, %jit3A_346, %jit3A_344 : i32
      %rem3A_348 = arith.remsi %scan3A_327, %select_n3A_347 : i32
      %ne3A_349 = arith.constant 0 : i32
      %ne3A_350 = arith.cmpi ne, %rem3A_348, %ne3A_349 : i32
      %lt3A = arith.constant 0 : i32
      %lt3A_351 = arith.cmpi slt, %rem3A_348, %lt3A : i32
      %lt3A_352 = arith.constant 0 : i32
      %lt3A_353 = arith.cmpi slt, %select_n3A_347, %lt3A_352 : i32
      %ne3A_354 = arith.xori %lt3A_351, %lt3A_353 : i1
      %and3A_355 = arith.andi %ne3A_354, %ne3A_350 : i1
      %add3A_356 = arith.addi %rem3A_348, %select_n3A_347 : i32
      %select_n3A_357 = arith.select %and3A_355, %add3A_356, %rem3A_348 : i32
      %mul3A_358 = arith.constant 128 : i32
      %mul3A_359 = arith.muli %select_n3A_357, %mul3A_358 : i32
      %add3A_360 = arith.constant 0 : i32
      %add3A_361 = arith.addi %mul3A_359, %add3A_360 : i32
      %get3A_362 = arith.index_cast %select_n3A : i32 to index
      %get3A_363 = arith.index_cast %add3A_361 : i32 to index
      %get3A_364 = tpu.vector_load %arg6[%get3A_362, %get3A_363] {strides = array<i32>} : memref<48x512xi32, #tpu.memory_space<vmem>>, vector<1x16xi32>,
      %get3A_365 = vector.shape_cast %get3A_364 : vector<1x16xi32> to vector<16xi32>
      %and3A_366 = arith.constant 15 : i32
      %and3A_367 = vector.broadcast %and3A_366 : i32 to vector<16xi32>
      %and3A_368 = arith.andi %get3A_365, %and3A_367 : vector<16xi32>
      %broadcast_in_dim3A = vector.shape_cast %and3A_368 : vector<16xi32> to vector<16x1xi32>
      %gather3A = vector.shape_cast %broadcast_in_dim3A : vector<16x1xi32> to vector<16xi32>
      %gather3A_369 = tpu.dynamic_gather %get3A_23[%gather3A] in [0] : vector<16xi32>, vector<16xi32> -> vector<16xi32>
      %broadcast_in_dim3A_370 = vector.shape_cast %and3A_368 : vector<16xi32> to vector<16x1xi32>
      %gather3A_371 = vector.shape_cast %broadcast_in_dim3A_370 : vector<16x1xi32> to vector<16xi32>
      %gather3A_372 = tpu.dynamic_gather %get3A_26[%gather3A_371] in [0] : vector<16xi32>, vector<16xi32> -> vector<16xi32>
      %ge3A = arith.constant 16 : i32
      %ge3A_373 = vector.broadcast %ge3A : i32 to vector<16xi32>
      %ge3A_374 = arith.cmpi sge, %get3A_365, %ge3A_373 : vector<16xi32>
      %select_n3A_375 = arith.select %ge3A_374, %gather3A_372, %gather3A_369 : vector<16xi1>, vector<16xi32>
      %lt3A_376 = arith.constant 100000 : i32
      %lt3A_377 = vector.broadcast %lt3A_376 : i32 to vector<16xi32>
      %lt3A_378 = arith.cmpi slt, %get3A_365, %lt3A_377 : vector<16xi32>
      %sub3A_379 = arith.constant 100000 : i32
      %sub3A_380 = vector.broadcast %sub3A_379 : i32 to vector<16xi32>
      %sub3A_381 = arith.subi %get3A_365, %sub3A_380 : vector<16xi32>
      %select_n3A_382 = arith.select %lt3A_378, %get3A_365, %sub3A_381 : vector<16xi1>, vector<16xi32>
      %add3A_383 = arith.constant 32 : i32
      %add3A_384 = vector.broadcast %add3A_383 : i32 to vector<16xi32>
      %add3A_385 = arith.addi %select_n3A_382, %add3A_384 : vector<16xi32>
      %lt3A_386 = arith.constant 32 : i32
      %lt3A_387 = vector.broadcast %lt3A_386 : i32 to vector<16xi32>
      %lt3A_388 = arith.cmpi slt, %get3A_365, %lt3A_387 : vector<16xi32>
      %select_n3A_389 = arith.select %lt3A_388, %select_n3A_375, %add3A_385 : vector<16xi1>, vector<16xi32>
      %add3A_390 = arith.constant 0 : i32
      %add3A_391 = arith.addi %mul3A_359, %add3A_390 : i32
      %swap3A = arith.index_cast %select_n3A : i32 to index
      %swap3A_392 = arith.index_cast %add3A_391 : i32 to index
      %swap3A_393 = tpu.vector_load %arg8[%swap3A, %swap3A_392] {strides = array<i32>} : memref<48x512xi32, #tpu.memory_space<vmem>>, vector<1x16xi32>,
      %swap3A_394 = vector.shape_cast %swap3A_393 : vector<1x16xi32> to vector<16xi32>
      %swap3A_395 = vector.shape_cast %select_n3A_389 : vector<16xi32> to vector<1x16xi32>
      tpu.vector_store %arg8[%swap3A, %swap3A_392], %swap3A_395 {strides = array<i32>} : memref<48x512xi32, #tpu.memory_space<vmem>>, vector<1x16xi32>,
      %add3A_396 = arith.constant 16 : i32
      %add3A_397 = arith.addi %mul3A_359, %add3A_396 : i32
      %get3A_398 = arith.index_cast %select_n3A : i32 to index
      %get3A_399 = arith.index_cast %add3A_397 : i32 to index
      %get3A_400 = tpu.vector_load %arg6[%get3A_398, %get3A_399] {strides = array<i32>} : memref<48x512xi32, #tpu.memory_space<vmem>>, vector<1x16xi32>,
      %get3A_401 = vector.shape_cast %get3A_400 : vector<1x16xi32> to vector<16xi32>
      %and3A_402 = arith.constant 15 : i32
      %and3A_403 = vector.broadcast %and3A_402 : i32 to vector<16xi32>
      %and3A_404 = arith.andi %get3A_401, %and3A_403 : vector<16xi32>
      %broadcast_in_dim3A_405 = vector.shape_cast %and3A_404 : vector<16xi32> to vector<16x1xi32>
      %gather3A_406 = vector.shape_cast %broadcast_in_dim3A_405 : vector<16x1xi32> to vector<16xi32>
      %gather3A_407 = tpu.dynamic_gather %get3A_23[%gather3A_406] in [0] : vector<16xi32>, vector<16xi32> -> vector<16xi32>
      %broadcast_in_dim3A_408 = vector.shape_cast %and3A_404 : vector<16xi32> to vector<16x1xi32>
      %gather3A_409 = vector.shape_cast %broadcast_in_dim3A_408 : vector<16x1xi32> to vector<16xi32>
      %gather3A_410 = tpu.dynamic_gather %get3A_26[%gather3A_409] in [0] : vector<16xi32>, vector<16xi32> -> vector<16xi32>
      %ge3A_411 = arith.constant 16 : i32
      %ge3A_412 = vector.broadcast %ge3A_411 : i32 to vector<16xi32>
      %ge3A_413 = arith.cmpi sge, %get3A_401, %ge3A_412 : vector<16xi32>
      %select_n3A_414 = arith.select %ge3A_413, %gather3A_410, %gather3A_407 : vector<16xi1>, vector<16xi32>
      %lt3A_415 = arith.constant 100000 : i32
      %lt3A_416 = vector.broadcast %lt3A_415 : i32 to vector<16xi32>
      %lt3A_417 = arith.cmpi slt, %get3A_401, %lt3A_416 : vector<16xi32>
      %sub3A_418 = arith.constant 100000 : i32
      %sub3A_419 = vector.broadcast %sub3A_418 : i32 to vector<16xi32>
      %sub3A_420 = arith.subi %get3A_401, %sub3A_419 : vector<16xi32>
      %select_n3A_421 = arith.select %lt3A_417, %get3A_401, %sub3A_420 : vector<16xi1>, vector<16xi32>
      %add3A_422 = arith.constant 32 : i32
      %add3A_423 = vector.broadcast %add3A_422 : i32 to vector<16xi32>
      %add3A_424 = arith.addi %select_n3A_421, %add3A_423 : vector<16xi32>
      %lt3A_425 = arith.constant 32 : i32
      %lt3A_426 = vector.broadcast %lt3A_425 : i32 to vector<16xi32>
      %lt3A_427 = arith.cmpi slt, %get3A_401, %lt3A_426 : vector<16xi32>
      %select_n3A_428 = arith.select %lt3A_427, %select_n3A_414, %add3A_424 : vector<16xi1>, vector<16xi32>
      %add3A_429 = arith.constant 16 : i32
      %add3A_430 = arith.addi %mul3A_359, %add3A_429 : i32
      %swap3A_431 = arith.index_cast %select_n3A : i32 to index
      %swap3A_432 = arith.index_cast %add3A_430 : i32 to index
      %swap3A_433 = tpu.vector_load %arg8[%swap3A_431, %swap3A_432] {strides = array<i32>} : memref<48x512xi32, #tpu.memory_space<vmem>>, vector<1x16xi32>,
      %swap3A_434 = vector.shape_cast %swap3A_433 : vector<1x16xi32> to vector<16xi32>
      %swap3A_435 = vector.shape_cast %select_n3A_428 : vector<16xi32> to vector<1x16xi32>
      tpu.vector_store %arg8[%swap3A_431, %swap3A_432], %swap3A_435 {strides = array<i32>} : memref<48x512xi32, #tpu.memory_space<vmem>>, vector<1x16xi32>,
      %add3A_436 = arith.constant 32 : i32
      %add3A_437 = arith.addi %mul3A_359, %add3A_436 : i32
      %get3A_438 = arith.index_cast %select_n3A : i32 to index
      %get3A_439 = arith.index_cast %add3A_437 : i32 to index
      %get3A_440 = tpu.vector_load %arg6[%get3A_438, %get3A_439] {strides = array<i32>} : memref<48x512xi32, #tpu.memory_space<vmem>>, vector<1x16xi32>,
      %get3A_441 = vector.shape_cast %get3A_440 : vector<1x16xi32> to vector<16xi32>
      %and3A_442 = arith.constant 15 : i32
      %and3A_443 = vector.broadcast %and3A_442 : i32 to vector<16xi32>
      %and3A_444 = arith.andi %get3A_441, %and3A_443 : vector<16xi32>
      %broadcast_in_dim3A_445 = vector.shape_cast %and3A_444 : vector<16xi32> to vector<16x1xi32>
      %gather3A_446 = vector.shape_cast %broadcast_in_dim3A_445 : vector<16x1xi32> to vector<16xi32>
      %gather3A_447 = tpu.dynamic_gather %get3A_23[%gather3A_446] in [0] : vector<16xi32>, vector<16xi32> -> vector<16xi32>
      %broadcast_in_dim3A_448 = vector.shape_cast %and3A_444 : vector<16xi32> to vector<16x1xi32>
      %gather3A_449 = vector.shape_cast %broadcast_in_dim3A_448 : vector<16x1xi32> to vector<16xi32>
      %gather3A_450 = tpu.dynamic_gather %get3A_26[%gather3A_449] in [0] : vector<16xi32>, vector<16xi32> -> vector<16xi32>
      %ge3A_451 = arith.constant 16 : i32
      %ge3A_452 = vector.broadcast %ge3A_451 : i32 to vector<16xi32>
      %ge3A_453 = arith.cmpi sge, %get3A_441, %ge3A_452 : vector<16xi32>
      %select_n3A_454 = arith.select %ge3A_453, %gather3A_450, %gather3A_447 : vector<16xi1>, vector<16xi32>
      %lt3A_455 = arith.constant 100000 : i32
      %lt3A_456 = vector.broadcast %lt3A_455 : i32 to vector<16xi32>
      %lt3A_457 = arith.cmpi slt, %get3A_441, %lt3A_456 : vector<16xi32>
      %sub3A_458 = arith.constant 100000 : i32
      %sub3A_459 = vector.broadcast %sub3A_458 : i32 to vector<16xi32>
      %sub3A_460 = arith.subi %get3A_441, %sub3A_459 : vector<16xi32>
      %select_n3A_461 = arith.select %lt3A_457, %get3A_441, %sub3A_460 : vector<16xi1>, vector<16xi32>
      %add3A_462 = arith.constant 32 : i32
      %add3A_463 = vector.broadcast %add3A_462 : i32 to vector<16xi32>
      %add3A_464 = arith.addi %select_n3A_461, %add3A_463 : vector<16xi32>
      %lt3A_465 = arith.constant 32 : i32
      %lt3A_466 = vector.broadcast %lt3A_465 : i32 to vector<16xi32>
      %lt3A_467 = arith.cmpi slt, %get3A_441, %lt3A_466 : vector<16xi32>
      %select_n3A_468 = arith.select %lt3A_467, %select_n3A_454, %add3A_464 : vector<16xi1>, vector<16xi32>
      %add3A_469 = arith.constant 32 : i32
      %add3A_470 = arith.addi %mul3A_359, %add3A_469 : i32
      %swap3A_471 = arith.index_cast %select_n3A : i32 to index
      %swap3A_472 = arith.index_cast %add3A_470 : i32 to index
      %swap3A_473 = tpu.vector_load %arg8[%swap3A_471, %swap3A_472] {strides = array<i32>} : memref<48x512xi32, #tpu.memory_space<vmem>>, vector<1x16xi32>,
      %swap3A_474 = vector.shape_cast %swap3A_473 : vector<1x16xi32> to vector<16xi32>
      %swap3A_475 = vector.shape_cast %select_n3A_468 : vector<16xi32> to vector<1x16xi32>
      tpu.vector_store %arg8[%swap3A_471, %swap3A_472], %swap3A_475 {strides = array<i32>} : memref<48x512xi32, #tpu.memory_space<vmem>>, vector<1x16xi32>,
      %add3A_476 = arith.constant 48 : i32
      %add3A_477 = arith.addi %mul3A_359, %add3A_476 : i32
      %get3A_478 = arith.index_cast %select_n3A : i32 to index
      %get3A_479 = arith.index_cast %add3A_477 : i32 to index
      %get3A_480 = tpu.vector_load %arg6[%get3A_478, %get3A_479] {strides = array<i32>} : memref<48x512xi32, #tpu.memory_space<vmem>>, vector<1x16xi32>,
      %get3A_481 = vector.shape_cast %get3A_480 : vector<1x16xi32> to vector<16xi32>
      %and3A_482 = arith.constant 15 : i32
      %and3A_483 = vector.broadcast %and3A_482 : i32 to vector<16xi32>
      %and3A_484 = arith.andi %get3A_481, %and3A_483 : vector<16xi32>
      %broadcast_in_dim3A_485 = vector.shape_cast %and3A_484 : vector<16xi32> to vector<16x1xi32>
      %gather3A_486 = vector.shape_cast %broadcast_in_dim3A_485 : vector<16x1xi32> to vector<16xi32>
      %gather3A_487 = tpu.dynamic_gather %get3A_23[%gather3A_486] in [0] : vector<16xi32>, vector<16xi32> -> vector<16xi32>
      %broadcast_in_dim3A_488 = vector.shape_cast %and3A_484 : vector<16xi32> to vector<16x1xi32>
      %gather3A_489 = vector.shape_cast %broadcast_in_dim3A_488 : vector<16x1xi32> to vector<16xi32>
      %gather3A_490 = tpu.dynamic_gather %get3A_26[%gather3A_489] in [0] : vector<16xi32>, vector<16xi32> -> vector<16xi32>
      %ge3A_491 = arith.constant 16 : i32
      %ge3A_492 = vector.broadcast %ge3A_491 : i32 to vector<16xi32>
      %ge3A_493 = arith.cmpi sge, %get3A_481, %ge3A_492 : vector<16xi32>
      %select_n3A_494 = arith.select %ge3A_493, %gather3A_490, %gather3A_487 : vector<16xi1>, vector<16xi32>
      %lt3A_495 = arith.constant 100000 : i32
      %lt3A_496 = vector.broadcast %lt3A_495 : i32 to vector<16xi32>
      %lt3A_497 = arith.cmpi slt, %get3A_481, %lt3A_496 : vector<16xi32>
      %sub3A_498 = arith.constant 100000 : i32
      %sub3A_499 = vector.broadcast %sub3A_498 : i32 to vector<16xi32>
      %sub3A_500 = arith.subi %get3A_481, %sub3A_499 : vector<16xi32>
      %select_n3A_501 = arith.select %lt3A_497, %get3A_481, %sub3A_500 : vector<16xi1>, vector<16xi32>
      %add3A_502 = arith.constant 32 : i32
      %add3A_503 = vector.broadcast %add3A_502 : i32 to vector<16xi32>
      %add3A_504 = arith.addi %select_n3A_501, %add3A_503 : vector<16xi32>
      %lt3A_505 = arith.constant 32 : i32
      %lt3A_506 = vector.broadcast %lt3A_505 : i32 to vector<16xi32>
      %lt3A_507 = arith.cmpi slt, %get3A_481, %lt3A_506 : vector<16xi32>
      %select_n3A_508 = arith.select %lt3A_507, %select_n3A_494, %add3A_504 : vector<16xi1>, vector<16xi32>
      %add3A_509 = arith.constant 48 : i32
      %add3A_510 = arith.addi %mul3A_359, %add3A_509 : i32
      %swap3A_511 = arith.index_cast %select_n3A : i32 to index
      %swap3A_512 = arith.index_cast %add3A_510 : i32 to index
      %swap3A_513 = tpu.vector_load %arg8[%swap3A_511, %swap3A_512] {strides = array<i32>} : memref<48x512xi32, #tpu.memory_space<vmem>>, vector<1x16xi32>,
      %swap3A_514 = vector.shape_cast %swap3A_513 : vector<1x16xi32> to vector<16xi32>
      %swap3A_515 = vector.shape_cast %select_n3A_508 : vector<16xi32> to vector<1x16xi32>
      tpu.vector_store %arg8[%swap3A_511, %swap3A_512], %swap3A_515 {strides = array<i32>} : memref<48x512xi32, #tpu.memory_space<vmem>>, vector<1x16xi32>,
      %add3A_516 = arith.constant 64 : i32
      %add3A_517 = arith.addi %mul3A_359, %add3A_516 : i32
      %get3A_518 = arith.index_cast %select_n3A : i32 to index
      %get3A_519 = arith.index_cast %add3A_517 : i32 to index
      %get3A_520 = tpu.vector_load %arg6[%get3A_518, %get3A_519] {strides = array<i32>} : memref<48x512xi32, #tpu.memory_space<vmem>>, vector<1x16xi32>,
      %get3A_521 = vector.shape_cast %get3A_520 : vector<1x16xi32> to vector<16xi32>
      %and3A_522 = arith.constant 15 : i32
      %and3A_523 = vector.broadcast %and3A_522 : i32 to vector<16xi32>
      %and3A_524 = arith.andi %get3A_521, %and3A_523 : vector<16xi32>
      %broadcast_in_dim3A_525 = vector.shape_cast %and3A_524 : vector<16xi32> to vector<16x1xi32>
      %gather3A_526 = vector.shape_cast %broadcast_in_dim3A_525 : vector<16x1xi32> to vector<16xi32>
      %gather3A_527 = tpu.dynamic_gather %get3A_23[%gather3A_526] in [0] : vector<16xi32>, vector<16xi32> -> vector<16xi32>
      %broadcast_in_dim3A_528 = vector.shape_cast %and3A_524 : vector<16xi32> to vector<16x1xi32>
      %gather3A_529 = vector.shape_cast %broadcast_in_dim3A_528 : vector<16x1xi32> to vector<16xi32>
      %gather3A_530 = tpu.dynamic_gather %get3A_26[%gather3A_529] in [0] : vector<16xi32>, vector<16xi32> -> vector<16xi32>
      %ge3A_531 = arith.constant 16 : i32
      %ge3A_532 = vector.broadcast %ge3A_531 : i32 to vector<16xi32>
      %ge3A_533 = arith.cmpi sge, %get3A_521, %ge3A_532 : vector<16xi32>
      %select_n3A_534 = arith.select %ge3A_533, %gather3A_530, %gather3A_527 : vector<16xi1>, vector<16xi32>
      %lt3A_535 = arith.constant 100000 : i32
      %lt3A_536 = vector.broadcast %lt3A_535 : i32 to vector<16xi32>
      %lt3A_537 = arith.cmpi slt, %get3A_521, %lt3A_536 : vector<16xi32>
      %sub3A_538 = arith.constant 100000 : i32
      %sub3A_539 = vector.broadcast %sub3A_538 : i32 to vector<16xi32>
      %sub3A_540 = arith.subi %get3A_521, %sub3A_539 : vector<16xi32>
      %select_n3A_541 = arith.select %lt3A_537, %get3A_521, %sub3A_540 : vector<16xi1>, vector<16xi32>
      %add3A_542 = arith.constant 32 : i32
      %add3A_543 = vector.broadcast %add3A_542 : i32 to vector<16xi32>
      %add3A_544 = arith.addi %select_n3A_541, %add3A_543 : vector<16xi32>
      %lt3A_545 = arith.constant 32 : i32
      %lt3A_546 = vector.broadcast %lt3A_545 : i32 to vector<16xi32>
      %lt3A_547 = arith.cmpi slt, %get3A_521, %lt3A_546 : vector<16xi32>
      %select_n3A_548 = arith.select %lt3A_547, %select_n3A_534, %add3A_544 : vector<16xi1>, vector<16xi32>
      %add3A_549 = arith.constant 64 : i32
      %add3A_550 = arith.addi %mul3A_359, %add3A_549 : i32
      %swap3A_551 = arith.index_cast %select_n3A : i32 to index
      %swap3A_552 = arith.index_cast %add3A_550 : i32 to index
      %swap3A_553 = tpu.vector_load %arg8[%swap3A_551, %swap3A_552] {strides = array<i32>} : memref<48x512xi32, #tpu.memory_space<vmem>>, vector<1x16xi32>,
      %swap3A_554 = vector.shape_cast %swap3A_553 : vector<1x16xi32> to vector<16xi32>
      %swap3A_555 = vector.shape_cast %select_n3A_548 : vector<16xi32> to vector<1x16xi32>
      tpu.vector_store %arg8[%swap3A_551, %swap3A_552], %swap3A_555 {strides = array<i32>} : memref<48x512xi32, #tpu.memory_space<vmem>>, vector<1x16xi32>,
      %add3A_556 = arith.constant 80 : i32
      %add3A_557 = arith.addi %mul3A_359, %add3A_556 : i32
      %get3A_558 = arith.index_cast %select_n3A : i32 to index
      %get3A_559 = arith.index_cast %add3A_557 : i32 to index
      %get3A_560 = tpu.vector_load %arg6[%get3A_558, %get3A_559] {strides = array<i32>} : memref<48x512xi32, #tpu.memory_space<vmem>>, vector<1x16xi32>,
      %get3A_561 = vector.shape_cast %get3A_560 : vector<1x16xi32> to vector<16xi32>
      %and3A_562 = arith.constant 15 : i32
      %and3A_563 = vector.broadcast %and3A_562 : i32 to vector<16xi32>
      %and3A_564 = arith.andi %get3A_561, %and3A_563 : vector<16xi32>
      %broadcast_in_dim3A_565 = vector.shape_cast %and3A_564 : vector<16xi32> to vector<16x1xi32>
      %gather3A_566 = vector.shape_cast %broadcast_in_dim3A_565 : vector<16x1xi32> to vector<16xi32>
      %gather3A_567 = tpu.dynamic_gather %get3A_23[%gather3A_566] in [0] : vector<16xi32>, vector<16xi32> -> vector<16xi32>
      %broadcast_in_dim3A_568 = vector.shape_cast %and3A_564 : vector<16xi32> to vector<16x1xi32>
      %gather3A_569 = vector.shape_cast %broadcast_in_dim3A_568 : vector<16x1xi32> to vector<16xi32>
      %gather3A_570 = tpu.dynamic_gather %get3A_26[%gather3A_569] in [0] : vector<16xi32>, vector<16xi32> -> vector<16xi32>
      %ge3A_571 = arith.constant 16 : i32
      %ge3A_572 = vector.broadcast %ge3A_571 : i32 to vector<16xi32>
      %ge3A_573 = arith.cmpi sge, %get3A_561, %ge3A_572 : vector<16xi32>
      %select_n3A_574 = arith.select %ge3A_573, %gather3A_570, %gather3A_567 : vector<16xi1>, vector<16xi32>
      %lt3A_575 = arith.constant 100000 : i32
      %lt3A_576 = vector.broadcast %lt3A_575 : i32 to vector<16xi32>
      %lt3A_577 = arith.cmpi slt, %get3A_561, %lt3A_576 : vector<16xi32>
      %sub3A_578 = arith.constant 100000 : i32
      %sub3A_579 = vector.broadcast %sub3A_578 : i32 to vector<16xi32>
      %sub3A_580 = arith.subi %get3A_561, %sub3A_579 : vector<16xi32>
      %select_n3A_581 = arith.select %lt3A_577, %get3A_561, %sub3A_580 : vector<16xi1>, vector<16xi32>
      %add3A_582 = arith.constant 32 : i32
      %add3A_583 = vector.broadcast %add3A_582 : i32 to vector<16xi32>
      %add3A_584 = arith.addi %select_n3A_581, %add3A_583 : vector<16xi32>
      %lt3A_585 = arith.constant 32 : i32
      %lt3A_586 = vector.broadcast %lt3A_585 : i32 to vector<16xi32>
      %lt3A_587 = arith.cmpi slt, %get3A_561, %lt3A_586 : vector<16xi32>
      %select_n3A_588 = arith.select %lt3A_587, %select_n3A_574, %add3A_584 : vector<16xi1>, vector<16xi32>
      %add3A_589 = arith.constant 80 : i32
      %add3A_590 = arith.addi %mul3A_359, %add3A_589 : i32
      %swap3A_591 = arith.index_cast %select_n3A : i32 to index
      %swap3A_592 = arith.index_cast %add3A_590 : i32 to index
      %swap3A_593 = tpu.vector_load %arg8[%swap3A_591, %swap3A_592] {strides = array<i32>} : memref<48x512xi32, #tpu.memory_space<vmem>>, vector<1x16xi32>,
      %swap3A_594 = vector.shape_cast %swap3A_593 : vector<1x16xi32> to vector<16xi32>
      %swap3A_595 = vector.shape_cast %select_n3A_588 : vector<16xi32> to vector<1x16xi32>
      tpu.vector_store %arg8[%swap3A_591, %swap3A_592], %swap3A_595 {strides = array<i32>} : memref<48x512xi32, #tpu.memory_space<vmem>>, vector<1x16xi32>,
      %add3A_596 = arith.constant 96 : i32
      %add3A_597 = arith.addi %mul3A_359, %add3A_596 : i32
      %get3A_598 = arith.index_cast %select_n3A : i32 to index
      %get3A_599 = arith.index_cast %add3A_597 : i32 to index
      %get3A_600 = tpu.vector_load %arg6[%get3A_598, %get3A_599] {strides = array<i32>} : memref<48x512xi32, #tpu.memory_space<vmem>>, vector<1x16xi32>,
      %get3A_601 = vector.shape_cast %get3A_600 : vector<1x16xi32> to vector<16xi32>
      %and3A_602 = arith.constant 15 : i32
      %and3A_603 = vector.broadcast %and3A_602 : i32 to vector<16xi32>
      %and3A_604 = arith.andi %get3A_601, %and3A_603 : vector<16xi32>
      %broadcast_in_dim3A_605 = vector.shape_cast %and3A_604 : vector<16xi32> to vector<16x1xi32>
      %gather3A_606 = vector.shape_cast %broadcast_in_dim3A_605 : vector<16x1xi32> to vector<16xi32>
      %gather3A_607 = tpu.dynamic_gather %get3A_23[%gather3A_606] in [0] : vector<16xi32>, vector<16xi32> -> vector<16xi32>
      %broadcast_in_dim3A_608 = vector.shape_cast %and3A_604 : vector<16xi32> to vector<16x1xi32>
      %gather3A_609 = vector.shape_cast %broadcast_in_dim3A_608 : vector<16x1xi32> to vector<16xi32>
      %gather3A_610 = tpu.dynamic_gather %get3A_26[%gather3A_609] in [0] : vector<16xi32>, vector<16xi32> -> vector<16xi32>
      %ge3A_611 = arith.constant 16 : i32
      %ge3A_612 = vector.broadcast %ge3A_611 : i32 to vector<16xi32>
      %ge3A_613 = arith.cmpi sge, %get3A_601, %ge3A_612 : vector<16xi32>
      %select_n3A_614 = arith.select %ge3A_613, %gather3A_610, %gather3A_607 : vector<16xi1>, vector<16xi32>
      %lt3A_615 = arith.constant 100000 : i32
      %lt3A_616 = vector.broadcast %lt3A_615 : i32 to vector<16xi32>
      %lt3A_617 = arith.cmpi slt, %get3A_601, %lt3A_616 : vector<16xi32>
      %sub3A_618 = arith.constant 100000 : i32
      %sub3A_619 = vector.broadcast %sub3A_618 : i32 to vector<16xi32>
      %sub3A_620 = arith.subi %get3A_601, %sub3A_619 : vector<16xi32>
      %select_n3A_621 = arith.select %lt3A_617, %get3A_601, %sub3A_620 : vector<16xi1>, vector<16xi32>
      %add3A_622 = arith.constant 32 : i32
      %add3A_623 = vector.broadcast %add3A_622 : i32 to vector<16xi32>
      %add3A_624 = arith.addi %select_n3A_621, %add3A_623 : vector<16xi32>
      %lt3A_625 = arith.constant 32 : i32
      %lt3A_626 = vector.broadcast %lt3A_625 : i32 to vector<16xi32>
      %lt3A_627 = arith.cmpi slt, %get3A_601, %lt3A_626 : vector<16xi32>
      %select_n3A_628 = arith.select %lt3A_627, %select_n3A_614, %add3A_624 : vector<16xi1>, vector<16xi32>
      %add3A_629 = arith.constant 96 : i32
      %add3A_630 = arith.addi %mul3A_359, %add3A_629 : i32
      %swap3A_631 = arith.index_cast %select_n3A : i32 to index
      %swap3A_632 = arith.index_cast %add3A_630 : i32 to index
      %swap3A_633 = tpu.vector_load %arg8[%swap3A_631, %swap3A_632] {strides = array<i32>} : memref<48x512xi32, #tpu.memory_space<vmem>>, vector<1x16xi32>,
      %swap3A_634 = vector.shape_cast %swap3A_633 : vector<1x16xi32> to vector<16xi32>
      %swap3A_635 = vector.shape_cast %select_n3A_628 : vector<16xi32> to vector<1x16xi32>
      tpu.vector_store %arg8[%swap3A_631, %swap3A_632], %swap3A_635 {strides = array<i32>} : memref<48x512xi32, #tpu.memory_space<vmem>>, vector<1x16xi32>,
      %add3A_636 = arith.constant 112 : i32
      %add3A_637 = arith.addi %mul3A_359, %add3A_636 : i32
      %get3A_638 = arith.index_cast %select_n3A : i32 to index
      %get3A_639 = arith.index_cast %add3A_637 : i32 to index
      %get3A_640 = tpu.vector_load %arg6[%get3A_638, %get3A_639] {strides = array<i32>} : memref<48x512xi32, #tpu.memory_space<vmem>>, vector<1x16xi32>,
      %get3A_641 = vector.shape_cast %get3A_640 : vector<1x16xi32> to vector<16xi32>
      %and3A_642 = arith.constant 15 : i32
      %and3A_643 = vector.broadcast %and3A_642 : i32 to vector<16xi32>
      %and3A_644 = arith.andi %get3A_641, %and3A_643 : vector<16xi32>
      %broadcast_in_dim3A_645 = vector.shape_cast %and3A_644 : vector<16xi32> to vector<16x1xi32>
      %gather3A_646 = vector.shape_cast %broadcast_in_dim3A_645 : vector<16x1xi32> to vector<16xi32>
      %gather3A_647 = tpu.dynamic_gather %get3A_23[%gather3A_646] in [0] : vector<16xi32>, vector<16xi32> -> vector<16xi32>
      %broadcast_in_dim3A_648 = vector.shape_cast %and3A_644 : vector<16xi32> to vector<16x1xi32>
      %gather3A_649 = vector.shape_cast %broadcast_in_dim3A_648 : vector<16x1xi32> to vector<16xi32>
      %gather3A_650 = tpu.dynamic_gather %get3A_26[%gather3A_649] in [0] : vector<16xi32>, vector<16xi32> -> vector<16xi32>
      %ge3A_651 = arith.constant 16 : i32
      %ge3A_652 = vector.broadcast %ge3A_651 : i32 to vector<16xi32>
      %ge3A_653 = arith.cmpi sge, %get3A_641, %ge3A_652 : vector<16xi32>
      %select_n3A_654 = arith.select %ge3A_653, %gather3A_650, %gather3A_647 : vector<16xi1>, vector<16xi32>
      %lt3A_655 = arith.constant 100000 : i32
      %lt3A_656 = vector.broadcast %lt3A_655 : i32 to vector<16xi32>
      %lt3A_657 = arith.cmpi slt, %get3A_641, %lt3A_656 : vector<16xi32>
      %sub3A_658 = arith.constant 100000 : i32
      %sub3A_659 = vector.broadcast %sub3A_658 : i32 to vector<16xi32>
      %sub3A_660 = arith.subi %get3A_641, %sub3A_659 : vector<16xi32>
      %select_n3A_661 = arith.select %lt3A_657, %get3A_641, %sub3A_660 : vector<16xi1>, vector<16xi32>
      %add3A_662 = arith.constant 32 : i32
      %add3A_663 = vector.broadcast %add3A_662 : i32 to vector<16xi32>
      %add3A_664 = arith.addi %select_n3A_661, %add3A_663 : vector<16xi32>
      %lt3A_665 = arith.constant 32 : i32
      %lt3A_666 = vector.broadcast %lt3A_665 : i32 to vector<16xi32>
      %lt3A_667 = arith.cmpi slt, %get3A_641, %lt3A_666 : vector<16xi32>
      %select_n3A_668 = arith.select %lt3A_667, %select_n3A_654, %add3A_664 : vector<16xi1>, vector<16xi32>
      %add3A_669 = arith.constant 112 : i32
      %add3A_670 = arith.addi %mul3A_359, %add3A_669 : i32
      %swap3A_671 = arith.index_cast %select_n3A : i32 to index
      %swap3A_672 = arith.index_cast %add3A_670 : i32 to index
      %swap3A_673 = tpu.vector_load %arg8[%swap3A_671, %swap3A_672] {strides = array<i32>} : memref<48x512xi32, #tpu.memory_space<vmem>>, vector<1x16xi32>,
      %swap3A_674 = vector.shape_cast %swap3A_673 : vector<1x16xi32> to vector<16xi32>
      %swap3A_675 = vector.shape_cast %select_n3A_668 : vector<16xi32> to vector<1x16xi32>
      tpu.vector_store %arg8[%swap3A_671, %swap3A_672], %swap3A_675 {strides = array<i32>} : memref<48x512xi32, #tpu.memory_space<vmem>>, vector<1x16xi32>,
    }
    %scan3A_168 = arith.constant 192 : i32
    %dma_start3A_169 = arith.constant 0 : i32
    %dma_start3A_170 = arith.constant 0 : i32
    %dma_start3A_171 = tpu.memref_slice %arg8[%dma_start3A_169, %dma_start3A_170] : memref<48x512xi32, #tpu.memory_space<vmem>> -> memref<48x512xi32, #tpu.memory_space<vmem>>
    %dma_start3A_172 = arith.constant 56 : i32
    %dma_start3A_173 = tpu.memref_slice %arg4[%dma_start3A_172, %multiple_of3A] : memref<200x16384xi32, #tpu.memory_space<hbm>> -> memref<48x512xi32, #tpu.memory_space<hbm>>
    %dma_start3A_174 = arith.constant 56 : i32
    %dma_start3A_175 = tpu.memref_slice %arg4[%dma_start3A_174, %multiple_of3A] : memref<200x16384xi32, #tpu.memory_space<hbm>> -> memref<48x512xi32, #tpu.memory_space<hbm>>
    %dma_start3A_176 = arith.constant 0 : i32
    %dma_start3A_177 = arith.constant 0 : i32
    %dma_start3A_178 = tpu.memref_slice %arg8[%dma_start3A_176, %dma_start3A_177] : memref<48x512xi32, #tpu.memory_space<vmem>> -> memref<48x512xi32, #tpu.memory_space<vmem>>
    tpu.enqueue_dma source(%dma_start3A_178 : memref<48x512xi32, #tpu.memory_space<vmem>>) target(%dma_start3A_175 : memref<48x512xi32, #tpu.memory_space<hbm>>) target_semaphore(%arg13 : memref<!tpu.dma_semaphore, #tpu.memory_space<semaphore_mem>>)
    %dma_start3A_179 = arith.constant 0 : i32
    %dma_start3A_180 = arith.constant 0 : i32
    %dma_start3A_181 = tpu.memref_slice %arg6[%dma_start3A_179, %dma_start3A_180] : memref<48x512xi32, #tpu.memory_space<vmem>> -> memref<32x512xi32, #tpu.memory_space<vmem>>
    %dma_start3A_182 = arith.constant 152 : i32
    %dma_start3A_183 = tpu.memref_slice %arg2[%dma_start3A_182, %multiple_of3A] : memref<200x16384xi32, #tpu.memory_space<hbm>> -> memref<32x512xi32, #tpu.memory_space<hbm>>
    %dma_start3A_184 = arith.constant 0 : i32
    %dma_start3A_185 = arith.constant 0 : i32
    %dma_start3A_186 = tpu.memref_slice %arg6[%dma_start3A_184, %dma_start3A_185] : memref<48x512xi32, #tpu.memory_space<vmem>> -> memref<32x512xi32, #tpu.memory_space<vmem>>
    %dma_start3A_187 = arith.constant 152 : i32
    %dma_start3A_188 = tpu.memref_slice %arg2[%dma_start3A_187, %multiple_of3A] : memref<200x16384xi32, #tpu.memory_space<hbm>> -> memref<32x512xi32, #tpu.memory_space<hbm>>
    tpu.enqueue_dma source(%dma_start3A_188 : memref<32x512xi32, #tpu.memory_space<hbm>>) target(%dma_start3A_186 : memref<32x512xi32, #tpu.memory_space<vmem>>) target_semaphore(%arg11 : memref<!tpu.dma_semaphore, #tpu.memory_space<semaphore_mem>>)
    %dma_wait3A_189 = arith.constant 0 : i32
    %dma_wait3A_190 = arith.constant 0 : i32
    %dma_wait3A_191 = tpu.memref_slice %arg7[%dma_wait3A_189, %dma_wait3A_190] : memref<48x512xi32, #tpu.memory_space<vmem>> -> memref<32x512xi32, #tpu.memory_space<vmem>>
    %dma_wait3A_192 = arith.constant 24 : i32
    %dma_wait3A_193 = tpu.memref_slice %arg4[%dma_wait3A_192, %multiple_of3A] : memref<200x16384xi32, #tpu.memory_space<hbm>> -> memref<32x512xi32, #tpu.memory_space<hbm>>
    %dma_wait3A_194 = arith.constant 24 : i32
    %dma_wait3A_195 = tpu.memref_slice %arg4[%dma_wait3A_194, %multiple_of3A] : memref<200x16384xi32, #tpu.memory_space<hbm>> -> memref<32x512xi32, #tpu.memory_space<hbm>>
    %dma_wait3A_196 = arith.constant 0 : i32
    %dma_wait3A_197 = arith.constant 0 : i32
    %dma_wait3A_198 = tpu.memref_slice %arg7[%dma_wait3A_196, %dma_wait3A_197] : memref<48x512xi32, #tpu.memory_space<vmem>> -> memref<32x512xi32, #tpu.memory_space<vmem>>
    tpu.wait_dma2 semaphore(%arg12 : memref<!tpu.dma_semaphore, #tpu.memory_space<semaphore_mem>>) src(%dma_wait3A_198 : memref<32x512xi32, #tpu.memory_space<vmem>>) dst(%dma_wait3A_195 : memref<32x512xi32, #tpu.memory_space<hbm>>)
    %dma_wait3A_199 = arith.constant 0 : i32
    %dma_wait3A_200 = arith.constant 0 : i32
    %dma_wait3A_201 = tpu.memref_slice %arg5[%dma_wait3A_199, %dma_wait3A_200] : memref<48x512xi32, #tpu.memory_space<vmem>> -> memref<48x512xi32, #tpu.memory_space<vmem>>
    %dma_wait3A_202 = arith.constant 104 : i32
    %dma_wait3A_203 = tpu.memref_slice %arg2[%dma_wait3A_202, %multiple_of3A] : memref<200x16384xi32, #tpu.memory_space<hbm>> -> memref<48x512xi32, #tpu.memory_space<hbm>>
    %dma_wait3A_204 = arith.constant 0 : i32
    %dma_wait3A_205 = arith.constant 0 : i32
    %dma_wait3A_206 = tpu.memref_slice %arg5[%dma_wait3A_204, %dma_wait3A_205] : memref<48x512xi32, #tpu.memory_space<vmem>> -> memref<48x512xi32, #tpu.memory_space<vmem>>
    %dma_wait3A_207 = arith.constant 104 : i32
    %dma_wait3A_208 = tpu.memref_slice %arg2[%dma_wait3A_207, %multiple_of3A] : memref<200x16384xi32, #tpu.memory_space<hbm>> -> memref<48x512xi32, #tpu.memory_space<hbm>>
    tpu.wait_dma2 semaphore(%arg10 : memref<!tpu.dma_semaphore, #tpu.memory_space<semaphore_mem>>) src(%dma_wait3A_208 : memref<48x512xi32, #tpu.memory_space<hbm>>) dst(%dma_wait3A_206 : memref<48x512xi32, #tpu.memory_space<vmem>>)
    %scan3A_209 = arith.constant 0 : i32
    %scan3A_210 = arith.constant 0 : i32
    %scan3A_211 = arith.constant 192 : i32
    %scan3A_212 = arith.addi %scan3A_210, %scan3A_211 : i32
    %scan3A_213 = arith.constant 1 : i32
    scf.for %scan3A_327 = %scan3A_210 to %scan3A_212 step %scan3A_213  : i32 {
      %jit3A = arith.constant 4 : i32
      %div3A = arith.divsi %scan3A_327, %jit3A : i32
      %sign3A = arith.constant 0 : i32
      %sign3A_328 = arith.cmpi sgt, %scan3A_327, %sign3A : i32
      %sign3A_329 = arith.extui %sign3A_328 : i1 to i32
      %sign3A_330 = arith.constant 0 : i32
      %sign3A_331 = arith.cmpi slt, %scan3A_327, %sign3A_330 : i32
      %sign3A_332 = arith.extui %sign3A_331 : i1 to i32
      %sign3A_333 = arith.subi %sign3A_329, %sign3A_332 : i32
      %sign3A_334 = arith.constant 0 : i32
      %sign3A_335 = arith.cmpi sgt, %jit3A, %sign3A_334 : i32
      %sign3A_336 = arith.extui %sign3A_335 : i1 to i32
      %sign3A_337 = arith.constant 0 : i32
      %sign3A_338 = arith.cmpi slt, %jit3A, %sign3A_337 : i32
      %sign3A_339 = arith.extui %sign3A_338 : i1 to i32
      %sign3A_340 = arith.subi %sign3A_336, %sign3A_339 : i32
      %ne3A = arith.cmpi ne, %sign3A_333, %sign3A_340 : i32
      %rem3A = arith.remsi %scan3A_327, %jit3A : i32
      %ne3A_341 = arith.constant 0 : i32
      %ne3A_342 = arith.cmpi ne, %rem3A, %ne3A_341 : i32
      %and3A = arith.andi %ne3A, %ne3A_342 : i1
      %sub3A = arith.constant 1 : i32
      %sub3A_343 = arith.subi %div3A, %sub3A : i32
      %select_n3A = arith.select %and3A, %sub3A_343, %div3A : i32
      %jit3A_344 = arith.constant 4 : i32
      %eq3A = arith.constant 0 : i32
      %eq3A_345 = arith.cmpi eq, %jit3A_344, %eq3A : i32
      %jit3A_346 = arith.constant 1 : i32
      %select_n3A_347 = arith.select %eq3A_345, %jit3A_346, %jit3A_344 : i32
      %rem3A_348 = arith.remsi %scan3A_327, %select_n3A_347 : i32
      %ne3A_349 = arith.constant 0 : i32
      %ne3A_350 = arith.cmpi ne, %rem3A_348, %ne3A_349 : i32
      %lt3A = arith.constant 0 : i32
      %lt3A_351 = arith.cmpi slt, %rem3A_348, %lt3A : i32
      %lt3A_352 = arith.constant 0 : i32
      %lt3A_353 = arith.cmpi slt, %select_n3A_347, %lt3A_352 : i32
      %ne3A_354 = arith.xori %lt3A_351, %lt3A_353 : i1
      %and3A_355 = arith.andi %ne3A_354, %ne3A_350 : i1
      %add3A_356 = arith.addi %rem3A_348, %select_n3A_347 : i32
      %select_n3A_357 = arith.select %and3A_355, %add3A_356, %rem3A_348 : i32
      %mul3A_358 = arith.constant 128 : i32
      %mul3A_359 = arith.muli %select_n3A_357, %mul3A_358 : i32
      %add3A_360 = arith.constant 0 : i32
      %add3A_361 = arith.addi %mul3A_359, %add3A_360 : i32
      %get3A_362 = arith.index_cast %select_n3A : i32 to index
      %get3A_363 = arith.index_cast %add3A_361 : i32 to index
      %get3A_364 = tpu.vector_load %arg5[%get3A_362, %get3A_363] {strides = array<i32>} : memref<48x512xi32, #tpu.memory_space<vmem>>, vector<1x16xi32>,
      %get3A_365 = vector.shape_cast %get3A_364 : vector<1x16xi32> to vector<16xi32>
      %and3A_366 = arith.constant 15 : i32
      %and3A_367 = vector.broadcast %and3A_366 : i32 to vector<16xi32>
      %and3A_368 = arith.andi %get3A_365, %and3A_367 : vector<16xi32>
      %broadcast_in_dim3A = vector.shape_cast %and3A_368 : vector<16xi32> to vector<16x1xi32>
      %gather3A = vector.shape_cast %broadcast_in_dim3A : vector<16x1xi32> to vector<16xi32>
      %gather3A_369 = tpu.dynamic_gather %get3A_23[%gather3A] in [0] : vector<16xi32>, vector<16xi32> -> vector<16xi32>
      %broadcast_in_dim3A_370 = vector.shape_cast %and3A_368 : vector<16xi32> to vector<16x1xi32>
      %gather3A_371 = vector.shape_cast %broadcast_in_dim3A_370 : vector<16x1xi32> to vector<16xi32>
      %gather3A_372 = tpu.dynamic_gather %get3A_26[%gather3A_371] in [0] : vector<16xi32>, vector<16xi32> -> vector<16xi32>
      %ge3A = arith.constant 16 : i32
      %ge3A_373 = vector.broadcast %ge3A : i32 to vector<16xi32>
      %ge3A_374 = arith.cmpi sge, %get3A_365, %ge3A_373 : vector<16xi32>
      %select_n3A_375 = arith.select %ge3A_374, %gather3A_372, %gather3A_369 : vector<16xi1>, vector<16xi32>
      %lt3A_376 = arith.constant 100000 : i32
      %lt3A_377 = vector.broadcast %lt3A_376 : i32 to vector<16xi32>
      %lt3A_378 = arith.cmpi slt, %get3A_365, %lt3A_377 : vector<16xi32>
      %sub3A_379 = arith.constant 100000 : i32
      %sub3A_380 = vector.broadcast %sub3A_379 : i32 to vector<16xi32>
      %sub3A_381 = arith.subi %get3A_365, %sub3A_380 : vector<16xi32>
      %select_n3A_382 = arith.select %lt3A_378, %get3A_365, %sub3A_381 : vector<16xi1>, vector<16xi32>
      %add3A_383 = arith.constant 32 : i32
      %add3A_384 = vector.broadcast %add3A_383 : i32 to vector<16xi32>
      %add3A_385 = arith.addi %select_n3A_382, %add3A_384 : vector<16xi32>
      %lt3A_386 = arith.constant 32 : i32
      %lt3A_387 = vector.broadcast %lt3A_386 : i32 to vector<16xi32>
      %lt3A_388 = arith.cmpi slt, %get3A_365, %lt3A_387 : vector<16xi32>
      %select_n3A_389 = arith.select %lt3A_388, %select_n3A_375, %add3A_385 : vector<16xi1>, vector<16xi32>
      %add3A_390 = arith.constant 0 : i32
      %add3A_391 = arith.addi %mul3A_359, %add3A_390 : i32
      %swap3A = arith.index_cast %select_n3A : i32 to index
      %swap3A_392 = arith.index_cast %add3A_391 : i32 to index
      %swap3A_393 = tpu.vector_load %arg7[%swap3A, %swap3A_392] {strides = array<i32>} : memref<48x512xi32, #tpu.memory_space<vmem>>, vector<1x16xi32>,
      %swap3A_394 = vector.shape_cast %swap3A_393 : vector<1x16xi32> to vector<16xi32>
      %swap3A_395 = vector.shape_cast %select_n3A_389 : vector<16xi32> to vector<1x16xi32>
      tpu.vector_store %arg7[%swap3A, %swap3A_392], %swap3A_395 {strides = array<i32>} : memref<48x512xi32, #tpu.memory_space<vmem>>, vector<1x16xi32>,
      %add3A_396 = arith.constant 16 : i32
      %add3A_397 = arith.addi %mul3A_359, %add3A_396 : i32
      %get3A_398 = arith.index_cast %select_n3A : i32 to index
      %get3A_399 = arith.index_cast %add3A_397 : i32 to index
      %get3A_400 = tpu.vector_load %arg5[%get3A_398, %get3A_399] {strides = array<i32>} : memref<48x512xi32, #tpu.memory_space<vmem>>, vector<1x16xi32>,
      %get3A_401 = vector.shape_cast %get3A_400 : vector<1x16xi32> to vector<16xi32>
      %and3A_402 = arith.constant 15 : i32
      %and3A_403 = vector.broadcast %and3A_402 : i32 to vector<16xi32>
      %and3A_404 = arith.andi %get3A_401, %and3A_403 : vector<16xi32>
      %broadcast_in_dim3A_405 = vector.shape_cast %and3A_404 : vector<16xi32> to vector<16x1xi32>
      %gather3A_406 = vector.shape_cast %broadcast_in_dim3A_405 : vector<16x1xi32> to vector<16xi32>
      %gather3A_407 = tpu.dynamic_gather %get3A_23[%gather3A_406] in [0] : vector<16xi32>, vector<16xi32> -> vector<16xi32>
      %broadcast_in_dim3A_408 = vector.shape_cast %and3A_404 : vector<16xi32> to vector<16x1xi32>
      %gather3A_409 = vector.shape_cast %broadcast_in_dim3A_408 : vector<16x1xi32> to vector<16xi32>
      %gather3A_410 = tpu.dynamic_gather %get3A_26[%gather3A_409] in [0] : vector<16xi32>, vector<16xi32> -> vector<16xi32>
      %ge3A_411 = arith.constant 16 : i32
      %ge3A_412 = vector.broadcast %ge3A_411 : i32 to vector<16xi32>
      %ge3A_413 = arith.cmpi sge, %get3A_401, %ge3A_412 : vector<16xi32>
      %select_n3A_414 = arith.select %ge3A_413, %gather3A_410, %gather3A_407 : vector<16xi1>, vector<16xi32>
      %lt3A_415 = arith.constant 100000 : i32
      %lt3A_416 = vector.broadcast %lt3A_415 : i32 to vector<16xi32>
      %lt3A_417 = arith.cmpi slt, %get3A_401, %lt3A_416 : vector<16xi32>
      %sub3A_418 = arith.constant 100000 : i32
      %sub3A_419 = vector.broadcast %sub3A_418 : i32 to vector<16xi32>
      %sub3A_420 = arith.subi %get3A_401, %sub3A_419 : vector<16xi32>
      %select_n3A_421 = arith.select %lt3A_417, %get3A_401, %sub3A_420 : vector<16xi1>, vector<16xi32>
      %add3A_422 = arith.constant 32 : i32
      %add3A_423 = vector.broadcast %add3A_422 : i32 to vector<16xi32>
      %add3A_424 = arith.addi %select_n3A_421, %add3A_423 : vector<16xi32>
      %lt3A_425 = arith.constant 32 : i32
      %lt3A_426 = vector.broadcast %lt3A_425 : i32 to vector<16xi32>
      %lt3A_427 = arith.cmpi slt, %get3A_401, %lt3A_426 : vector<16xi32>
      %select_n3A_428 = arith.select %lt3A_427, %select_n3A_414, %add3A_424 : vector<16xi1>, vector<16xi32>
      %add3A_429 = arith.constant 16 : i32
      %add3A_430 = arith.addi %mul3A_359, %add3A_429 : i32
      %swap3A_431 = arith.index_cast %select_n3A : i32 to index
      %swap3A_432 = arith.index_cast %add3A_430 : i32 to index
      %swap3A_433 = tpu.vector_load %arg7[%swap3A_431, %swap3A_432] {strides = array<i32>} : memref<48x512xi32, #tpu.memory_space<vmem>>, vector<1x16xi32>,
      %swap3A_434 = vector.shape_cast %swap3A_433 : vector<1x16xi32> to vector<16xi32>
      %swap3A_435 = vector.shape_cast %select_n3A_428 : vector<16xi32> to vector<1x16xi32>
      tpu.vector_store %arg7[%swap3A_431, %swap3A_432], %swap3A_435 {strides = array<i32>} : memref<48x512xi32, #tpu.memory_space<vmem>>, vector<1x16xi32>,
      %add3A_436 = arith.constant 32 : i32
      %add3A_437 = arith.addi %mul3A_359, %add3A_436 : i32
      %get3A_438 = arith.index_cast %select_n3A : i32 to index
      %get3A_439 = arith.index_cast %add3A_437 : i32 to index
      %get3A_440 = tpu.vector_load %arg5[%get3A_438, %get3A_439] {strides = array<i32>} : memref<48x512xi32, #tpu.memory_space<vmem>>, vector<1x16xi32>,
      %get3A_441 = vector.shape_cast %get3A_440 : vector<1x16xi32> to vector<16xi32>
      %and3A_442 = arith.constant 15 : i32
      %and3A_443 = vector.broadcast %and3A_442 : i32 to vector<16xi32>
      %and3A_444 = arith.andi %get3A_441, %and3A_443 : vector<16xi32>
      %broadcast_in_dim3A_445 = vector.shape_cast %and3A_444 : vector<16xi32> to vector<16x1xi32>
      %gather3A_446 = vector.shape_cast %broadcast_in_dim3A_445 : vector<16x1xi32> to vector<16xi32>
      %gather3A_447 = tpu.dynamic_gather %get3A_23[%gather3A_446] in [0] : vector<16xi32>, vector<16xi32> -> vector<16xi32>
      %broadcast_in_dim3A_448 = vector.shape_cast %and3A_444 : vector<16xi32> to vector<16x1xi32>
      %gather3A_449 = vector.shape_cast %broadcast_in_dim3A_448 : vector<16x1xi32> to vector<16xi32>
      %gather3A_450 = tpu.dynamic_gather %get3A_26[%gather3A_449] in [0] : vector<16xi32>, vector<16xi32> -> vector<16xi32>
      %ge3A_451 = arith.constant 16 : i32
      %ge3A_452 = vector.broadcast %ge3A_451 : i32 to vector<16xi32>
      %ge3A_453 = arith.cmpi sge, %get3A_441, %ge3A_452 : vector<16xi32>
      %select_n3A_454 = arith.select %ge3A_453, %gather3A_450, %gather3A_447 : vector<16xi1>, vector<16xi32>
      %lt3A_455 = arith.constant 100000 : i32
      %lt3A_456 = vector.broadcast %lt3A_455 : i32 to vector<16xi32>
      %lt3A_457 = arith.cmpi slt, %get3A_441, %lt3A_456 : vector<16xi32>
      %sub3A_458 = arith.constant 100000 : i32
      %sub3A_459 = vector.broadcast %sub3A_458 : i32 to vector<16xi32>
      %sub3A_460 = arith.subi %get3A_441, %sub3A_459 : vector<16xi32>
      %select_n3A_461 = arith.select %lt3A_457, %get3A_441, %sub3A_460 : vector<16xi1>, vector<16xi32>
      %add3A_462 = arith.constant 32 : i32
      %add3A_463 = vector.broadcast %add3A_462 : i32 to vector<16xi32>
      %add3A_464 = arith.addi %select_n3A_461, %add3A_463 : vector<16xi32>
      %lt3A_465 = arith.constant 32 : i32
      %lt3A_466 = vector.broadcast %lt3A_465 : i32 to vector<16xi32>
      %lt3A_467 = arith.cmpi slt, %get3A_441, %lt3A_466 : vector<16xi32>
      %select_n3A_468 = arith.select %lt3A_467, %select_n3A_454, %add3A_464 : vector<16xi1>, vector<16xi32>
      %add3A_469 = arith.constant 32 : i32
      %add3A_470 = arith.addi %mul3A_359, %add3A_469 : i32
      %swap3A_471 = arith.index_cast %select_n3A : i32 to index
      %swap3A_472 = arith.index_cast %add3A_470 : i32 to index
      %swap3A_473 = tpu.vector_load %arg7[%swap3A_471, %swap3A_472] {strides = array<i32>} : memref<48x512xi32, #tpu.memory_space<vmem>>, vector<1x16xi32>,
      %swap3A_474 = vector.shape_cast %swap3A_473 : vector<1x16xi32> to vector<16xi32>
      %swap3A_475 = vector.shape_cast %select_n3A_468 : vector<16xi32> to vector<1x16xi32>
      tpu.vector_store %arg7[%swap3A_471, %swap3A_472], %swap3A_475 {strides = array<i32>} : memref<48x512xi32, #tpu.memory_space<vmem>>, vector<1x16xi32>,
      %add3A_476 = arith.constant 48 : i32
      %add3A_477 = arith.addi %mul3A_359, %add3A_476 : i32
      %get3A_478 = arith.index_cast %select_n3A : i32 to index
      %get3A_479 = arith.index_cast %add3A_477 : i32 to index
      %get3A_480 = tpu.vector_load %arg5[%get3A_478, %get3A_479] {strides = array<i32>} : memref<48x512xi32, #tpu.memory_space<vmem>>, vector<1x16xi32>,
      %get3A_481 = vector.shape_cast %get3A_480 : vector<1x16xi32> to vector<16xi32>
      %and3A_482 = arith.constant 15 : i32
      %and3A_483 = vector.broadcast %and3A_482 : i32 to vector<16xi32>
      %and3A_484 = arith.andi %get3A_481, %and3A_483 : vector<16xi32>
      %broadcast_in_dim3A_485 = vector.shape_cast %and3A_484 : vector<16xi32> to vector<16x1xi32>
      %gather3A_486 = vector.shape_cast %broadcast_in_dim3A_485 : vector<16x1xi32> to vector<16xi32>
      %gather3A_487 = tpu.dynamic_gather %get3A_23[%gather3A_486] in [0] : vector<16xi32>, vector<16xi32> -> vector<16xi32>
      %broadcast_in_dim3A_488 = vector.shape_cast %and3A_484 : vector<16xi32> to vector<16x1xi32>
      %gather3A_489 = vector.shape_cast %broadcast_in_dim3A_488 : vector<16x1xi32> to vector<16xi32>
      %gather3A_490 = tpu.dynamic_gather %get3A_26[%gather3A_489] in [0] : vector<16xi32>, vector<16xi32> -> vector<16xi32>
      %ge3A_491 = arith.constant 16 : i32
      %ge3A_492 = vector.broadcast %ge3A_491 : i32 to vector<16xi32>
      %ge3A_493 = arith.cmpi sge, %get3A_481, %ge3A_492 : vector<16xi32>
      %select_n3A_494 = arith.select %ge3A_493, %gather3A_490, %gather3A_487 : vector<16xi1>, vector<16xi32>
      %lt3A_495 = arith.constant 100000 : i32
      %lt3A_496 = vector.broadcast %lt3A_495 : i32 to vector<16xi32>
      %lt3A_497 = arith.cmpi slt, %get3A_481, %lt3A_496 : vector<16xi32>
      %sub3A_498 = arith.constant 100000 : i32
      %sub3A_499 = vector.broadcast %sub3A_498 : i32 to vector<16xi32>
      %sub3A_500 = arith.subi %get3A_481, %sub3A_499 : vector<16xi32>
      %select_n3A_501 = arith.select %lt3A_497, %get3A_481, %sub3A_500 : vector<16xi1>, vector<16xi32>
      %add3A_502 = arith.constant 32 : i32
      %add3A_503 = vector.broadcast %add3A_502 : i32 to vector<16xi32>
      %add3A_504 = arith.addi %select_n3A_501, %add3A_503 : vector<16xi32>
      %lt3A_505 = arith.constant 32 : i32
      %lt3A_506 = vector.broadcast %lt3A_505 : i32 to vector<16xi32>
      %lt3A_507 = arith.cmpi slt, %get3A_481, %lt3A_506 : vector<16xi32>
      %select_n3A_508 = arith.select %lt3A_507, %select_n3A_494, %add3A_504 : vector<16xi1>, vector<16xi32>
      %add3A_509 = arith.constant 48 : i32
      %add3A_510 = arith.addi %mul3A_359, %add3A_509 : i32
      %swap3A_511 = arith.index_cast %select_n3A : i32 to index
      %swap3A_512 = arith.index_cast %add3A_510 : i32 to index
      %swap3A_513 = tpu.vector_load %arg7[%swap3A_511, %swap3A_512] {strides = array<i32>} : memref<48x512xi32, #tpu.memory_space<vmem>>, vector<1x16xi32>,
      %swap3A_514 = vector.shape_cast %swap3A_513 : vector<1x16xi32> to vector<16xi32>
      %swap3A_515 = vector.shape_cast %select_n3A_508 : vector<16xi32> to vector<1x16xi32>
      tpu.vector_store %arg7[%swap3A_511, %swap3A_512], %swap3A_515 {strides = array<i32>} : memref<48x512xi32, #tpu.memory_space<vmem>>, vector<1x16xi32>,
      %add3A_516 = arith.constant 64 : i32
      %add3A_517 = arith.addi %mul3A_359, %add3A_516 : i32
      %get3A_518 = arith.index_cast %select_n3A : i32 to index
      %get3A_519 = arith.index_cast %add3A_517 : i32 to index
      %get3A_520 = tpu.vector_load %arg5[%get3A_518, %get3A_519] {strides = array<i32>} : memref<48x512xi32, #tpu.memory_space<vmem>>, vector<1x16xi32>,
      %get3A_521 = vector.shape_cast %get3A_520 : vector<1x16xi32> to vector<16xi32>
      %and3A_522 = arith.constant 15 : i32
      %and3A_523 = vector.broadcast %and3A_522 : i32 to vector<16xi32>
      %and3A_524 = arith.andi %get3A_521, %and3A_523 : vector<16xi32>
      %broadcast_in_dim3A_525 = vector.shape_cast %and3A_524 : vector<16xi32> to vector<16x1xi32>
      %gather3A_526 = vector.shape_cast %broadcast_in_dim3A_525 : vector<16x1xi32> to vector<16xi32>
      %gather3A_527 = tpu.dynamic_gather %get3A_23[%gather3A_526] in [0] : vector<16xi32>, vector<16xi32> -> vector<16xi32>
      %broadcast_in_dim3A_528 = vector.shape_cast %and3A_524 : vector<16xi32> to vector<16x1xi32>
      %gather3A_529 = vector.shape_cast %broadcast_in_dim3A_528 : vector<16x1xi32> to vector<16xi32>
      %gather3A_530 = tpu.dynamic_gather %get3A_26[%gather3A_529] in [0] : vector<16xi32>, vector<16xi32> -> vector<16xi32>
      %ge3A_531 = arith.constant 16 : i32
      %ge3A_532 = vector.broadcast %ge3A_531 : i32 to vector<16xi32>
      %ge3A_533 = arith.cmpi sge, %get3A_521, %ge3A_532 : vector<16xi32>
      %select_n3A_534 = arith.select %ge3A_533, %gather3A_530, %gather3A_527 : vector<16xi1>, vector<16xi32>
      %lt3A_535 = arith.constant 100000 : i32
      %lt3A_536 = vector.broadcast %lt3A_535 : i32 to vector<16xi32>
      %lt3A_537 = arith.cmpi slt, %get3A_521, %lt3A_536 : vector<16xi32>
      %sub3A_538 = arith.constant 100000 : i32
      %sub3A_539 = vector.broadcast %sub3A_538 : i32 to vector<16xi32>
      %sub3A_540 = arith.subi %get3A_521, %sub3A_539 : vector<16xi32>
      %select_n3A_541 = arith.select %lt3A_537, %get3A_521, %sub3A_540 : vector<16xi1>, vector<16xi32>
      %add3A_542 = arith.constant 32 : i32
      %add3A_543 = vector.broadcast %add3A_542 : i32 to vector<16xi32>
      %add3A_544 = arith.addi %select_n3A_541, %add3A_543 : vector<16xi32>
      %lt3A_545 = arith.constant 32 : i32
      %lt3A_546 = vector.broadcast %lt3A_545 : i32 to vector<16xi32>
      %lt3A_547 = arith.cmpi slt, %get3A_521, %lt3A_546 : vector<16xi32>
      %select_n3A_548 = arith.select %lt3A_547, %select_n3A_534, %add3A_544 : vector<16xi1>, vector<16xi32>
      %add3A_549 = arith.constant 64 : i32
      %add3A_550 = arith.addi %mul3A_359, %add3A_549 : i32
      %swap3A_551 = arith.index_cast %select_n3A : i32 to index
      %swap3A_552 = arith.index_cast %add3A_550 : i32 to index
      %swap3A_553 = tpu.vector_load %arg7[%swap3A_551, %swap3A_552] {strides = array<i32>} : memref<48x512xi32, #tpu.memory_space<vmem>>, vector<1x16xi32>,
      %swap3A_554 = vector.shape_cast %swap3A_553 : vector<1x16xi32> to vector<16xi32>
      %swap3A_555 = vector.shape_cast %select_n3A_548 : vector<16xi32> to vector<1x16xi32>
      tpu.vector_store %arg7[%swap3A_551, %swap3A_552], %swap3A_555 {strides = array<i32>} : memref<48x512xi32, #tpu.memory_space<vmem>>, vector<1x16xi32>,
      %add3A_556 = arith.constant 80 : i32
      %add3A_557 = arith.addi %mul3A_359, %add3A_556 : i32
      %get3A_558 = arith.index_cast %select_n3A : i32 to index
      %get3A_559 = arith.index_cast %add3A_557 : i32 to index
      %get3A_560 = tpu.vector_load %arg5[%get3A_558, %get3A_559] {strides = array<i32>} : memref<48x512xi32, #tpu.memory_space<vmem>>, vector<1x16xi32>,
      %get3A_561 = vector.shape_cast %get3A_560 : vector<1x16xi32> to vector<16xi32>
      %and3A_562 = arith.constant 15 : i32
      %and3A_563 = vector.broadcast %and3A_562 : i32 to vector<16xi32>
      %and3A_564 = arith.andi %get3A_561, %and3A_563 : vector<16xi32>
      %broadcast_in_dim3A_565 = vector.shape_cast %and3A_564 : vector<16xi32> to vector<16x1xi32>
      %gather3A_566 = vector.shape_cast %broadcast_in_dim3A_565 : vector<16x1xi32> to vector<16xi32>
      %gather3A_567 = tpu.dynamic_gather %get3A_23[%gather3A_566] in [0] : vector<16xi32>, vector<16xi32> -> vector<16xi32>
      %broadcast_in_dim3A_568 = vector.shape_cast %and3A_564 : vector<16xi32> to vector<16x1xi32>
      %gather3A_569 = vector.shape_cast %broadcast_in_dim3A_568 : vector<16x1xi32> to vector<16xi32>
      %gather3A_570 = tpu.dynamic_gather %get3A_26[%gather3A_569] in [0] : vector<16xi32>, vector<16xi32> -> vector<16xi32>
      %ge3A_571 = arith.constant 16 : i32
      %ge3A_572 = vector.broadcast %ge3A_571 : i32 to vector<16xi32>
      %ge3A_573 = arith.cmpi sge, %get3A_561, %ge3A_572 : vector<16xi32>
      %select_n3A_574 = arith.select %ge3A_573, %gather3A_570, %gather3A_567 : vector<16xi1>, vector<16xi32>
      %lt3A_575 = arith.constant 100000 : i32
      %lt3A_576 = vector.broadcast %lt3A_575 : i32 to vector<16xi32>
      %lt3A_577 = arith.cmpi slt, %get3A_561, %lt3A_576 : vector<16xi32>
      %sub3A_578 = arith.constant 100000 : i32
      %sub3A_579 = vector.broadcast %sub3A_578 : i32 to vector<16xi32>
      %sub3A_580 = arith.subi %get3A_561, %sub3A_579 : vector<16xi32>
      %select_n3A_581 = arith.select %lt3A_577, %get3A_561, %sub3A_580 : vector<16xi1>, vector<16xi32>
      %add3A_582 = arith.constant 32 : i32
      %add3A_583 = vector.broadcast %add3A_582 : i32 to vector<16xi32>
      %add3A_584 = arith.addi %select_n3A_581, %add3A_583 : vector<16xi32>
      %lt3A_585 = arith.constant 32 : i32
      %lt3A_586 = vector.broadcast %lt3A_585 : i32 to vector<16xi32>
      %lt3A_587 = arith.cmpi slt, %get3A_561, %lt3A_586 : vector<16xi32>
      %select_n3A_588 = arith.select %lt3A_587, %select_n3A_574, %add3A_584 : vector<16xi1>, vector<16xi32>
      %add3A_589 = arith.constant 80 : i32
      %add3A_590 = arith.addi %mul3A_359, %add3A_589 : i32
      %swap3A_591 = arith.index_cast %select_n3A : i32 to index
      %swap3A_592 = arith.index_cast %add3A_590 : i32 to index
      %swap3A_593 = tpu.vector_load %arg7[%swap3A_591, %swap3A_592] {strides = array<i32>} : memref<48x512xi32, #tpu.memory_space<vmem>>, vector<1x16xi32>,
      %swap3A_594 = vector.shape_cast %swap3A_593 : vector<1x16xi32> to vector<16xi32>
      %swap3A_595 = vector.shape_cast %select_n3A_588 : vector<16xi32> to vector<1x16xi32>
      tpu.vector_store %arg7[%swap3A_591, %swap3A_592], %swap3A_595 {strides = array<i32>} : memref<48x512xi32, #tpu.memory_space<vmem>>, vector<1x16xi32>,
      %add3A_596 = arith.constant 96 : i32
      %add3A_597 = arith.addi %mul3A_359, %add3A_596 : i32
      %get3A_598 = arith.index_cast %select_n3A : i32 to index
      %get3A_599 = arith.index_cast %add3A_597 : i32 to index
      %get3A_600 = tpu.vector_load %arg5[%get3A_598, %get3A_599] {strides = array<i32>} : memref<48x512xi32, #tpu.memory_space<vmem>>, vector<1x16xi32>,
      %get3A_601 = vector.shape_cast %get3A_600 : vector<1x16xi32> to vector<16xi32>
      %and3A_602 = arith.constant 15 : i32
      %and3A_603 = vector.broadcast %and3A_602 : i32 to vector<16xi32>
      %and3A_604 = arith.andi %get3A_601, %and3A_603 : vector<16xi32>
      %broadcast_in_dim3A_605 = vector.shape_cast %and3A_604 : vector<16xi32> to vector<16x1xi32>
      %gather3A_606 = vector.shape_cast %broadcast_in_dim3A_605 : vector<16x1xi32> to vector<16xi32>
      %gather3A_607 = tpu.dynamic_gather %get3A_23[%gather3A_606] in [0] : vector<16xi32>, vector<16xi32> -> vector<16xi32>
      %broadcast_in_dim3A_608 = vector.shape_cast %and3A_604 : vector<16xi32> to vector<16x1xi32>
      %gather3A_609 = vector.shape_cast %broadcast_in_dim3A_608 : vector<16x1xi32> to vector<16xi32>
      %gather3A_610 = tpu.dynamic_gather %get3A_26[%gather3A_609] in [0] : vector<16xi32>, vector<16xi32> -> vector<16xi32>
      %ge3A_611 = arith.constant 16 : i32
      %ge3A_612 = vector.broadcast %ge3A_611 : i32 to vector<16xi32>
      %ge3A_613 = arith.cmpi sge, %get3A_601, %ge3A_612 : vector<16xi32>
      %select_n3A_614 = arith.select %ge3A_613, %gather3A_610, %gather3A_607 : vector<16xi1>, vector<16xi32>
      %lt3A_615 = arith.constant 100000 : i32
      %lt3A_616 = vector.broadcast %lt3A_615 : i32 to vector<16xi32>
      %lt3A_617 = arith.cmpi slt, %get3A_601, %lt3A_616 : vector<16xi32>
      %sub3A_618 = arith.constant 100000 : i32
      %sub3A_619 = vector.broadcast %sub3A_618 : i32 to vector<16xi32>
      %sub3A_620 = arith.subi %get3A_601, %sub3A_619 : vector<16xi32>
      %select_n3A_621 = arith.select %lt3A_617, %get3A_601, %sub3A_620 : vector<16xi1>, vector<16xi32>
      %add3A_622 = arith.constant 32 : i32
      %add3A_623 = vector.broadcast %add3A_622 : i32 to vector<16xi32>
      %add3A_624 = arith.addi %select_n3A_621, %add3A_623 : vector<16xi32>
      %lt3A_625 = arith.constant 32 : i32
      %lt3A_626 = vector.broadcast %lt3A_625 : i32 to vector<16xi32>
      %lt3A_627 = arith.cmpi slt, %get3A_601, %lt3A_626 : vector<16xi32>
      %select_n3A_628 = arith.select %lt3A_627, %select_n3A_614, %add3A_624 : vector<16xi1>, vector<16xi32>
      %add3A_629 = arith.constant 96 : i32
      %add3A_630 = arith.addi %mul3A_359, %add3A_629 : i32
      %swap3A_631 = arith.index_cast %select_n3A : i32 to index
      %swap3A_632 = arith.index_cast %add3A_630 : i32 to index
      %swap3A_633 = tpu.vector_load %arg7[%swap3A_631, %swap3A_632] {strides = array<i32>} : memref<48x512xi32, #tpu.memory_space<vmem>>, vector<1x16xi32>,
      %swap3A_634 = vector.shape_cast %swap3A_633 : vector<1x16xi32> to vector<16xi32>
      %swap3A_635 = vector.shape_cast %select_n3A_628 : vector<16xi32> to vector<1x16xi32>
      tpu.vector_store %arg7[%swap3A_631, %swap3A_632], %swap3A_635 {strides = array<i32>} : memref<48x512xi32, #tpu.memory_space<vmem>>, vector<1x16xi32>,
      %add3A_636 = arith.constant 112 : i32
      %add3A_637 = arith.addi %mul3A_359, %add3A_636 : i32
      %get3A_638 = arith.index_cast %select_n3A : i32 to index
      %get3A_639 = arith.index_cast %add3A_637 : i32 to index
      %get3A_640 = tpu.vector_load %arg5[%get3A_638, %get3A_639] {strides = array<i32>} : memref<48x512xi32, #tpu.memory_space<vmem>>, vector<1x16xi32>,
      %get3A_641 = vector.shape_cast %get3A_640 : vector<1x16xi32> to vector<16xi32>
      %and3A_642 = arith.constant 15 : i32
      %and3A_643 = vector.broadcast %and3A_642 : i32 to vector<16xi32>
      %and3A_644 = arith.andi %get3A_641, %and3A_643 : vector<16xi32>
      %broadcast_in_dim3A_645 = vector.shape_cast %and3A_644 : vector<16xi32> to vector<16x1xi32>
      %gather3A_646 = vector.shape_cast %broadcast_in_dim3A_645 : vector<16x1xi32> to vector<16xi32>
      %gather3A_647 = tpu.dynamic_gather %get3A_23[%gather3A_646] in [0] : vector<16xi32>, vector<16xi32> -> vector<16xi32>
      %broadcast_in_dim3A_648 = vector.shape_cast %and3A_644 : vector<16xi32> to vector<16x1xi32>
      %gather3A_649 = vector.shape_cast %broadcast_in_dim3A_648 : vector<16x1xi32> to vector<16xi32>
      %gather3A_650 = tpu.dynamic_gather %get3A_26[%gather3A_649] in [0] : vector<16xi32>, vector<16xi32> -> vector<16xi32>
      %ge3A_651 = arith.constant 16 : i32
      %ge3A_652 = vector.broadcast %ge3A_651 : i32 to vector<16xi32>
      %ge3A_653 = arith.cmpi sge, %get3A_641, %ge3A_652 : vector<16xi32>
      %select_n3A_654 = arith.select %ge3A_653, %gather3A_650, %gather3A_647 : vector<16xi1>, vector<16xi32>
      %lt3A_655 = arith.constant 100000 : i32
      %lt3A_656 = vector.broadcast %lt3A_655 : i32 to vector<16xi32>
      %lt3A_657 = arith.cmpi slt, %get3A_641, %lt3A_656 : vector<16xi32>
      %sub3A_658 = arith.constant 100000 : i32
      %sub3A_659 = vector.broadcast %sub3A_658 : i32 to vector<16xi32>
      %sub3A_660 = arith.subi %get3A_641, %sub3A_659 : vector<16xi32>
      %select_n3A_661 = arith.select %lt3A_657, %get3A_641, %sub3A_660 : vector<16xi1>, vector<16xi32>
      %add3A_662 = arith.constant 32 : i32
      %add3A_663 = vector.broadcast %add3A_662 : i32 to vector<16xi32>
      %add3A_664 = arith.addi %select_n3A_661, %add3A_663 : vector<16xi32>
      %lt3A_665 = arith.constant 32 : i32
      %lt3A_666 = vector.broadcast %lt3A_665 : i32 to vector<16xi32>
      %lt3A_667 = arith.cmpi slt, %get3A_641, %lt3A_666 : vector<16xi32>
      %select_n3A_668 = arith.select %lt3A_667, %select_n3A_654, %add3A_664 : vector<16xi1>, vector<16xi32>
      %add3A_669 = arith.constant 112 : i32
      %add3A_670 = arith.addi %mul3A_359, %add3A_669 : i32
      %swap3A_671 = arith.index_cast %select_n3A : i32 to index
      %swap3A_672 = arith.index_cast %add3A_670 : i32 to index
      %swap3A_673 = tpu.vector_load %arg7[%swap3A_671, %swap3A_672] {strides = array<i32>} : memref<48x512xi32, #tpu.memory_space<vmem>>, vector<1x16xi32>,
      %swap3A_674 = vector.shape_cast %swap3A_673 : vector<1x16xi32> to vector<16xi32>
      %swap3A_675 = vector.shape_cast %select_n3A_668 : vector<16xi32> to vector<1x16xi32>
      tpu.vector_store %arg7[%swap3A_671, %swap3A_672], %swap3A_675 {strides = array<i32>} : memref<48x512xi32, #tpu.memory_space<vmem>>, vector<1x16xi32>,
    }
    %scan3A_214 = arith.constant 192 : i32
    %dma_start3A_215 = arith.constant 0 : i32
    %dma_start3A_216 = arith.constant 0 : i32
    %dma_start3A_217 = tpu.memref_slice %arg7[%dma_start3A_215, %dma_start3A_216] : memref<48x512xi32, #tpu.memory_space<vmem>> -> memref<48x512xi32, #tpu.memory_space<vmem>>
    %dma_start3A_218 = arith.constant 104 : i32
    %dma_start3A_219 = tpu.memref_slice %arg4[%dma_start3A_218, %multiple_of3A] : memref<200x16384xi32, #tpu.memory_space<hbm>> -> memref<48x512xi32, #tpu.memory_space<hbm>>
    %dma_start3A_220 = arith.constant 104 : i32
    %dma_start3A_221 = tpu.memref_slice %arg4[%dma_start3A_220, %multiple_of3A] : memref<200x16384xi32, #tpu.memory_space<hbm>> -> memref<48x512xi32, #tpu.memory_space<hbm>>
    %dma_start3A_222 = arith.constant 0 : i32
    %dma_start3A_223 = arith.constant 0 : i32
    %dma_start3A_224 = tpu.memref_slice %arg7[%dma_start3A_222, %dma_start3A_223] : memref<48x512xi32, #tpu.memory_space<vmem>> -> memref<48x512xi32, #tpu.memory_space<vmem>>
    tpu.enqueue_dma source(%dma_start3A_224 : memref<48x512xi32, #tpu.memory_space<vmem>>) target(%dma_start3A_221 : memref<48x512xi32, #tpu.memory_space<hbm>>) target_semaphore(%arg12 : memref<!tpu.dma_semaphore, #tpu.memory_space<semaphore_mem>>)
    %dma_start3A_225 = arith.constant 0 : i32
    %dma_start3A_226 = arith.constant 0 : i32
    %dma_start3A_227 = tpu.memref_slice %arg5[%dma_start3A_225, %dma_start3A_226] : memref<48x512xi32, #tpu.memory_space<vmem>> -> memref<16x512xi32, #tpu.memory_space<vmem>>
    %dma_start3A_228 = arith.constant 184 : i32
    %dma_start3A_229 = tpu.memref_slice %arg2[%dma_start3A_228, %multiple_of3A] : memref<200x16384xi32, #tpu.memory_space<hbm>> -> memref<16x512xi32, #tpu.memory_space<hbm>>
    %dma_start3A_230 = arith.constant 0 : i32
    %dma_start3A_231 = arith.constant 0 : i32
    %dma_start3A_232 = tpu.memref_slice %arg5[%dma_start3A_230, %dma_start3A_231] : memref<48x512xi32, #tpu.memory_space<vmem>> -> memref<16x512xi32, #tpu.memory_space<vmem>>
    %dma_start3A_233 = arith.constant 184 : i32
    %dma_start3A_234 = tpu.memref_slice %arg2[%dma_start3A_233, %multiple_of3A] : memref<200x16384xi32, #tpu.memory_space<hbm>> -> memref<16x512xi32, #tpu.memory_space<hbm>>
    tpu.enqueue_dma source(%dma_start3A_234 : memref<16x512xi32, #tpu.memory_space<hbm>>) target(%dma_start3A_232 : memref<16x512xi32, #tpu.memory_space<vmem>>) target_semaphore(%arg10 : memref<!tpu.dma_semaphore, #tpu.memory_space<semaphore_mem>>)
    %dma_wait3A_235 = arith.constant 0 : i32
    %dma_wait3A_236 = arith.constant 0 : i32
    %dma_wait3A_237 = tpu.memref_slice %arg8[%dma_wait3A_235, %dma_wait3A_236] : memref<48x512xi32, #tpu.memory_space<vmem>> -> memref<48x512xi32, #tpu.memory_space<vmem>>
    %dma_wait3A_238 = arith.constant 56 : i32
    %dma_wait3A_239 = tpu.memref_slice %arg4[%dma_wait3A_238, %multiple_of3A] : memref<200x16384xi32, #tpu.memory_space<hbm>> -> memref<48x512xi32, #tpu.memory_space<hbm>>
    %dma_wait3A_240 = arith.constant 56 : i32
    %dma_wait3A_241 = tpu.memref_slice %arg4[%dma_wait3A_240, %multiple_of3A] : memref<200x16384xi32, #tpu.memory_space<hbm>> -> memref<48x512xi32, #tpu.memory_space<hbm>>
    %dma_wait3A_242 = arith.constant 0 : i32
    %dma_wait3A_243 = arith.constant 0 : i32
    %dma_wait3A_244 = tpu.memref_slice %arg8[%dma_wait3A_242, %dma_wait3A_243] : memref<48x512xi32, #tpu.memory_space<vmem>> -> memref<48x512xi32, #tpu.memory_space<vmem>>
    tpu.wait_dma2 semaphore(%arg13 : memref<!tpu.dma_semaphore, #tpu.memory_space<semaphore_mem>>) src(%dma_wait3A_244 : memref<48x512xi32, #tpu.memory_space<vmem>>) dst(%dma_wait3A_241 : memref<48x512xi32, #tpu.memory_space<hbm>>)
    %dma_wait3A_245 = arith.constant 0 : i32
    %dma_wait3A_246 = arith.constant 0 : i32
    %dma_wait3A_247 = tpu.memref_slice %arg6[%dma_wait3A_245, %dma_wait3A_246] : memref<48x512xi32, #tpu.memory_space<vmem>> -> memref<32x512xi32, #tpu.memory_space<vmem>>
    %dma_wait3A_248 = arith.constant 152 : i32
    %dma_wait3A_249 = tpu.memref_slice %arg2[%dma_wait3A_248, %multiple_of3A] : memref<200x16384xi32, #tpu.memory_space<hbm>> -> memref<32x512xi32, #tpu.memory_space<hbm>>
    %dma_wait3A_250 = arith.constant 0 : i32
    %dma_wait3A_251 = arith.constant 0 : i32
    %dma_wait3A_252 = tpu.memref_slice %arg6[%dma_wait3A_250, %dma_wait3A_251] : memref<48x512xi32, #tpu.memory_space<vmem>> -> memref<32x512xi32, #tpu.memory_space<vmem>>
    %dma_wait3A_253 = arith.constant 152 : i32
    %dma_wait3A_254 = tpu.memref_slice %arg2[%dma_wait3A_253, %multiple_of3A] : memref<200x16384xi32, #tpu.memory_space<hbm>> -> memref<32x512xi32, #tpu.memory_space<hbm>>
    tpu.wait_dma2 semaphore(%arg11 : memref<!tpu.dma_semaphore, #tpu.memory_space<semaphore_mem>>) src(%dma_wait3A_254 : memref<32x512xi32, #tpu.memory_space<hbm>>) dst(%dma_wait3A_252 : memref<32x512xi32, #tpu.memory_space<vmem>>)
    %scan3A_255 = arith.constant 0 : i32
    %scan3A_256 = arith.constant 0 : i32
    %scan3A_257 = arith.constant 128 : i32
    %scan3A_258 = arith.addi %scan3A_256, %scan3A_257 : i32
    %scan3A_259 = arith.constant 1 : i32
    scf.for %scan3A_327 = %scan3A_256 to %scan3A_258 step %scan3A_259  : i32 {
      %jit3A = arith.constant 4 : i32
      %div3A = arith.divsi %scan3A_327, %jit3A : i32
      %sign3A = arith.constant 0 : i32
      %sign3A_328 = arith.cmpi sgt, %scan3A_327, %sign3A : i32
      %sign3A_329 = arith.extui %sign3A_328 : i1 to i32
      %sign3A_330 = arith.constant 0 : i32
      %sign3A_331 = arith.cmpi slt, %scan3A_327, %sign3A_330 : i32
      %sign3A_332 = arith.extui %sign3A_331 : i1 to i32
      %sign3A_333 = arith.subi %sign3A_329, %sign3A_332 : i32
      %sign3A_334 = arith.constant 0 : i32
      %sign3A_335 = arith.cmpi sgt, %jit3A, %sign3A_334 : i32
      %sign3A_336 = arith.extui %sign3A_335 : i1 to i32
      %sign3A_337 = arith.constant 0 : i32
      %sign3A_338 = arith.cmpi slt, %jit3A, %sign3A_337 : i32
      %sign3A_339 = arith.extui %sign3A_338 : i1 to i32
      %sign3A_340 = arith.subi %sign3A_336, %sign3A_339 : i32
      %ne3A = arith.cmpi ne, %sign3A_333, %sign3A_340 : i32
      %rem3A = arith.remsi %scan3A_327, %jit3A : i32
      %ne3A_341 = arith.constant 0 : i32
      %ne3A_342 = arith.cmpi ne, %rem3A, %ne3A_341 : i32
      %and3A = arith.andi %ne3A, %ne3A_342 : i1
      %sub3A = arith.constant 1 : i32
      %sub3A_343 = arith.subi %div3A, %sub3A : i32
      %select_n3A = arith.select %and3A, %sub3A_343, %div3A : i32
      %jit3A_344 = arith.constant 4 : i32
      %eq3A = arith.constant 0 : i32
      %eq3A_345 = arith.cmpi eq, %jit3A_344, %eq3A : i32
      %jit3A_346 = arith.constant 1 : i32
      %select_n3A_347 = arith.select %eq3A_345, %jit3A_346, %jit3A_344 : i32
      %rem3A_348 = arith.remsi %scan3A_327, %select_n3A_347 : i32
      %ne3A_349 = arith.constant 0 : i32
      %ne3A_350 = arith.cmpi ne, %rem3A_348, %ne3A_349 : i32
      %lt3A = arith.constant 0 : i32
      %lt3A_351 = arith.cmpi slt, %rem3A_348, %lt3A : i32
      %lt3A_352 = arith.constant 0 : i32
      %lt3A_353 = arith.cmpi slt, %select_n3A_347, %lt3A_352 : i32
      %ne3A_354 = arith.xori %lt3A_351, %lt3A_353 : i1
      %and3A_355 = arith.andi %ne3A_354, %ne3A_350 : i1
      %add3A_356 = arith.addi %rem3A_348, %select_n3A_347 : i32
      %select_n3A_357 = arith.select %and3A_355, %add3A_356, %rem3A_348 : i32
      %mul3A_358 = arith.constant 128 : i32
      %mul3A_359 = arith.muli %select_n3A_357, %mul3A_358 : i32
      %add3A_360 = arith.constant 0 : i32
      %add3A_361 = arith.addi %mul3A_359, %add3A_360 : i32
      %get3A_362 = arith.index_cast %select_n3A : i32 to index
      %get3A_363 = arith.index_cast %add3A_361 : i32 to index
      %get3A_364 = tpu.vector_load %arg6[%get3A_362, %get3A_363] {strides = array<i32>} : memref<48x512xi32, #tpu.memory_space<vmem>>, vector<1x16xi32>,
      %get3A_365 = vector.shape_cast %get3A_364 : vector<1x16xi32> to vector<16xi32>
      %and3A_366 = arith.constant 15 : i32
      %and3A_367 = vector.broadcast %and3A_366 : i32 to vector<16xi32>
      %and3A_368 = arith.andi %get3A_365, %and3A_367 : vector<16xi32>
      %broadcast_in_dim3A = vector.shape_cast %and3A_368 : vector<16xi32> to vector<16x1xi32>
      %gather3A = vector.shape_cast %broadcast_in_dim3A : vector<16x1xi32> to vector<16xi32>
      %gather3A_369 = tpu.dynamic_gather %get3A_23[%gather3A] in [0] : vector<16xi32>, vector<16xi32> -> vector<16xi32>
      %broadcast_in_dim3A_370 = vector.shape_cast %and3A_368 : vector<16xi32> to vector<16x1xi32>
      %gather3A_371 = vector.shape_cast %broadcast_in_dim3A_370 : vector<16x1xi32> to vector<16xi32>
      %gather3A_372 = tpu.dynamic_gather %get3A_26[%gather3A_371] in [0] : vector<16xi32>, vector<16xi32> -> vector<16xi32>
      %ge3A = arith.constant 16 : i32
      %ge3A_373 = vector.broadcast %ge3A : i32 to vector<16xi32>
      %ge3A_374 = arith.cmpi sge, %get3A_365, %ge3A_373 : vector<16xi32>
      %select_n3A_375 = arith.select %ge3A_374, %gather3A_372, %gather3A_369 : vector<16xi1>, vector<16xi32>
      %lt3A_376 = arith.constant 100000 : i32
      %lt3A_377 = vector.broadcast %lt3A_376 : i32 to vector<16xi32>
      %lt3A_378 = arith.cmpi slt, %get3A_365, %lt3A_377 : vector<16xi32>
      %sub3A_379 = arith.constant 100000 : i32
      %sub3A_380 = vector.broadcast %sub3A_379 : i32 to vector<16xi32>
      %sub3A_381 = arith.subi %get3A_365, %sub3A_380 : vector<16xi32>
      %select_n3A_382 = arith.select %lt3A_378, %get3A_365, %sub3A_381 : vector<16xi1>, vector<16xi32>
      %add3A_383 = arith.constant 32 : i32
      %add3A_384 = vector.broadcast %add3A_383 : i32 to vector<16xi32>
      %add3A_385 = arith.addi %select_n3A_382, %add3A_384 : vector<16xi32>
      %lt3A_386 = arith.constant 32 : i32
      %lt3A_387 = vector.broadcast %lt3A_386 : i32 to vector<16xi32>
      %lt3A_388 = arith.cmpi slt, %get3A_365, %lt3A_387 : vector<16xi32>
      %select_n3A_389 = arith.select %lt3A_388, %select_n3A_375, %add3A_385 : vector<16xi1>, vector<16xi32>
      %add3A_390 = arith.constant 0 : i32
      %add3A_391 = arith.addi %mul3A_359, %add3A_390 : i32
      %swap3A = arith.index_cast %select_n3A : i32 to index
      %swap3A_392 = arith.index_cast %add3A_391 : i32 to index
      %swap3A_393 = tpu.vector_load %arg8[%swap3A, %swap3A_392] {strides = array<i32>} : memref<48x512xi32, #tpu.memory_space<vmem>>, vector<1x16xi32>,
      %swap3A_394 = vector.shape_cast %swap3A_393 : vector<1x16xi32> to vector<16xi32>
      %swap3A_395 = vector.shape_cast %select_n3A_389 : vector<16xi32> to vector<1x16xi32>
      tpu.vector_store %arg8[%swap3A, %swap3A_392], %swap3A_395 {strides = array<i32>} : memref<48x512xi32, #tpu.memory_space<vmem>>, vector<1x16xi32>,
      %add3A_396 = arith.constant 16 : i32
      %add3A_397 = arith.addi %mul3A_359, %add3A_396 : i32
      %get3A_398 = arith.index_cast %select_n3A : i32 to index
      %get3A_399 = arith.index_cast %add3A_397 : i32 to index
      %get3A_400 = tpu.vector_load %arg6[%get3A_398, %get3A_399] {strides = array<i32>} : memref<48x512xi32, #tpu.memory_space<vmem>>, vector<1x16xi32>,
      %get3A_401 = vector.shape_cast %get3A_400 : vector<1x16xi32> to vector<16xi32>
      %and3A_402 = arith.constant 15 : i32
      %and3A_403 = vector.broadcast %and3A_402 : i32 to vector<16xi32>
      %and3A_404 = arith.andi %get3A_401, %and3A_403 : vector<16xi32>
      %broadcast_in_dim3A_405 = vector.shape_cast %and3A_404 : vector<16xi32> to vector<16x1xi32>
      %gather3A_406 = vector.shape_cast %broadcast_in_dim3A_405 : vector<16x1xi32> to vector<16xi32>
      %gather3A_407 = tpu.dynamic_gather %get3A_23[%gather3A_406] in [0] : vector<16xi32>, vector<16xi32> -> vector<16xi32>
      %broadcast_in_dim3A_408 = vector.shape_cast %and3A_404 : vector<16xi32> to vector<16x1xi32>
      %gather3A_409 = vector.shape_cast %broadcast_in_dim3A_408 : vector<16x1xi32> to vector<16xi32>
      %gather3A_410 = tpu.dynamic_gather %get3A_26[%gather3A_409] in [0] : vector<16xi32>, vector<16xi32> -> vector<16xi32>
      %ge3A_411 = arith.constant 16 : i32
      %ge3A_412 = vector.broadcast %ge3A_411 : i32 to vector<16xi32>
      %ge3A_413 = arith.cmpi sge, %get3A_401, %ge3A_412 : vector<16xi32>
      %select_n3A_414 = arith.select %ge3A_413, %gather3A_410, %gather3A_407 : vector<16xi1>, vector<16xi32>
      %lt3A_415 = arith.constant 100000 : i32
      %lt3A_416 = vector.broadcast %lt3A_415 : i32 to vector<16xi32>
      %lt3A_417 = arith.cmpi slt, %get3A_401, %lt3A_416 : vector<16xi32>
      %sub3A_418 = arith.constant 100000 : i32
      %sub3A_419 = vector.broadcast %sub3A_418 : i32 to vector<16xi32>
      %sub3A_420 = arith.subi %get3A_401, %sub3A_419 : vector<16xi32>
      %select_n3A_421 = arith.select %lt3A_417, %get3A_401, %sub3A_420 : vector<16xi1>, vector<16xi32>
      %add3A_422 = arith.constant 32 : i32
      %add3A_423 = vector.broadcast %add3A_422 : i32 to vector<16xi32>
      %add3A_424 = arith.addi %select_n3A_421, %add3A_423 : vector<16xi32>
      %lt3A_425 = arith.constant 32 : i32
      %lt3A_426 = vector.broadcast %lt3A_425 : i32 to vector<16xi32>
      %lt3A_427 = arith.cmpi slt, %get3A_401, %lt3A_426 : vector<16xi32>
      %select_n3A_428 = arith.select %lt3A_427, %select_n3A_414, %add3A_424 : vector<16xi1>, vector<16xi32>
      %add3A_429 = arith.constant 16 : i32
      %add3A_430 = arith.addi %mul3A_359, %add3A_429 : i32
      %swap3A_431 = arith.index_cast %select_n3A : i32 to index
      %swap3A_432 = arith.index_cast %add3A_430 : i32 to index
      %swap3A_433 = tpu.vector_load %arg8[%swap3A_431, %swap3A_432] {strides = array<i32>} : memref<48x512xi32, #tpu.memory_space<vmem>>, vector<1x16xi32>,
      %swap3A_434 = vector.shape_cast %swap3A_433 : vector<1x16xi32> to vector<16xi32>
      %swap3A_435 = vector.shape_cast %select_n3A_428 : vector<16xi32> to vector<1x16xi32>
      tpu.vector_store %arg8[%swap3A_431, %swap3A_432], %swap3A_435 {strides = array<i32>} : memref<48x512xi32, #tpu.memory_space<vmem>>, vector<1x16xi32>,
      %add3A_436 = arith.constant 32 : i32
      %add3A_437 = arith.addi %mul3A_359, %add3A_436 : i32
      %get3A_438 = arith.index_cast %select_n3A : i32 to index
      %get3A_439 = arith.index_cast %add3A_437 : i32 to index
      %get3A_440 = tpu.vector_load %arg6[%get3A_438, %get3A_439] {strides = array<i32>} : memref<48x512xi32, #tpu.memory_space<vmem>>, vector<1x16xi32>,
      %get3A_441 = vector.shape_cast %get3A_440 : vector<1x16xi32> to vector<16xi32>
      %and3A_442 = arith.constant 15 : i32
      %and3A_443 = vector.broadcast %and3A_442 : i32 to vector<16xi32>
      %and3A_444 = arith.andi %get3A_441, %and3A_443 : vector<16xi32>
      %broadcast_in_dim3A_445 = vector.shape_cast %and3A_444 : vector<16xi32> to vector<16x1xi32>
      %gather3A_446 = vector.shape_cast %broadcast_in_dim3A_445 : vector<16x1xi32> to vector<16xi32>
      %gather3A_447 = tpu.dynamic_gather %get3A_23[%gather3A_446] in [0] : vector<16xi32>, vector<16xi32> -> vector<16xi32>
      %broadcast_in_dim3A_448 = vector.shape_cast %and3A_444 : vector<16xi32> to vector<16x1xi32>
      %gather3A_449 = vector.shape_cast %broadcast_in_dim3A_448 : vector<16x1xi32> to vector<16xi32>
      %gather3A_450 = tpu.dynamic_gather %get3A_26[%gather3A_449] in [0] : vector<16xi32>, vector<16xi32> -> vector<16xi32>
      %ge3A_451 = arith.constant 16 : i32
      %ge3A_452 = vector.broadcast %ge3A_451 : i32 to vector<16xi32>
      %ge3A_453 = arith.cmpi sge, %get3A_441, %ge3A_452 : vector<16xi32>
      %select_n3A_454 = arith.select %ge3A_453, %gather3A_450, %gather3A_447 : vector<16xi1>, vector<16xi32>
      %lt3A_455 = arith.constant 100000 : i32
      %lt3A_456 = vector.broadcast %lt3A_455 : i32 to vector<16xi32>
      %lt3A_457 = arith.cmpi slt, %get3A_441, %lt3A_456 : vector<16xi32>
      %sub3A_458 = arith.constant 100000 : i32
      %sub3A_459 = vector.broadcast %sub3A_458 : i32 to vector<16xi32>
      %sub3A_460 = arith.subi %get3A_441, %sub3A_459 : vector<16xi32>
      %select_n3A_461 = arith.select %lt3A_457, %get3A_441, %sub3A_460 : vector<16xi1>, vector<16xi32>
      %add3A_462 = arith.constant 32 : i32
      %add3A_463 = vector.broadcast %add3A_462 : i32 to vector<16xi32>
      %add3A_464 = arith.addi %select_n3A_461, %add3A_463 : vector<16xi32>
      %lt3A_465 = arith.constant 32 : i32
      %lt3A_466 = vector.broadcast %lt3A_465 : i32 to vector<16xi32>
      %lt3A_467 = arith.cmpi slt, %get3A_441, %lt3A_466 : vector<16xi32>
      %select_n3A_468 = arith.select %lt3A_467, %select_n3A_454, %add3A_464 : vector<16xi1>, vector<16xi32>
      %add3A_469 = arith.constant 32 : i32
      %add3A_470 = arith.addi %mul3A_359, %add3A_469 : i32
      %swap3A_471 = arith.index_cast %select_n3A : i32 to index
      %swap3A_472 = arith.index_cast %add3A_470 : i32 to index
      %swap3A_473 = tpu.vector_load %arg8[%swap3A_471, %swap3A_472] {strides = array<i32>} : memref<48x512xi32, #tpu.memory_space<vmem>>, vector<1x16xi32>,
      %swap3A_474 = vector.shape_cast %swap3A_473 : vector<1x16xi32> to vector<16xi32>
      %swap3A_475 = vector.shape_cast %select_n3A_468 : vector<16xi32> to vector<1x16xi32>
      tpu.vector_store %arg8[%swap3A_471, %swap3A_472], %swap3A_475 {strides = array<i32>} : memref<48x512xi32, #tpu.memory_space<vmem>>, vector<1x16xi32>,
      %add3A_476 = arith.constant 48 : i32
      %add3A_477 = arith.addi %mul3A_359, %add3A_476 : i32
      %get3A_478 = arith.index_cast %select_n3A : i32 to index
      %get3A_479 = arith.index_cast %add3A_477 : i32 to index
      %get3A_480 = tpu.vector_load %arg6[%get3A_478, %get3A_479] {strides = array<i32>} : memref<48x512xi32, #tpu.memory_space<vmem>>, vector<1x16xi32>,
      %get3A_481 = vector.shape_cast %get3A_480 : vector<1x16xi32> to vector<16xi32>
      %and3A_482 = arith.constant 15 : i32
      %and3A_483 = vector.broadcast %and3A_482 : i32 to vector<16xi32>
      %and3A_484 = arith.andi %get3A_481, %and3A_483 : vector<16xi32>
      %broadcast_in_dim3A_485 = vector.shape_cast %and3A_484 : vector<16xi32> to vector<16x1xi32>
      %gather3A_486 = vector.shape_cast %broadcast_in_dim3A_485 : vector<16x1xi32> to vector<16xi32>
      %gather3A_487 = tpu.dynamic_gather %get3A_23[%gather3A_486] in [0] : vector<16xi32>, vector<16xi32> -> vector<16xi32>
      %broadcast_in_dim3A_488 = vector.shape_cast %and3A_484 : vector<16xi32> to vector<16x1xi32>
      %gather3A_489 = vector.shape_cast %broadcast_in_dim3A_488 : vector<16x1xi32> to vector<16xi32>
      %gather3A_490 = tpu.dynamic_gather %get3A_26[%gather3A_489] in [0] : vector<16xi32>, vector<16xi32> -> vector<16xi32>
      %ge3A_491 = arith.constant 16 : i32
      %ge3A_492 = vector.broadcast %ge3A_491 : i32 to vector<16xi32>
      %ge3A_493 = arith.cmpi sge, %get3A_481, %ge3A_492 : vector<16xi32>
      %select_n3A_494 = arith.select %ge3A_493, %gather3A_490, %gather3A_487 : vector<16xi1>, vector<16xi32>
      %lt3A_495 = arith.constant 100000 : i32
      %lt3A_496 = vector.broadcast %lt3A_495 : i32 to vector<16xi32>
      %lt3A_497 = arith.cmpi slt, %get3A_481, %lt3A_496 : vector<16xi32>
      %sub3A_498 = arith.constant 100000 : i32
      %sub3A_499 = vector.broadcast %sub3A_498 : i32 to vector<16xi32>
      %sub3A_500 = arith.subi %get3A_481, %sub3A_499 : vector<16xi32>
      %select_n3A_501 = arith.select %lt3A_497, %get3A_481, %sub3A_500 : vector<16xi1>, vector<16xi32>
      %add3A_502 = arith.constant 32 : i32
      %add3A_503 = vector.broadcast %add3A_502 : i32 to vector<16xi32>
      %add3A_504 = arith.addi %select_n3A_501, %add3A_503 : vector<16xi32>
      %lt3A_505 = arith.constant 32 : i32
      %lt3A_506 = vector.broadcast %lt3A_505 : i32 to vector<16xi32>
      %lt3A_507 = arith.cmpi slt, %get3A_481, %lt3A_506 : vector<16xi32>
      %select_n3A_508 = arith.select %lt3A_507, %select_n3A_494, %add3A_504 : vector<16xi1>, vector<16xi32>
      %add3A_509 = arith.constant 48 : i32
      %add3A_510 = arith.addi %mul3A_359, %add3A_509 : i32
      %swap3A_511 = arith.index_cast %select_n3A : i32 to index
      %swap3A_512 = arith.index_cast %add3A_510 : i32 to index
      %swap3A_513 = tpu.vector_load %arg8[%swap3A_511, %swap3A_512] {strides = array<i32>} : memref<48x512xi32, #tpu.memory_space<vmem>>, vector<1x16xi32>,
      %swap3A_514 = vector.shape_cast %swap3A_513 : vector<1x16xi32> to vector<16xi32>
      %swap3A_515 = vector.shape_cast %select_n3A_508 : vector<16xi32> to vector<1x16xi32>
      tpu.vector_store %arg8[%swap3A_511, %swap3A_512], %swap3A_515 {strides = array<i32>} : memref<48x512xi32, #tpu.memory_space<vmem>>, vector<1x16xi32>,
      %add3A_516 = arith.constant 64 : i32
      %add3A_517 = arith.addi %mul3A_359, %add3A_516 : i32
      %get3A_518 = arith.index_cast %select_n3A : i32 to index
      %get3A_519 = arith.index_cast %add3A_517 : i32 to index
      %get3A_520 = tpu.vector_load %arg6[%get3A_518, %get3A_519] {strides = array<i32>} : memref<48x512xi32, #tpu.memory_space<vmem>>, vector<1x16xi32>,
      %get3A_521 = vector.shape_cast %get3A_520 : vector<1x16xi32> to vector<16xi32>
      %and3A_522 = arith.constant 15 : i32
      %and3A_523 = vector.broadcast %and3A_522 : i32 to vector<16xi32>
      %and3A_524 = arith.andi %get3A_521, %and3A_523 : vector<16xi32>
      %broadcast_in_dim3A_525 = vector.shape_cast %and3A_524 : vector<16xi32> to vector<16x1xi32>
      %gather3A_526 = vector.shape_cast %broadcast_in_dim3A_525 : vector<16x1xi32> to vector<16xi32>
      %gather3A_527 = tpu.dynamic_gather %get3A_23[%gather3A_526] in [0] : vector<16xi32>, vector<16xi32> -> vector<16xi32>
      %broadcast_in_dim3A_528 = vector.shape_cast %and3A_524 : vector<16xi32> to vector<16x1xi32>
      %gather3A_529 = vector.shape_cast %broadcast_in_dim3A_528 : vector<16x1xi32> to vector<16xi32>
      %gather3A_530 = tpu.dynamic_gather %get3A_26[%gather3A_529] in [0] : vector<16xi32>, vector<16xi32> -> vector<16xi32>
      %ge3A_531 = arith.constant 16 : i32
      %ge3A_532 = vector.broadcast %ge3A_531 : i32 to vector<16xi32>
      %ge3A_533 = arith.cmpi sge, %get3A_521, %ge3A_532 : vector<16xi32>
      %select_n3A_534 = arith.select %ge3A_533, %gather3A_530, %gather3A_527 : vector<16xi1>, vector<16xi32>
      %lt3A_535 = arith.constant 100000 : i32
      %lt3A_536 = vector.broadcast %lt3A_535 : i32 to vector<16xi32>
      %lt3A_537 = arith.cmpi slt, %get3A_521, %lt3A_536 : vector<16xi32>
      %sub3A_538 = arith.constant 100000 : i32
      %sub3A_539 = vector.broadcast %sub3A_538 : i32 to vector<16xi32>
      %sub3A_540 = arith.subi %get3A_521, %sub3A_539 : vector<16xi32>
      %select_n3A_541 = arith.select %lt3A_537, %get3A_521, %sub3A_540 : vector<16xi1>, vector<16xi32>
      %add3A_542 = arith.constant 32 : i32
      %add3A_543 = vector.broadcast %add3A_542 : i32 to vector<16xi32>
      %add3A_544 = arith.addi %select_n3A_541, %add3A_543 : vector<16xi32>
      %lt3A_545 = arith.constant 32 : i32
      %lt3A_546 = vector.broadcast %lt3A_545 : i32 to vector<16xi32>
      %lt3A_547 = arith.cmpi slt, %get3A_521, %lt3A_546 : vector<16xi32>
      %select_n3A_548 = arith.select %lt3A_547, %select_n3A_534, %add3A_544 : vector<16xi1>, vector<16xi32>
      %add3A_549 = arith.constant 64 : i32
      %add3A_550 = arith.addi %mul3A_359, %add3A_549 : i32
      %swap3A_551 = arith.index_cast %select_n3A : i32 to index
      %swap3A_552 = arith.index_cast %add3A_550 : i32 to index
      %swap3A_553 = tpu.vector_load %arg8[%swap3A_551, %swap3A_552] {strides = array<i32>} : memref<48x512xi32, #tpu.memory_space<vmem>>, vector<1x16xi32>,
      %swap3A_554 = vector.shape_cast %swap3A_553 : vector<1x16xi32> to vector<16xi32>
      %swap3A_555 = vector.shape_cast %select_n3A_548 : vector<16xi32> to vector<1x16xi32>
      tpu.vector_store %arg8[%swap3A_551, %swap3A_552], %swap3A_555 {strides = array<i32>} : memref<48x512xi32, #tpu.memory_space<vmem>>, vector<1x16xi32>,
      %add3A_556 = arith.constant 80 : i32
      %add3A_557 = arith.addi %mul3A_359, %add3A_556 : i32
      %get3A_558 = arith.index_cast %select_n3A : i32 to index
      %get3A_559 = arith.index_cast %add3A_557 : i32 to index
      %get3A_560 = tpu.vector_load %arg6[%get3A_558, %get3A_559] {strides = array<i32>} : memref<48x512xi32, #tpu.memory_space<vmem>>, vector<1x16xi32>,
      %get3A_561 = vector.shape_cast %get3A_560 : vector<1x16xi32> to vector<16xi32>
      %and3A_562 = arith.constant 15 : i32
      %and3A_563 = vector.broadcast %and3A_562 : i32 to vector<16xi32>
      %and3A_564 = arith.andi %get3A_561, %and3A_563 : vector<16xi32>
      %broadcast_in_dim3A_565 = vector.shape_cast %and3A_564 : vector<16xi32> to vector<16x1xi32>
      %gather3A_566 = vector.shape_cast %broadcast_in_dim3A_565 : vector<16x1xi32> to vector<16xi32>
      %gather3A_567 = tpu.dynamic_gather %get3A_23[%gather3A_566] in [0] : vector<16xi32>, vector<16xi32> -> vector<16xi32>
      %broadcast_in_dim3A_568 = vector.shape_cast %and3A_564 : vector<16xi32> to vector<16x1xi32>
      %gather3A_569 = vector.shape_cast %broadcast_in_dim3A_568 : vector<16x1xi32> to vector<16xi32>
      %gather3A_570 = tpu.dynamic_gather %get3A_26[%gather3A_569] in [0] : vector<16xi32>, vector<16xi32> -> vector<16xi32>
      %ge3A_571 = arith.constant 16 : i32
      %ge3A_572 = vector.broadcast %ge3A_571 : i32 to vector<16xi32>
      %ge3A_573 = arith.cmpi sge, %get3A_561, %ge3A_572 : vector<16xi32>
      %select_n3A_574 = arith.select %ge3A_573, %gather3A_570, %gather3A_567 : vector<16xi1>, vector<16xi32>
      %lt3A_575 = arith.constant 100000 : i32
      %lt3A_576 = vector.broadcast %lt3A_575 : i32 to vector<16xi32>
      %lt3A_577 = arith.cmpi slt, %get3A_561, %lt3A_576 : vector<16xi32>
      %sub3A_578 = arith.constant 100000 : i32
      %sub3A_579 = vector.broadcast %sub3A_578 : i32 to vector<16xi32>
      %sub3A_580 = arith.subi %get3A_561, %sub3A_579 : vector<16xi32>
      %select_n3A_581 = arith.select %lt3A_577, %get3A_561, %sub3A_580 : vector<16xi1>, vector<16xi32>
      %add3A_582 = arith.constant 32 : i32
      %add3A_583 = vector.broadcast %add3A_582 : i32 to vector<16xi32>
      %add3A_584 = arith.addi %select_n3A_581, %add3A_583 : vector<16xi32>
      %lt3A_585 = arith.constant 32 : i32
      %lt3A_586 = vector.broadcast %lt3A_585 : i32 to vector<16xi32>
      %lt3A_587 = arith.cmpi slt, %get3A_561, %lt3A_586 : vector<16xi32>
      %select_n3A_588 = arith.select %lt3A_587, %select_n3A_574, %add3A_584 : vector<16xi1>, vector<16xi32>
      %add3A_589 = arith.constant 80 : i32
      %add3A_590 = arith.addi %mul3A_359, %add3A_589 : i32
      %swap3A_591 = arith.index_cast %select_n3A : i32 to index
      %swap3A_592 = arith.index_cast %add3A_590 : i32 to index
      %swap3A_593 = tpu.vector_load %arg8[%swap3A_591, %swap3A_592] {strides = array<i32>} : memref<48x512xi32, #tpu.memory_space<vmem>>, vector<1x16xi32>,
      %swap3A_594 = vector.shape_cast %swap3A_593 : vector<1x16xi32> to vector<16xi32>
      %swap3A_595 = vector.shape_cast %select_n3A_588 : vector<16xi32> to vector<1x16xi32>
      tpu.vector_store %arg8[%swap3A_591, %swap3A_592], %swap3A_595 {strides = array<i32>} : memref<48x512xi32, #tpu.memory_space<vmem>>, vector<1x16xi32>,
      %add3A_596 = arith.constant 96 : i32
      %add3A_597 = arith.addi %mul3A_359, %add3A_596 : i32
      %get3A_598 = arith.index_cast %select_n3A : i32 to index
      %get3A_599 = arith.index_cast %add3A_597 : i32 to index
      %get3A_600 = tpu.vector_load %arg6[%get3A_598, %get3A_599] {strides = array<i32>} : memref<48x512xi32, #tpu.memory_space<vmem>>, vector<1x16xi32>,
      %get3A_601 = vector.shape_cast %get3A_600 : vector<1x16xi32> to vector<16xi32>
      %and3A_602 = arith.constant 15 : i32
      %and3A_603 = vector.broadcast %and3A_602 : i32 to vector<16xi32>
      %and3A_604 = arith.andi %get3A_601, %and3A_603 : vector<16xi32>
      %broadcast_in_dim3A_605 = vector.shape_cast %and3A_604 : vector<16xi32> to vector<16x1xi32>
      %gather3A_606 = vector.shape_cast %broadcast_in_dim3A_605 : vector<16x1xi32> to vector<16xi32>
      %gather3A_607 = tpu.dynamic_gather %get3A_23[%gather3A_606] in [0] : vector<16xi32>, vector<16xi32> -> vector<16xi32>
      %broadcast_in_dim3A_608 = vector.shape_cast %and3A_604 : vector<16xi32> to vector<16x1xi32>
      %gather3A_609 = vector.shape_cast %broadcast_in_dim3A_608 : vector<16x1xi32> to vector<16xi32>
      %gather3A_610 = tpu.dynamic_gather %get3A_26[%gather3A_609] in [0] : vector<16xi32>, vector<16xi32> -> vector<16xi32>
      %ge3A_611 = arith.constant 16 : i32
      %ge3A_612 = vector.broadcast %ge3A_611 : i32 to vector<16xi32>
      %ge3A_613 = arith.cmpi sge, %get3A_601, %ge3A_612 : vector<16xi32>
      %select_n3A_614 = arith.select %ge3A_613, %gather3A_610, %gather3A_607 : vector<16xi1>, vector<16xi32>
      %lt3A_615 = arith.constant 100000 : i32
      %lt3A_616 = vector.broadcast %lt3A_615 : i32 to vector<16xi32>
      %lt3A_617 = arith.cmpi slt, %get3A_601, %lt3A_616 : vector<16xi32>
      %sub3A_618 = arith.constant 100000 : i32
      %sub3A_619 = vector.broadcast %sub3A_618 : i32 to vector<16xi32>
      %sub3A_620 = arith.subi %get3A_601, %sub3A_619 : vector<16xi32>
      %select_n3A_621 = arith.select %lt3A_617, %get3A_601, %sub3A_620 : vector<16xi1>, vector<16xi32>
      %add3A_622 = arith.constant 32 : i32
      %add3A_623 = vector.broadcast %add3A_622 : i32 to vector<16xi32>
      %add3A_624 = arith.addi %select_n3A_621, %add3A_623 : vector<16xi32>
      %lt3A_625 = arith.constant 32 : i32
      %lt3A_626 = vector.broadcast %lt3A_625 : i32 to vector<16xi32>
      %lt3A_627 = arith.cmpi slt, %get3A_601, %lt3A_626 : vector<16xi32>
      %select_n3A_628 = arith.select %lt3A_627, %select_n3A_614, %add3A_624 : vector<16xi1>, vector<16xi32>
      %add3A_629 = arith.constant 96 : i32
      %add3A_630 = arith.addi %mul3A_359, %add3A_629 : i32
      %swap3A_631 = arith.index_cast %select_n3A : i32 to index
      %swap3A_632 = arith.index_cast %add3A_630 : i32 to index
      %swap3A_633 = tpu.vector_load %arg8[%swap3A_631, %swap3A_632] {strides = array<i32>} : memref<48x512xi32, #tpu.memory_space<vmem>>, vector<1x16xi32>,
      %swap3A_634 = vector.shape_cast %swap3A_633 : vector<1x16xi32> to vector<16xi32>
      %swap3A_635 = vector.shape_cast %select_n3A_628 : vector<16xi32> to vector<1x16xi32>
      tpu.vector_store %arg8[%swap3A_631, %swap3A_632], %swap3A_635 {strides = array<i32>} : memref<48x512xi32, #tpu.memory_space<vmem>>, vector<1x16xi32>,
      %add3A_636 = arith.constant 112 : i32
      %add3A_637 = arith.addi %mul3A_359, %add3A_636 : i32
      %get3A_638 = arith.index_cast %select_n3A : i32 to index
      %get3A_639 = arith.index_cast %add3A_637 : i32 to index
      %get3A_640 = tpu.vector_load %arg6[%get3A_638, %get3A_639] {strides = array<i32>} : memref<48x512xi32, #tpu.memory_space<vmem>>, vector<1x16xi32>,
      %get3A_641 = vector.shape_cast %get3A_640 : vector<1x16xi32> to vector<16xi32>
      %and3A_642 = arith.constant 15 : i32
      %and3A_643 = vector.broadcast %and3A_642 : i32 to vector<16xi32>
      %and3A_644 = arith.andi %get3A_641, %and3A_643 : vector<16xi32>
      %broadcast_in_dim3A_645 = vector.shape_cast %and3A_644 : vector<16xi32> to vector<16x1xi32>
      %gather3A_646 = vector.shape_cast %broadcast_in_dim3A_645 : vector<16x1xi32> to vector<16xi32>
      %gather3A_647 = tpu.dynamic_gather %get3A_23[%gather3A_646] in [0] : vector<16xi32>, vector<16xi32> -> vector<16xi32>
      %broadcast_in_dim3A_648 = vector.shape_cast %and3A_644 : vector<16xi32> to vector<16x1xi32>
      %gather3A_649 = vector.shape_cast %broadcast_in_dim3A_648 : vector<16x1xi32> to vector<16xi32>
      %gather3A_650 = tpu.dynamic_gather %get3A_26[%gather3A_649] in [0] : vector<16xi32>, vector<16xi32> -> vector<16xi32>
      %ge3A_651 = arith.constant 16 : i32
      %ge3A_652 = vector.broadcast %ge3A_651 : i32 to vector<16xi32>
      %ge3A_653 = arith.cmpi sge, %get3A_641, %ge3A_652 : vector<16xi32>
      %select_n3A_654 = arith.select %ge3A_653, %gather3A_650, %gather3A_647 : vector<16xi1>, vector<16xi32>
      %lt3A_655 = arith.constant 100000 : i32
      %lt3A_656 = vector.broadcast %lt3A_655 : i32 to vector<16xi32>
      %lt3A_657 = arith.cmpi slt, %get3A_641, %lt3A_656 : vector<16xi32>
      %sub3A_658 = arith.constant 100000 : i32
      %sub3A_659 = vector.broadcast %sub3A_658 : i32 to vector<16xi32>
      %sub3A_660 = arith.subi %get3A_641, %sub3A_659 : vector<16xi32>
      %select_n3A_661 = arith.select %lt3A_657, %get3A_641, %sub3A_660 : vector<16xi1>, vector<16xi32>
      %add3A_662 = arith.constant 32 : i32
      %add3A_663 = vector.broadcast %add3A_662 : i32 to vector<16xi32>
      %add3A_664 = arith.addi %select_n3A_661, %add3A_663 : vector<16xi32>
      %lt3A_665 = arith.constant 32 : i32
      %lt3A_666 = vector.broadcast %lt3A_665 : i32 to vector<16xi32>
      %lt3A_667 = arith.cmpi slt, %get3A_641, %lt3A_666 : vector<16xi32>
      %select_n3A_668 = arith.select %lt3A_667, %select_n3A_654, %add3A_664 : vector<16xi1>, vector<16xi32>
      %add3A_669 = arith.constant 112 : i32
      %add3A_670 = arith.addi %mul3A_359, %add3A_669 : i32
      %swap3A_671 = arith.index_cast %select_n3A : i32 to index
      %swap3A_672 = arith.index_cast %add3A_670 : i32 to index
      %swap3A_673 = tpu.vector_load %arg8[%swap3A_671, %swap3A_672] {strides = array<i32>} : memref<48x512xi32, #tpu.memory_space<vmem>>, vector<1x16xi32>,
      %swap3A_674 = vector.shape_cast %swap3A_673 : vector<1x16xi32> to vector<16xi32>
      %swap3A_675 = vector.shape_cast %select_n3A_668 : vector<16xi32> to vector<1x16xi32>
      tpu.vector_store %arg8[%swap3A_671, %swap3A_672], %swap3A_675 {strides = array<i32>} : memref<48x512xi32, #tpu.memory_space<vmem>>, vector<1x16xi32>,
    }
    %scan3A_260 = arith.constant 128 : i32
    %dma_start3A_261 = arith.constant 0 : i32
    %dma_start3A_262 = arith.constant 0 : i32
    %dma_start3A_263 = tpu.memref_slice %arg8[%dma_start3A_261, %dma_start3A_262] : memref<48x512xi32, #tpu.memory_space<vmem>> -> memref<32x512xi32, #tpu.memory_space<vmem>>
    %dma_start3A_264 = arith.constant 152 : i32
    %dma_start3A_265 = tpu.memref_slice %arg4[%dma_start3A_264, %multiple_of3A] : memref<200x16384xi32, #tpu.memory_space<hbm>> -> memref<32x512xi32, #tpu.memory_space<hbm>>
    %dma_start3A_266 = arith.constant 152 : i32
    %dma_start3A_267 = tpu.memref_slice %arg4[%dma_start3A_266, %multiple_of3A] : memref<200x16384xi32, #tpu.memory_space<hbm>> -> memref<32x512xi32, #tpu.memory_space<hbm>>
    %dma_start3A_268 = arith.constant 0 : i32
    %dma_start3A_269 = arith.constant 0 : i32
    %dma_start3A_270 = tpu.memref_slice %arg8[%dma_start3A_268, %dma_start3A_269] : memref<48x512xi32, #tpu.memory_space<vmem>> -> memref<32x512xi32, #tpu.memory_space<vmem>>
    tpu.enqueue_dma source(%dma_start3A_270 : memref<32x512xi32, #tpu.memory_space<vmem>>) target(%dma_start3A_267 : memref<32x512xi32, #tpu.memory_space<hbm>>) target_semaphore(%arg13 : memref<!tpu.dma_semaphore, #tpu.memory_space<semaphore_mem>>)
    %dma_wait3A_271 = arith.constant 0 : i32
    %dma_wait3A_272 = arith.constant 0 : i32
    %dma_wait3A_273 = tpu.memref_slice %arg7[%dma_wait3A_271, %dma_wait3A_272] : memref<48x512xi32, #tpu.memory_space<vmem>> -> memref<48x512xi32, #tpu.memory_space<vmem>>
    %dma_wait3A_274 = arith.constant 104 : i32
    %dma_wait3A_275 = tpu.memref_slice %arg4[%dma_wait3A_274, %multiple_of3A] : memref<200x16384xi32, #tpu.memory_space<hbm>> -> memref<48x512xi32, #tpu.memory_space<hbm>>
    %dma_wait3A_276 = arith.constant 104 : i32
    %dma_wait3A_277 = tpu.memref_slice %arg4[%dma_wait3A_276, %multiple_of3A] : memref<200x16384xi32, #tpu.memory_space<hbm>> -> memref<48x512xi32, #tpu.memory_space<hbm>>
    %dma_wait3A_278 = arith.constant 0 : i32
    %dma_wait3A_279 = arith.constant 0 : i32
    %dma_wait3A_280 = tpu.memref_slice %arg7[%dma_wait3A_278, %dma_wait3A_279] : memref<48x512xi32, #tpu.memory_space<vmem>> -> memref<48x512xi32, #tpu.memory_space<vmem>>
    tpu.wait_dma2 semaphore(%arg12 : memref<!tpu.dma_semaphore, #tpu.memory_space<semaphore_mem>>) src(%dma_wait3A_280 : memref<48x512xi32, #tpu.memory_space<vmem>>) dst(%dma_wait3A_277 : memref<48x512xi32, #tpu.memory_space<hbm>>)
    %dma_wait3A_281 = arith.constant 0 : i32
    %dma_wait3A_282 = arith.constant 0 : i32
    %dma_wait3A_283 = tpu.memref_slice %arg5[%dma_wait3A_281, %dma_wait3A_282] : memref<48x512xi32, #tpu.memory_space<vmem>> -> memref<16x512xi32, #tpu.memory_space<vmem>>
    %dma_wait3A_284 = arith.constant 184 : i32
    %dma_wait3A_285 = tpu.memref_slice %arg2[%dma_wait3A_284, %multiple_of3A] : memref<200x16384xi32, #tpu.memory_space<hbm>> -> memref<16x512xi32, #tpu.memory_space<hbm>>
    %dma_wait3A_286 = arith.constant 0 : i32
    %dma_wait3A_287 = arith.constant 0 : i32
    %dma_wait3A_288 = tpu.memref_slice %arg5[%dma_wait3A_286, %dma_wait3A_287] : memref<48x512xi32, #tpu.memory_space<vmem>> -> memref<16x512xi32, #tpu.memory_space<vmem>>
    %dma_wait3A_289 = arith.constant 184 : i32
    %dma_wait3A_290 = tpu.memref_slice %arg2[%dma_wait3A_289, %multiple_of3A] : memref<200x16384xi32, #tpu.memory_space<hbm>> -> memref<16x512xi32, #tpu.memory_space<hbm>>
    tpu.wait_dma2 semaphore(%arg10 : memref<!tpu.dma_semaphore, #tpu.memory_space<semaphore_mem>>) src(%dma_wait3A_290 : memref<16x512xi32, #tpu.memory_space<hbm>>) dst(%dma_wait3A_288 : memref<16x512xi32, #tpu.memory_space<vmem>>)
    %scan3A_291 = arith.constant 0 : i32
    %scan3A_292 = arith.constant 0 : i32
    %scan3A_293 = arith.constant 64 : i32
    %scan3A_294 = arith.addi %scan3A_292, %scan3A_293 : i32
    %scan3A_295 = arith.constant 1 : i32
    scf.for %scan3A_327 = %scan3A_292 to %scan3A_294 step %scan3A_295  : i32 {
      %jit3A = arith.constant 4 : i32
      %div3A = arith.divsi %scan3A_327, %jit3A : i32
      %sign3A = arith.constant 0 : i32
      %sign3A_328 = arith.cmpi sgt, %scan3A_327, %sign3A : i32
      %sign3A_329 = arith.extui %sign3A_328 : i1 to i32
      %sign3A_330 = arith.constant 0 : i32
      %sign3A_331 = arith.cmpi slt, %scan3A_327, %sign3A_330 : i32
      %sign3A_332 = arith.extui %sign3A_331 : i1 to i32
      %sign3A_333 = arith.subi %sign3A_329, %sign3A_332 : i32
      %sign3A_334 = arith.constant 0 : i32
      %sign3A_335 = arith.cmpi sgt, %jit3A, %sign3A_334 : i32
      %sign3A_336 = arith.extui %sign3A_335 : i1 to i32
      %sign3A_337 = arith.constant 0 : i32
      %sign3A_338 = arith.cmpi slt, %jit3A, %sign3A_337 : i32
      %sign3A_339 = arith.extui %sign3A_338 : i1 to i32
      %sign3A_340 = arith.subi %sign3A_336, %sign3A_339 : i32
      %ne3A = arith.cmpi ne, %sign3A_333, %sign3A_340 : i32
      %rem3A = arith.remsi %scan3A_327, %jit3A : i32
      %ne3A_341 = arith.constant 0 : i32
      %ne3A_342 = arith.cmpi ne, %rem3A, %ne3A_341 : i32
      %and3A = arith.andi %ne3A, %ne3A_342 : i1
      %sub3A = arith.constant 1 : i32
      %sub3A_343 = arith.subi %div3A, %sub3A : i32
      %select_n3A = arith.select %and3A, %sub3A_343, %div3A : i32
      %jit3A_344 = arith.constant 4 : i32
      %eq3A = arith.constant 0 : i32
      %eq3A_345 = arith.cmpi eq, %jit3A_344, %eq3A : i32
      %jit3A_346 = arith.constant 1 : i32
      %select_n3A_347 = arith.select %eq3A_345, %jit3A_346, %jit3A_344 : i32
      %rem3A_348 = arith.remsi %scan3A_327, %select_n3A_347 : i32
      %ne3A_349 = arith.constant 0 : i32
      %ne3A_350 = arith.cmpi ne, %rem3A_348, %ne3A_349 : i32
      %lt3A = arith.constant 0 : i32
      %lt3A_351 = arith.cmpi slt, %rem3A_348, %lt3A : i32
      %lt3A_352 = arith.constant 0 : i32
      %lt3A_353 = arith.cmpi slt, %select_n3A_347, %lt3A_352 : i32
      %ne3A_354 = arith.xori %lt3A_351, %lt3A_353 : i1
      %and3A_355 = arith.andi %ne3A_354, %ne3A_350 : i1
      %add3A_356 = arith.addi %rem3A_348, %select_n3A_347 : i32
      %select_n3A_357 = arith.select %and3A_355, %add3A_356, %rem3A_348 : i32
      %mul3A_358 = arith.constant 128 : i32
      %mul3A_359 = arith.muli %select_n3A_357, %mul3A_358 : i32
      %add3A_360 = arith.constant 0 : i32
      %add3A_361 = arith.addi %mul3A_359, %add3A_360 : i32
      %get3A_362 = arith.index_cast %select_n3A : i32 to index
      %get3A_363 = arith.index_cast %add3A_361 : i32 to index
      %get3A_364 = tpu.vector_load %arg5[%get3A_362, %get3A_363] {strides = array<i32>} : memref<48x512xi32, #tpu.memory_space<vmem>>, vector<1x16xi32>,
      %get3A_365 = vector.shape_cast %get3A_364 : vector<1x16xi32> to vector<16xi32>
      %and3A_366 = arith.constant 15 : i32
      %and3A_367 = vector.broadcast %and3A_366 : i32 to vector<16xi32>
      %and3A_368 = arith.andi %get3A_365, %and3A_367 : vector<16xi32>
      %broadcast_in_dim3A = vector.shape_cast %and3A_368 : vector<16xi32> to vector<16x1xi32>
      %gather3A = vector.shape_cast %broadcast_in_dim3A : vector<16x1xi32> to vector<16xi32>
      %gather3A_369 = tpu.dynamic_gather %get3A_23[%gather3A] in [0] : vector<16xi32>, vector<16xi32> -> vector<16xi32>
      %broadcast_in_dim3A_370 = vector.shape_cast %and3A_368 : vector<16xi32> to vector<16x1xi32>
      %gather3A_371 = vector.shape_cast %broadcast_in_dim3A_370 : vector<16x1xi32> to vector<16xi32>
      %gather3A_372 = tpu.dynamic_gather %get3A_26[%gather3A_371] in [0] : vector<16xi32>, vector<16xi32> -> vector<16xi32>
      %ge3A = arith.constant 16 : i32
      %ge3A_373 = vector.broadcast %ge3A : i32 to vector<16xi32>
      %ge3A_374 = arith.cmpi sge, %get3A_365, %ge3A_373 : vector<16xi32>
      %select_n3A_375 = arith.select %ge3A_374, %gather3A_372, %gather3A_369 : vector<16xi1>, vector<16xi32>
      %lt3A_376 = arith.constant 100000 : i32
      %lt3A_377 = vector.broadcast %lt3A_376 : i32 to vector<16xi32>
      %lt3A_378 = arith.cmpi slt, %get3A_365, %lt3A_377 : vector<16xi32>
      %sub3A_379 = arith.constant 100000 : i32
      %sub3A_380 = vector.broadcast %sub3A_379 : i32 to vector<16xi32>
      %sub3A_381 = arith.subi %get3A_365, %sub3A_380 : vector<16xi32>
      %select_n3A_382 = arith.select %lt3A_378, %get3A_365, %sub3A_381 : vector<16xi1>, vector<16xi32>
      %add3A_383 = arith.constant 32 : i32
      %add3A_384 = vector.broadcast %add3A_383 : i32 to vector<16xi32>
      %add3A_385 = arith.addi %select_n3A_382, %add3A_384 : vector<16xi32>
      %lt3A_386 = arith.constant 32 : i32
      %lt3A_387 = vector.broadcast %lt3A_386 : i32 to vector<16xi32>
      %lt3A_388 = arith.cmpi slt, %get3A_365, %lt3A_387 : vector<16xi32>
      %select_n3A_389 = arith.select %lt3A_388, %select_n3A_375, %add3A_385 : vector<16xi1>, vector<16xi32>
      %add3A_390 = arith.constant 0 : i32
      %add3A_391 = arith.addi %mul3A_359, %add3A_390 : i32
      %swap3A = arith.index_cast %select_n3A : i32 to index
      %swap3A_392 = arith.index_cast %add3A_391 : i32 to index
      %swap3A_393 = tpu.vector_load %arg7[%swap3A, %swap3A_392] {strides = array<i32>} : memref<48x512xi32, #tpu.memory_space<vmem>>, vector<1x16xi32>,
      %swap3A_394 = vector.shape_cast %swap3A_393 : vector<1x16xi32> to vector<16xi32>
      %swap3A_395 = vector.shape_cast %select_n3A_389 : vector<16xi32> to vector<1x16xi32>
      tpu.vector_store %arg7[%swap3A, %swap3A_392], %swap3A_395 {strides = array<i32>} : memref<48x512xi32, #tpu.memory_space<vmem>>, vector<1x16xi32>,
      %add3A_396 = arith.constant 16 : i32
      %add3A_397 = arith.addi %mul3A_359, %add3A_396 : i32
      %get3A_398 = arith.index_cast %select_n3A : i32 to index
      %get3A_399 = arith.index_cast %add3A_397 : i32 to index
      %get3A_400 = tpu.vector_load %arg5[%get3A_398, %get3A_399] {strides = array<i32>} : memref<48x512xi32, #tpu.memory_space<vmem>>, vector<1x16xi32>,
      %get3A_401 = vector.shape_cast %get3A_400 : vector<1x16xi32> to vector<16xi32>
      %and3A_402 = arith.constant 15 : i32
      %and3A_403 = vector.broadcast %and3A_402 : i32 to vector<16xi32>
      %and3A_404 = arith.andi %get3A_401, %and3A_403 : vector<16xi32>
      %broadcast_in_dim3A_405 = vector.shape_cast %and3A_404 : vector<16xi32> to vector<16x1xi32>
      %gather3A_406 = vector.shape_cast %broadcast_in_dim3A_405 : vector<16x1xi32> to vector<16xi32>
      %gather3A_407 = tpu.dynamic_gather %get3A_23[%gather3A_406] in [0] : vector<16xi32>, vector<16xi32> -> vector<16xi32>
      %broadcast_in_dim3A_408 = vector.shape_cast %and3A_404 : vector<16xi32> to vector<16x1xi32>
      %gather3A_409 = vector.shape_cast %broadcast_in_dim3A_408 : vector<16x1xi32> to vector<16xi32>
      %gather3A_410 = tpu.dynamic_gather %get3A_26[%gather3A_409] in [0] : vector<16xi32>, vector<16xi32> -> vector<16xi32>
      %ge3A_411 = arith.constant 16 : i32
      %ge3A_412 = vector.broadcast %ge3A_411 : i32 to vector<16xi32>
      %ge3A_413 = arith.cmpi sge, %get3A_401, %ge3A_412 : vector<16xi32>
      %select_n3A_414 = arith.select %ge3A_413, %gather3A_410, %gather3A_407 : vector<16xi1>, vector<16xi32>
      %lt3A_415 = arith.constant 100000 : i32
      %lt3A_416 = vector.broadcast %lt3A_415 : i32 to vector<16xi32>
      %lt3A_417 = arith.cmpi slt, %get3A_401, %lt3A_416 : vector<16xi32>
      %sub3A_418 = arith.constant 100000 : i32
      %sub3A_419 = vector.broadcast %sub3A_418 : i32 to vector<16xi32>
      %sub3A_420 = arith.subi %get3A_401, %sub3A_419 : vector<16xi32>
      %select_n3A_421 = arith.select %lt3A_417, %get3A_401, %sub3A_420 : vector<16xi1>, vector<16xi32>
      %add3A_422 = arith.constant 32 : i32
      %add3A_423 = vector.broadcast %add3A_422 : i32 to vector<16xi32>
      %add3A_424 = arith.addi %select_n3A_421, %add3A_423 : vector<16xi32>
      %lt3A_425 = arith.constant 32 : i32
      %lt3A_426 = vector.broadcast %lt3A_425 : i32 to vector<16xi32>
      %lt3A_427 = arith.cmpi slt, %get3A_401, %lt3A_426 : vector<16xi32>
      %select_n3A_428 = arith.select %lt3A_427, %select_n3A_414, %add3A_424 : vector<16xi1>, vector<16xi32>
      %add3A_429 = arith.constant 16 : i32
      %add3A_430 = arith.addi %mul3A_359, %add3A_429 : i32
      %swap3A_431 = arith.index_cast %select_n3A : i32 to index
      %swap3A_432 = arith.index_cast %add3A_430 : i32 to index
      %swap3A_433 = tpu.vector_load %arg7[%swap3A_431, %swap3A_432] {strides = array<i32>} : memref<48x512xi32, #tpu.memory_space<vmem>>, vector<1x16xi32>,
      %swap3A_434 = vector.shape_cast %swap3A_433 : vector<1x16xi32> to vector<16xi32>
      %swap3A_435 = vector.shape_cast %select_n3A_428 : vector<16xi32> to vector<1x16xi32>
      tpu.vector_store %arg7[%swap3A_431, %swap3A_432], %swap3A_435 {strides = array<i32>} : memref<48x512xi32, #tpu.memory_space<vmem>>, vector<1x16xi32>,
      %add3A_436 = arith.constant 32 : i32
      %add3A_437 = arith.addi %mul3A_359, %add3A_436 : i32
      %get3A_438 = arith.index_cast %select_n3A : i32 to index
      %get3A_439 = arith.index_cast %add3A_437 : i32 to index
      %get3A_440 = tpu.vector_load %arg5[%get3A_438, %get3A_439] {strides = array<i32>} : memref<48x512xi32, #tpu.memory_space<vmem>>, vector<1x16xi32>,
      %get3A_441 = vector.shape_cast %get3A_440 : vector<1x16xi32> to vector<16xi32>
      %and3A_442 = arith.constant 15 : i32
      %and3A_443 = vector.broadcast %and3A_442 : i32 to vector<16xi32>
      %and3A_444 = arith.andi %get3A_441, %and3A_443 : vector<16xi32>
      %broadcast_in_dim3A_445 = vector.shape_cast %and3A_444 : vector<16xi32> to vector<16x1xi32>
      %gather3A_446 = vector.shape_cast %broadcast_in_dim3A_445 : vector<16x1xi32> to vector<16xi32>
      %gather3A_447 = tpu.dynamic_gather %get3A_23[%gather3A_446] in [0] : vector<16xi32>, vector<16xi32> -> vector<16xi32>
      %broadcast_in_dim3A_448 = vector.shape_cast %and3A_444 : vector<16xi32> to vector<16x1xi32>
      %gather3A_449 = vector.shape_cast %broadcast_in_dim3A_448 : vector<16x1xi32> to vector<16xi32>
      %gather3A_450 = tpu.dynamic_gather %get3A_26[%gather3A_449] in [0] : vector<16xi32>, vector<16xi32> -> vector<16xi32>
      %ge3A_451 = arith.constant 16 : i32
      %ge3A_452 = vector.broadcast %ge3A_451 : i32 to vector<16xi32>
      %ge3A_453 = arith.cmpi sge, %get3A_441, %ge3A_452 : vector<16xi32>
      %select_n3A_454 = arith.select %ge3A_453, %gather3A_450, %gather3A_447 : vector<16xi1>, vector<16xi32>
      %lt3A_455 = arith.constant 100000 : i32
      %lt3A_456 = vector.broadcast %lt3A_455 : i32 to vector<16xi32>
      %lt3A_457 = arith.cmpi slt, %get3A_441, %lt3A_456 : vector<16xi32>
      %sub3A_458 = arith.constant 100000 : i32
      %sub3A_459 = vector.broadcast %sub3A_458 : i32 to vector<16xi32>
      %sub3A_460 = arith.subi %get3A_441, %sub3A_459 : vector<16xi32>
      %select_n3A_461 = arith.select %lt3A_457, %get3A_441, %sub3A_460 : vector<16xi1>, vector<16xi32>
      %add3A_462 = arith.constant 32 : i32
      %add3A_463 = vector.broadcast %add3A_462 : i32 to vector<16xi32>
      %add3A_464 = arith.addi %select_n3A_461, %add3A_463 : vector<16xi32>
      %lt3A_465 = arith.constant 32 : i32
      %lt3A_466 = vector.broadcast %lt3A_465 : i32 to vector<16xi32>
      %lt3A_467 = arith.cmpi slt, %get3A_441, %lt3A_466 : vector<16xi32>
      %select_n3A_468 = arith.select %lt3A_467, %select_n3A_454, %add3A_464 : vector<16xi1>, vector<16xi32>
      %add3A_469 = arith.constant 32 : i32
      %add3A_470 = arith.addi %mul3A_359, %add3A_469 : i32
      %swap3A_471 = arith.index_cast %select_n3A : i32 to index
      %swap3A_472 = arith.index_cast %add3A_470 : i32 to index
      %swap3A_473 = tpu.vector_load %arg7[%swap3A_471, %swap3A_472] {strides = array<i32>} : memref<48x512xi32, #tpu.memory_space<vmem>>, vector<1x16xi32>,
      %swap3A_474 = vector.shape_cast %swap3A_473 : vector<1x16xi32> to vector<16xi32>
      %swap3A_475 = vector.shape_cast %select_n3A_468 : vector<16xi32> to vector<1x16xi32>
      tpu.vector_store %arg7[%swap3A_471, %swap3A_472], %swap3A_475 {strides = array<i32>} : memref<48x512xi32, #tpu.memory_space<vmem>>, vector<1x16xi32>,
      %add3A_476 = arith.constant 48 : i32
      %add3A_477 = arith.addi %mul3A_359, %add3A_476 : i32
      %get3A_478 = arith.index_cast %select_n3A : i32 to index
      %get3A_479 = arith.index_cast %add3A_477 : i32 to index
      %get3A_480 = tpu.vector_load %arg5[%get3A_478, %get3A_479] {strides = array<i32>} : memref<48x512xi32, #tpu.memory_space<vmem>>, vector<1x16xi32>,
      %get3A_481 = vector.shape_cast %get3A_480 : vector<1x16xi32> to vector<16xi32>
      %and3A_482 = arith.constant 15 : i32
      %and3A_483 = vector.broadcast %and3A_482 : i32 to vector<16xi32>
      %and3A_484 = arith.andi %get3A_481, %and3A_483 : vector<16xi32>
      %broadcast_in_dim3A_485 = vector.shape_cast %and3A_484 : vector<16xi32> to vector<16x1xi32>
      %gather3A_486 = vector.shape_cast %broadcast_in_dim3A_485 : vector<16x1xi32> to vector<16xi32>
      %gather3A_487 = tpu.dynamic_gather %get3A_23[%gather3A_486] in [0] : vector<16xi32>, vector<16xi32> -> vector<16xi32>
      %broadcast_in_dim3A_488 = vector.shape_cast %and3A_484 : vector<16xi32> to vector<16x1xi32>
      %gather3A_489 = vector.shape_cast %broadcast_in_dim3A_488 : vector<16x1xi32> to vector<16xi32>
      %gather3A_490 = tpu.dynamic_gather %get3A_26[%gather3A_489] in [0] : vector<16xi32>, vector<16xi32> -> vector<16xi32>
      %ge3A_491 = arith.constant 16 : i32
      %ge3A_492 = vector.broadcast %ge3A_491 : i32 to vector<16xi32>
      %ge3A_493 = arith.cmpi sge, %get3A_481, %ge3A_492 : vector<16xi32>
      %select_n3A_494 = arith.select %ge3A_493, %gather3A_490, %gather3A_487 : vector<16xi1>, vector<16xi32>
      %lt3A_495 = arith.constant 100000 : i32
      %lt3A_496 = vector.broadcast %lt3A_495 : i32 to vector<16xi32>
      %lt3A_497 = arith.cmpi slt, %get3A_481, %lt3A_496 : vector<16xi32>
      %sub3A_498 = arith.constant 100000 : i32
      %sub3A_499 = vector.broadcast %sub3A_498 : i32 to vector<16xi32>
      %sub3A_500 = arith.subi %get3A_481, %sub3A_499 : vector<16xi32>
      %select_n3A_501 = arith.select %lt3A_497, %get3A_481, %sub3A_500 : vector<16xi1>, vector<16xi32>
      %add3A_502 = arith.constant 32 : i32
      %add3A_503 = vector.broadcast %add3A_502 : i32 to vector<16xi32>
      %add3A_504 = arith.addi %select_n3A_501, %add3A_503 : vector<16xi32>
      %lt3A_505 = arith.constant 32 : i32
      %lt3A_506 = vector.broadcast %lt3A_505 : i32 to vector<16xi32>
      %lt3A_507 = arith.cmpi slt, %get3A_481, %lt3A_506 : vector<16xi32>
      %select_n3A_508 = arith.select %lt3A_507, %select_n3A_494, %add3A_504 : vector<16xi1>, vector<16xi32>
      %add3A_509 = arith.constant 48 : i32
      %add3A_510 = arith.addi %mul3A_359, %add3A_509 : i32
      %swap3A_511 = arith.index_cast %select_n3A : i32 to index
      %swap3A_512 = arith.index_cast %add3A_510 : i32 to index
      %swap3A_513 = tpu.vector_load %arg7[%swap3A_511, %swap3A_512] {strides = array<i32>} : memref<48x512xi32, #tpu.memory_space<vmem>>, vector<1x16xi32>,
      %swap3A_514 = vector.shape_cast %swap3A_513 : vector<1x16xi32> to vector<16xi32>
      %swap3A_515 = vector.shape_cast %select_n3A_508 : vector<16xi32> to vector<1x16xi32>
      tpu.vector_store %arg7[%swap3A_511, %swap3A_512], %swap3A_515 {strides = array<i32>} : memref<48x512xi32, #tpu.memory_space<vmem>>, vector<1x16xi32>,
      %add3A_516 = arith.constant 64 : i32
      %add3A_517 = arith.addi %mul3A_359, %add3A_516 : i32
      %get3A_518 = arith.index_cast %select_n3A : i32 to index
      %get3A_519 = arith.index_cast %add3A_517 : i32 to index
      %get3A_520 = tpu.vector_load %arg5[%get3A_518, %get3A_519] {strides = array<i32>} : memref<48x512xi32, #tpu.memory_space<vmem>>, vector<1x16xi32>,
      %get3A_521 = vector.shape_cast %get3A_520 : vector<1x16xi32> to vector<16xi32>
      %and3A_522 = arith.constant 15 : i32
      %and3A_523 = vector.broadcast %and3A_522 : i32 to vector<16xi32>
      %and3A_524 = arith.andi %get3A_521, %and3A_523 : vector<16xi32>
      %broadcast_in_dim3A_525 = vector.shape_cast %and3A_524 : vector<16xi32> to vector<16x1xi32>
      %gather3A_526 = vector.shape_cast %broadcast_in_dim3A_525 : vector<16x1xi32> to vector<16xi32>
      %gather3A_527 = tpu.dynamic_gather %get3A_23[%gather3A_526] in [0] : vector<16xi32>, vector<16xi32> -> vector<16xi32>
      %broadcast_in_dim3A_528 = vector.shape_cast %and3A_524 : vector<16xi32> to vector<16x1xi32>
      %gather3A_529 = vector.shape_cast %broadcast_in_dim3A_528 : vector<16x1xi32> to vector<16xi32>
      %gather3A_530 = tpu.dynamic_gather %get3A_26[%gather3A_529] in [0] : vector<16xi32>, vector<16xi32> -> vector<16xi32>
      %ge3A_531 = arith.constant 16 : i32
      %ge3A_532 = vector.broadcast %ge3A_531 : i32 to vector<16xi32>
      %ge3A_533 = arith.cmpi sge, %get3A_521, %ge3A_532 : vector<16xi32>
      %select_n3A_534 = arith.select %ge3A_533, %gather3A_530, %gather3A_527 : vector<16xi1>, vector<16xi32>
      %lt3A_535 = arith.constant 100000 : i32
      %lt3A_536 = vector.broadcast %lt3A_535 : i32 to vector<16xi32>
      %lt3A_537 = arith.cmpi slt, %get3A_521, %lt3A_536 : vector<16xi32>
      %sub3A_538 = arith.constant 100000 : i32
      %sub3A_539 = vector.broadcast %sub3A_538 : i32 to vector<16xi32>
      %sub3A_540 = arith.subi %get3A_521, %sub3A_539 : vector<16xi32>
      %select_n3A_541 = arith.select %lt3A_537, %get3A_521, %sub3A_540 : vector<16xi1>, vector<16xi32>
      %add3A_542 = arith.constant 32 : i32
      %add3A_543 = vector.broadcast %add3A_542 : i32 to vector<16xi32>
      %add3A_544 = arith.addi %select_n3A_541, %add3A_543 : vector<16xi32>
      %lt3A_545 = arith.constant 32 : i32
      %lt3A_546 = vector.broadcast %lt3A_545 : i32 to vector<16xi32>
      %lt3A_547 = arith.cmpi slt, %get3A_521, %lt3A_546 : vector<16xi32>
      %select_n3A_548 = arith.select %lt3A_547, %select_n3A_534, %add3A_544 : vector<16xi1>, vector<16xi32>
      %add3A_549 = arith.constant 64 : i32
      %add3A_550 = arith.addi %mul3A_359, %add3A_549 : i32
      %swap3A_551 = arith.index_cast %select_n3A : i32 to index
      %swap3A_552 = arith.index_cast %add3A_550 : i32 to index
      %swap3A_553 = tpu.vector_load %arg7[%swap3A_551, %swap3A_552] {strides = array<i32>} : memref<48x512xi32, #tpu.memory_space<vmem>>, vector<1x16xi32>,
      %swap3A_554 = vector.shape_cast %swap3A_553 : vector<1x16xi32> to vector<16xi32>
      %swap3A_555 = vector.shape_cast %select_n3A_548 : vector<16xi32> to vector<1x16xi32>
      tpu.vector_store %arg7[%swap3A_551, %swap3A_552], %swap3A_555 {strides = array<i32>} : memref<48x512xi32, #tpu.memory_space<vmem>>, vector<1x16xi32>,
      %add3A_556 = arith.constant 80 : i32
      %add3A_557 = arith.addi %mul3A_359, %add3A_556 : i32
      %get3A_558 = arith.index_cast %select_n3A : i32 to index
      %get3A_559 = arith.index_cast %add3A_557 : i32 to index
      %get3A_560 = tpu.vector_load %arg5[%get3A_558, %get3A_559] {strides = array<i32>} : memref<48x512xi32, #tpu.memory_space<vmem>>, vector<1x16xi32>,
      %get3A_561 = vector.shape_cast %get3A_560 : vector<1x16xi32> to vector<16xi32>
      %and3A_562 = arith.constant 15 : i32
      %and3A_563 = vector.broadcast %and3A_562 : i32 to vector<16xi32>
      %and3A_564 = arith.andi %get3A_561, %and3A_563 : vector<16xi32>
      %broadcast_in_dim3A_565 = vector.shape_cast %and3A_564 : vector<16xi32> to vector<16x1xi32>
      %gather3A_566 = vector.shape_cast %broadcast_in_dim3A_565 : vector<16x1xi32> to vector<16xi32>
      %gather3A_567 = tpu.dynamic_gather %get3A_23[%gather3A_566] in [0] : vector<16xi32>, vector<16xi32> -> vector<16xi32>
      %broadcast_in_dim3A_568 = vector.shape_cast %and3A_564 : vector<16xi32> to vector<16x1xi32>
      %gather3A_569 = vector.shape_cast %broadcast_in_dim3A_568 : vector<16x1xi32> to vector<16xi32>
      %gather3A_570 = tpu.dynamic_gather %get3A_26[%gather3A_569] in [0] : vector<16xi32>, vector<16xi32> -> vector<16xi32>
      %ge3A_571 = arith.constant 16 : i32
      %ge3A_572 = vector.broadcast %ge3A_571 : i32 to vector<16xi32>
      %ge3A_573 = arith.cmpi sge, %get3A_561, %ge3A_572 : vector<16xi32>
      %select_n3A_574 = arith.select %ge3A_573, %gather3A_570, %gather3A_567 : vector<16xi1>, vector<16xi32>
      %lt3A_575 = arith.constant 100000 : i32
      %lt3A_576 = vector.broadcast %lt3A_575 : i32 to vector<16xi32>
      %lt3A_577 = arith.cmpi slt, %get3A_561, %lt3A_576 : vector<16xi32>
      %sub3A_578 = arith.constant 100000 : i32
      %sub3A_579 = vector.broadcast %sub3A_578 : i32 to vector<16xi32>
      %sub3A_580 = arith.subi %get3A_561, %sub3A_579 : vector<16xi32>
      %select_n3A_581 = arith.select %lt3A_577, %get3A_561, %sub3A_580 : vector<16xi1>, vector<16xi32>
      %add3A_582 = arith.constant 32 : i32
      %add3A_583 = vector.broadcast %add3A_582 : i32 to vector<16xi32>
      %add3A_584 = arith.addi %select_n3A_581, %add3A_583 : vector<16xi32>
      %lt3A_585 = arith.constant 32 : i32
      %lt3A_586 = vector.broadcast %lt3A_585 : i32 to vector<16xi32>
      %lt3A_587 = arith.cmpi slt, %get3A_561, %lt3A_586 : vector<16xi32>
      %select_n3A_588 = arith.select %lt3A_587, %select_n3A_574, %add3A_584 : vector<16xi1>, vector<16xi32>
      %add3A_589 = arith.constant 80 : i32
      %add3A_590 = arith.addi %mul3A_359, %add3A_589 : i32
      %swap3A_591 = arith.index_cast %select_n3A : i32 to index
      %swap3A_592 = arith.index_cast %add3A_590 : i32 to index
      %swap3A_593 = tpu.vector_load %arg7[%swap3A_591, %swap3A_592] {strides = array<i32>} : memref<48x512xi32, #tpu.memory_space<vmem>>, vector<1x16xi32>,
      %swap3A_594 = vector.shape_cast %swap3A_593 : vector<1x16xi32> to vector<16xi32>
      %swap3A_595 = vector.shape_cast %select_n3A_588 : vector<16xi32> to vector<1x16xi32>
      tpu.vector_store %arg7[%swap3A_591, %swap3A_592], %swap3A_595 {strides = array<i32>} : memref<48x512xi32, #tpu.memory_space<vmem>>, vector<1x16xi32>,
      %add3A_596 = arith.constant 96 : i32
      %add3A_597 = arith.addi %mul3A_359, %add3A_596 : i32
      %get3A_598 = arith.index_cast %select_n3A : i32 to index
      %get3A_599 = arith.index_cast %add3A_597 : i32 to index
      %get3A_600 = tpu.vector_load %arg5[%get3A_598, %get3A_599] {strides = array<i32>} : memref<48x512xi32, #tpu.memory_space<vmem>>, vector<1x16xi32>,
      %get3A_601 = vector.shape_cast %get3A_600 : vector<1x16xi32> to vector<16xi32>
      %and3A_602 = arith.constant 15 : i32
      %and3A_603 = vector.broadcast %and3A_602 : i32 to vector<16xi32>
      %and3A_604 = arith.andi %get3A_601, %and3A_603 : vector<16xi32>
      %broadcast_in_dim3A_605 = vector.shape_cast %and3A_604 : vector<16xi32> to vector<16x1xi32>
      %gather3A_606 = vector.shape_cast %broadcast_in_dim3A_605 : vector<16x1xi32> to vector<16xi32>
      %gather3A_607 = tpu.dynamic_gather %get3A_23[%gather3A_606] in [0] : vector<16xi32>, vector<16xi32> -> vector<16xi32>
      %broadcast_in_dim3A_608 = vector.shape_cast %and3A_604 : vector<16xi32> to vector<16x1xi32>
      %gather3A_609 = vector.shape_cast %broadcast_in_dim3A_608 : vector<16x1xi32> to vector<16xi32>
      %gather3A_610 = tpu.dynamic_gather %get3A_26[%gather3A_609] in [0] : vector<16xi32>, vector<16xi32> -> vector<16xi32>
      %ge3A_611 = arith.constant 16 : i32
      %ge3A_612 = vector.broadcast %ge3A_611 : i32 to vector<16xi32>
      %ge3A_613 = arith.cmpi sge, %get3A_601, %ge3A_612 : vector<16xi32>
      %select_n3A_614 = arith.select %ge3A_613, %gather3A_610, %gather3A_607 : vector<16xi1>, vector<16xi32>
      %lt3A_615 = arith.constant 100000 : i32
      %lt3A_616 = vector.broadcast %lt3A_615 : i32 to vector<16xi32>
      %lt3A_617 = arith.cmpi slt, %get3A_601, %lt3A_616 : vector<16xi32>
      %sub3A_618 = arith.constant 100000 : i32
      %sub3A_619 = vector.broadcast %sub3A_618 : i32 to vector<16xi32>
      %sub3A_620 = arith.subi %get3A_601, %sub3A_619 : vector<16xi32>
      %select_n3A_621 = arith.select %lt3A_617, %get3A_601, %sub3A_620 : vector<16xi1>, vector<16xi32>
      %add3A_622 = arith.constant 32 : i32
      %add3A_623 = vector.broadcast %add3A_622 : i32 to vector<16xi32>
      %add3A_624 = arith.addi %select_n3A_621, %add3A_623 : vector<16xi32>
      %lt3A_625 = arith.constant 32 : i32
      %lt3A_626 = vector.broadcast %lt3A_625 : i32 to vector<16xi32>
      %lt3A_627 = arith.cmpi slt, %get3A_601, %lt3A_626 : vector<16xi32>
      %select_n3A_628 = arith.select %lt3A_627, %select_n3A_614, %add3A_624 : vector<16xi1>, vector<16xi32>
      %add3A_629 = arith.constant 96 : i32
      %add3A_630 = arith.addi %mul3A_359, %add3A_629 : i32
      %swap3A_631 = arith.index_cast %select_n3A : i32 to index
      %swap3A_632 = arith.index_cast %add3A_630 : i32 to index
      %swap3A_633 = tpu.vector_load %arg7[%swap3A_631, %swap3A_632] {strides = array<i32>} : memref<48x512xi32, #tpu.memory_space<vmem>>, vector<1x16xi32>,
      %swap3A_634 = vector.shape_cast %swap3A_633 : vector<1x16xi32> to vector<16xi32>
      %swap3A_635 = vector.shape_cast %select_n3A_628 : vector<16xi32> to vector<1x16xi32>
      tpu.vector_store %arg7[%swap3A_631, %swap3A_632], %swap3A_635 {strides = array<i32>} : memref<48x512xi32, #tpu.memory_space<vmem>>, vector<1x16xi32>,
      %add3A_636 = arith.constant 112 : i32
      %add3A_637 = arith.addi %mul3A_359, %add3A_636 : i32
      %get3A_638 = arith.index_cast %select_n3A : i32 to index
      %get3A_639 = arith.index_cast %add3A_637 : i32 to index
      %get3A_640 = tpu.vector_load %arg5[%get3A_638, %get3A_639] {strides = array<i32>} : memref<48x512xi32, #tpu.memory_space<vmem>>, vector<1x16xi32>,
      %get3A_641 = vector.shape_cast %get3A_640 : vector<1x16xi32> to vector<16xi32>
      %and3A_642 = arith.constant 15 : i32
      %and3A_643 = vector.broadcast %and3A_642 : i32 to vector<16xi32>
      %and3A_644 = arith.andi %get3A_641, %and3A_643 : vector<16xi32>
      %broadcast_in_dim3A_645 = vector.shape_cast %and3A_644 : vector<16xi32> to vector<16x1xi32>
      %gather3A_646 = vector.shape_cast %broadcast_in_dim3A_645 : vector<16x1xi32> to vector<16xi32>
      %gather3A_647 = tpu.dynamic_gather %get3A_23[%gather3A_646] in [0] : vector<16xi32>, vector<16xi32> -> vector<16xi32>
      %broadcast_in_dim3A_648 = vector.shape_cast %and3A_644 : vector<16xi32> to vector<16x1xi32>
      %gather3A_649 = vector.shape_cast %broadcast_in_dim3A_648 : vector<16x1xi32> to vector<16xi32>
      %gather3A_650 = tpu.dynamic_gather %get3A_26[%gather3A_649] in [0] : vector<16xi32>, vector<16xi32> -> vector<16xi32>
      %ge3A_651 = arith.constant 16 : i32
      %ge3A_652 = vector.broadcast %ge3A_651 : i32 to vector<16xi32>
      %ge3A_653 = arith.cmpi sge, %get3A_641, %ge3A_652 : vector<16xi32>
      %select_n3A_654 = arith.select %ge3A_653, %gather3A_650, %gather3A_647 : vector<16xi1>, vector<16xi32>
      %lt3A_655 = arith.constant 100000 : i32
      %lt3A_656 = vector.broadcast %lt3A_655 : i32 to vector<16xi32>
      %lt3A_657 = arith.cmpi slt, %get3A_641, %lt3A_656 : vector<16xi32>
      %sub3A_658 = arith.constant 100000 : i32
      %sub3A_659 = vector.broadcast %sub3A_658 : i32 to vector<16xi32>
      %sub3A_660 = arith.subi %get3A_641, %sub3A_659 : vector<16xi32>
      %select_n3A_661 = arith.select %lt3A_657, %get3A_641, %sub3A_660 : vector<16xi1>, vector<16xi32>
      %add3A_662 = arith.constant 32 : i32
      %add3A_663 = vector.broadcast %add3A_662 : i32 to vector<16xi32>
      %add3A_664 = arith.addi %select_n3A_661, %add3A_663 : vector<16xi32>
      %lt3A_665 = arith.constant 32 : i32
      %lt3A_666 = vector.broadcast %lt3A_665 : i32 to vector<16xi32>
      %lt3A_667 = arith.cmpi slt, %get3A_641, %lt3A_666 : vector<16xi32>
      %select_n3A_668 = arith.select %lt3A_667, %select_n3A_654, %add3A_664 : vector<16xi1>, vector<16xi32>
      %add3A_669 = arith.constant 112 : i32
      %add3A_670 = arith.addi %mul3A_359, %add3A_669 : i32
      %swap3A_671 = arith.index_cast %select_n3A : i32 to index
      %swap3A_672 = arith.index_cast %add3A_670 : i32 to index
      %swap3A_673 = tpu.vector_load %arg7[%swap3A_671, %swap3A_672] {strides = array<i32>} : memref<48x512xi32, #tpu.memory_space<vmem>>, vector<1x16xi32>,
      %swap3A_674 = vector.shape_cast %swap3A_673 : vector<1x16xi32> to vector<16xi32>
      %swap3A_675 = vector.shape_cast %select_n3A_668 : vector<16xi32> to vector<1x16xi32>
      tpu.vector_store %arg7[%swap3A_671, %swap3A_672], %swap3A_675 {strides = array<i32>} : memref<48x512xi32, #tpu.memory_space<vmem>>, vector<1x16xi32>,
    }
    %scan3A_296 = arith.constant 64 : i32
    %dma_start3A_297 = arith.constant 0 : i32
    %dma_start3A_298 = arith.constant 0 : i32
    %dma_start3A_299 = tpu.memref_slice %arg7[%dma_start3A_297, %dma_start3A_298] : memref<48x512xi32, #tpu.memory_space<vmem>> -> memref<16x512xi32, #tpu.memory_space<vmem>>
    %dma_start3A_300 = arith.constant 184 : i32
    %dma_start3A_301 = tpu.memref_slice %arg4[%dma_start3A_300, %multiple_of3A] : memref<200x16384xi32, #tpu.memory_space<hbm>> -> memref<16x512xi32, #tpu.memory_space<hbm>>
    %dma_start3A_302 = arith.constant 184 : i32
    %dma_start3A_303 = tpu.memref_slice %arg4[%dma_start3A_302, %multiple_of3A] : memref<200x16384xi32, #tpu.memory_space<hbm>> -> memref<16x512xi32, #tpu.memory_space<hbm>>
    %dma_start3A_304 = arith.constant 0 : i32
    %dma_start3A_305 = arith.constant 0 : i32
    %dma_start3A_306 = tpu.memref_slice %arg7[%dma_start3A_304, %dma_start3A_305] : memref<48x512xi32, #tpu.memory_space<vmem>> -> memref<16x512xi32, #tpu.memory_space<vmem>>
    tpu.enqueue_dma source(%dma_start3A_306 : memref<16x512xi32, #tpu.memory_space<vmem>>) target(%dma_start3A_303 : memref<16x512xi32, #tpu.memory_space<hbm>>) target_semaphore(%arg12 : memref<!tpu.dma_semaphore, #tpu.memory_space<semaphore_mem>>)
    %dma_wait3A_307 = arith.constant 0 : i32
    %dma_wait3A_308 = arith.constant 0 : i32
    %dma_wait3A_309 = tpu.memref_slice %arg8[%dma_wait3A_307, %dma_wait3A_308] : memref<48x512xi32, #tpu.memory_space<vmem>> -> memref<32x512xi32, #tpu.memory_space<vmem>>
    %dma_wait3A_310 = arith.constant 152 : i32
    %dma_wait3A_311 = tpu.memref_slice %arg4[%dma_wait3A_310, %multiple_of3A] : memref<200x16384xi32, #tpu.memory_space<hbm>> -> memref<32x512xi32, #tpu.memory_space<hbm>>
    %dma_wait3A_312 = arith.constant 152 : i32
    %dma_wait3A_313 = tpu.memref_slice %arg4[%dma_wait3A_312, %multiple_of3A] : memref<200x16384xi32, #tpu.memory_space<hbm>> -> memref<32x512xi32, #tpu.memory_space<hbm>>
    %dma_wait3A_314 = arith.constant 0 : i32
    %dma_wait3A_315 = arith.constant 0 : i32
    %dma_wait3A_316 = tpu.memref_slice %arg8[%dma_wait3A_314, %dma_wait3A_315] : memref<48x512xi32, #tpu.memory_space<vmem>> -> memref<32x512xi32, #tpu.memory_space<vmem>>
    tpu.wait_dma2 semaphore(%arg13 : memref<!tpu.dma_semaphore, #tpu.memory_space<semaphore_mem>>) src(%dma_wait3A_316 : memref<32x512xi32, #tpu.memory_space<vmem>>) dst(%dma_wait3A_313 : memref<32x512xi32, #tpu.memory_space<hbm>>)
    %dma_wait3A_317 = arith.constant 0 : i32
    %dma_wait3A_318 = arith.constant 0 : i32
    %dma_wait3A_319 = tpu.memref_slice %arg7[%dma_wait3A_317, %dma_wait3A_318] : memref<48x512xi32, #tpu.memory_space<vmem>> -> memref<16x512xi32, #tpu.memory_space<vmem>>
    %dma_wait3A_320 = arith.constant 184 : i32
    %dma_wait3A_321 = tpu.memref_slice %arg4[%dma_wait3A_320, %multiple_of3A] : memref<200x16384xi32, #tpu.memory_space<hbm>> -> memref<16x512xi32, #tpu.memory_space<hbm>>
    %dma_wait3A_322 = arith.constant 184 : i32
    %dma_wait3A_323 = tpu.memref_slice %arg4[%dma_wait3A_322, %multiple_of3A] : memref<200x16384xi32, #tpu.memory_space<hbm>> -> memref<16x512xi32, #tpu.memory_space<hbm>>
    %dma_wait3A_324 = arith.constant 0 : i32
    %dma_wait3A_325 = arith.constant 0 : i32
    %dma_wait3A_326 = tpu.memref_slice %arg7[%dma_wait3A_324, %dma_wait3A_325] : memref<48x512xi32, #tpu.memory_space<vmem>> -> memref<16x512xi32, #tpu.memory_space<vmem>>
    tpu.wait_dma2 semaphore(%arg12 : memref<!tpu.dma_semaphore, #tpu.memory_space<semaphore_mem>>) src(%dma_wait3A_326 : memref<16x512xi32, #tpu.memory_space<vmem>>) dst(%dma_wait3A_323 : memref<16x512xi32, #tpu.memory_space<hbm>>)
    return
  }
}

</mosaic_0001>

<sc_bundles>
// kernel: kernel.3.cloned.1.call-start
scs
__scs_entry_jumppad:
0x0: {  	(pc) =	sbr.rel $0x88, $3  }
0x1: {  	(tag) =	ssettag $0x0;
	lr =	simm.s32 $0x1  }
0x2: {  	[smem:$0x3F9F] =	sst lr;
	_ =	strace $0xD0000000  }
0x3: {  	_ = 	snop  }
0x4: {  	_ = 	snop  }
0x5: {  	_ = 	snop  }
0x6: {  	_ = 	snop  }
0x7: {  	_ = 	snop  }
__scs_overlays_trampoline_lowered:
0x8: {  	[smem:$0x3FAE] =	sst s0  }
0x9: {  	[smem:$0x3FAF] =	sst s1  }
0xa: {  	[smem:$0x3FB0] =	sst s2  }
0xb: {  	[smem:$0x3FB1] =	sst s3  }
0xc: {  	[smem:$0x3FB2] =	sst s4  }
0xd: {  	[smem:$0x3FB3] =	sst s5  }
0xe: {  	[smem:$0x3FB4] =	sst s6  }
0xf: {  	[smem:$0x3FB5] =	sst s7  }
0x10: {  	[smem:$0x3FB6] =	sst s8  }
0x11: {  	[smem:$0x3FB7] =	sst s9;
	s0 =	simm.s32 @!p0 $0x0  }
0x12: {  	s1 =	sld [smem:$0x3F9D];
	s0 =	simm.s32 @p0 $0x1  }
0x13: {  	[smem:$0x3FB8] =	sst s0;
	s0 =	simm.s32 @!p1 $0x0  }
0x14: {  	s2 =	sld [smem:$0x3F9C];
	s0 =	simm.s32 @p1 $0x1  }
0x15: {  	[smem:$0x3FB9] =	sst s0;
	s0 =	simm.s32 @!p2 $0x0  }
0x16: {  	s3 =	sld [smem:$0x3FDB];
	s0 =	simm.s32 @p2 $0x1  }
0x17: {  	s4 =	simm.s32 $0x1BF5;
	[smem:$0x3FBB] =	sst s0  }
0x18: {  	s0 =	sld [smem:$0x3F9E];
	_ =	swait.ge [sflag:s4], $0x0  }
0x19: {  	s7 =	sld [smem:$0x3F9F]  }
0x1a: {  	s8 =	sadd.s32 $0xFFFFE003, lr  }
0x1b: {  	s9 =	sadd.s32 $0xFFFFFEF7, lr;
	s5 =	simm.s32 $0xFFFFFFFF;
	p2 =	slt.u32 s8, $0xFFFFF086  }
0x1c: {  	p1 =	slt.u32 s9, $0xF7A;
	s5 =	simm.s32 @!p2 $0x0  }
0x1d: {  	s5 =	simm.s32 @p1 $0x1;
	p0 =	seq.s32 s7, s2  }
0x1e: {  	s7 =	smul.u32 @!p0 $0xF7A, s2;
	p2 =	seq.s32 @!p0 s5, $0x0  }
0x1f: {  	s9 =	smul.u32 $0xF7A, s1;
	s8 =	simm.s32 @!p0 $0x1BF5;
	p2 =	por !p2, p0  }
0x20: {  	[sflag:s8] =	ssyncset.s32 @!p0 $0xFFFFF086;
	s6 =	sadd.s32 @!p0 s3, s7;
	s7 =	simm.s32 @!p0 $0x108  }
0x21: {  	s3 =	sadd.s32 s3, s9;
	s6 =	sadd.s32 @!p0 $0x88, s6;
	s7 =	simm.s32 @p2 $0x1082  }
0x22: {  	[simem:s7], [sflag:s8] =	dma.local @!p0 [hbm:s6], $0xF7A  }
0x23: {  	s9 =	sor.u32 $0xD0000000, s2;
	s6 =	simm.s32 $0x108;
	_ =	swait.ge @!p0 [sflag:s8], $0x0  }
0x24: {  	s3 =	sadd.s32 $0x88, s3;
	s6 =	simm.s32 @!p1 $0x1082;
	[sflag:s4] =	ssyncset.s32 $0xFFFFF086  }
0x25: {  	[simem:s6], [sflag:s4] =	dma.local [hbm:s3], $0xF7A  }
0x26: {  	[smem:$0x3F9F] =	sst s1;
	(tag) =	ssettag s2;
	_ =	strace s9  }
0x27: {  	s1 =	sld [smem:$0x3FAF]  }
0x28: {  	s2 =	sld [smem:$0x3FB0]  }
0x29: {  	s4 =	sld [smem:$0x3FB2]  }
0x2a: {  	p0 =	seq.s32 s5, $0x0;
	s5 =	sld [smem:$0x3FB3]  }
0x2b: {  	s6 =	sld [smem:$0x3FB4]  }
0x2c: {  	s7 =	sld [smem:$0x3FB5]  }
0x2d: {  	s3 =	simm.s32 $0x108;
	s8 =	sld [smem:$0x3FB6]  }
0x2e: {  	s3 =	simm.s32 @!p0 $0x1082;
	s9 =	sld [smem:$0x3FB7]  }
0x2f: {  	lr =	sadd.s32 s0, s3;
	s0 =	sld [smem:$0x3FAE]  }
0x30: {  	s3 =	sld [smem:$0x3FB1]  }
0x31: {  	[smem:$0x3FBA] =	sst s10  }
0x32: {  	s10 =	sld [smem:$0x3FB8];
	_ =	sdelay $0x3  }
0x33: {  	p0 =	seq.s32 s10, $0x1;
	s10 =	sld [smem:$0x3FBA];
	_ =	sdelay $0x3  }
0x34: {  	[smem:$0x3FBA] =	sst s10  }
0x35: {  	s10 =	sld [smem:$0x3FB9];
	_ =	sdelay $0x3  }
0x36: {  	p1 =	seq.s32 s10, $0x1;
	s10 =	sld [smem:$0x3FBA];
	_ =	sdelay $0x3  }
0x37: {  	[smem:$0x3FBA] =	sst s10  }
0x38: {  	s10 =	sld [smem:$0x3FBB]  }
0x39: {  	_ = 	snop;
	(pc) =	sbr.ind lr, $3  }
0x3a: {  	_ = 	snop  }
0x3b: {  	_ = 	snop  }
0x3c: {  	p2 =	seq.s32 s10, $0x1;
	s10 =	sld [smem:$0x3FBA]  }
0x3d: {  	_ =	shalt  }
0x3e: {  	_ =	shalt  }
0x3f: {  	_ =	shalt  }
0x40: {  	_ =	shalt  }
0x41: {  	_ =	shalt  }
0x42: {  	_ =	shalt  }
0x43: {  	_ =	shalt  }
0x44: {  	_ =	shalt  }
0x45: {  	_ =	shalt  }
0x46: {  	_ =	shalt  }
0x47: {  	_ =	shalt  }
0x48: {  	_ =	shalt  }
0x49: {  	_ =	shalt  }
0x4a: {  	_ =	shalt  }
0x4b: {  	_ =	shalt  }
0x4c: {  	_ =	shalt  }
0x4d: {  	_ =	shalt  }
0x4e: {  	_ =	shalt  }
0x4f: {  	_ =	shalt  }
0x50: {  	_ =	shalt  }
0x51: {  	_ =	shalt  }
0x52: {  	_ =	shalt  }
0x53: {  	_ =	shalt  }
0x54: {  	_ =	shalt  }
0x55: {  	_ =	shalt  }
0x56: {  	_ =	shalt  }
0x57: {  	_ =	shalt  }
0x58: {  	_ =	shalt  }
0x59: {  	_ =	shalt  }
0x5a: {  	_ =	shalt  }
0x5b: {  	_ =	shalt  }
0x5c: {  	_ =	shalt  }
0x5d: {  	_ =	shalt  }
0x5e: {  	_ =	shalt  }
0x5f: {  	_ =	shalt  }
0x60: {  	_ =	shalt  }
0x61: {  	_ =	shalt  }
0x62: {  	_ =	shalt  }
0x63: {  	_ =	shalt  }
0x64: {  	_ =	shalt  }
0x65: {  	_ =	shalt  }
0x66: {  	_ =	shalt  }
0x67: {  	_ =	shalt  }
0x68: {  	_ =	shalt  }
0x69: {  	_ =	shalt  }
0x6a: {  	_ =	shalt  }
0x6b: {  	_ =	shalt  }
0x6c: {  	_ =	shalt  }
0x6d: {  	_ =	shalt  }
0x6e: {  	_ =	shalt  }
0x6f: {  	_ =	shalt  }
0x70: {  	_ =	shalt  }
0x71: {  	_ =	shalt  }
0x72: {  	_ =	shalt  }
0x73: {  	_ =	shalt  }
0x74: {  	_ =	shalt  }
0x75: {  	_ =	shalt  }
0x76: {  	_ =	shalt  }
0x77: {  	_ =	shalt  }
0x78: {  	_ =	shalt  }
0x79: {  	_ =	shalt  }
0x7a: {  	_ =	shalt  }
0x7b: {  	_ =	shalt  }
0x7c: {  	_ =	shalt  }
0x7d: {  	_ =	shalt  }
0x7e: {  	_ =	shalt  }
0x7f: {  	_ =	shalt  }
0x80: {  	_ =	shalt  }
0x81: {  	_ =	shalt  }
0x82: {  	_ =	shalt  }
0x83: {  	_ =	shalt  }
0x84: {  	_ =	shalt  }
0x85: {  	_ =	shalt  }
0x86: {  	_ =	shalt  }
0x87: {  	_ =	shalt  }
.Lfunc_end0:
.L_simem_size_0:
called_computation_lowered:
.L_overlay_start_0:
0x88: {  	s2 =	sld [smem:$0x3FD9]  }
0x89: {  	s3 =	sld [smem:$0x3FFE];
	_ =	sdelay $0x1  }
0x8a: {  	s1 =	srdreg.scid  }
0x8b: {  	s0 =	sand.u32 $0x1, s1  }
0x8c: {  	s18 =	sshll.u32 s0, $0xA;
	s2 =	sadd.s32 s3, s2  }
0x8d: {  	s2 =	sadd.s32 s2, s18  }
0x8e: {  	[smem:$0x3FC6] =	sst s2  }
0x8f: {  	_ = 	snop  }
0x90: {  	s2 =	sld [smem:$0x3FC9]  }
0x91: {  	s19 =	sld [smem:$0x3FC8]  }
0x92: {  	s4 =	sld [smem:$0x3FD0];
	(tm) =	ssettm $0x1  }
0x93: {  	s5 =	sld [smem:$0x3FFB];
	_ =	sdelay $0x3  }
0x94: {  	_ =	strace s5  }
0x95: {  	s5 =	sld [smem:$0x3FFC];
	_ =	sdelay $0x3  }
0x96: {  	_ =	strace s5  }
0x97: {  	s5 =	sld [smem:$0x3FFD];
	_ =	sdelay $0x3  }
0x98: {  	_ =	strace s5  }
0x99: {  	_ =	strace $0x8FFFFFFF  }
0x9a: {  	s20 =	sld [smem:$0x3FDB];
	_ =	sdelay $0x1  }
0x9b: {  	s6 =	simm.s32 $_scs_section_size  }
0x9c: {  	s7 =	simm.s32 $_size__tile_overlayer_lowered;
	s8 =	simm.s32 $_tile_overlayer_lowered  }
0x9d: {  	s23 =	simm.s32 $0x1BFF;
	s22 =	sshll.u32 s8, $0x1;
	s5 =	sadd.s32 s6, s20  }
0x9e: {  	s9 =	simm.s32 $0x0;
	s21 =	sshll.u32 s7, $0x1;
	s7 =	sadd.s32 s22, s5  }
0x9f: {  	[timem:s9], [sflag:s23] =	dma.local [hbm:s7], s21  }
0xa0: {  	_ =	swait.ge [sflag:s23], s21  }
0xa1: {  	s6 =	ssub.s32 $0x0, s21;
	[sflag:s23] =	ssyncset.done $0x0  }
0xa2: {  	[sflag:s23] =	ssyncadd.s32 s6;
	_ =	sdelay $0x1  }
0xa3: {  	s24 =	simm.s32 $0x1B8B  }
0xa4: {  	_ =	swait.ge [sflag:s24], $0x1  }
0xa5: {  	[sflag:s24] =	ssyncset.done $0x0  }
0xa6: {  	s25 =	simm.s32 $0x1B8E;
	[sflag:s24] =	ssyncadd.s32 $0xFFFFFFFF  }
0xa7: {  	s26 =	simm.s32 $execute0_lowered;
	[smem:$0x3FD2] =	sst s25  }
0xa8: {  	s6 =	sshll.u32 s26, $0x1;
	_ =	strace $0x80000046;
	[dreg:$0x1] =	wrdreg $0xFFFFFFFF  }
0xa9: {  	s28 =	simm.s32 $_size_execute0_lowered;
	s5 =	sadd.s32 s5, s6;
	[dreg:$0x0] =	wrdreg $0x0  }
0xaa: {  	s6 =	sshll.u32 s28, $0x1;
	[dreg:$0x2] =	wrdreg s5  }
0xab: {  	[dreg:$0x3] =	wrdreg s6  }
0xac: {  	[dreg:$0x4] =	wrdreg $0xC0  }
0xad: {  	_ =	task [dreg:s9], $0x5FFFF  }
0xae: {  	[dreg:$0x1] =	wrdreg $0xFFFFFFFF  }
0xaf: {  	[dreg:$0x0] =	wrdreg $0x60  }
0xb0: {  	[dreg:$0x2] =	wrdreg s2  }
0xb1: {  	[dreg:$0x3] =	wrdreg s19  }
0xb2: {  	[dreg:$0x4] =	wrdreg s4  }
0xb3: {  	[dreg:$0x5] =	wrdreg $0x9  }
0xb4: {  	_ =	task.clear_ibuf [dreg:s9], $0x6FFFF;
	_ =	strace $0x90000046  }
0xb5: {  	s29 =	simm.s32 $0x9;
	_ =	strace $0x80000048  }
0xb6: {  	_ =	swait.ge [sflag:s29], $0x1  }
0xb7: {  	[sflag:s29] =	ssyncadd.s32 $0xFFFFFFFF  }
0xb8: {  	_ =	strace $0x90000048  }
0xb9: {  	_ =	sfence  }
0xba: {  	s30 =	sld [smem:$0x0];
	_ =	sdelay $0x2  }
0xbb: {  	s31 =	sshll.u32 s1, $0xD;
	s1 =	sshrl.u32 s1, $0x2  }
0xbc: {  	s3 =	sand.u32 $0x4000, s31;
	s1 =	sadd.s32 s1, s30  }
0xbd: {  	s0 =	sor.u32 s3, s0;
	s1 =	sshll.u32 s1, $0x11  }
0xbe: {  	s0 =	sor.u32 s1, s0  }
0xbf: {  	s0 =	sadd.s32 $0x8F2B, s0  }
0xc0: {  	[sflag:s0] =	ssyncadd.remote.s32 $0x1  }
0xc1: {  	_ =	sfence.sel $0xFFFF  }
0xc2: {  	[dreg:$0x0] =	wrdreg $0xFFFFFFFF;
	(pc) =	sbr.abs _section_cstart, $3  }
0xc3: {  	[dreg:$0x1] =	wrdreg $0xFFFFFFFF  }
0xc4: {  	_ =	task.clear_ibuf [dreg:s9], $0x2FFFF;
	_ =	strace $0x9FFFFFFF  }
0xc5: {  	(tm) =	ssettm $0x7FFFFFFF  }
tec
execute0_lowered:
.L_overlay_start_1:
0x0: {  	(tag) =	ssettag $0x1  }
0x1: {  	s0 =	rddreg [dreg:$0x0]  }
0x2: {  	s1 =	rddreg [dreg:$0x2];
	s2 =	srdreg.scid;
	s3 =	simm.s32 $0x0  }
0x3: {  	s6 =	stileid.u32;
	s19 =	simm.s32 $0x1000;
	s20 =	simm.s32 $0x20000  }
0x4: {  	s28 =	simm.s32 $0x12000;
	s29 =	simm.s32 $0x3;
	s30 =	simm.s32 $0x4  }
0x5: {  	s31 =	simm.s32 $0x0;
	s2 =	sand.u32 $0x1, s2;
	[smem:$0x7FF] =	sst s3  }
0x6: {  	s6 =	sshll.u32 s6, $0xA;
	s4 =	ssub.s32 $0x2, s2;
	s2 =	sshll.u32 s2, $0x9  }
0x7: {  	_ =	strace $0x80000047;
	s5 =	sshrl.u32 s4, $0x1;
	s2 =	sor.u32 s2, s6  }
0x8: {  	s4 =	ssub.s32 s4, s5;
	s21 =	sadd.s32 s0, s2;
	s22 =	sor.u32 $0x4000, s2  }
0x9: {  	s10 =	sor.u32 $0xC000, s2;
	s24 =	sadd.s32 s1, s2;
	s25 =	sor.u32 $0x1C000, s2  }
0xa: {  	s14 =	sor.u32 $0x34000, s2;
	s26 =	sor.u32 $0x4C000, s2;
	[dreg:$0x4] =	wrdreg s21  }
0xb: {  	s2 =	sor.u32 $0x5C000, s2;
	s23 =	sadd.s32 s0, s22;
	[dreg:$0x6] =	wrdreg s24  }
0xc: {  	s7 =	sadd.s32 s0, s10;
	s8 =	sadd.s32 s1, s22;
	s9 =	sadd.s32 s0, s25  }
0xd: {  	s10 =	sadd.s32 s1, s10;
	s11 =	sadd.s32 s0, s14;
	s12 =	sadd.s32 s1, s25  }
0xe: {  	s13 =	sadd.s32 s0, s26;
	s14 =	sadd.s32 s1, s14;
	s15 =	sadd.s32 s0, s2  }
0xf: {  	s16 =	sadd.s32 s1, s26;
	s17 =	sadd.s32 s1, s2;
	s18 =	smax.u32 s4, $0x1  }
0x10: {  	s21 =	simm.s32 $0x6000;
	s24 =	simm.s32 $0x1;
	s25 =	simm.s32 $0xC000  }
0x11: {  	v0 =	vimm.s32 $0xFFFE7980;
	s26 =	simm.s32 $0x2;
	[dreg:$0x5] =	wrdreg s23;
	s23 =	simm.s32 $0x5  }
.LBB2_1:
0x12: {  	s0 =	rddreg [dreg:$0x4]  }
0x13: {  	[tilespmem:s3], [sflag:$0x1] =	stream.linear.gather [hbm4b:s0+s3], $0x1000, $0x38;
	[tilespmem:$0x18080] =	vst v63  }
0x14: {  	s2 =	rddreg [dreg:$0x5]  }
0x15: {  	[tilespmem:s21], [sflag:$0x2] =	stream.strided.gather [hbm4b:s2+s19], $0x2000, s20, s19, $0x38;
	[tilespmem:$0x18080] =	vst v63  }
0x16: {  	s4 =	rddreg [dreg:$0x1];
	s1 =	simm.s32 $0x18000  }
0x17: {  	[tilespmem:s1], [sflag:$0x5] =	stream.linear.gather [hbm4b:s4+s3], $0x80, $0x38;
	[tilespmem:$0x18080] =	vst v63  }
0x18: {  	_ =	swait.ge [sflag:s23], $0x80  }
0x19: {  	[sflag:s23] =	ssyncset.done $0x0  }
0x1a: {  	[sflag:s23] =	ssyncadd.s32 $0xFFFFFF80  }
0x1b: {  	v2 =	vld [tilespmem:$0x18000]  }
0x1c: {  	s5 =	simm.s32 $0x0;
	v1 =	vld [tilespmem:$0x18010];
	_ =	swait.ge [sflag:s24], $0x1000  }
0x1d: {  	s6 =	sand.u32 $0xC00, s3;
	s0 =	sand.u32 $0x380, s5;
	[sflag:s24] =	ssyncset.done $0x0  }
0x1e: {  	s1 =	sor.u32 s0, s6;
	[sflag:s24] =	ssyncadd.s32 $0xFFFFF000  }
0x1f: {  	v3 =	vld [tilespmem:s1+$0x50]  }
0x20: {  	v4 =	vld [tilespmem:s1+$0x40]  }
0x21: {  	v5 =	vld [tilespmem:s1+$0x0]  }
0x22: {  	v7 =	vld [tilespmem:s1+$0x10]  }
0x23: {  	v11 =	vld [tilespmem:s1+$0x30]  }
0x24: {  	v14 =	vld [tilespmem:s1+$0x20]  }
0x25: {  	v6 =	vand.u32 $0xF, v3;
	vm0 =	vlt.s32 v3, $0x186A0  }
0x26: {  	v8 =	vand.u32 $0xF, v4;
	vm9 =	vlt.s32 v5, $0x186A0;
	vm2 =	vlt.s32 v4, $0x20  }
0x27: {  	vm10 =	vlt.s32 v4, $0x186A0;
	v15 =	vand.u32 $0xF, v5;
	vm3 =	vgt.s32 v4, $0xF  }
0x28: {  	vm4 =	vlt.s32 v7, $0x186A0;
	vm5 =	vlt.s32 v7, $0x20;
	v55 =	vand.u32 $0xF, v7  }
0x29: {  	vm1 =	vgt.s32 v11, $0xF;
	vm6 =	vgt.s32 v14, $0xF;
	vm7 =	vlt.s32 v11, $0x186A0  }
0x2a: {  	vm8 =	vgt.s32 v5, $0xF;
	vm11 =	vgt.s32 v7, $0xF;
	v57 =	vand.u32 $0xF, v14  }
0x2b: {  	vm12 =	vlt.s32 v14, $0x186A0;
	v58 =	vand.u32 $0xF, v11;
	vm13 =	vlt.s32 v14, $0x20  }
0x2c: {  	vm14 =	vgt.s32 v3, $0xF;
	vm15 =	vlt.s32 v11, $0x20;
	v9 =	vperm.xlane v1, v6  }
0x2d: {  	v10 =	vsel vm0, $0x20, v0;
	v12 =	vperm.xlane v2, v8;
	v13 =	vsel vm9, $0x20, v0  }
0x2e: {  	v8 =	vperm.xlane v1, v8;
	v6 =	vperm.xlane v2, v6;
	v16 =	vsel vm10, $0x20, v0  }
0x2f: {  	vm0 =	vlt.s32 v5, $0x20;
	v17 =	vperm.xlane v1, v55;
	v56 =	vsel vm4, $0x20, v0  }
0x30: {  	v18 =	vperm.xlane v1, v15;
	v59 =	vsel vm12, $0x20, v0;
	v15 =	vperm.xlane v2, v15  }
0x31: {  	v60 =	vperm.xlane v2, v57;
	vm9 =	vlt.s32 v3, $0x20;
	v61 =	vperm.xlane v2, v58  }
0x32: {  	v10 =	vadd.s32 v3, v10;
	v13 =	vadd.s32 v5, v13;
	v5 =	vperm.xlane v2, v55  }
0x33: {  	v4 =	vadd.s32 v4, v16;
	v7 =	vadd.s32 v7, v56;
	v3 =	vsel vm3, v8, v12  }
0x34: {  	v16 =	vperm.xlane v1, v57;
	v5 =	vsel vm11, v17, v5;
	v3 =	vsel vm2, v3, v4  }
0x35: {  	v62 =	vperm.xlane v1, v58;
	v6 =	vsel vm14, v9, v6;
	v5 =	vsel vm5, v5, v7;
	[tilespmem:s1+$0xC040] =	vst v3  }
0x36: {  	v4 =	vsel vm9, v6, v10;
	v7 =	vadd.s32 v14, v59;
	[tilespmem:s1+$0xC010] =	vst v5;
	v5 =	vsel vm6, v16, v60  }
0x37: {  	s22 =	sand.u32 $0x3, s3;
	v63 =	vsel vm7, $0x20, v0;
	v3 =	vsel vm8, v18, v15;
	[tilespmem:s1+$0xC050] =	vst v4;
	v5 =	vsel vm13, v5, v7  }
0x38: {  	s0 =	sshll.u32 s22, $0xA;
	v4 =	vsel vm1, v62, v61;
	v3 =	vsel vm0, v3, v13;
	[tilespmem:s1+$0xC020] =	vst v5;
	v5 =	vadd.s32 v11, v63  }
0x39: {  	s5 =	sadd.s32 $0x0, s0;
	[tilespmem:s1+$0xC000] =	vst v3;
	v3 =	vsel vm15, v4, v5  }
0x3a: {  	s2 =	simm.s32 $0x400;
	s4 =	sor.u32 $0x60, s5;
	[tilespmem:s1+$0xC030] =	vst v3  }
0x3b: {  	s22 =	simm.s32 $0x0;
	s0 =	simm.s32 $0xFFFFFC00;
	s1 =	simm.s32 $0x0;
	v3 =	vld [tilespmem:s4+$0x0]  }
.LBB2_2:
0x3c: {  	_ =	sdelay $0x1  }
0x3d: {  	s1 =	sadd.s32 $0x20, s1;
	s22 =	sadd.s32 $0x1, s22;
	s0 =	sadd.s32 $0x20, s0  }
0x3e: {  	p0 =	sne.s32 s2, $0x7C00;
	s6 =	smov.u32 s2;
	s2 =	sadd.s32 $0x400, s2  }
0x3f: {  	v4 =	vand.u32 $0xF, v3;
	vm0 =	vlt.s32 v3, $0x186A0  }
0x40: {  	v5 =	vperm.xlane v2, v4;
	v4 =	vperm.xlane v1, v4;
	v6 =	vsel vm0, $0x20, v0  }
0x41: {  	vm0 =	vgt.s32 v3, $0xF;
	v6 =	vadd.s32 v3, v6  }
0x42: {  	v4 =	vsel vm0, v4, v5;
	vm0 =	vlt.s32 v3, $0x20  }
0x43: {  	v3 =	vsel vm0, v4, v6  }
0x44: {  	s5 =	sor.u32 $0x70, s5;
	[tilespmem:s4+$0xC000] =	vst v3  }
0x45: {  	v3 =	vld [tilespmem:s5+$0x0];
	_ =	sdelay $0x4  }
0x46: {  	v4 =	vand.u32 $0xF, v3;
	vm0 =	vlt.s32 v3, $0x186A0  }
0x47: {  	s4 =	sadd.s32 $0x400, s0;
	v5 =	vperm.xlane v2, v4;
	v4 =	vperm.xlane v1, v4;
	v6 =	vsel vm0, $0x20, v0  }
0x48: {  	s6 =	sand.u32 $0xC00, s6;
	s4 =	sand.u32 $0x380, s4;
	vm0 =	vgt.s32 v3, $0xF;
	v6 =	vadd.s32 v3, v6  }
0x49: {  	s4 =	sor.u32 s4, s6;
	v4 =	vsel vm0, v4, v5;
	vm0 =	vlt.s32 v3, $0x20  }
0x4a: {  	v3 =	vsel vm0, v4, v6  }
0x4b: {  	[tilespmem:s5+$0xC000] =	vst v3  }
0x4c: {  	v3 =	vld [tilespmem:s4+$0x50]  }
0x4d: {  	v4 =	vld [tilespmem:s4+$0x40]  }
0x4e: {  	v5 =	vld [tilespmem:s4+$0x0];
	_ =	sdelay $0x2  }
0x4f: {  	v6 =	vld [tilespmem:s4+$0x10];
	v7 =	vand.u32 $0xF, v3;
	vm0 =	vlt.s32 v3, $0x186A0  }
0x50: {  	v8 =	vand.u32 $0xF, v4;
	v9 =	vperm.xlane v1, v7;
	v10 =	vsel vm0, $0x20, v0  }
0x51: {  	vm0 =	vlt.s32 v5, $0x186A0;
	v11 =	vld [tilespmem:s4+$0x30];
	v12 =	vperm.xlane v2, v8;
	v10 =	vadd.s32 v3, v10  }
0x52: {  	vm2 =	vlt.s32 v4, $0x20;
	v8 =	vperm.xlane v1, v8;
	v13 =	vsel vm0, $0x20, v0;
	v14 =	vld [tilespmem:s4+$0x20]  }
0x53: {  	v7 =	vperm.xlane v2, v7;
	vm0 =	vlt.s32 v4, $0x186A0;
	v13 =	vadd.s32 v5, v13  }
0x54: {  	vm4 =	vgt.s32 v4, $0xF;
	v15 =	vand.u32 $0xF, v5;
	v16 =	vsel vm0, $0x20, v0  }
0x55: {  	vm6 =	vlt.s32 v6, $0x186A0;
	vm7 =	vlt.s32 v6, $0x20;
	v4 =	vadd.s32 v4, v16  }
0x56: {  	vm0 =	vlt.s32 v5, $0x20;
	v16 =	vand.u32 $0xF, v6;
	vm1 =	vgt.s32 v11, $0xF  }
0x57: {  	v17 =	vperm.xlane v1, v16;
	vm3 =	vlt.s32 v11, $0x186A0;
	vm8 =	vgt.s32 v14, $0xF  }
0x58: {  	vm5 =	vgt.s32 v5, $0xF;
	v5 =	vperm.xlane v2, v16;
	v16 =	vsel vm6, $0x20, v0  }
0x59: {  	v18 =	vperm.xlane v1, v15;
	vm6 =	vgt.s32 v6, $0xF;
	v6 =	vadd.s32 v6, v16  }
0x5a: {  	v5 =	vsel vm6, v17, v5;
	v16 =	vand.u32 $0xF, v14;
	v17 =	vand.u32 $0xF, v11  }
0x5b: {  	v15 =	vperm.xlane v2, v15;
	vm6 =	vlt.s32 v14, $0x186A0;
	v5 =	vsel vm7, v5, v6  }
0x5c: {  	vm9 =	vlt.s32 v3, $0x20;
	vm7 =	vlt.s32 v14, $0x20;
	[tilespmem:s4+$0xC010] =	vst v5;
	v5 =	vperm.xlane v2, v16  }
0x5d: {  	v6 =	vperm.xlane v1, v16;
	v16 =	vsel vm6, $0x20, v0;
	vm6 =	vgt.s32 v3, $0xF  }
0x5e: {  	v8 =	vsel vm4, v8, v12;
	v3 =	vadd.s32 v14, v16;
	v7 =	vsel vm6, v9, v7  }
0x5f: {  	v4 =	vsel vm2, v8, v4;
	v5 =	vsel vm8, v6, v5;
	v6 =	vsel vm9, v7, v10  }
0x60: {  	v7 =	vperm.xlane v1, v17;
	v3 =	vsel vm7, v5, v3;
	v5 =	vperm.xlane v2, v17;
	[tilespmem:s4+$0xC040] =	vst v4  }
.Ltmp0:
0x61: {  	s5 =	sand.u32 $0x3, s22;
	vm2 =	vlt.s32 v11, $0x20;
	v8 =	vsel vm3, $0x20, v0;
	v4 =	vsel vm5, v18, v15;
	[tilespmem:s4+$0xC050] =	vst v6;
	(pc) =	sbr.rel @p0 .LBB2_2-.Ltmp0, $4  }
0x62: {  	s5 =	sshll.u32 s5, $0xA;
	v4 =	vsel vm0, v4, v13;
	[tilespmem:s4+$0xC020] =	vst v3;
	v3 =	vsel vm1, v7, v5;
	v5 =	vadd.s32 v11, v8  }
0x63: {  	s5 =	sadd.s32 s5, s1;
	[tilespmem:s4+$0xC000] =	vst v4;
	v3 =	vsel vm2, v3, v5  }
0x64: {  	[tilespmem:s4+$0xC030] =	vst v3;
	s4 =	sor.u32 $0x60, s5  }
0x65: {  	v3 =	vld [tilespmem:s4+$0x0]  }
0x66: {  	_ =	sdelay $0x3  }
0x67: {  	v4 =	vand.u32 $0xF, v3  }
0x68: {  	vm0 =	vlt.s32 v3, $0x186A0;
	v5 =	vperm.xlane v2, v4;
	v4 =	vperm.xlane v1, v4  }
0x69: {  	v6 =	vsel vm0, $0x20, v0;
	vm0 =	vgt.s32 v3, $0xF  }
0x6a: {  	v6 =	vadd.s32 v3, v6;
	v4 =	vsel vm0, v4, v5;
	vm0 =	vlt.s32 v3, $0x20  }
0x6b: {  	v3 =	vsel vm0, v4, v6  }
0x6c: {  	s0 =	sor.u32 $0x70, s5;
	[tilespmem:s4+$0xC000] =	vst v3  }
0x6d: {  	v3 =	vld [tilespmem:s0+$0x0];
	_ =	sdelay $0x4  }
0x6e: {  	v4 =	vand.u32 $0xF, v3  }
0x6f: {  	vm0 =	vlt.s32 v3, $0x186A0;
	v5 =	vperm.xlane v2, v4;
	v4 =	vperm.xlane v1, v4  }
0x70: {  	v6 =	vsel vm0, $0x20, v0;
	vm0 =	vgt.s32 v3, $0xF  }
0x71: {  	v6 =	vadd.s32 v3, v6;
	v4 =	vsel vm0, v4, v5;
	vm0 =	vlt.s32 v3, $0x20  }
0x72: {  	v3 =	vsel vm0, v4, v6  }
0x73: {  	s5 =	simm.s32 $0x0;
	s1 =	rddreg [dreg:$0x6];
	[tilespmem:s0+$0xC000] =	vst v3  }
0x74: {  	[hbm4b:s1+s5] =	stream.linear.scatter [tilespmem:s25], [sflag:$0x3], $0x1000, $0x38;
	[tilespmem:$0x18080] =	vst v63  }
0x75: {  	s6 =	simm.s32 $0x0;
	s2 =	simm.s32 $0x0  }
0x76: {  	[tilespmem:s5], [sflag:$0x1] =	stream.strided.gather [hbm4b:s7+s19], $0x4000, s20, s19, $0x38;
	[tilespmem:$0x18080] =	vst v63  }
0x77: {  	s0 =	sand.u32 $0xC00, s5;
	s1 =	sand.u32 $0x1000, s6;
	_ =	swait.ge [sflag:s26], $0x2000  }
0x78: {  	s22 =	sand.u32 $0x380, s2;
	s0 =	sor.u32 s0, s1;
	[sflag:s26] =	ssyncset.done $0x0  }
0x79: {  	s0 =	sor.u32 s22, s0;
	[sflag:s26] =	ssyncadd.s32 $0xFFFFE000  }
0x7a: {  	v10 =	vld [tilespmem:s0+$0x6070]  }
0x7b: {  	v5 =	vld [tilespmem:s0+$0x6000]  }
0x7c: {  	v4 =	vld [tilespmem:s0+$0x6020]  }
0x7d: {  	v6 =	vld [tilespmem:s0+$0x6030]  }
0x7e: {  	v7 =	vld [tilespmem:s0+$0x6040]  }
0x7f: {  	v8 =	vld [tilespmem:s0+$0x6050];
	_ =	sdelay $0x1  }
0x80: {  	v9 =	vand.u32 $0xF, v10  }
0x81: {  	vm0 =	vlt.s32 v10, $0x186A0;
	v13 =	vand.u32 $0xF, v5;
	vm1 =	vgt.s32 v10, $0xF  }
0x82: {  	v15 =	vand.u32 $0xF, v7;
	vm2 =	vlt.s32 v4, $0x186A0;
	vm3 =	vlt.s32 v6, $0x186A0  }
0x83: {  	v3 =	vld [tilespmem:s0+$0x6010];
	vm4 =	vlt.s32 v7, $0x186A0;
	vm5 =	vlt.s32 v8, $0x186A0;
	vm6 =	vgt.s32 v4, $0xF  }
0x84: {  	v11 =	vperm.xlane v2, v9;
	v12 =	vperm.xlane v1, v9;
	v14 =	vsel vm0, $0x20, v0  }
0x85: {  	vm0 =	vlt.s32 v10, $0x20;
	v24 =	vperm.xlane v2, v13;
	v27 =	vperm.xlane v1, v13  }
0x86: {  	v13 =	vand.u32 $0xF, v8;
	v21 =	vsel vm2, $0x20, v0;
	v22 =	vsel vm3, $0x20, v0  }
0x87: {  	v20 =	vsel vm4, $0x20, v0;
	vm4 =	vgt.s32 v5, $0xF;
	v19 =	vsel vm5, $0x20, v0  }
0x88: {  	vm5 =	vgt.s32 v3, $0xF;
	vm3 =	vgt.s32 v7, $0xF;
	vm2 =	vgt.s32 v8, $0xF  }
0x89: {  	v17 =	vperm.xlane v1, v13;
	v11 =	vsel vm1, v12, v11;
	v12 =	vadd.s32 v10, v14  }
0x8a: {  	v10 =	vand.u32 $0xF, v3;
	v14 =	vand.u32 $0xF, v4;
	vm1 =	vlt.s32 v3, $0x186A0  }
0x8b: {  	v9 =	vld [tilespmem:s0+$0x6060];
	v27 =	vsel vm4, v27, v24;
	v23 =	vsel vm0, v11, v12;
	v28 =	vperm.xlane v2, v10  }
0x8c: {  	v11 =	vand.u32 $0xF, v6;
	v29 =	vperm.xlane v1, v10;
	v30 =	vperm.xlane v2, v14  }
0x8d: {  	vm0 =	vlt.s32 v5, $0x186A0;
	v31 =	vperm.xlane v1, v14;
	v12 =	vperm.xlane v2, v15  }
0x8e: {  	v15 =	vperm.xlane v1, v15;
	v14 =	vperm.xlane v2, v13;
	v26 =	vsel vm1, $0x20, v0  }
0x8f: {  	vm1 =	vgt.s32 v6, $0xF;
	v10 =	vperm.xlane v2, v11;
	v11 =	vperm.xlane v1, v11  }
0x90: {  	v25 =	vsel vm0, $0x20, v0;
	v16 =	vand.u32 $0xF, v9;
	vm0 =	vlt.s32 v9, $0x186A0  }
0x91: {  	s2 =	simm.s32 $0x2;
	[tilespmem:s0+$0x12070] =	vst v23;
	v24 =	vsel vm5, v29, v28;
	v23 =	vsel vm6, v31, v30;
	v13 =	vperm.xlane v2, v16  }
0x92: {  	s4 =	simm.s32 $0x20;
	s1 =	simm.s32 $0x400;
	s5 =	simm.s32 $0x80;
	v16 =	vperm.xlane v1, v16;
	v18 =	vsel vm0, $0x20, v0;
	vm0 =	vgt.s32 v9, $0xF  }
.LBB2_4:
0x93: {  	p0 =	sne.s32 s2, $0x3F;
	s6 =	sand.u32 $0xC00, s1;
	s5 =	sand.u32 $0x1000, s5;
	v10 =	vsel vm1, v11, v10;
	v11 =	vsel vm3, v15, v12;
	v12 =	vsel vm2, v17, v14  }
0x94: {  	s4 =	sand.u32 $0x380, s4;
	v14 =	vadd.s32 v5, v25;
	v15 =	vadd.s32 v3, v26;
	v13 =	vsel vm0, v16, v13;
	s5 =	sor.u32 s6, s5  }
0x95: {  	v16 =	vadd.s32 v4, v21;
	v17 =	vadd.s32 v6, v22;
	v20 =	vadd.s32 v7, v20;
	s4 =	sor.u32 s4, s5  }
0x96: {  	vm0 =	vlt.s32 v5, $0x20;
	v19 =	vadd.s32 v8, v19;
	v18 =	vadd.s32 v9, v18;
	v21 =	vld [tilespmem:s4+$0x6070]  }
0x97: {  	vm1 =	vlt.s32 v3, $0x20;
	vm2 =	vlt.s32 v4, $0x20;
	vm3 =	vlt.s32 v6, $0x20;
	v5 =	vld [tilespmem:s4+$0x6000]  }
0x98: {  	vm4 =	vlt.s32 v7, $0x20;
	vm5 =	vlt.s32 v8, $0x20;
	vm6 =	vlt.s32 v9, $0x20;
	v3 =	vld [tilespmem:s4+$0x6010]  }
0x99: {  	v7 =	vsel vm0, v27, v14;
	v8 =	vsel vm1, v24, v15;
	v9 =	vsel vm2, v23, v16;
	v4 =	vld [tilespmem:s4+$0x6020]  }
0x9a: {  	v10 =	vsel vm3, v10, v17;
	v11 =	vsel vm4, v11, v20;
	v12 =	vsel vm5, v12, v19;
	v6 =	vld [tilespmem:s4+$0x6030];
	[tilespmem:s0+$0x12000] =	vst v7  }
0x9b: {  	v13 =	vsel vm6, v13, v18;
	v7 =	vld [tilespmem:s4+$0x6040];
	v14 =	vand.u32 $0xF, v21;
	[tilespmem:s0+$0x12010] =	vst v8  }
0x9c: {  	vm0 =	vlt.s32 v21, $0x186A0;
	v8 =	vld [tilespmem:s4+$0x6050];
	v15 =	vperm.xlane v2, v14;
	v14 =	vperm.xlane v1, v14;
	[tilespmem:s0+$0x12020] =	vst v9  }
0x9d: {  	vm1 =	vgt.s32 v21, $0xF;
	v16 =	vand.u32 $0xF, v5;
	v17 =	vsel vm0, $0x20, v0;
	v9 =	vld [tilespmem:s4+$0x6060];
	[tilespmem:s0+$0x12030] =	vst v10  }
0x9e: {  	vm0 =	vlt.s32 v21, $0x20;
	v10 =	vsel vm1, v14, v15;
	v14 =	vadd.s32 v21, v17;
	[tilespmem:s0+$0x12040] =	vst v11  }
0x9f: {  	v11 =	vand.u32 $0xF, v3;
	v15 =	vand.u32 $0xF, v4;
	v10 =	vsel vm0, v10, v14;
	[tilespmem:s0+$0x12050] =	vst v12  }
0xa0: {  	v23 =	vperm.xlane v2, v16;
	v12 =	vand.u32 $0xF, v6;
	v14 =	vand.u32 $0xF, v7;
	[tilespmem:s4+$0x12070] =	vst v10  }
0xa1: {  	v24 =	vperm.xlane v1, v16;
	v28 =	vperm.xlane v2, v11;
	v16 =	vand.u32 $0xF, v8;
	[tilespmem:s0+$0x12060] =	vst v13;
	s0 =	smov.u32 s4  }
0xa2: {  	v29 =	vperm.xlane v1, v11;
	v30 =	vperm.xlane v2, v15;
	v18 =	vand.u32 $0xF, v9  }
0xa3: {  	vm0 =	vlt.s32 v5, $0x186A0;
	v31 =	vperm.xlane v1, v15;
	v10 =	vperm.xlane v2, v12  }
0xa4: {  	vm1 =	vlt.s32 v3, $0x186A0;
	v11 =	vperm.xlane v1, v12;
	v12 =	vperm.xlane v2, v14  }
0xa5: {  	vm2 =	vlt.s32 v4, $0x186A0;
	v15 =	vperm.xlane v1, v14;
	v14 =	vperm.xlane v2, v16  }
0xa6: {  	vm3 =	vlt.s32 v6, $0x186A0;
	v17 =	vperm.xlane v1, v16;
	v13 =	vperm.xlane v2, v18  }
0xa7: {  	vm4 =	vlt.s32 v7, $0x186A0;
	vm5 =	vlt.s32 v8, $0x186A0;
	v16 =	vperm.xlane v1, v18  }
0xa8: {  	v26 =	vsel vm1, $0x20, v0;
	v25 =	vsel vm0, $0x20, v0;
	vm0 =	vlt.s32 v9, $0x186A0  }
.Ltmp1:
0xa9: {  	v21 =	vsel vm2, $0x20, v0;
	v22 =	vsel vm3, $0x20, v0;
	v20 =	vsel vm4, $0x20, v0;
	(pc) =	sbr.rel @p0 .LBB2_4-.Ltmp1, $4  }
0xaa: {  	vm4 =	vgt.s32 v5, $0xF;
	v19 =	vsel vm5, $0x20, v0;
	v18 =	vsel vm0, $0x20, v0  }
0xab: {  	vm6 =	vgt.s32 v4, $0xF;
	vm1 =	vgt.s32 v6, $0xF;
	vm5 =	vgt.s32 v3, $0xF  }
0xac: {  	s1 =	sadd.s32 $0x400, s1;
	vm3 =	vgt.s32 v7, $0xF;
	vm2 =	vgt.s32 v8, $0xF;
	vm0 =	vgt.s32 v9, $0xF  }
0xad: {  	s5 =	sshll.u32 s2, $0x7;
	s4 =	sshll.u32 s2, $0x5;
	s2 =	sadd.s32 $0x1, s2;
	v27 =	vsel vm4, v24, v23;
	v23 =	vsel vm6, v31, v30;
	v24 =	vsel vm5, v29, v28  }
0xae: {  	s1 =	sand.u32 $0xC00, s1;
	s2 =	sand.u32 $0x1000, s5  }
0xaf: {  	s22 =	sand.u32 $0x380, s4;
	v10 =	vsel vm1, v11, v10;
	v11 =	vsel vm3, v15, v12;
	s1 =	sor.u32 s1, s2  }
0xb0: {  	v14 =	vsel vm2, v17, v14;
	v15 =	vadd.s32 v5, v25;
	v17 =	vadd.s32 v3, v26;
	s1 =	sor.u32 s22, s1  }
0xb1: {  	v13 =	vsel vm0, v16, v13;
	v16 =	vadd.s32 v4, v21;
	v21 =	vadd.s32 v6, v22;
	v12 =	vld [tilespmem:s1+$0x6070]  }
0xb2: {  	v20 =	vadd.s32 v7, v20;
	vm0 =	vlt.s32 v5, $0x20;
	v5 =	vadd.s32 v8, v19;
	v25 =	vld [tilespmem:s1+$0x6000]  }
0xb3: {  	v18 =	vadd.s32 v9, v18;
	vm1 =	vlt.s32 v3, $0x20;
	vm2 =	vlt.s32 v6, $0x20;
	v19 =	vld [tilespmem:s1+$0x6020]  }
0xb4: {  	vm3 =	vlt.s32 v7, $0x20;
	vm4 =	vlt.s32 v8, $0x20;
	v3 =	vsel vm0, v27, v15;
	v15 =	vld [tilespmem:s1+$0x6030]  }
0xb5: {  	vm5 =	vlt.s32 v9, $0x20;
	vm0 =	vlt.s32 v4, $0x20;
	v7 =	vsel vm2, v10, v21;
	v22 =	vld [tilespmem:s1+$0x6010];
	[tilespmem:s0+$0x12000] =	vst v3  }
0xb6: {  	v8 =	vsel vm3, v11, v20;
	v9 =	vsel vm5, v13, v18;
	v3 =	vsel vm1, v24, v17;
	v4 =	vld [tilespmem:s1+$0x6040]  }
0xb7: {  	v6 =	vsel vm0, v23, v16;
	[tilespmem:s0+$0x12010] =	vst v3;
	v3 =	vsel vm4, v14, v5;
	v5 =	vand.u32 $0xF, v12  }
0xb8: {  	v10 =	vld [tilespmem:s1+$0x6050];
	[tilespmem:s0+$0x12020] =	vst v6;
	vm0 =	vlt.s32 v12, $0x186A0;
	v6 =	vand.u32 $0xF, v25;
	vm1 =	vgt.s32 v12, $0xF  }
0xb9: {  	v16 =	vand.u32 $0xF, v15;
	vm2 =	vlt.s32 v19, $0x186A0;
	vm3 =	vlt.s32 v15, $0x186A0  }
0xba: {  	v11 =	vperm.xlane v2, v5;
	v5 =	vperm.xlane v1, v5;
	v14 =	vsel vm0, $0x20, v0  }
0xbb: {  	vm0 =	vlt.s32 v12, $0x20;
	v17 =	vand.u32 $0xF, v4;
	v24 =	vperm.xlane v2, v16  }
0xbc: {  	v13 =	vld [tilespmem:s1+$0x6060];
	v16 =	vperm.xlane v1, v16;
	vm4 =	vlt.s32 v4, $0x186A0;
	v31 =	vsel vm2, $0x20, v0  }
0xbd: {  	v32 =	vsel vm3, $0x20, v0;
	vm2 =	vgt.s32 v22, $0xF;
	v20 =	vand.u32 $0xF, v10  }
0xbe: {  	v26 =	vperm.xlane v2, v17;
	v17 =	vperm.xlane v1, v17;
	vm5 =	vlt.s32 v10, $0x186A0  }
0xbf: {  	v33 =	vsel vm4, $0x20, v0;
	vm3 =	vgt.s32 v10, $0xF;
	v5 =	vsel vm1, v5, v11  }
0xc0: {  	v11 =	vadd.s32 v12, v14;
	v12 =	vand.u32 $0xF, v22;
	v14 =	vand.u32 $0xF, v19  }
0xc1: {  	v23 =	vand.u32 $0xF, v13;
	v27 =	vperm.xlane v2, v20;
	v20 =	vperm.xlane v1, v20  }
0xc2: {  	v5 =	vsel vm0, v5, v11;
	v11 =	vperm.xlane v2, v6;
	v6 =	vperm.xlane v1, v6  }
0xc3: {  	vm1 =	vlt.s32 v22, $0x186A0;
	v18 =	vperm.xlane v2, v12;
	v12 =	vperm.xlane v1, v12  }
0xc4: {  	vm4 =	vgt.s32 v13, $0xF;
	v21 =	vperm.xlane v2, v14;
	v14 =	vperm.xlane v1, v14  }
0xc5: {  	vm0 =	vlt.s32 v25, $0x186A0;
	v28 =	vperm.xlane v2, v23;
	v23 =	vperm.xlane v1, v23  }
0xc6: {  	[tilespmem:s0+$0x12030] =	vst v7;
	v30 =	vsel vm1, $0x20, v0;
	vm1 =	vgt.s32 v25, $0xF;
	v29 =	vsel vm0, $0x20, v0  }
0xc7: {  	[tilespmem:s0+$0x12040] =	vst v8;
	vm0 =	vlt.s32 v13, $0x186A0;
	v6 =	vsel vm1, v6, v11;
	v11 =	vsel vm5, $0x20, v0  }
0xc8: {  	[tilespmem:s0+$0x12050] =	vst v3;
	v12 =	vsel vm2, v12, v18;
	v18 =	vsel vm0, $0x20, v0;
	vm0 =	vgt.s32 v19, $0xF  }
0xc9: {  	[tilespmem:s1+$0x12070] =	vst v5;
	vm1 =	vgt.s32 v15, $0xF;
	vm2 =	vgt.s32 v4, $0xF;
	v5 =	vadd.s32 v25, v29  }
0xca: {  	[tilespmem:s0+$0x12060] =	vst v9;
	v9 =	vsel vm4, v23, v28;
	v7 =	vsel vm0, v14, v21;
	v3 =	vsel vm1, v16, v24  }
0xcb: {  	v8 =	vsel vm2, v17, v26;
	v14 =	vsel vm3, v20, v27;
	vm0 =	vlt.s32 v25, $0x20  }
0xcc: {  	v16 =	vadd.s32 v22, v30;
	vm1 =	vlt.s32 v22, $0x20;
	v5 =	vsel vm0, v6, v5  }
0xcd: {  	v6 =	vadd.s32 v19, v31;
	vm0 =	vlt.s32 v19, $0x20;
	v12 =	vsel vm1, v12, v16;
	[tilespmem:s1+$0x12000] =	vst v5  }
0xce: {  	vm1 =	vlt.s32 v15, $0x20;
	v5 =	vadd.s32 v15, v32;
	v6 =	vsel vm0, v7, v6;
	[tilespmem:s1+$0x12010] =	vst v12  }
0xcf: {  	v7 =	vadd.s32 v4, v33;
	vm0 =	vlt.s32 v4, $0x20;
	v3 =	vsel vm1, v3, v5;
	[tilespmem:s1+$0x12020] =	vst v6  }
0xd0: {  	v4 =	vadd.s32 v10, v11;
	vm1 =	vlt.s32 v10, $0x20;
	v5 =	vsel vm0, v8, v7;
	[tilespmem:s1+$0x12030] =	vst v3  }
0xd1: {  	vm0 =	vlt.s32 v13, $0x20;
	v3 =	vadd.s32 v13, v18;
	v4 =	vsel vm1, v14, v4;
	[tilespmem:s1+$0x12040] =	vst v5  }
0xd2: {  	v3 =	vsel vm0, v9, v3;
	[tilespmem:s1+$0x12050] =	vst v4  }
0xd3: {  	[tilespmem:s1+$0x12060] =	vst v3  }
0xd4: {  	[hbm4b:s8+s19] =	stream.strided.scatter [tilespmem:s28], [sflag:$0x4], $0x2000, s20, s19, $0x38;
	[tilespmem:$0x18080] =	vst v63  }
0xd5: {  	_ = 	snop  }
0xd6: {  	[tilespmem:s21], [sflag:$0x2] =	stream.strided.gather [hbm4b:s9+s19], $0x6000, s20, s19, $0x38;
	[tilespmem:$0x18080] =	vst v63  }
0xd7: {  	_ =	swait.ge [sflag:s29], $0x1000  }
0xd8: {  	s4 =	simm.s32 $0x0;
	[sflag:s29] =	ssyncset.done $0x0  }
0xd9: {  	s5 =	simm.s32 $0x0;
	s6 =	simm.s32 $0x0;
	[sflag:s29] =	ssyncadd.s32 $0xFFFFF000  }
0xda: {  	s0 =	sand.u32 $0xC00, s4;
	s1 =	sand.u32 $0x3000, s5;
	_ =	swait.ge [sflag:s24], $0x4000  }
0xdb: {  	s22 =	sand.u32 $0x380, s6;
	s0 =	sor.u32 s0, s1;
	[sflag:s24] =	ssyncset.done $0x0  }
0xdc: {  	s0 =	sor.u32 s22, s0;
	[sflag:s24] =	ssyncadd.s32 $0xFFFFC000  }
0xdd: {  	v10 =	vld [tilespmem:s0+$0x70]  }
0xde: {  	v5 =	vld [tilespmem:s0+$0x0]  }
0xdf: {  	v4 =	vld [tilespmem:s0+$0x20]  }
0xe0: {  	v6 =	vld [tilespmem:s0+$0x30]  }
0xe1: {  	v7 =	vld [tilespmem:s0+$0x40]  }
0xe2: {  	v8 =	vld [tilespmem:s0+$0x50];
	_ =	sdelay $0x1  }
0xe3: {  	v9 =	vand.u32 $0xF, v10  }
0xe4: {  	vm0 =	vlt.s32 v10, $0x186A0;
	v13 =	vand.u32 $0xF, v5;
	vm1 =	vgt.s32 v10, $0xF  }
0xe5: {  	v15 =	vand.u32 $0xF, v7;
	vm2 =	vlt.s32 v4, $0x186A0;
	vm3 =	vlt.s32 v6, $0x186A0  }
0xe6: {  	v3 =	vld [tilespmem:s0+$0x10];
	vm4 =	vlt.s32 v7, $0x186A0;
	vm5 =	vlt.s32 v8, $0x186A0;
	vm6 =	vgt.s32 v4, $0xF  }
0xe7: {  	v11 =	vperm.xlane v2, v9;
	v12 =	vperm.xlane v1, v9;
	v14 =	vsel vm0, $0x20, v0  }
0xe8: {  	vm0 =	vlt.s32 v10, $0x20;
	v24 =	vperm.xlane v2, v13;
	v27 =	vperm.xlane v1, v13  }
0xe9: {  	v13 =	vand.u32 $0xF, v8;
	v21 =	vsel vm2, $0x20, v0;
	v22 =	vsel vm3, $0x20, v0  }
0xea: {  	v20 =	vsel vm4, $0x20, v0;
	vm4 =	vgt.s32 v5, $0xF;
	v19 =	vsel vm5, $0x20, v0  }
0xeb: {  	vm5 =	vgt.s32 v3, $0xF;
	vm3 =	vgt.s32 v7, $0xF;
	vm2 =	vgt.s32 v8, $0xF  }
0xec: {  	v17 =	vperm.xlane v1, v13;
	v11 =	vsel vm1, v12, v11;
	v12 =	vadd.s32 v10, v14  }
0xed: {  	v10 =	vand.u32 $0xF, v3;
	v14 =	vand.u32 $0xF, v4;
	vm1 =	vlt.s32 v3, $0x186A0  }
0xee: {  	v9 =	vld [tilespmem:s0+$0x60];
	v27 =	vsel vm4, v27, v24;
	v23 =	vsel vm0, v11, v12;
	v28 =	vperm.xlane v2, v10  }
0xef: {  	v11 =	vand.u32 $0xF, v6;
	v29 =	vperm.xlane v1, v10;
	v62 =	vperm.xlane v2, v14  }
0xf0: {  	vm0 =	vlt.s32 v5, $0x186A0;
	v63 =	vperm.xlane v1, v14;
	v12 =	vperm.xlane v2, v15  }
0xf1: {  	v15 =	vperm.xlane v1, v15;
	v14 =	vperm.xlane v2, v13;
	v26 =	vsel vm1, $0x20, v0  }
0xf2: {  	vm1 =	vgt.s32 v6, $0xF;
	v10 =	vperm.xlane v2, v11;
	v11 =	vperm.xlane v1, v11  }
0xf3: {  	v25 =	vsel vm0, $0x20, v0;
	v16 =	vand.u32 $0xF, v9;
	vm0 =	vlt.s32 v9, $0x186A0  }
0xf4: {  	s2 =	simm.s32 $0x2;
	[tilespmem:s0+$0xC070] =	vst v23;
	v24 =	vsel vm5, v29, v28;
	v23 =	vsel vm6, v63, v62;
	v13 =	vperm.xlane v2, v16  }
0xf5: {  	s4 =	simm.s32 $0x20;
	s5 =	simm.s32 $0x80;
	s1 =	simm.s32 $0x400;
	v16 =	vperm.xlane v1, v16;
	v18 =	vsel vm0, $0x20, v0;
	vm0 =	vgt.s32 v9, $0xF  }
.LBB2_6:
0xf6: {  	p0 =	sne.s32 s2, $0x7F;
	s6 =	sand.u32 $0xC00, s1;
	s5 =	sand.u32 $0x3000, s5;
	v10 =	vsel vm1, v11, v10;
	v11 =	vsel vm3, v15, v12;
	v12 =	vsel vm2, v17, v14  }
0xf7: {  	s4 =	sand.u32 $0x380, s4;
	v14 =	vadd.s32 v5, v25;
	v15 =	vadd.s32 v3, v26;
	v13 =	vsel vm0, v16, v13;
	s5 =	sor.u32 s6, s5  }
0xf8: {  	v16 =	vadd.s32 v4, v21;
	v17 =	vadd.s32 v6, v22;
	v20 =	vadd.s32 v7, v20;
	s4 =	sor.u32 s4, s5  }
0xf9: {  	vm0 =	vlt.s32 v5, $0x20;
	v19 =	vadd.s32 v8, v19;
	v18 =	vadd.s32 v9, v18;
	v21 =	vld [tilespmem:s4+$0x70]  }
0xfa: {  	vm1 =	vlt.s32 v3, $0x20;
	vm2 =	vlt.s32 v4, $0x20;
	vm3 =	vlt.s32 v6, $0x20;
	v5 =	vld [tilespmem:s4+$0x0]  }
0xfb: {  	vm4 =	vlt.s32 v7, $0x20;
	vm5 =	vlt.s32 v8, $0x20;
	vm6 =	vlt.s32 v9, $0x20;
	v3 =	vld [tilespmem:s4+$0x10]  }
0xfc: {  	v7 =	vsel vm0, v27, v14;
	v8 =	vsel vm1, v24, v15;
	v9 =	vsel vm2, v23, v16;
	v4 =	vld [tilespmem:s4+$0x20]  }
0xfd: {  	v10 =	vsel vm3, v10, v17;
	v11 =	vsel vm4, v11, v20;
	v12 =	vsel vm5, v12, v19;
	v6 =	vld [tilespmem:s4+$0x30];
	[tilespmem:s0+$0xC000] =	vst v7  }
0xfe: {  	v13 =	vsel vm6, v13, v18;
	v7 =	vld [tilespmem:s4+$0x40];
	v14 =	vand.u32 $0xF, v21;
	[tilespmem:s0+$0xC010] =	vst v8  }
0xff: {  	vm0 =	vlt.s32 v21, $0x186A0;
	v8 =	vld [tilespmem:s4+$0x50];
	v15 =	vperm.xlane v2, v14;
	v14 =	vperm.xlane v1, v14;
	[tilespmem:s0+$0xC020] =	vst v9  }
0x100: {  	vm1 =	vgt.s32 v21, $0xF;
	v16 =	vand.u32 $0xF, v5;
	v17 =	vsel vm0, $0x20, v0;
	v9 =	vld [tilespmem:s4+$0x60];
	[tilespmem:s0+$0xC030] =	vst v10  }
0x101: {  	vm0 =	vlt.s32 v21, $0x20;
	v10 =	vsel vm1, v14, v15;
	v14 =	vadd.s32 v21, v17;
	[tilespmem:s0+$0xC040] =	vst v11  }
0x102: {  	v11 =	vand.u32 $0xF, v3;
	v15 =	vand.u32 $0xF, v4;
	v10 =	vsel vm0, v10, v14;
	[tilespmem:s0+$0xC050] =	vst v12  }
0x103: {  	v23 =	vperm.xlane v2, v16;
	v12 =	vand.u32 $0xF, v6;
	v14 =	vand.u32 $0xF, v7;
	[tilespmem:s4+$0xC070] =	vst v10  }
0x104: {  	v24 =	vperm.xlane v1, v16;
	v28 =	vperm.xlane v2, v11;
	v16 =	vand.u32 $0xF, v8;
	[tilespmem:s0+$0xC060] =	vst v13;
	s0 =	smov.u32 s4  }
0x105: {  	v29 =	vperm.xlane v1, v11;
	v30 =	vperm.xlane v2, v15;
	v18 =	vand.u32 $0xF, v9  }
0x106: {  	vm0 =	vlt.s32 v5, $0x186A0;
	v31 =	vperm.xlane v1, v15;
	v10 =	vperm.xlane v2, v12  }
0x107: {  	vm1 =	vlt.s32 v3, $0x186A0;
	v11 =	vperm.xlane v1, v12;
	v12 =	vperm.xlane v2, v14  }
0x108: {  	vm2 =	vlt.s32 v4, $0x186A0;
	v15 =	vperm.xlane v1, v14;
	v14 =	vperm.xlane v2, v16  }
0x109: {  	vm3 =	vlt.s32 v6, $0x186A0;
	v17 =	vperm.xlane v1, v16;
	v13 =	vperm.xlane v2, v18  }
0x10a: {  	vm4 =	vlt.s32 v7, $0x186A0;
	vm5 =	vlt.s32 v8, $0x186A0;
	v16 =	vperm.xlane v1, v18  }
0x10b: {  	v26 =	vsel vm1, $0x20, v0;
	v25 =	vsel vm0, $0x20, v0;
	vm0 =	vlt.s32 v9, $0x186A0  }
.Ltmp2:
0x10c: {  	v21 =	vsel vm2, $0x20, v0;
	v22 =	vsel vm3, $0x20, v0;
	v20 =	vsel vm4, $0x20, v0;
	(pc) =	sbr.rel @p0 .LBB2_6-.Ltmp2, $4  }
0x10d: {  	vm4 =	vgt.s32 v5, $0xF;
	v19 =	vsel vm5, $0x20, v0;
	v18 =	vsel vm0, $0x20, v0  }
0x10e: {  	vm6 =	vgt.s32 v4, $0xF;
	vm1 =	vgt.s32 v6, $0xF;
	vm5 =	vgt.s32 v3, $0xF  }
0x10f: {  	s1 =	sadd.s32 $0x400, s1;
	vm3 =	vgt.s32 v7, $0xF;
	vm2 =	vgt.s32 v8, $0xF;
	vm0 =	vgt.s32 v9, $0xF  }
0x110: {  	s5 =	sshll.u32 s2, $0x7;
	s4 =	sshll.u32 s2, $0x5;
	s2 =	sadd.s32 $0x1, s2;
	v27 =	vsel vm4, v24, v23;
	v23 =	vsel vm6, v31, v30;
	v24 =	vsel vm5, v29, v28  }
0x111: {  	s1 =	sand.u32 $0xC00, s1;
	s2 =	sand.u32 $0x3000, s5  }
0x112: {  	s22 =	sand.u32 $0x380, s4;
	v10 =	vsel vm1, v11, v10;
	v11 =	vsel vm3, v15, v12;
	s1 =	sor.u32 s1, s2  }
0x113: {  	v14 =	vsel vm2, v17, v14;
	v15 =	vadd.s32 v5, v25;
	v17 =	vadd.s32 v3, v26;
	s1 =	sor.u32 s22, s1  }
0x114: {  	v13 =	vsel vm0, v16, v13;
	v16 =	vadd.s32 v4, v21;
	v21 =	vadd.s32 v6, v22;
	v12 =	vld [tilespmem:s1+$0x70]  }
0x115: {  	v20 =	vadd.s32 v7, v20;
	vm0 =	vlt.s32 v5, $0x20;
	v5 =	vadd.s32 v8, v19;
	v25 =	vld [tilespmem:s1+$0x0]  }
0x116: {  	v18 =	vadd.s32 v9, v18;
	vm1 =	vlt.s32 v3, $0x20;
	vm2 =	vlt.s32 v6, $0x20;
	v19 =	vld [tilespmem:s1+$0x20]  }
0x117: {  	vm3 =	vlt.s32 v7, $0x20;
	vm4 =	vlt.s32 v8, $0x20;
	v3 =	vsel vm0, v27, v15;
	v15 =	vld [tilespmem:s1+$0x30]  }
0x118: {  	vm5 =	vlt.s32 v9, $0x20;
	vm0 =	vlt.s32 v4, $0x20;
	v7 =	vsel vm2, v10, v21;
	v22 =	vld [tilespmem:s1+$0x10];
	[tilespmem:s0+$0xC000] =	vst v3  }
0x119: {  	v8 =	vsel vm3, v11, v20;
	v9 =	vsel vm5, v13, v18;
	v3 =	vsel vm1, v24, v17;
	v4 =	vld [tilespmem:s1+$0x40]  }
0x11a: {  	v6 =	vsel vm0, v23, v16;
	[tilespmem:s0+$0xC010] =	vst v3;
	v3 =	vsel vm4, v14, v5;
	v5 =	vand.u32 $0xF, v12  }
0x11b: {  	v10 =	vld [tilespmem:s1+$0x50];
	[tilespmem:s0+$0xC020] =	vst v6;
	vm0 =	vlt.s32 v12, $0x186A0;
	v6 =	vand.u32 $0xF, v25;
	vm1 =	vgt.s32 v12, $0xF  }
0x11c: {  	v16 =	vand.u32 $0xF, v15;
	vm2 =	vlt.s32 v19, $0x186A0;
	vm3 =	vlt.s32 v15, $0x186A0  }
0x11d: {  	v11 =	vperm.xlane v2, v5;
	v5 =	vperm.xlane v1, v5;
	v14 =	vsel vm0, $0x20, v0  }
0x11e: {  	vm0 =	vlt.s32 v12, $0x20;
	v17 =	vand.u32 $0xF, v4;
	v24 =	vperm.xlane v2, v16  }
0x11f: {  	v13 =	vld [tilespmem:s1+$0x60];
	v16 =	vperm.xlane v1, v16;
	vm4 =	vlt.s32 v4, $0x186A0;
	v31 =	vsel vm2, $0x20, v0  }
0x120: {  	v32 =	vsel vm3, $0x20, v0;
	vm2 =	vgt.s32 v22, $0xF;
	v20 =	vand.u32 $0xF, v10  }
0x121: {  	v26 =	vperm.xlane v2, v17;
	v17 =	vperm.xlane v1, v17;
	vm5 =	vlt.s32 v10, $0x186A0  }
0x122: {  	v33 =	vsel vm4, $0x20, v0;
	vm3 =	vgt.s32 v10, $0xF;
	v5 =	vsel vm1, v5, v11  }
0x123: {  	v11 =	vadd.s32 v12, v14;
	v12 =	vand.u32 $0xF, v22;
	v14 =	vand.u32 $0xF, v19  }
0x124: {  	v23 =	vand.u32 $0xF, v13;
	v27 =	vperm.xlane v2, v20;
	v20 =	vperm.xlane v1, v20  }
0x125: {  	v5 =	vsel vm0, v5, v11;
	v11 =	vperm.xlane v2, v6;
	v6 =	vperm.xlane v1, v6  }
0x126: {  	vm1 =	vlt.s32 v22, $0x186A0;
	v18 =	vperm.xlane v2, v12;
	v12 =	vperm.xlane v1, v12  }
0x127: {  	vm4 =	vgt.s32 v13, $0xF;
	v21 =	vperm.xlane v2, v14;
	v14 =	vperm.xlane v1, v14  }
0x128: {  	vm0 =	vlt.s32 v25, $0x186A0;
	v28 =	vperm.xlane v2, v23;
	v23 =	vperm.xlane v1, v23  }
0x129: {  	[tilespmem:s0+$0xC030] =	vst v7;
	v30 =	vsel vm1, $0x20, v0;
	vm1 =	vgt.s32 v25, $0xF;
	v29 =	vsel vm0, $0x20, v0  }
0x12a: {  	[tilespmem:s0+$0xC040] =	vst v8;
	vm0 =	vlt.s32 v13, $0x186A0;
	v6 =	vsel vm1, v6, v11;
	v11 =	vsel vm5, $0x20, v0  }
0x12b: {  	[tilespmem:s0+$0xC050] =	vst v3;
	v12 =	vsel vm2, v12, v18;
	v18 =	vsel vm0, $0x20, v0;
	vm0 =	vgt.s32 v19, $0xF  }
0x12c: {  	[tilespmem:s1+$0xC070] =	vst v5;
	vm1 =	vgt.s32 v15, $0xF;
	vm2 =	vgt.s32 v4, $0xF;
	v5 =	vadd.s32 v25, v29  }
0x12d: {  	[tilespmem:s0+$0xC060] =	vst v9;
	v9 =	vsel vm4, v23, v28;
	v7 =	vsel vm0, v14, v21;
	v3 =	vsel vm1, v16, v24  }
0x12e: {  	v8 =	vsel vm2, v17, v26;
	v14 =	vsel vm3, v20, v27;
	vm0 =	vlt.s32 v25, $0x20  }
0x12f: {  	v16 =	vadd.s32 v22, v30;
	vm1 =	vlt.s32 v22, $0x20;
	v5 =	vsel vm0, v6, v5  }
0x130: {  	v6 =	vadd.s32 v19, v31;
	vm0 =	vlt.s32 v19, $0x20;
	v12 =	vsel vm1, v12, v16;
	[tilespmem:s1+$0xC000] =	vst v5  }
0x131: {  	vm1 =	vlt.s32 v15, $0x20;
	v5 =	vadd.s32 v15, v32;
	v6 =	vsel vm0, v7, v6;
	[tilespmem:s1+$0xC010] =	vst v12  }
0x132: {  	v7 =	vadd.s32 v4, v33;
	vm0 =	vlt.s32 v4, $0x20;
	v3 =	vsel vm1, v3, v5;
	[tilespmem:s1+$0xC020] =	vst v6  }
0x133: {  	v4 =	vadd.s32 v10, v11;
	vm1 =	vlt.s32 v10, $0x20;
	v5 =	vsel vm0, v8, v7;
	[tilespmem:s1+$0xC030] =	vst v3  }
0x134: {  	vm0 =	vlt.s32 v13, $0x20;
	v3 =	vadd.s32 v13, v18;
	v4 =	vsel vm1, v14, v4;
	[tilespmem:s1+$0xC040] =	vst v5  }
0x135: {  	v3 =	vsel vm0, v9, v3;
	[tilespmem:s1+$0xC050] =	vst v4  }
0x136: {  	[tilespmem:s1+$0xC060] =	vst v3  }
0x137: {  	[hbm4b:s10+s19] =	stream.strided.scatter [tilespmem:s25], [sflag:$0x3], $0x4000, s20, s19, $0x38;
	[tilespmem:$0x18080] =	vst v63  }
0x138: {  	s4 =	simm.s32 $0x0  }
0x139: {  	[tilespmem:s4], [sflag:$0x1] =	stream.strided.gather [hbm4b:s11+s19], $0x6000, s20, s19, $0x38;
	[tilespmem:$0x18080] =	vst v63  }
0x13a: {  	_ =	swait.ge [sflag:s30], $0x2000  }
0x13b: {  	[sflag:s30] =	ssyncset.done $0x0  }
0x13c: {  	s5 =	simm.s32 $0x0;
	s6 =	simm.s32 $0x0;
	[sflag:s30] =	ssyncadd.s32 $0xFFFFE000  }
0x13d: {  	s0 =	sand.u32 $0xC00, s4;
	s1 =	sand.u32 $0x7000, s5;
	_ =	swait.ge [sflag:s26], $0x6000  }
0x13e: {  	s22 =	sand.u32 $0x380, s6;
	s0 =	sor.u32 s0, s1;
	[sflag:s26] =	ssyncset.done $0x0  }
0x13f: {  	s0 =	sor.u32 s22, s0;
	[sflag:s26] =	ssyncadd.s32 $0xFFFFA000  }
0x140: {  	v10 =	vld [tilespmem:s0+$0x6070]  }
0x141: {  	v5 =	vld [tilespmem:s0+$0x6000]  }
0x142: {  	v4 =	vld [tilespmem:s0+$0x6020]  }
0x143: {  	v6 =	vld [tilespmem:s0+$0x6030]  }
0x144: {  	v7 =	vld [tilespmem:s0+$0x6040]  }
0x145: {  	v8 =	vld [tilespmem:s0+$0x6050];
	_ =	sdelay $0x1  }
0x146: {  	v9 =	vand.u32 $0xF, v10  }
0x147: {  	vm0 =	vlt.s32 v10, $0x186A0;
	v13 =	vand.u32 $0xF, v5;
	vm1 =	vgt.s32 v10, $0xF  }
0x148: {  	v15 =	vand.u32 $0xF, v7;
	vm2 =	vlt.s32 v4, $0x186A0;
	vm3 =	vlt.s32 v6, $0x186A0  }
0x149: {  	v3 =	vld [tilespmem:s0+$0x6010];
	vm4 =	vlt.s32 v7, $0x186A0;
	vm5 =	vlt.s32 v8, $0x186A0;
	vm6 =	vgt.s32 v4, $0xF  }
0x14a: {  	v11 =	vperm.xlane v2, v9;
	v12 =	vperm.xlane v1, v9;
	v14 =	vsel vm0, $0x20, v0  }
0x14b: {  	vm0 =	vlt.s32 v10, $0x20;
	v24 =	vperm.xlane v2, v13;
	v27 =	vperm.xlane v1, v13  }
0x14c: {  	v13 =	vand.u32 $0xF, v8;
	v21 =	vsel vm2, $0x20, v0;
	v22 =	vsel vm3, $0x20, v0  }
0x14d: {  	v20 =	vsel vm4, $0x20, v0;
	vm4 =	vgt.s32 v5, $0xF;
	v19 =	vsel vm5, $0x20, v0  }
0x14e: {  	vm5 =	vgt.s32 v3, $0xF;
	vm3 =	vgt.s32 v7, $0xF;
	vm2 =	vgt.s32 v8, $0xF  }
0x14f: {  	v17 =	vperm.xlane v1, v13;
	v11 =	vsel vm1, v12, v11;
	v12 =	vadd.s32 v10, v14  }
0x150: {  	v10 =	vand.u32 $0xF, v3;
	v14 =	vand.u32 $0xF, v4;
	vm1 =	vlt.s32 v3, $0x186A0  }
0x151: {  	v9 =	vld [tilespmem:s0+$0x6060];
	v27 =	vsel vm4, v27, v24;
	v23 =	vsel vm0, v11, v12;
	v28 =	vperm.xlane v2, v10  }
0x152: {  	v11 =	vand.u32 $0xF, v6;
	v29 =	vperm.xlane v1, v10;
	v62 =	vperm.xlane v2, v14  }
0x153: {  	vm0 =	vlt.s32 v5, $0x186A0;
	v63 =	vperm.xlane v1, v14;
	v12 =	vperm.xlane v2, v15  }
0x154: {  	v15 =	vperm.xlane v1, v15;
	v14 =	vperm.xlane v2, v13;
	v26 =	vsel vm1, $0x20, v0  }
0x155: {  	vm1 =	vgt.s32 v6, $0xF;
	v10 =	vperm.xlane v2, v11;
	v11 =	vperm.xlane v1, v11  }
0x156: {  	v25 =	vsel vm0, $0x20, v0;
	v16 =	vand.u32 $0xF, v9;
	vm0 =	vlt.s32 v9, $0x186A0  }
0x157: {  	s2 =	simm.s32 $0x2;
	[tilespmem:s0+$0x12070] =	vst v23;
	v24 =	vsel vm5, v29, v28;
	v23 =	vsel vm6, v63, v62;
	v13 =	vperm.xlane v2, v16  }
0x158: {  	s5 =	simm.s32 $0x80;
	s1 =	simm.s32 $0x400;
	s4 =	simm.s32 $0x20;
	v16 =	vperm.xlane v1, v16;
	v18 =	vsel vm0, $0x20, v0;
	vm0 =	vgt.s32 v9, $0xF  }
.LBB2_8:
0x159: {  	p0 =	sne.s32 s2, $0xBF;
	s6 =	sand.u32 $0xC00, s1;
	s5 =	sand.u32 $0x7000, s5;
	v10 =	vsel vm1, v11, v10;
	v11 =	vsel vm3, v15, v12;
	v12 =	vsel vm2, v17, v14  }
0x15a: {  	s4 =	sand.u32 $0x380, s4;
	v14 =	vadd.s32 v5, v25;
	v15 =	vadd.s32 v3, v26;
	v13 =	vsel vm0, v16, v13;
	s5 =	sor.u32 s6, s5  }
0x15b: {  	v16 =	vadd.s32 v4, v21;
	v17 =	vadd.s32 v6, v22;
	v20 =	vadd.s32 v7, v20;
	s4 =	sor.u32 s4, s5  }
0x15c: {  	vm0 =	vlt.s32 v5, $0x20;
	v19 =	vadd.s32 v8, v19;
	v18 =	vadd.s32 v9, v18;
	v21 =	vld [tilespmem:s4+$0x6070]  }
0x15d: {  	vm1 =	vlt.s32 v3, $0x20;
	vm2 =	vlt.s32 v4, $0x20;
	vm3 =	vlt.s32 v6, $0x20;
	v5 =	vld [tilespmem:s4+$0x6000]  }
0x15e: {  	vm4 =	vlt.s32 v7, $0x20;
	vm5 =	vlt.s32 v8, $0x20;
	vm6 =	vlt.s32 v9, $0x20;
	v3 =	vld [tilespmem:s4+$0x6010]  }
0x15f: {  	v7 =	vsel vm0, v27, v14;
	v8 =	vsel vm1, v24, v15;
	v9 =	vsel vm2, v23, v16;
	v4 =	vld [tilespmem:s4+$0x6020]  }
0x160: {  	v10 =	vsel vm3, v10, v17;
	v11 =	vsel vm4, v11, v20;
	v12 =	vsel vm5, v12, v19;
	v6 =	vld [tilespmem:s4+$0x6030];
	[tilespmem:s0+$0x12000] =	vst v7  }
0x161: {  	v13 =	vsel vm6, v13, v18;
	v7 =	vld [tilespmem:s4+$0x6040];
	v14 =	vand.u32 $0xF, v21;
	[tilespmem:s0+$0x12010] =	vst v8  }
0x162: {  	vm0 =	vlt.s32 v21, $0x186A0;
	v8 =	vld [tilespmem:s4+$0x6050];
	v15 =	vperm.xlane v2, v14;
	v14 =	vperm.xlane v1, v14;
	[tilespmem:s0+$0x12020] =	vst v9  }
0x163: {  	vm1 =	vgt.s32 v21, $0xF;
	v16 =	vand.u32 $0xF, v5;
	v17 =	vsel vm0, $0x20, v0;
	v9 =	vld [tilespmem:s4+$0x6060];
	[tilespmem:s0+$0x12030] =	vst v10  }
0x164: {  	vm0 =	vlt.s32 v21, $0x20;
	v10 =	vsel vm1, v14, v15;
	v14 =	vadd.s32 v21, v17;
	[tilespmem:s0+$0x12040] =	vst v11  }
0x165: {  	v11 =	vand.u32 $0xF, v3;
	v15 =	vand.u32 $0xF, v4;
	v10 =	vsel vm0, v10, v14;
	[tilespmem:s0+$0x12050] =	vst v12  }
0x166: {  	v23 =	vperm.xlane v2, v16;
	v12 =	vand.u32 $0xF, v6;
	v14 =	vand.u32 $0xF, v7;
	[tilespmem:s4+$0x12070] =	vst v10  }
0x167: {  	v24 =	vperm.xlane v1, v16;
	v28 =	vperm.xlane v2, v11;
	v16 =	vand.u32 $0xF, v8;
	[tilespmem:s0+$0x12060] =	vst v13;
	s0 =	smov.u32 s4  }
0x168: {  	v29 =	vperm.xlane v1, v11;
	v30 =	vperm.xlane v2, v15;
	v18 =	vand.u32 $0xF, v9  }
0x169: {  	vm0 =	vlt.s32 v5, $0x186A0;
	v31 =	vperm.xlane v1, v15;
	v10 =	vperm.xlane v2, v12  }
0x16a: {  	vm1 =	vlt.s32 v3, $0x186A0;
	v11 =	vperm.xlane v1, v12;
	v12 =	vperm.xlane v2, v14  }
0x16b: {  	vm2 =	vlt.s32 v4, $0x186A0;
	v15 =	vperm.xlane v1, v14;
	v14 =	vperm.xlane v2, v16  }
0x16c: {  	vm3 =	vlt.s32 v6, $0x186A0;
	v17 =	vperm.xlane v1, v16;
	v13 =	vperm.xlane v2, v18  }
0x16d: {  	vm4 =	vlt.s32 v7, $0x186A0;
	vm5 =	vlt.s32 v8, $0x186A0;
	v16 =	vperm.xlane v1, v18  }
0x16e: {  	v26 =	vsel vm1, $0x20, v0;
	v25 =	vsel vm0, $0x20, v0;
	vm0 =	vlt.s32 v9, $0x186A0  }
.Ltmp3:
0x16f: {  	v21 =	vsel vm2, $0x20, v0;
	v22 =	vsel vm3, $0x20, v0;
	v20 =	vsel vm4, $0x20, v0;
	(pc) =	sbr.rel @p0 .LBB2_8-.Ltmp3, $4  }
0x170: {  	vm4 =	vgt.s32 v5, $0xF;
	v19 =	vsel vm5, $0x20, v0;
	v18 =	vsel vm0, $0x20, v0  }
0x171: {  	vm6 =	vgt.s32 v4, $0xF;
	vm1 =	vgt.s32 v6, $0xF;
	vm5 =	vgt.s32 v3, $0xF  }
0x172: {  	s1 =	sadd.s32 $0x400, s1;
	vm3 =	vgt.s32 v7, $0xF;
	vm2 =	vgt.s32 v8, $0xF;
	vm0 =	vgt.s32 v9, $0xF  }
0x173: {  	s5 =	sshll.u32 s2, $0x7;
	s4 =	sshll.u32 s2, $0x5;
	s2 =	sadd.s32 $0x1, s2;
	v27 =	vsel vm4, v24, v23;
	v23 =	vsel vm6, v31, v30;
	v24 =	vsel vm5, v29, v28  }
0x174: {  	s1 =	sand.u32 $0xC00, s1;
	s2 =	sand.u32 $0x7000, s5  }
0x175: {  	s22 =	sand.u32 $0x380, s4;
	v10 =	vsel vm1, v11, v10;
	v11 =	vsel vm3, v15, v12;
	s1 =	sor.u32 s1, s2  }
0x176: {  	v14 =	vsel vm2, v17, v14;
	v15 =	vadd.s32 v5, v25;
	v17 =	vadd.s32 v3, v26;
	s1 =	sor.u32 s22, s1  }
0x177: {  	v13 =	vsel vm0, v16, v13;
	v16 =	vadd.s32 v4, v21;
	v21 =	vadd.s32 v6, v22;
	v12 =	vld [tilespmem:s1+$0x6070]  }
0x178: {  	v20 =	vadd.s32 v7, v20;
	vm0 =	vlt.s32 v5, $0x20;
	v5 =	vadd.s32 v8, v19;
	v25 =	vld [tilespmem:s1+$0x6000]  }
0x179: {  	v18 =	vadd.s32 v9, v18;
	vm1 =	vlt.s32 v3, $0x20;
	vm2 =	vlt.s32 v6, $0x20;
	v19 =	vld [tilespmem:s1+$0x6020]  }
0x17a: {  	vm3 =	vlt.s32 v7, $0x20;
	vm4 =	vlt.s32 v8, $0x20;
	v3 =	vsel vm0, v27, v15;
	v15 =	vld [tilespmem:s1+$0x6030]  }
0x17b: {  	vm5 =	vlt.s32 v9, $0x20;
	vm0 =	vlt.s32 v4, $0x20;
	v7 =	vsel vm2, v10, v21;
	v22 =	vld [tilespmem:s1+$0x6010];
	[tilespmem:s0+$0x12000] =	vst v3  }
0x17c: {  	v8 =	vsel vm3, v11, v20;
	v9 =	vsel vm5, v13, v18;
	v3 =	vsel vm1, v24, v17;
	v4 =	vld [tilespmem:s1+$0x6040]  }
0x17d: {  	v6 =	vsel vm0, v23, v16;
	[tilespmem:s0+$0x12010] =	vst v3;
	v3 =	vsel vm4, v14, v5;
	v5 =	vand.u32 $0xF, v12  }
0x17e: {  	v10 =	vld [tilespmem:s1+$0x6050];
	[tilespmem:s0+$0x12020] =	vst v6;
	vm0 =	vlt.s32 v12, $0x186A0;
	v6 =	vand.u32 $0xF, v25;
	vm1 =	vgt.s32 v12, $0xF  }
0x17f: {  	v16 =	vand.u32 $0xF, v15;
	vm2 =	vlt.s32 v19, $0x186A0;
	vm3 =	vlt.s32 v15, $0x186A0  }
0x180: {  	v11 =	vperm.xlane v2, v5;
	v5 =	vperm.xlane v1, v5;
	v14 =	vsel vm0, $0x20, v0  }
0x181: {  	vm0 =	vlt.s32 v12, $0x20;
	v17 =	vand.u32 $0xF, v4;
	v24 =	vperm.xlane v2, v16  }
0x182: {  	v13 =	vld [tilespmem:s1+$0x6060];
	v16 =	vperm.xlane v1, v16;
	vm4 =	vlt.s32 v4, $0x186A0;
	v31 =	vsel vm2, $0x20, v0  }
0x183: {  	v32 =	vsel vm3, $0x20, v0;
	vm2 =	vgt.s32 v22, $0xF;
	v20 =	vand.u32 $0xF, v10  }
0x184: {  	v26 =	vperm.xlane v2, v17;
	v17 =	vperm.xlane v1, v17;
	vm5 =	vlt.s32 v10, $0x186A0  }
0x185: {  	v33 =	vsel vm4, $0x20, v0;
	vm3 =	vgt.s32 v10, $0xF;
	v5 =	vsel vm1, v5, v11  }
0x186: {  	v11 =	vadd.s32 v12, v14;
	v12 =	vand.u32 $0xF, v22;
	v14 =	vand.u32 $0xF, v19  }
0x187: {  	v23 =	vand.u32 $0xF, v13;
	v27 =	vperm.xlane v2, v20;
	v20 =	vperm.xlane v1, v20  }
0x188: {  	v5 =	vsel vm0, v5, v11;
	v11 =	vperm.xlane v2, v6;
	v6 =	vperm.xlane v1, v6  }
0x189: {  	vm1 =	vlt.s32 v22, $0x186A0;
	v18 =	vperm.xlane v2, v12;
	v12 =	vperm.xlane v1, v12  }
0x18a: {  	vm4 =	vgt.s32 v13, $0xF;
	v21 =	vperm.xlane v2, v14;
	v14 =	vperm.xlane v1, v14  }
0x18b: {  	vm0 =	vlt.s32 v25, $0x186A0;
	v28 =	vperm.xlane v2, v23;
	v23 =	vperm.xlane v1, v23  }
0x18c: {  	[tilespmem:s0+$0x12030] =	vst v7;
	v30 =	vsel vm1, $0x20, v0;
	vm1 =	vgt.s32 v25, $0xF;
	v29 =	vsel vm0, $0x20, v0  }
0x18d: {  	[tilespmem:s0+$0x12040] =	vst v8;
	vm0 =	vlt.s32 v13, $0x186A0;
	v6 =	vsel vm1, v6, v11;
	v11 =	vsel vm5, $0x20, v0  }
0x18e: {  	[tilespmem:s0+$0x12050] =	vst v3;
	v12 =	vsel vm2, v12, v18;
	v18 =	vsel vm0, $0x20, v0;
	vm0 =	vgt.s32 v19, $0xF  }
0x18f: {  	[tilespmem:s1+$0x12070] =	vst v5;
	vm1 =	vgt.s32 v15, $0xF;
	vm2 =	vgt.s32 v4, $0xF;
	v5 =	vadd.s32 v25, v29  }
0x190: {  	[tilespmem:s0+$0x12060] =	vst v9;
	v9 =	vsel vm4, v23, v28;
	v7 =	vsel vm0, v14, v21;
	v3 =	vsel vm1, v16, v24  }
0x191: {  	v8 =	vsel vm2, v17, v26;
	v14 =	vsel vm3, v20, v27;
	vm0 =	vlt.s32 v25, $0x20  }
0x192: {  	v16 =	vadd.s32 v22, v30;
	vm1 =	vlt.s32 v22, $0x20;
	v5 =	vsel vm0, v6, v5  }
0x193: {  	v6 =	vadd.s32 v19, v31;
	vm0 =	vlt.s32 v19, $0x20;
	v12 =	vsel vm1, v12, v16;
	[tilespmem:s1+$0x12000] =	vst v5  }
0x194: {  	vm1 =	vlt.s32 v15, $0x20;
	v5 =	vadd.s32 v15, v32;
	v6 =	vsel vm0, v7, v6;
	[tilespmem:s1+$0x12010] =	vst v12  }
0x195: {  	v7 =	vadd.s32 v4, v33;
	vm0 =	vlt.s32 v4, $0x20;
	v3 =	vsel vm1, v3, v5;
	[tilespmem:s1+$0x12020] =	vst v6  }
0x196: {  	v4 =	vadd.s32 v10, v11;
	vm1 =	vlt.s32 v10, $0x20;
	v5 =	vsel vm0, v8, v7;
	[tilespmem:s1+$0x12030] =	vst v3  }
0x197: {  	vm0 =	vlt.s32 v13, $0x20;
	v3 =	vadd.s32 v13, v18;
	v4 =	vsel vm1, v14, v4;
	[tilespmem:s1+$0x12040] =	vst v5  }
0x198: {  	v3 =	vsel vm0, v9, v3;
	[tilespmem:s1+$0x12050] =	vst v4  }
0x199: {  	[tilespmem:s1+$0x12060] =	vst v3  }
0x19a: {  	[hbm4b:s12+s19] =	stream.strided.scatter [tilespmem:s28], [sflag:$0x4], $0x6000, s20, s19, $0x38;
	[tilespmem:$0x18080] =	vst v63  }
0x19b: {  	_ = 	snop  }
0x19c: {  	[tilespmem:s21], [sflag:$0x2] =	stream.strided.gather [hbm4b:s13+s19], $0x4000, s20, s19, $0x38;
	[tilespmem:$0x18080] =	vst v63  }
0x19d: {  	_ =	swait.ge [sflag:s29], $0x4000  }
0x19e: {  	s4 =	simm.s32 $0x0;
	[sflag:s29] =	ssyncset.done $0x0  }
0x19f: {  	s5 =	simm.s32 $0x0;
	s6 =	simm.s32 $0x0;
	[sflag:s29] =	ssyncadd.s32 $0xFFFFC000  }
0x1a0: {  	s0 =	sand.u32 $0xC00, s4;
	s1 =	sand.u32 $0x7000, s5;
	_ =	swait.ge [sflag:s24], $0x6000  }
0x1a1: {  	s22 =	sand.u32 $0x380, s6;
	s0 =	sor.u32 s0, s1;
	[sflag:s24] =	ssyncset.done $0x0  }
0x1a2: {  	s0 =	sor.u32 s22, s0;
	[sflag:s24] =	ssyncadd.s32 $0xFFFFA000  }
0x1a3: {  	v10 =	vld [tilespmem:s0+$0x70]  }
0x1a4: {  	v5 =	vld [tilespmem:s0+$0x0]  }
0x1a5: {  	v4 =	vld [tilespmem:s0+$0x20]  }
0x1a6: {  	v6 =	vld [tilespmem:s0+$0x30]  }
0x1a7: {  	v7 =	vld [tilespmem:s0+$0x40]  }
0x1a8: {  	v8 =	vld [tilespmem:s0+$0x50];
	_ =	sdelay $0x1  }
0x1a9: {  	v9 =	vand.u32 $0xF, v10  }
0x1aa: {  	vm0 =	vlt.s32 v10, $0x186A0;
	v13 =	vand.u32 $0xF, v5;
	vm1 =	vgt.s32 v10, $0xF  }
0x1ab: {  	v15 =	vand.u32 $0xF, v7;
	vm2 =	vlt.s32 v4, $0x186A0;
	vm3 =	vlt.s32 v6, $0x186A0  }
0x1ac: {  	v3 =	vld [tilespmem:s0+$0x10];
	vm4 =	vlt.s32 v7, $0x186A0;
	vm5 =	vlt.s32 v8, $0x186A0;
	vm6 =	vgt.s32 v4, $0xF  }
0x1ad: {  	v11 =	vperm.xlane v2, v9;
	v12 =	vperm.xlane v1, v9;
	v14 =	vsel vm0, $0x20, v0  }
0x1ae: {  	vm0 =	vlt.s32 v10, $0x20;
	v24 =	vperm.xlane v2, v13;
	v27 =	vperm.xlane v1, v13  }
0x1af: {  	v13 =	vand.u32 $0xF, v8;
	v21 =	vsel vm2, $0x20, v0;
	v22 =	vsel vm3, $0x20, v0  }
0x1b0: {  	v20 =	vsel vm4, $0x20, v0;
	vm4 =	vgt.s32 v5, $0xF;
	v19 =	vsel vm5, $0x20, v0  }
0x1b1: {  	vm5 =	vgt.s32 v3, $0xF;
	vm3 =	vgt.s32 v7, $0xF;
	vm2 =	vgt.s32 v8, $0xF  }
0x1b2: {  	v17 =	vperm.xlane v1, v13;
	v11 =	vsel vm1, v12, v11;
	v12 =	vadd.s32 v10, v14  }
0x1b3: {  	v10 =	vand.u32 $0xF, v3;
	v14 =	vand.u32 $0xF, v4;
	vm1 =	vlt.s32 v3, $0x186A0  }
0x1b4: {  	v9 =	vld [tilespmem:s0+$0x60];
	v27 =	vsel vm4, v27, v24;
	v23 =	vsel vm0, v11, v12;
	v28 =	vperm.xlane v2, v10  }
0x1b5: {  	v11 =	vand.u32 $0xF, v6;
	v29 =	vperm.xlane v1, v10;
	v62 =	vperm.xlane v2, v14  }
0x1b6: {  	vm0 =	vlt.s32 v5, $0x186A0;
	v63 =	vperm.xlane v1, v14;
	v12 =	vperm.xlane v2, v15  }
0x1b7: {  	v15 =	vperm.xlane v1, v15;
	v14 =	vperm.xlane v2, v13;
	v26 =	vsel vm1, $0x20, v0  }
0x1b8: {  	vm1 =	vgt.s32 v6, $0xF;
	v10 =	vperm.xlane v2, v11;
	v11 =	vperm.xlane v1, v11  }
0x1b9: {  	v25 =	vsel vm0, $0x20, v0;
	v16 =	vand.u32 $0xF, v9;
	vm0 =	vlt.s32 v9, $0x186A0  }
0x1ba: {  	s2 =	simm.s32 $0x2;
	[tilespmem:s0+$0xC070] =	vst v23;
	v24 =	vsel vm5, v29, v28;
	v23 =	vsel vm6, v63, v62;
	v13 =	vperm.xlane v2, v16  }
0x1bb: {  	s4 =	simm.s32 $0x20;
	s5 =	simm.s32 $0x80;
	s1 =	simm.s32 $0x400;
	v16 =	vperm.xlane v1, v16;
	v18 =	vsel vm0, $0x20, v0;
	vm0 =	vgt.s32 v9, $0xF  }
.LBB2_10:
0x1bc: {  	p0 =	sne.s32 s2, $0xBF;
	s6 =	sand.u32 $0xC00, s1;
	s5 =	sand.u32 $0x7000, s5;
	v10 =	vsel vm1, v11, v10;
	v11 =	vsel vm3, v15, v12;
	v12 =	vsel vm2, v17, v14  }
0x1bd: {  	s4 =	sand.u32 $0x380, s4;
	v14 =	vadd.s32 v5, v25;
	v15 =	vadd.s32 v3, v26;
	v13 =	vsel vm0, v16, v13;
	s5 =	sor.u32 s6, s5  }
0x1be: {  	v16 =	vadd.s32 v4, v21;
	v17 =	vadd.s32 v6, v22;
	v20 =	vadd.s32 v7, v20;
	s4 =	sor.u32 s4, s5  }
0x1bf: {  	vm0 =	vlt.s32 v5, $0x20;
	v19 =	vadd.s32 v8, v19;
	v18 =	vadd.s32 v9, v18;
	v21 =	vld [tilespmem:s4+$0x70]  }
0x1c0: {  	vm1 =	vlt.s32 v3, $0x20;
	vm2 =	vlt.s32 v4, $0x20;
	vm3 =	vlt.s32 v6, $0x20;
	v5 =	vld [tilespmem:s4+$0x0]  }
0x1c1: {  	vm4 =	vlt.s32 v7, $0x20;
	vm5 =	vlt.s32 v8, $0x20;
	vm6 =	vlt.s32 v9, $0x20;
	v3 =	vld [tilespmem:s4+$0x10]  }
0x1c2: {  	v7 =	vsel vm0, v27, v14;
	v8 =	vsel vm1, v24, v15;
	v9 =	vsel vm2, v23, v16;
	v4 =	vld [tilespmem:s4+$0x20]  }
0x1c3: {  	v10 =	vsel vm3, v10, v17;
	v11 =	vsel vm4, v11, v20;
	v12 =	vsel vm5, v12, v19;
	v6 =	vld [tilespmem:s4+$0x30];
	[tilespmem:s0+$0xC000] =	vst v7  }
0x1c4: {  	v13 =	vsel vm6, v13, v18;
	v7 =	vld [tilespmem:s4+$0x40];
	v14 =	vand.u32 $0xF, v21;
	[tilespmem:s0+$0xC010] =	vst v8  }
0x1c5: {  	vm0 =	vlt.s32 v21, $0x186A0;
	v8 =	vld [tilespmem:s4+$0x50];
	v15 =	vperm.xlane v2, v14;
	v14 =	vperm.xlane v1, v14;
	[tilespmem:s0+$0xC020] =	vst v9  }
0x1c6: {  	vm1 =	vgt.s32 v21, $0xF;
	v16 =	vand.u32 $0xF, v5;
	v17 =	vsel vm0, $0x20, v0;
	v9 =	vld [tilespmem:s4+$0x60];
	[tilespmem:s0+$0xC030] =	vst v10  }
0x1c7: {  	vm0 =	vlt.s32 v21, $0x20;
	v10 =	vsel vm1, v14, v15;
	v14 =	vadd.s32 v21, v17;
	[tilespmem:s0+$0xC040] =	vst v11  }
0x1c8: {  	v11 =	vand.u32 $0xF, v3;
	v15 =	vand.u32 $0xF, v4;
	v10 =	vsel vm0, v10, v14;
	[tilespmem:s0+$0xC050] =	vst v12  }
0x1c9: {  	v23 =	vperm.xlane v2, v16;
	v12 =	vand.u32 $0xF, v6;
	v14 =	vand.u32 $0xF, v7;
	[tilespmem:s4+$0xC070] =	vst v10  }
0x1ca: {  	v24 =	vperm.xlane v1, v16;
	v28 =	vperm.xlane v2, v11;
	v16 =	vand.u32 $0xF, v8;
	[tilespmem:s0+$0xC060] =	vst v13;
	s0 =	smov.u32 s4  }
0x1cb: {  	v29 =	vperm.xlane v1, v11;
	v30 =	vperm.xlane v2, v15;
	v18 =	vand.u32 $0xF, v9  }
0x1cc: {  	vm0 =	vlt.s32 v5, $0x186A0;
	v31 =	vperm.xlane v1, v15;
	v10 =	vperm.xlane v2, v12  }
0x1cd: {  	vm1 =	vlt.s32 v3, $0x186A0;
	v11 =	vperm.xlane v1, v12;
	v12 =	vperm.xlane v2, v14  }
0x1ce: {  	vm2 =	vlt.s32 v4, $0x186A0;
	v15 =	vperm.xlane v1, v14;
	v14 =	vperm.xlane v2, v16  }
0x1cf: {  	vm3 =	vlt.s32 v6, $0x186A0;
	v17 =	vperm.xlane v1, v16;
	v13 =	vperm.xlane v2, v18  }
0x1d0: {  	vm4 =	vlt.s32 v7, $0x186A0;
	vm5 =	vlt.s32 v8, $0x186A0;
	v16 =	vperm.xlane v1, v18  }
0x1d1: {  	v26 =	vsel vm1, $0x20, v0;
	v25 =	vsel vm0, $0x20, v0;
	vm0 =	vlt.s32 v9, $0x186A0  }
.Ltmp4:
0x1d2: {  	v21 =	vsel vm2, $0x20, v0;
	v22 =	vsel vm3, $0x20, v0;
	v20 =	vsel vm4, $0x20, v0;
	(pc) =	sbr.rel @p0 .LBB2_10-.Ltmp4, $4  }
0x1d3: {  	vm4 =	vgt.s32 v5, $0xF;
	v19 =	vsel vm5, $0x20, v0;
	v18 =	vsel vm0, $0x20, v0  }
0x1d4: {  	vm6 =	vgt.s32 v4, $0xF;
	vm1 =	vgt.s32 v6, $0xF;
	vm5 =	vgt.s32 v3, $0xF  }
0x1d5: {  	s1 =	sadd.s32 $0x400, s1;
	vm3 =	vgt.s32 v7, $0xF;
	vm2 =	vgt.s32 v8, $0xF;
	vm0 =	vgt.s32 v9, $0xF  }
0x1d6: {  	s5 =	sshll.u32 s2, $0x7;
	s4 =	sshll.u32 s2, $0x5;
	s2 =	sadd.s32 $0x1, s2;
	v27 =	vsel vm4, v24, v23;
	v23 =	vsel vm6, v31, v30;
	v24 =	vsel vm5, v29, v28  }
0x1d7: {  	s1 =	sand.u32 $0xC00, s1;
	s2 =	sand.u32 $0x7000, s5  }
0x1d8: {  	s22 =	sand.u32 $0x380, s4;
	v10 =	vsel vm1, v11, v10;
	v11 =	vsel vm3, v15, v12;
	s1 =	sor.u32 s1, s2  }
0x1d9: {  	v14 =	vsel vm2, v17, v14;
	v15 =	vadd.s32 v5, v25;
	v17 =	vadd.s32 v3, v26;
	s1 =	sor.u32 s22, s1  }
0x1da: {  	v13 =	vsel vm0, v16, v13;
	v16 =	vadd.s32 v4, v21;
	v21 =	vadd.s32 v6, v22;
	v12 =	vld [tilespmem:s1+$0x70]  }
0x1db: {  	v20 =	vadd.s32 v7, v20;
	vm0 =	vlt.s32 v5, $0x20;
	v5 =	vadd.s32 v8, v19;
	v25 =	vld [tilespmem:s1+$0x0]  }
0x1dc: {  	v18 =	vadd.s32 v9, v18;
	vm1 =	vlt.s32 v3, $0x20;
	vm2 =	vlt.s32 v6, $0x20;
	v19 =	vld [tilespmem:s1+$0x20]  }
0x1dd: {  	vm3 =	vlt.s32 v7, $0x20;
	vm4 =	vlt.s32 v8, $0x20;
	v3 =	vsel vm0, v27, v15;
	v15 =	vld [tilespmem:s1+$0x30]  }
0x1de: {  	vm5 =	vlt.s32 v9, $0x20;
	vm0 =	vlt.s32 v4, $0x20;
	v7 =	vsel vm2, v10, v21;
	v22 =	vld [tilespmem:s1+$0x10];
	[tilespmem:s0+$0xC000] =	vst v3  }
0x1df: {  	v8 =	vsel vm3, v11, v20;
	v9 =	vsel vm5, v13, v18;
	v3 =	vsel vm1, v24, v17;
	v4 =	vld [tilespmem:s1+$0x40]  }
0x1e0: {  	v6 =	vsel vm0, v23, v16;
	[tilespmem:s0+$0xC010] =	vst v3;
	v3 =	vsel vm4, v14, v5;
	v5 =	vand.u32 $0xF, v12  }
0x1e1: {  	v10 =	vld [tilespmem:s1+$0x50];
	[tilespmem:s0+$0xC020] =	vst v6;
	vm0 =	vlt.s32 v12, $0x186A0;
	v6 =	vand.u32 $0xF, v25;
	vm1 =	vgt.s32 v12, $0xF  }
0x1e2: {  	v16 =	vand.u32 $0xF, v15;
	vm2 =	vlt.s32 v19, $0x186A0;
	vm3 =	vlt.s32 v15, $0x186A0  }
0x1e3: {  	v11 =	vperm.xlane v2, v5;
	v5 =	vperm.xlane v1, v5;
	v14 =	vsel vm0, $0x20, v0  }
0x1e4: {  	vm0 =	vlt.s32 v12, $0x20;
	v17 =	vand.u32 $0xF, v4;
	v24 =	vperm.xlane v2, v16  }
0x1e5: {  	v13 =	vld [tilespmem:s1+$0x60];
	v16 =	vperm.xlane v1, v16;
	vm4 =	vlt.s32 v4, $0x186A0;
	v31 =	vsel vm2, $0x20, v0  }
0x1e6: {  	v32 =	vsel vm3, $0x20, v0;
	vm2 =	vgt.s32 v22, $0xF;
	v20 =	vand.u32 $0xF, v10  }
0x1e7: {  	v26 =	vperm.xlane v2, v17;
	v17 =	vperm.xlane v1, v17;
	vm5 =	vlt.s32 v10, $0x186A0  }
0x1e8: {  	v33 =	vsel vm4, $0x20, v0;
	vm3 =	vgt.s32 v10, $0xF;
	v5 =	vsel vm1, v5, v11  }
0x1e9: {  	v11 =	vadd.s32 v12, v14;
	v12 =	vand.u32 $0xF, v22;
	v14 =	vand.u32 $0xF, v19  }
0x1ea: {  	v23 =	vand.u32 $0xF, v13;
	v27 =	vperm.xlane v2, v20;
	v20 =	vperm.xlane v1, v20  }
0x1eb: {  	v5 =	vsel vm0, v5, v11;
	v11 =	vperm.xlane v2, v6;
	v6 =	vperm.xlane v1, v6  }
0x1ec: {  	vm1 =	vlt.s32 v22, $0x186A0;
	v18 =	vperm.xlane v2, v12;
	v12 =	vperm.xlane v1, v12  }
0x1ed: {  	vm4 =	vgt.s32 v13, $0xF;
	v21 =	vperm.xlane v2, v14;
	v14 =	vperm.xlane v1, v14  }
0x1ee: {  	vm0 =	vlt.s32 v25, $0x186A0;
	v28 =	vperm.xlane v2, v23;
	v23 =	vperm.xlane v1, v23  }
0x1ef: {  	[tilespmem:s0+$0xC030] =	vst v7;
	v30 =	vsel vm1, $0x20, v0;
	vm1 =	vgt.s32 v25, $0xF;
	v29 =	vsel vm0, $0x20, v0  }
0x1f0: {  	[tilespmem:s0+$0xC040] =	vst v8;
	vm0 =	vlt.s32 v13, $0x186A0;
	v6 =	vsel vm1, v6, v11;
	v11 =	vsel vm5, $0x20, v0  }
0x1f1: {  	[tilespmem:s0+$0xC050] =	vst v3;
	v12 =	vsel vm2, v12, v18;
	v18 =	vsel vm0, $0x20, v0;
	vm0 =	vgt.s32 v19, $0xF  }
0x1f2: {  	[tilespmem:s1+$0xC070] =	vst v5;
	vm1 =	vgt.s32 v15, $0xF;
	vm2 =	vgt.s32 v4, $0xF;
	v5 =	vadd.s32 v25, v29  }
0x1f3: {  	[tilespmem:s0+$0xC060] =	vst v9;
	v9 =	vsel vm4, v23, v28;
	v7 =	vsel vm0, v14, v21;
	v3 =	vsel vm1, v16, v24  }
0x1f4: {  	v8 =	vsel vm2, v17, v26;
	v14 =	vsel vm3, v20, v27;
	vm0 =	vlt.s32 v25, $0x20  }
0x1f5: {  	v16 =	vadd.s32 v22, v30;
	vm1 =	vlt.s32 v22, $0x20;
	v5 =	vsel vm0, v6, v5  }
0x1f6: {  	v6 =	vadd.s32 v19, v31;
	vm0 =	vlt.s32 v19, $0x20;
	v12 =	vsel vm1, v12, v16;
	[tilespmem:s1+$0xC000] =	vst v5  }
0x1f7: {  	vm1 =	vlt.s32 v15, $0x20;
	v5 =	vadd.s32 v15, v32;
	v6 =	vsel vm0, v7, v6;
	[tilespmem:s1+$0xC010] =	vst v12  }
0x1f8: {  	v7 =	vadd.s32 v4, v33;
	vm0 =	vlt.s32 v4, $0x20;
	v3 =	vsel vm1, v3, v5;
	[tilespmem:s1+$0xC020] =	vst v6  }
0x1f9: {  	v4 =	vadd.s32 v10, v11;
	vm1 =	vlt.s32 v10, $0x20;
	v5 =	vsel vm0, v8, v7;
	[tilespmem:s1+$0xC030] =	vst v3  }
0x1fa: {  	vm0 =	vlt.s32 v13, $0x20;
	v3 =	vadd.s32 v13, v18;
	v4 =	vsel vm1, v14, v4;
	[tilespmem:s1+$0xC040] =	vst v5  }
0x1fb: {  	v3 =	vsel vm0, v9, v3;
	[tilespmem:s1+$0xC050] =	vst v4  }
0x1fc: {  	[tilespmem:s1+$0xC060] =	vst v3  }
0x1fd: {  	[hbm4b:s14+s19] =	stream.strided.scatter [tilespmem:s25], [sflag:$0x3], $0x6000, s20, s19, $0x38;
	[tilespmem:$0x18080] =	vst v63  }
0x1fe: {  	s4 =	simm.s32 $0x0  }
0x1ff: {  	[tilespmem:s4], [sflag:$0x1] =	stream.strided.gather [hbm4b:s15+s19], $0x2000, s20, s19, $0x38;
	[tilespmem:$0x18080] =	vst v63  }
0x200: {  	_ =	swait.ge [sflag:s30], $0x6000  }
0x201: {  	[sflag:s30] =	ssyncset.done $0x0  }
0x202: {  	s5 =	simm.s32 $0x0;
	s6 =	simm.s32 $0x0;
	[sflag:s30] =	ssyncadd.s32 $0xFFFFA000  }
0x203: {  	s0 =	sand.u32 $0xC00, s4;
	s1 =	sand.u32 $0x3000, s5;
	_ =	swait.ge [sflag:s26], $0x4000  }
0x204: {  	s22 =	sand.u32 $0x380, s6;
	s0 =	sor.u32 s0, s1;
	[sflag:s26] =	ssyncset.done $0x0  }
0x205: {  	s0 =	sor.u32 s22, s0;
	[sflag:s26] =	ssyncadd.s32 $0xFFFFC000  }
0x206: {  	v10 =	vld [tilespmem:s0+$0x6070]  }
0x207: {  	v5 =	vld [tilespmem:s0+$0x6000]  }
0x208: {  	v4 =	vld [tilespmem:s0+$0x6020]  }
0x209: {  	v6 =	vld [tilespmem:s0+$0x6030]  }
0x20a: {  	v7 =	vld [tilespmem:s0+$0x6040]  }
0x20b: {  	v8 =	vld [tilespmem:s0+$0x6050];
	_ =	sdelay $0x1  }
0x20c: {  	v9 =	vand.u32 $0xF, v10  }
0x20d: {  	vm0 =	vlt.s32 v10, $0x186A0;
	v13 =	vand.u32 $0xF, v5;
	vm1 =	vgt.s32 v10, $0xF  }
0x20e: {  	v15 =	vand.u32 $0xF, v7;
	vm2 =	vlt.s32 v4, $0x186A0;
	vm3 =	vlt.s32 v6, $0x186A0  }
0x20f: {  	v3 =	vld [tilespmem:s0+$0x6010];
	vm4 =	vlt.s32 v7, $0x186A0;
	vm5 =	vlt.s32 v8, $0x186A0;
	vm6 =	vgt.s32 v4, $0xF  }
0x210: {  	v11 =	vperm.xlane v2, v9;
	v12 =	vperm.xlane v1, v9;
	v14 =	vsel vm0, $0x20, v0  }
0x211: {  	vm0 =	vlt.s32 v10, $0x20;
	v24 =	vperm.xlane v2, v13;
	v27 =	vperm.xlane v1, v13  }
0x212: {  	v13 =	vand.u32 $0xF, v8;
	v21 =	vsel vm2, $0x20, v0;
	v22 =	vsel vm3, $0x20, v0  }
0x213: {  	v20 =	vsel vm4, $0x20, v0;
	vm4 =	vgt.s32 v5, $0xF;
	v19 =	vsel vm5, $0x20, v0  }
0x214: {  	vm5 =	vgt.s32 v3, $0xF;
	vm3 =	vgt.s32 v7, $0xF;
	vm2 =	vgt.s32 v8, $0xF  }
0x215: {  	v17 =	vperm.xlane v1, v13;
	v11 =	vsel vm1, v12, v11;
	v12 =	vadd.s32 v10, v14  }
0x216: {  	v10 =	vand.u32 $0xF, v3;
	v14 =	vand.u32 $0xF, v4;
	vm1 =	vlt.s32 v3, $0x186A0  }
0x217: {  	v9 =	vld [tilespmem:s0+$0x6060];
	v27 =	vsel vm4, v27, v24;
	v23 =	vsel vm0, v11, v12;
	v28 =	vperm.xlane v2, v10  }
0x218: {  	v11 =	vand.u32 $0xF, v6;
	v29 =	vperm.xlane v1, v10;
	v62 =	vperm.xlane v2, v14  }
0x219: {  	vm0 =	vlt.s32 v5, $0x186A0;
	v63 =	vperm.xlane v1, v14;
	v12 =	vperm.xlane v2, v15  }
0x21a: {  	v15 =	vperm.xlane v1, v15;
	v14 =	vperm.xlane v2, v13;
	v26 =	vsel vm1, $0x20, v0  }
0x21b: {  	vm1 =	vgt.s32 v6, $0xF;
	v10 =	vperm.xlane v2, v11;
	v11 =	vperm.xlane v1, v11  }
0x21c: {  	v25 =	vsel vm0, $0x20, v0;
	v16 =	vand.u32 $0xF, v9;
	vm0 =	vlt.s32 v9, $0x186A0  }
0x21d: {  	s2 =	simm.s32 $0x2;
	[tilespmem:s0+$0x12070] =	vst v23;
	v24 =	vsel vm5, v29, v28;
	v23 =	vsel vm6, v63, v62;
	v13 =	vperm.xlane v2, v16  }
0x21e: {  	s5 =	simm.s32 $0x80;
	s1 =	simm.s32 $0x400;
	s4 =	simm.s32 $0x20;
	v16 =	vperm.xlane v1, v16;
	v18 =	vsel vm0, $0x20, v0;
	vm0 =	vgt.s32 v9, $0xF  }
.LBB2_12:
0x21f: {  	p0 =	sne.s32 s2, $0x7F;
	s6 =	sand.u32 $0xC00, s1;
	s5 =	sand.u32 $0x3000, s5;
	v10 =	vsel vm1, v11, v10;
	v11 =	vsel vm3, v15, v12;
	v12 =	vsel vm2, v17, v14  }
0x220: {  	s4 =	sand.u32 $0x380, s4;
	v14 =	vadd.s32 v5, v25;
	v15 =	vadd.s32 v3, v26;
	v13 =	vsel vm0, v16, v13;
	s5 =	sor.u32 s6, s5  }
0x221: {  	v16 =	vadd.s32 v4, v21;
	v17 =	vadd.s32 v6, v22;
	v20 =	vadd.s32 v7, v20;
	s4 =	sor.u32 s4, s5  }
0x222: {  	vm0 =	vlt.s32 v5, $0x20;
	v19 =	vadd.s32 v8, v19;
	v18 =	vadd.s32 v9, v18;
	v21 =	vld [tilespmem:s4+$0x6070]  }
0x223: {  	vm1 =	vlt.s32 v3, $0x20;
	vm2 =	vlt.s32 v4, $0x20;
	vm3 =	vlt.s32 v6, $0x20;
	v5 =	vld [tilespmem:s4+$0x6000]  }
0x224: {  	vm4 =	vlt.s32 v7, $0x20;
	vm5 =	vlt.s32 v8, $0x20;
	vm6 =	vlt.s32 v9, $0x20;
	v3 =	vld [tilespmem:s4+$0x6010]  }
0x225: {  	v7 =	vsel vm0, v27, v14;
	v8 =	vsel vm1, v24, v15;
	v9 =	vsel vm2, v23, v16;
	v4 =	vld [tilespmem:s4+$0x6020]  }
0x226: {  	v10 =	vsel vm3, v10, v17;
	v11 =	vsel vm4, v11, v20;
	v12 =	vsel vm5, v12, v19;
	v6 =	vld [tilespmem:s4+$0x6030];
	[tilespmem:s0+$0x12000] =	vst v7  }
0x227: {  	v13 =	vsel vm6, v13, v18;
	v7 =	vld [tilespmem:s4+$0x6040];
	v14 =	vand.u32 $0xF, v21;
	[tilespmem:s0+$0x12010] =	vst v8  }
0x228: {  	vm0 =	vlt.s32 v21, $0x186A0;
	v8 =	vld [tilespmem:s4+$0x6050];
	v15 =	vperm.xlane v2, v14;
	v14 =	vperm.xlane v1, v14;
	[tilespmem:s0+$0x12020] =	vst v9  }
0x229: {  	vm1 =	vgt.s32 v21, $0xF;
	v16 =	vand.u32 $0xF, v5;
	v17 =	vsel vm0, $0x20, v0;
	v9 =	vld [tilespmem:s4+$0x6060];
	[tilespmem:s0+$0x12030] =	vst v10  }
0x22a: {  	vm0 =	vlt.s32 v21, $0x20;
	v10 =	vsel vm1, v14, v15;
	v14 =	vadd.s32 v21, v17;
	[tilespmem:s0+$0x12040] =	vst v11  }
0x22b: {  	v11 =	vand.u32 $0xF, v3;
	v15 =	vand.u32 $0xF, v4;
	v10 =	vsel vm0, v10, v14;
	[tilespmem:s0+$0x12050] =	vst v12  }
0x22c: {  	v23 =	vperm.xlane v2, v16;
	v12 =	vand.u32 $0xF, v6;
	v14 =	vand.u32 $0xF, v7;
	[tilespmem:s4+$0x12070] =	vst v10  }
0x22d: {  	v24 =	vperm.xlane v1, v16;
	v28 =	vperm.xlane v2, v11;
	v16 =	vand.u32 $0xF, v8;
	[tilespmem:s0+$0x12060] =	vst v13;
	s0 =	smov.u32 s4  }
0x22e: {  	v29 =	vperm.xlane v1, v11;
	v30 =	vperm.xlane v2, v15;
	v18 =	vand.u32 $0xF, v9  }
0x22f: {  	vm0 =	vlt.s32 v5, $0x186A0;
	v31 =	vperm.xlane v1, v15;
	v10 =	vperm.xlane v2, v12  }
0x230: {  	vm1 =	vlt.s32 v3, $0x186A0;
	v11 =	vperm.xlane v1, v12;
	v12 =	vperm.xlane v2, v14  }
0x231: {  	vm2 =	vlt.s32 v4, $0x186A0;
	v15 =	vperm.xlane v1, v14;
	v14 =	vperm.xlane v2, v16  }
0x232: {  	vm3 =	vlt.s32 v6, $0x186A0;
	v17 =	vperm.xlane v1, v16;
	v13 =	vperm.xlane v2, v18  }
0x233: {  	vm4 =	vlt.s32 v7, $0x186A0;
	vm5 =	vlt.s32 v8, $0x186A0;
	v16 =	vperm.xlane v1, v18  }
0x234: {  	v26 =	vsel vm1, $0x20, v0;
	v25 =	vsel vm0, $0x20, v0;
	vm0 =	vlt.s32 v9, $0x186A0  }
.Ltmp5:
0x235: {  	v21 =	vsel vm2, $0x20, v0;
	v22 =	vsel vm3, $0x20, v0;
	v20 =	vsel vm4, $0x20, v0;
	(pc) =	sbr.rel @p0 .LBB2_12-.Ltmp5, $4  }
0x236: {  	vm4 =	vgt.s32 v5, $0xF;
	v19 =	vsel vm5, $0x20, v0;
	v18 =	vsel vm0, $0x20, v0  }
0x237: {  	vm6 =	vgt.s32 v4, $0xF;
	vm1 =	vgt.s32 v6, $0xF;
	vm5 =	vgt.s32 v3, $0xF  }
0x238: {  	s1 =	sadd.s32 $0x400, s1;
	vm3 =	vgt.s32 v7, $0xF;
	vm2 =	vgt.s32 v8, $0xF;
	vm0 =	vgt.s32 v9, $0xF  }
0x239: {  	s5 =	sshll.u32 s2, $0x7;
	s4 =	sshll.u32 s2, $0x5;
	s2 =	sadd.s32 $0x1, s2;
	v27 =	vsel vm4, v24, v23;
	v23 =	vsel vm6, v31, v30;
	v24 =	vsel vm5, v29, v28  }
0x23a: {  	s1 =	sand.u32 $0xC00, s1;
	s2 =	sand.u32 $0x3000, s5  }
0x23b: {  	s22 =	sand.u32 $0x380, s4;
	v10 =	vsel vm1, v11, v10;
	v11 =	vsel vm3, v15, v12;
	s1 =	sor.u32 s1, s2  }
0x23c: {  	v14 =	vsel vm2, v17, v14;
	v15 =	vadd.s32 v5, v25;
	v17 =	vadd.s32 v3, v26;
	s1 =	sor.u32 s22, s1  }
0x23d: {  	v13 =	vsel vm0, v16, v13;
	v16 =	vadd.s32 v4, v21;
	v21 =	vadd.s32 v6, v22;
	v12 =	vld [tilespmem:s1+$0x6070]  }
0x23e: {  	v20 =	vadd.s32 v7, v20;
	vm0 =	vlt.s32 v5, $0x20;
	v5 =	vadd.s32 v8, v19;
	v25 =	vld [tilespmem:s1+$0x6000]  }
0x23f: {  	v18 =	vadd.s32 v9, v18;
	vm1 =	vlt.s32 v3, $0x20;
	vm2 =	vlt.s32 v6, $0x20;
	v19 =	vld [tilespmem:s1+$0x6020]  }
0x240: {  	vm3 =	vlt.s32 v7, $0x20;
	vm4 =	vlt.s32 v8, $0x20;
	v3 =	vsel vm0, v27, v15;
	v15 =	vld [tilespmem:s1+$0x6030]  }
0x241: {  	vm5 =	vlt.s32 v9, $0x20;
	vm0 =	vlt.s32 v4, $0x20;
	v7 =	vsel vm2, v10, v21;
	v22 =	vld [tilespmem:s1+$0x6010];
	[tilespmem:s0+$0x12000] =	vst v3  }
0x242: {  	v8 =	vsel vm3, v11, v20;
	v9 =	vsel vm5, v13, v18;
	v3 =	vsel vm1, v24, v17;
	v4 =	vld [tilespmem:s1+$0x6040]  }
0x243: {  	v6 =	vsel vm0, v23, v16;
	[tilespmem:s0+$0x12010] =	vst v3;
	v3 =	vsel vm4, v14, v5;
	v5 =	vand.u32 $0xF, v12  }
0x244: {  	v10 =	vld [tilespmem:s1+$0x6050];
	[tilespmem:s0+$0x12020] =	vst v6;
	vm0 =	vlt.s32 v12, $0x186A0;
	v6 =	vand.u32 $0xF, v25;
	vm1 =	vgt.s32 v12, $0xF  }
0x245: {  	v16 =	vand.u32 $0xF, v15;
	vm2 =	vlt.s32 v19, $0x186A0;
	vm3 =	vlt.s32 v15, $0x186A0  }
0x246: {  	v11 =	vperm.xlane v2, v5;
	v5 =	vperm.xlane v1, v5;
	v14 =	vsel vm0, $0x20, v0  }
0x247: {  	vm0 =	vlt.s32 v12, $0x20;
	v17 =	vand.u32 $0xF, v4;
	v24 =	vperm.xlane v2, v16  }
0x248: {  	v13 =	vld [tilespmem:s1+$0x6060];
	v16 =	vperm.xlane v1, v16;
	vm4 =	vlt.s32 v4, $0x186A0;
	v31 =	vsel vm2, $0x20, v0  }
0x249: {  	v32 =	vsel vm3, $0x20, v0;
	vm2 =	vgt.s32 v22, $0xF;
	v20 =	vand.u32 $0xF, v10  }
0x24a: {  	v26 =	vperm.xlane v2, v17;
	v17 =	vperm.xlane v1, v17;
	vm5 =	vlt.s32 v10, $0x186A0  }
0x24b: {  	v33 =	vsel vm4, $0x20, v0;
	vm3 =	vgt.s32 v10, $0xF;
	v5 =	vsel vm1, v5, v11  }
0x24c: {  	v11 =	vadd.s32 v12, v14;
	v12 =	vand.u32 $0xF, v22;
	v14 =	vand.u32 $0xF, v19  }
0x24d: {  	v23 =	vand.u32 $0xF, v13;
	v27 =	vperm.xlane v2, v20;
	v20 =	vperm.xlane v1, v20  }
0x24e: {  	v5 =	vsel vm0, v5, v11;
	v11 =	vperm.xlane v2, v6;
	v6 =	vperm.xlane v1, v6  }
0x24f: {  	vm1 =	vlt.s32 v22, $0x186A0;
	v18 =	vperm.xlane v2, v12;
	v12 =	vperm.xlane v1, v12  }
0x250: {  	vm4 =	vgt.s32 v13, $0xF;
	v21 =	vperm.xlane v2, v14;
	v14 =	vperm.xlane v1, v14  }
0x251: {  	vm0 =	vlt.s32 v25, $0x186A0;
	v28 =	vperm.xlane v2, v23;
	v23 =	vperm.xlane v1, v23  }
0x252: {  	[tilespmem:s0+$0x12030] =	vst v7;
	v30 =	vsel vm1, $0x20, v0;
	vm1 =	vgt.s32 v25, $0xF;
	v29 =	vsel vm0, $0x20, v0  }
0x253: {  	[tilespmem:s0+$0x12040] =	vst v8;
	vm0 =	vlt.s32 v13, $0x186A0;
	v6 =	vsel vm1, v6, v11;
	v11 =	vsel vm5, $0x20, v0  }
0x254: {  	[tilespmem:s0+$0x12050] =	vst v3;
	v12 =	vsel vm2, v12, v18;
	v18 =	vsel vm0, $0x20, v0;
	vm0 =	vgt.s32 v19, $0xF  }
0x255: {  	[tilespmem:s1+$0x12070] =	vst v5;
	vm1 =	vgt.s32 v15, $0xF;
	vm2 =	vgt.s32 v4, $0xF;
	v5 =	vadd.s32 v25, v29  }
0x256: {  	[tilespmem:s0+$0x12060] =	vst v9;
	v9 =	vsel vm4, v23, v28;
	v7 =	vsel vm0, v14, v21;
	v3 =	vsel vm1, v16, v24  }
0x257: {  	v8 =	vsel vm2, v17, v26;
	v14 =	vsel vm3, v20, v27;
	vm0 =	vlt.s32 v25, $0x20  }
0x258: {  	v16 =	vadd.s32 v22, v30;
	vm1 =	vlt.s32 v22, $0x20;
	v5 =	vsel vm0, v6, v5  }
0x259: {  	v6 =	vadd.s32 v19, v31;
	vm0 =	vlt.s32 v19, $0x20;
	v12 =	vsel vm1, v12, v16;
	[tilespmem:s1+$0x12000] =	vst v5  }
0x25a: {  	vm1 =	vlt.s32 v15, $0x20;
	v5 =	vadd.s32 v15, v32;
	v6 =	vsel vm0, v7, v6;
	[tilespmem:s1+$0x12010] =	vst v12  }
0x25b: {  	v7 =	vadd.s32 v4, v33;
	vm0 =	vlt.s32 v4, $0x20;
	v3 =	vsel vm1, v3, v5;
	[tilespmem:s1+$0x12020] =	vst v6  }
0x25c: {  	v4 =	vadd.s32 v10, v11;
	vm1 =	vlt.s32 v10, $0x20;
	v5 =	vsel vm0, v8, v7;
	[tilespmem:s1+$0x12030] =	vst v3  }
0x25d: {  	vm0 =	vlt.s32 v13, $0x20;
	v3 =	vadd.s32 v13, v18;
	v4 =	vsel vm1, v14, v4;
	[tilespmem:s1+$0x12040] =	vst v5  }
0x25e: {  	v3 =	vsel vm0, v9, v3;
	[tilespmem:s1+$0x12050] =	vst v4  }
0x25f: {  	[tilespmem:s1+$0x12060] =	vst v3  }
0x260: {  	[hbm4b:s16+s19] =	stream.strided.scatter [tilespmem:s28], [sflag:$0x4], $0x4000, s20, s19, $0x38;
	[tilespmem:$0x18080] =	vst v63  }
0x261: {  	_ =	swait.ge [sflag:s29], $0x6000  }
0x262: {  	s4 =	simm.s32 $0x0;
	[sflag:s29] =	ssyncset.done $0x0  }
0x263: {  	s5 =	simm.s32 $0x0;
	s6 =	simm.s32 $0x0;
	[sflag:s29] =	ssyncadd.s32 $0xFFFFA000  }
0x264: {  	s0 =	sand.u32 $0xC00, s4;
	s1 =	sand.u32 $0x1000, s5;
	_ =	swait.ge [sflag:s24], $0x2000  }
0x265: {  	s22 =	sand.u32 $0x380, s6;
	s0 =	sor.u32 s0, s1;
	[sflag:s24] =	ssyncset.done $0x0  }
0x266: {  	s0 =	sor.u32 s22, s0;
	[sflag:s24] =	ssyncadd.s32 $0xFFFFE000  }
0x267: {  	v10 =	vld [tilespmem:s0+$0x70]  }
0x268: {  	v5 =	vld [tilespmem:s0+$0x0]  }
0x269: {  	v4 =	vld [tilespmem:s0+$0x20]  }
0x26a: {  	v6 =	vld [tilespmem:s0+$0x30]  }
0x26b: {  	v7 =	vld [tilespmem:s0+$0x40]  }
0x26c: {  	v8 =	vld [tilespmem:s0+$0x50];
	_ =	sdelay $0x1  }
0x26d: {  	v9 =	vand.u32 $0xF, v10  }
0x26e: {  	vm0 =	vlt.s32 v10, $0x186A0;
	v13 =	vand.u32 $0xF, v5;
	vm1 =	vgt.s32 v10, $0xF  }
0x26f: {  	v15 =	vand.u32 $0xF, v7;
	vm2 =	vlt.s32 v4, $0x186A0;
	vm3 =	vlt.s32 v6, $0x186A0  }
0x270: {  	v3 =	vld [tilespmem:s0+$0x10];
	vm4 =	vlt.s32 v7, $0x186A0;
	vm5 =	vlt.s32 v8, $0x186A0;
	vm6 =	vgt.s32 v4, $0xF  }
0x271: {  	v11 =	vperm.xlane v2, v9;
	v12 =	vperm.xlane v1, v9;
	v14 =	vsel vm0, $0x20, v0  }
0x272: {  	vm0 =	vlt.s32 v10, $0x20;
	v24 =	vperm.xlane v2, v13;
	v27 =	vperm.xlane v1, v13  }
0x273: {  	v13 =	vand.u32 $0xF, v8;
	v21 =	vsel vm2, $0x20, v0;
	v22 =	vsel vm3, $0x20, v0  }
0x274: {  	v20 =	vsel vm4, $0x20, v0;
	vm4 =	vgt.s32 v5, $0xF;
	v19 =	vsel vm5, $0x20, v0  }
0x275: {  	vm5 =	vgt.s32 v3, $0xF;
	vm3 =	vgt.s32 v7, $0xF;
	vm2 =	vgt.s32 v8, $0xF  }
0x276: {  	v17 =	vperm.xlane v1, v13;
	v11 =	vsel vm1, v12, v11;
	v12 =	vadd.s32 v10, v14  }
0x277: {  	v10 =	vand.u32 $0xF, v3;
	v14 =	vand.u32 $0xF, v4;
	vm1 =	vlt.s32 v3, $0x186A0  }
0x278: {  	v9 =	vld [tilespmem:s0+$0x60];
	v27 =	vsel vm4, v27, v24;
	v23 =	vsel vm0, v11, v12;
	v28 =	vperm.xlane v2, v10  }
0x279: {  	v11 =	vand.u32 $0xF, v6;
	v29 =	vperm.xlane v1, v10;
	v62 =	vperm.xlane v2, v14  }
0x27a: {  	vm0 =	vlt.s32 v5, $0x186A0;
	v63 =	vperm.xlane v1, v14;
	v12 =	vperm.xlane v2, v15  }
0x27b: {  	v15 =	vperm.xlane v1, v15;
	v14 =	vperm.xlane v2, v13;
	v26 =	vsel vm1, $0x20, v0  }
0x27c: {  	vm1 =	vgt.s32 v6, $0xF;
	v10 =	vperm.xlane v2, v11;
	v11 =	vperm.xlane v1, v11  }
0x27d: {  	v25 =	vsel vm0, $0x20, v0;
	v16 =	vand.u32 $0xF, v9;
	vm0 =	vlt.s32 v9, $0x186A0  }
0x27e: {  	s2 =	simm.s32 $0x2;
	[tilespmem:s0+$0xC070] =	vst v23;
	v24 =	vsel vm5, v29, v28;
	v23 =	vsel vm6, v63, v62;
	v13 =	vperm.xlane v2, v16  }
0x27f: {  	s4 =	simm.s32 $0x20;
	s5 =	simm.s32 $0x80;
	s1 =	simm.s32 $0x400;
	v16 =	vperm.xlane v1, v16;
	v18 =	vsel vm0, $0x20, v0;
	vm0 =	vgt.s32 v9, $0xF  }
.LBB2_14:
0x280: {  	p0 =	sne.s32 s2, $0x3F;
	s6 =	sand.u32 $0xC00, s1;
	s5 =	sand.u32 $0x1000, s5;
	v10 =	vsel vm1, v11, v10;
	v11 =	vsel vm3, v15, v12;
	v12 =	vsel vm2, v17, v14  }
0x281: {  	s4 =	sand.u32 $0x380, s4;
	v14 =	vadd.s32 v5, v25;
	v15 =	vadd.s32 v3, v26;
	v13 =	vsel vm0, v16, v13;
	s5 =	sor.u32 s6, s5  }
0x282: {  	v16 =	vadd.s32 v4, v21;
	v17 =	vadd.s32 v6, v22;
	v20 =	vadd.s32 v7, v20;
	s4 =	sor.u32 s4, s5  }
0x283: {  	vm0 =	vlt.s32 v5, $0x20;
	v19 =	vadd.s32 v8, v19;
	v18 =	vadd.s32 v9, v18;
	v21 =	vld [tilespmem:s4+$0x70]  }
0x284: {  	vm1 =	vlt.s32 v3, $0x20;
	vm2 =	vlt.s32 v4, $0x20;
	vm3 =	vlt.s32 v6, $0x20;
	v5 =	vld [tilespmem:s4+$0x0]  }
0x285: {  	vm4 =	vlt.s32 v7, $0x20;
	vm5 =	vlt.s32 v8, $0x20;
	vm6 =	vlt.s32 v9, $0x20;
	v3 =	vld [tilespmem:s4+$0x10]  }
0x286: {  	v7 =	vsel vm0, v27, v14;
	v8 =	vsel vm1, v24, v15;
	v9 =	vsel vm2, v23, v16;
	v4 =	vld [tilespmem:s4+$0x20]  }
0x287: {  	v10 =	vsel vm3, v10, v17;
	v11 =	vsel vm4, v11, v20;
	v12 =	vsel vm5, v12, v19;
	v6 =	vld [tilespmem:s4+$0x30];
	[tilespmem:s0+$0xC000] =	vst v7  }
0x288: {  	v13 =	vsel vm6, v13, v18;
	v7 =	vld [tilespmem:s4+$0x40];
	v14 =	vand.u32 $0xF, v21;
	[tilespmem:s0+$0xC010] =	vst v8  }
0x289: {  	vm0 =	vlt.s32 v21, $0x186A0;
	v8 =	vld [tilespmem:s4+$0x50];
	v15 =	vperm.xlane v2, v14;
	v14 =	vperm.xlane v1, v14;
	[tilespmem:s0+$0xC020] =	vst v9  }
0x28a: {  	vm1 =	vgt.s32 v21, $0xF;
	v16 =	vand.u32 $0xF, v5;
	v17 =	vsel vm0, $0x20, v0;
	v9 =	vld [tilespmem:s4+$0x60];
	[tilespmem:s0+$0xC030] =	vst v10  }
0x28b: {  	vm0 =	vlt.s32 v21, $0x20;
	v10 =	vsel vm1, v14, v15;
	v14 =	vadd.s32 v21, v17;
	[tilespmem:s0+$0xC040] =	vst v11  }
0x28c: {  	v11 =	vand.u32 $0xF, v3;
	v15 =	vand.u32 $0xF, v4;
	v10 =	vsel vm0, v10, v14;
	[tilespmem:s0+$0xC050] =	vst v12  }
0x28d: {  	v23 =	vperm.xlane v2, v16;
	v12 =	vand.u32 $0xF, v6;
	v14 =	vand.u32 $0xF, v7;
	[tilespmem:s4+$0xC070] =	vst v10  }
0x28e: {  	v24 =	vperm.xlane v1, v16;
	v28 =	vperm.xlane v2, v11;
	v16 =	vand.u32 $0xF, v8;
	[tilespmem:s0+$0xC060] =	vst v13;
	s0 =	smov.u32 s4  }
0x28f: {  	v29 =	vperm.xlane v1, v11;
	v30 =	vperm.xlane v2, v15;
	v18 =	vand.u32 $0xF, v9  }
0x290: {  	vm0 =	vlt.s32 v5, $0x186A0;
	v31 =	vperm.xlane v1, v15;
	v10 =	vperm.xlane v2, v12  }
0x291: {  	vm1 =	vlt.s32 v3, $0x186A0;
	v11 =	vperm.xlane v1, v12;
	v12 =	vperm.xlane v2, v14  }
0x292: {  	vm2 =	vlt.s32 v4, $0x186A0;
	v15 =	vperm.xlane v1, v14;
	v14 =	vperm.xlane v2, v16  }
0x293: {  	vm3 =	vlt.s32 v6, $0x186A0;
	v17 =	vperm.xlane v1, v16;
	v13 =	vperm.xlane v2, v18  }
0x294: {  	vm4 =	vlt.s32 v7, $0x186A0;
	vm5 =	vlt.s32 v8, $0x186A0;
	v16 =	vperm.xlane v1, v18  }
0x295: {  	v26 =	vsel vm1, $0x20, v0;
	v25 =	vsel vm0, $0x20, v0;
	vm0 =	vlt.s32 v9, $0x186A0  }
.Ltmp6:
0x296: {  	v21 =	vsel vm2, $0x20, v0;
	v22 =	vsel vm3, $0x20, v0;
	v20 =	vsel vm4, $0x20, v0;
	(pc) =	sbr.rel @p0 .LBB2_14-.Ltmp6, $4  }
0x297: {  	vm4 =	vgt.s32 v5, $0xF;
	v19 =	vsel vm5, $0x20, v0;
	v18 =	vsel vm0, $0x20, v0  }
0x298: {  	vm6 =	vgt.s32 v4, $0xF;
	vm1 =	vgt.s32 v6, $0xF;
	vm5 =	vgt.s32 v3, $0xF  }
0x299: {  	s1 =	sadd.s32 $0x400, s1;
	vm3 =	vgt.s32 v7, $0xF;
	vm2 =	vgt.s32 v8, $0xF;
	vm0 =	vgt.s32 v9, $0xF  }
0x29a: {  	s5 =	sshll.u32 s2, $0x7;
	s4 =	sshll.u32 s2, $0x5;
	s2 =	sadd.s32 $0x1, s2;
	v27 =	vsel vm4, v24, v23;
	v23 =	vsel vm6, v31, v30;
	v24 =	vsel vm5, v29, v28  }
0x29b: {  	s1 =	sand.u32 $0xC00, s1;
	s2 =	sand.u32 $0x1000, s5  }
0x29c: {  	s22 =	sand.u32 $0x380, s4;
	v10 =	vsel vm1, v11, v10;
	v54 =	vsel vm3, v15, v12;
	s1 =	sor.u32 s1, s2  }
0x29d: {  	v14 =	vsel vm2, v17, v14;
	v56 =	vadd.s32 v5, v25;
	v57 =	vadd.s32 v3, v26;
	s1 =	sor.u32 s22, s1  }
0x29e: {  	v13 =	vsel vm0, v16, v13;
	v58 =	vadd.s32 v4, v21;
	v59 =	vadd.s32 v6, v22;
	v55 =	vld [tilespmem:s1+$0x70]  }
0x29f: {  	v20 =	vadd.s32 v7, v20;
	vm13 =	vlt.s32 v5, $0x20;
	v60 =	vadd.s32 v8, v19;
	v25 =	vld [tilespmem:s1+$0x0]  }
0x2a0: {  	v18 =	vadd.s32 v9, v18;
	vm14 =	vlt.s32 v3, $0x20;
	vm15 =	vlt.s32 v4, $0x20;
	v22 =	vld [tilespmem:s1+$0x10]  }
0x2a1: {  	vm8 =	vlt.s32 v6, $0x20;
	vm9 =	vlt.s32 v7, $0x20;
	vm4 =	vlt.s32 v8, $0x20;
	v19 =	vld [tilespmem:s1+$0x20]  }
0x2a2: {  	vm5 =	vlt.s32 v9, $0x20;
	v3 =	vsel vm13, v27, v56;
	v61 =	vsel vm15, v23, v58;
	v15 =	vld [tilespmem:s1+$0x30]  }
0x2a3: {  	v62 =	vsel vm8, v10, v59;
	v63 =	vsel vm9, v54, v20;
	[tilespmem:s0+$0xC000] =	vst v3;
	v3 =	vsel vm14, v24, v57  }
0x2a4: {  	v9 =	vsel vm5, v13, v18;
	v4 =	vld [tilespmem:s1+$0x40];
	[tilespmem:s0+$0xC010] =	vst v3;
	v3 =	vsel vm4, v14, v60;
	v33 =	vand.u32 $0xF, v55  }
0x2a5: {  	vm10 =	vlt.s32 v55, $0x186A0;
	v36 =	vand.u32 $0xF, v25;
	vm11 =	vgt.s32 v55, $0xF  }
0x2a6: {  	vm12 =	vlt.s32 v55, $0x20;
	v40 =	vand.u32 $0xF, v22;
	v41 =	vand.u32 $0xF, v19  }
0x2a7: {  	v43 =	vand.u32 $0xF, v15;
	vm13 =	vlt.s32 v25, $0x186A0;
	vm14 =	vlt.s32 v22, $0x186A0  }
0x2a8: {  	vm15 =	vlt.s32 v19, $0x186A0;
	v35 =	vperm.xlane v2, v33;
	v5 =	vperm.xlane v1, v33  }
0x2a9: {  	vm8 =	vlt.s32 v15, $0x186A0;
	v42 =	vperm.xlane v2, v36;
	v6 =	vperm.xlane v1, v36  }
0x2aa: {  	v38 =	vsel vm10, $0x20, v0;
	v45 =	vperm.xlane v2, v40;
	v12 =	vperm.xlane v1, v40  }
0x2ab: {  	v34 =	vld [tilespmem:s1+$0x50];
	v44 =	vand.u32 $0xF, v4;
	v47 =	vperm.xlane v2, v41;
	v14 =	vperm.xlane v1, v41  }
0x2ac: {  	v49 =	vperm.xlane v2, v43;
	v16 =	vperm.xlane v1, v43;
	vm9 =	vlt.s32 v4, $0x186A0  }
0x2ad: {  	[tilespmem:s0+$0xC020] =	vst v61;
	v52 =	vsel vm13, $0x20, v0;
	v28 =	vsel vm14, $0x20, v0;
	v29 =	vsel vm15, $0x20, v0  }
0x2ae: {  	v37 =	vld [tilespmem:s1+$0x60];
	v30 =	vsel vm8, $0x20, v0;
	vm13 =	vgt.s32 v22, $0xF;
	vm14 =	vgt.s32 v19, $0xF  }
0x2af: {  	vm15 =	vgt.s32 v15, $0xF;
	vm6 =	vgt.s32 v4, $0xF;
	v39 =	vadd.s32 v55, v38  }
0x2b0: {  	v46 =	vand.u32 $0xF, v34;
	v50 =	vperm.xlane v2, v44;
	v17 =	vperm.xlane v1, v44  }
0x2b1: {  	vm10 =	vlt.s32 v34, $0x186A0;
	v53 =	vsel vm9, $0x20, v0;
	vm7 =	vgt.s32 v34, $0xF  }
0x2b2: {  	v59 =	vadd.s32 v25, v52;
	v60 =	vadd.s32 v22, v28;
	vm9 =	vlt.s32 v25, $0x20  }
0x2b3: {  	v61 =	vadd.s32 v19, v29;
	v5 =	vsel vm11, v5, v35;
	v48 =	vand.u32 $0xF, v37  }
0x2b4: {  	v51 =	vperm.xlane v2, v46;
	v20 =	vperm.xlane v1, v46;
	vm11 =	vlt.s32 v37, $0x186A0  }
0x2b5: {  	[tilespmem:s0+$0xC030] =	vst v62;
	v12 =	vsel vm13, v12, v45;
	v54 =	vsel vm10, $0x20, v0;
	v55 =	vsel vm14, v14, v47  }
0x2b6: {  	[tilespmem:s0+$0xC050] =	vst v3;
	vm8 =	vgt.s32 v37, $0xF;
	v3 =	vsel vm15, v16, v49;
	vm10 =	vlt.s32 v22, $0x20  }
0x2b7: {  	[tilespmem:s0+$0xC040] =	vst v63;
	v63 =	vadd.s32 v4, v53;
	vm13 =	vlt.s32 v4, $0x20;
	v5 =	vsel vm12, v5, v39  }
0x2b8: {  	v2 =	vperm.xlane v2, v48;
	v1 =	vperm.xlane v1, v48;
	v62 =	vsel vm10, v12, v60;
	[tilespmem:s1+$0xC070] =	vst v5  }
0x2b9: {  	vm12 =	vgt.s32 v25, $0xF;
	v56 =	vsel vm11, $0x20, v0;
	vm11 =	vlt.s32 v19, $0x20;
	[tilespmem:s1+$0xC010] =	vst v62  }
0x2ba: {  	vm14 =	vlt.s32 v34, $0x20;
	v6 =	vsel vm12, v6, v42;
	v5 =	vsel vm11, v55, v61;
	[tilespmem:s0+$0xC060] =	vst v9  }
0x2bb: {  	v57 =	vsel vm6, v17, v50;
	v1 =	vsel vm8, v1, v2;
	v2 =	vsel vm9, v6, v59;
	[tilespmem:s1+$0xC020] =	vst v5  }
0x2bc: {  	vm12 =	vlt.s32 v15, $0x20;
	v4 =	vsel vm13, v57, v63;
	[tilespmem:s1+$0xC000] =	vst v2;
	v2 =	vadd.s32 v15, v30  }
0x2bd: {  	v58 =	vsel vm7, v20, v51;
	[tilespmem:s1+$0xC040] =	vst v4;
	v2 =	vsel vm12, v3, v2;
	v3 =	vadd.s32 v34, v54  }
0x2be: {  	vm15 =	vlt.s32 v37, $0x20;
	[tilespmem:s1+$0xC030] =	vst v2;
	v2 =	vadd.s32 v37, v56;
	v3 =	vsel vm14, v58, v3  }
0x2bf: {  	v1 =	vsel vm15, v1, v2;
	[tilespmem:s1+$0xC050] =	vst v3  }
0x2c0: {  	s31 =	sadd.s32 $0x1, s31;
	[tilespmem:s1+$0xC060] =	vst v1  }
0x2c1: {  	[hbm4b:s17+s19] =	stream.strided.scatter [tilespmem:s25], [sflag:$0x3], $0x2000, s20, s19, $0x38;
	[tilespmem:$0x18080] =	vst v63  }
0x2c2: {  	p0 =	sne.s32 s31, s18;
	_ =	swait.ge [sflag:s30], $0x4000  }
.Ltmp7:
0x2c3: {  	[sflag:s30] =	ssyncset.done $0x0;
	(pc) =	sbr.rel @p0 .LBB2_1-.Ltmp7, $4  }
0x2c4: {  	[sflag:s30] =	ssyncadd.s32 $0xFFFFC000  }
0x2c5: {  	_ =	swait.ge [sflag:s29], $0x2000  }
0x2c6: {  	[sflag:s29] =	ssyncset.done $0x0  }
0x2c7: {  	[sflag:s29] =	ssyncadd.s32 $0xFFFFE000  }
0x2c8: {  	_ =	sfence.sel $0x180000  }
0x2c9: {  	[bflag:$0x0] =	sbarrier.arrive $0xFFFF  }
0x2ca: {  	_ =	strace $0x90000047  }
0x2cb: {  	s0 =	stileid.u32;
	[bflag:$0x2] =	sbarrier.arrive $0xFFFF  }
0x2cc: {  	p0 =	sne.s32 s0, $0x0;
	s0 =	rddreg [dreg:$0x3]  }
0x2cd: {  	s0 =	sadd.s32 @!p0 $0x100000, s0  }
0x2ce: {  	[sflag:s0] =	ssyncadd.tile.s32 @!p0 $0x1;
	_ =	shalt  }
.Lfunc_end2:
_tile_overlayer_lowered:
.L_overlay_start_2:
0x2cf: {  	(tag) =	ssettag $0x2  }
0x2d0: {  	s0 =	rddreg [dreg:$0x0];
	s2 =	stileid.u32  }
0x2d1: {  	s1 =	rddreg [dreg:$0x1];
	p0 =	sne.s32 s2, $0x0  }
0x2d2: {  	s3 =	rddreg [dreg:$0x2];
	[bflag:$0x3] =	sbarrier.arrive $0xFFFF;
	s2 =	simm.s32 @!p0 $0x1C05  }
0x2d3: {  	[timem:s3], [sflag:s2] =	dma.local @!p0 [hbm:s0], s1  }
0x2d4: {  	s0 =	simm.s32 @!p0 $0x5  }
0x2d5: {  	_ =	swait.ge @!p0 [sflag:s0], s1  }
0x2d6: {  	s1 =	ssub.s32 @!p0 $0x0, s1;
	[sflag:s0] =	ssyncset.done @!p0 $0x0  }
0x2d7: {  	[sflag:s0] =	ssyncadd.s32 @!p0 s1  }
0x2d8: {  	[bflag:$0x3] =	sbarrier.arrive $0xFFFF  }
0x2d9: {  	_ =	shalt  }

</sc_bundles>
